<compile_context>
chip_gen: v7x
topology: tpu7x:2x2x1
jax: 0.10.2.dev20260603
libtpu: 0.0.44.dev20260713+nightly
codegen_flags: <defaults>
</compile_context>

<pallas_src>
import functools

import jax
import jax.numpy as jnp
from jax import lax
from jax.experimental import pallas as pl
from jax.experimental.pallas import tpu as pltpu
from jax.experimental.pallas import tpu_sc as plsc

N_NODES = 10000
HID = 16
NC, NS = 2, 16
NW = NC * NS
CH = 128
NPAD = 10112
RPT = NPAD // NS
PF = 8


def _make_segsum(epw):
    mesh = plsc.VectorSubcoreMesh(core_axis_name="c", subcore_axis_name="s")
    full = epw // CH
    rem = epw % CH
    assert rem % 8 == 0
    nb = next(q for q in (13, 6, 5, 4, 3, 2) if full % q == 0)
    pf = min(PF, nb - 1)

    @functools.partial(
        pl.kernel,
        mesh=mesh,
        compiler_params=pltpu.CompilerParams(use_tc_tiling_on_sc=False),
        out_type=jax.ShapeDtypeStruct((NC, NPAD, HID), jnp.float32),
        scratch_types=[
            pltpu.VMEM((epw,), jnp.int32),
            pltpu.VMEM((epw,), jnp.int32),
            [pltpu.VMEM((CH, HID), jnp.float32) for _ in range(nb)],
            pltpu.VMEM((max(rem, 8), HID), jnp.float32),
            pltpu.VMEM_SHARED((NPAD, HID), jnp.float32),
            [pltpu.SemaphoreType.DMA for _ in range(nb)],
            [pltpu.SemaphoreType.DMA for _ in range(nb)],
        ],
    )
    def segsum(z_hbm, zero_hbm, eidx_hbm, out_hbm,
               src_v, dst_v, rows, rows_t, acc_sh, gsem, ssem):
        c = lax.axis_index("c")
        s = lax.axis_index("s")
        wid = c * NS + s
        nbase = s * RPT
        ebase = wid * epw
        pltpu.sync_copy(zero_hbm.at[pl.ds(nbase, RPT)],
                        acc_sh.at[pl.ds(nbase, RPT)])
        pltpu.sync_copy(eidx_hbm.at[0, pl.ds(ebase, epw)], src_v)
        pltpu.sync_copy(eidx_hbm.at[1, pl.ds(ebase, epw)], dst_v)
        plsc.subcore_barrier()

        def sidx(g, n=CH):
            return src_v.at[pl.ds(g * CH, n)]

        def didx(g, n=CH):
            return dst_v.at[pl.ds(g * CH, n)]

        for g in range(pf):
            pltpu.async_copy(z_hbm.at[sidx(g)], rows[g % nb], gsem[g % nb])

        def body(i, carry):
            for b in range(nb):
                g = i * nb + b
                bp = (b + pf) % nb

                @pl.when(g + pf >= nb)
                def _():
                    gp = g + pf - nb
                    pltpu.make_async_copy(
                        rows[bp], acc_sh.at[didx(gp)], ssem[bp]).wait()

                @pl.when(g + pf < full)
                def _():
                    pltpu.async_copy(z_hbm.at[sidx(g + pf)], rows[bp],
                                     gsem[bp])

                pltpu.make_async_copy(z_hbm.at[sidx(g)], rows[b],
                                      gsem[b]).wait()
                pltpu.async_copy(rows[b], acc_sh.at[didx(g)], ssem[b],
                                 add=True)
            return carry

        lax.fori_loop(0, full // nb, body, 0, unroll=False)
        if rem:
            pltpu.async_copy(z_hbm.at[sidx(full, rem)], rows_t,
                             gsem[(full + pf - 1) % nb])
        for gg in range(full - (nb - pf), full):
            b = gg % nb
            pltpu.make_async_copy(rows[b], acc_sh.at[didx(gg)],
                                  ssem[b]).wait()
        if rem:
            pltpu.make_async_copy(z_hbm.at[sidx(full, rem)], rows_t,
                                  gsem[(full + pf - 1) % nb]).wait()
            pltpu.sync_copy(rows_t, acc_sh.at[didx(full, rem)], add=True)
        plsc.subcore_barrier()
        pltpu.sync_copy(acc_sh.at[pl.ds(nbase, RPT)],
                        out_hbm.at[c].at[pl.ds(nbase, RPT)])

    return segsum


def _mm_body(x_ref, w_ref, o_ref):
    o_ref[...] = jnp.dot(x_ref[...], w_ref[...],
                         preferred_element_type=jnp.float32)


def _bn(v, g, b):
    m = jnp.mean(v, axis=0, keepdims=True)
    var = jnp.mean((v - m) ** 2, axis=0, keepdims=True)
    return (v - m) * lax.rsqrt(var + 1e-5) * g + b


def _layer0_body(y_ref, agg_ref, wb_ref, pk_ref, eps_ref, o_ref):
    agg = agg_ref[0, :N_NODES, :] + agg_ref[1, :N_NODES, :]
    t = jnp.maximum((1.0 + eps_ref[0, 0]) * y_ref[...] + agg
                    + pk_ref[0:1, :], 0.0)
    v = jnp.maximum(
        jnp.dot(t, wb_ref[...], preferred_element_type=jnp.float32)
        + pk_ref[1:2, :], 0.0)
    o_ref[...] = _bn(v, pk_ref[2:3, :], pk_ref[3:4, :])


def _layer_body(l, h_ref, agg_ref, wa_ref, wb_ref, pk_ref, eps_ref, o_ref):
    agg = agg_ref[0, :N_NODES, :] + agg_ref[1, :N_NODES, :]
    m = (1.0 + eps_ref[0, l]) * h_ref[...] + agg
    t = jnp.maximum(
        jnp.dot(m, wa_ref[...], preferred_element_type=jnp.float32)
        + pk_ref[4 * l:4 * l + 1, :], 0.0)
    v = jnp.maximum(
        jnp.dot(t, wb_ref[...], preferred_element_type=jnp.float32)
        + pk_ref[4 * l + 1:4 * l + 2, :], 0.0)
    o_ref[...] = _bn(v, pk_ref[4 * l + 2:4 * l + 3, :],
                     pk_ref[4 * l + 3:4 * l + 4, :])


def _layer2_head_body(h_ref, agg_ref, wa_ref, wb_ref, wl1_ref, wl2_ref,
                      bl2_ref, pk_ref, eps_ref, o_ref):
    agg = agg_ref[0, :N_NODES, :] + agg_ref[1, :N_NODES, :]
    m = (1.0 + eps_ref[0, 2]) * h_ref[...] + agg
    t = jnp.maximum(
        jnp.dot(m, wa_ref[...], preferred_element_type=jnp.float32)
        + pk_ref[8:9, :], 0.0)
    v = jnp.maximum(
        jnp.dot(t, wb_ref[...], preferred_element_type=jnp.float32)
        + pk_ref[9:10, :], 0.0)
    h = _bn(v, pk_ref[10:11, :], pk_ref[11:12, :])
    t2 = jnp.maximum(
        jnp.dot(h, wl1_ref[...], preferred_element_type=jnp.float32)
        + pk_ref[12:13, :], 0.0)
    sc = jnp.dot(t2, wl2_ref[...], preferred_element_type=jnp.float32) \
        + bl2_ref[...]
    mx = jnp.max(sc, axis=-1, keepdims=True)
    e = jnp.exp(sc - mx)
    o_ref[...] = sc - mx - jnp.log(jnp.sum(e, axis=-1, keepdims=True))


def kernel(x, edge_index, edge_weight, W0a, b0a, W0b, b0b, W1a, b1a, W1b,
           b1b, W2a, b2a, W2b, b2b, Wl1, bl1, Wl2, bl2, eps0, gamma0, beta0,
           eps1, gamma1, beta1, eps2, gamma2, beta2):
    n, f = x.shape
    e = edge_index.shape[1]
    c = Wl2.shape[1]

    eidx = edge_index.astype(jnp.int32)
    epw = e // NW
    assert e % NW == 0 and epw % 8 == 0

    zeros_pad = jnp.zeros((NPAD, HID), jnp.float32)
    packed = jnp.stack([b0a, b0b, gamma0, beta0, b1a, b1b, gamma1, beta1,
                        b2a, b2b, gamma2, beta2, bl1])
    epsv = jnp.stack([eps0, eps1, eps2]).reshape(1, 3)
    bl2r = bl2.reshape(1, c)

    mm = pl.pallas_call(
        _mm_body, out_shape=jax.ShapeDtypeStruct((n, HID), jnp.float32))
    layer0 = pl.pallas_call(
        _layer0_body, out_shape=jax.ShapeDtypeStruct((n, HID), jnp.float32))
    layer1 = pl.pallas_call(
        functools.partial(_layer_body, 1),
        out_shape=jax.ShapeDtypeStruct((n, HID), jnp.float32))
    layer2_head = pl.pallas_call(
        _layer2_head_body, out_shape=jax.ShapeDtypeStruct((n, c),
                                                          jnp.float32))
    segsum = _make_segsum(epw)

    y = mm(x, W0a)
    agg0 = segsum(y, zeros_pad, eidx)
    h0 = layer0(y, agg0, W0b, packed, epsv)
    agg1 = segsum(h0, zeros_pad, eidx)
    h1 = layer1(h0, agg1, W1a, W1b, packed, epsv)
    agg2 = segsum(h1, zeros_pad, eidx)
    out = layer2_head(h1, agg2, W2a, W2b, Wl1, Wl2, bl2r, packed, epsv)
    return out

# --- scband reference (transcript-rebuilt; emitter-appended) ---
"""Pipeline reference for scband-gin-31104153158276 (READ-ONLY COPY).

The authoritative reference and input builder live on the scoring server;
editing this copy changes nothing except your own understanding.
"""

import jax, jax.numpy as jnp
import numpy as np

N, E, F, H, C = 10000, 320000, 128, 16, 18

def _lin_init(key, fan_in, fan_out):
    bound = 1.0 / np.sqrt(fan_in)
    kw, kb = jax.random.split(key)
    W = jax.random.uniform(kw, (fan_in, fan_out), minval=-bound, maxval=bound, dtype=jnp.float32)
    b = jax.random.uniform(kb, (fan_out,), minval=-bound, maxval=bound, dtype=jnp.float32)
    return W, b

def setup_inputs(seed: int = 0):
    key = jax.random.key(seed)
    ks = jax.random.split(key, 16)
    inp = {}
    inp["x"] = jax.random.normal(ks[0], (N, F), dtype=jnp.float32)
    inp["edge_index"] = jax.random.randint(ks[1], (2, E), 0, N)
    inp["edge_weight"] = jax.random.normal(ks[2], (E,), dtype=jnp.float32)
    inp["W0a"], inp["b0a"] = _lin_init(ks[3], F, H)
    inp["W0b"], inp["b0b"] = _lin_init(ks[4], H, H)
    inp["W1a"], inp["b1a"] = _lin_init(ks[5], H, H)
    inp["W1b"], inp["b1b"] = _lin_init(ks[6], H, H)
    inp["W2a"], inp["b2a"] = _lin_init(ks[7], H, H)
    inp["W2b"], inp["b2b"] = _lin_init(ks[8], H, H)
    inp["Wl1"], inp["bl1"] = _lin_init(ks[9], H, H)
    inp["Wl2"], inp["bl2"] = _lin_init(ks[10], H, C)
    for i in range(3):
        inp["eps%d" % i] = jnp.zeros((), dtype=jnp.float32)
        inp["gamma%d" % i] = jnp.ones((H,), dtype=jnp.float32)
        inp["beta%d" % i] = jnp.zeros((H,), dtype=jnp.float32)
    return inp

def _gin_conv(x, src, dst, eps, Wa, ba, Wb, bb):
    agg = jax.ops.segment_sum(x[src], dst, num_segments=x.shape[0])
    h = (1.0 + eps) * x + agg
    h = jnp.maximum(jnp.dot(h, Wa) + ba, 0.0)
    return jnp.dot(h, Wb) + bb

def _bn(x, gamma, beta):
    mean = jnp.mean(x, axis=0)
    var = jnp.var(x, axis=0)
    return (x - mean) * jax.lax.rsqrt(var + 1e-5) * gamma + beta

def reference(x, edge_index, edge_weight, W0a, b0a, W0b, b0b, W1a, b1a, W1b, b1b, W2a, b2a, W2b, b2b, Wl1, bl1, Wl2, bl2, eps0, gamma0, beta0, eps1, gamma1, beta1, eps2, gamma2, beta2):
    src = edge_index[0]
    dst = edge_index[1]
    h = jnp.maximum(_gin_conv(x, src, dst, eps0, W0a, b0a, W0b, b0b), 0.0)
    h = _bn(h, gamma0, beta0)
    h = jnp.maximum(_gin_conv(h, src, dst, eps1, W1a, b1a, W1b, b1b), 0.0)
    h = _bn(h, gamma1, beta1)
    h = jnp.maximum(_gin_conv(h, src, dst, eps2, W2a, b2a, W2b, b2b), 0.0)
    h = _bn(h, gamma2, beta2)
    h = jnp.maximum(jnp.dot(h, Wl1) + bl1, 0.0)
    h = jnp.dot(h, Wl2) + bl2
    return jax.nn.log_softmax(h, axis=-1)

if __name__ == "__main__":
    import jax
    _d = setup_inputs()
    print(jax.jit(kernel)(*tuple(_d.values())))

</pallas_src>

<mosaic_0001>
#map = affine_map<(d0, d1) -> (0, 0)>
#map1 = affine_map<(d0, d1) -> (0, 0, 0)>
module attributes {stable_mosaic.version = 14 : i64} {
  func.func @segsum(%arg0: i32, %arg1: i32, %arg2: memref<10000x16xf32, #tpu.memory_space<hbm>>, %arg3: memref<10112x16xf32, #tpu.memory_space<hbm>>, %arg4: memref<2x320000xi32, #tpu.memory_space<hbm>>, %arg5: memref<2x10112x16xf32, #tpu.memory_space<hbm>>, %arg6: memref<10000xi32, #tpu.memory_space<vmem>>, %arg7: memref<10000xi32, #tpu.memory_space<vmem>>, %arg8: memref<128x16xf32, #tpu.memory_space<vmem>>, %arg9: memref<128x16xf32, #tpu.memory_space<vmem>>, %arg10: memref<128x16xf32, #tpu.memory_space<vmem>>, %arg11: memref<128x16xf32, #tpu.memory_space<vmem>>, %arg12: memref<128x16xf32, #tpu.memory_space<vmem>>, %arg13: memref<128x16xf32, #tpu.memory_space<vmem>>, %arg14: memref<128x16xf32, #tpu.memory_space<vmem>>, %arg15: memref<128x16xf32, #tpu.memory_space<vmem>>, %arg16: memref<128x16xf32, #tpu.memory_space<vmem>>, %arg17: memref<128x16xf32, #tpu.memory_space<vmem>>, %arg18: memref<128x16xf32, #tpu.memory_space<vmem>>, %arg19: memref<128x16xf32, #tpu.memory_space<vmem>>, %arg20: memref<128x16xf32, #tpu.memory_space<vmem>>, %arg21: memref<16x16xf32, #tpu.memory_space<vmem>>, %arg22: memref<10112x16xf32, #tpu.memory_space<vmem_shared>>, %arg23: memref<!tpu.dma_semaphore, #tpu.memory_space<semaphore_mem>>, %arg24: memref<!tpu.dma_semaphore, #tpu.memory_space<semaphore_mem>>, %arg25: memref<!tpu.dma_semaphore, #tpu.memory_space<semaphore_mem>>, %arg26: memref<!tpu.dma_semaphore, #tpu.memory_space<semaphore_mem>>, %arg27: memref<!tpu.dma_semaphore, #tpu.memory_space<semaphore_mem>>, %arg28: memref<!tpu.dma_semaphore, #tpu.memory_space<semaphore_mem>>, %arg29: memref<!tpu.dma_semaphore, #tpu.memory_space<semaphore_mem>>, %arg30: memref<!tpu.dma_semaphore, #tpu.memory_space<semaphore_mem>>, %arg31: memref<!tpu.dma_semaphore, #tpu.memory_space<semaphore_mem>>, %arg32: memref<!tpu.dma_semaphore, #tpu.memory_space<semaphore_mem>>, %arg33: memref<!tpu.dma_semaphore, #tpu.memory_space<semaphore_mem>>, %arg34: memref<!tpu.dma_semaphore, #tpu.memory_space<semaphore_mem>>, %arg35: memref<!tpu.dma_semaphore, #tpu.memory_space<semaphore_mem>>, %arg36: memref<!tpu.dma_semaphore, #tpu.memory_space<semaphore_mem>>, %arg37: memref<!tpu.dma_semaphore, #tpu.memory_space<semaphore_mem>>, %arg38: memref<!tpu.dma_semaphore, #tpu.memory_space<semaphore_mem>>, %arg39: memref<!tpu.dma_semaphore, #tpu.memory_space<semaphore_mem>>, %arg40: memref<!tpu.dma_semaphore, #tpu.memory_space<semaphore_mem>>, %arg41: memref<!tpu.dma_semaphore, #tpu.memory_space<semaphore_mem>>, %arg42: memref<!tpu.dma_semaphore, #tpu.memory_space<semaphore_mem>>, %arg43: memref<!tpu.dma_semaphore, #tpu.memory_space<semaphore_mem>>, %arg44: memref<!tpu.dma_semaphore, #tpu.memory_space<semaphore_mem>>, %arg45: memref<!tpu.dma_semaphore, #tpu.memory_space<semaphore_mem>>, %arg46: memref<!tpu.dma_semaphore, #tpu.memory_space<semaphore_mem>>, %arg47: memref<!tpu.dma_semaphore, #tpu.memory_space<semaphore_mem>>, %arg48: memref<!tpu.dma_semaphore, #tpu.memory_space<semaphore_mem>>) attributes {dimension_semantics = [#tpu.dimension_semantics<core_parallel>, #tpu.dimension_semantics<subcore_parallel>], iteration_bounds = array<i64: 2, 16>, scalar_prefetch = 0 : i64, scratch_operands = 43 : i64, tpu.core_type = #tpu.core_type<sc_vector_subcore>, window_params = [{transform_indices = #map}, {transform_indices = #map}, {transform_indices = #map}, {transform_indices = #map1}]} {
    %mul3A = arith.constant 16 : i32
    %mul3A_0 = arith.muli %arg0, %mul3A : i32
    %add3A = arith.addi %mul3A_0, %arg1 : i32
    %mul3A_1 = arith.constant 632 : i32
    %mul3A_2 = arith.muli %arg1, %mul3A_1 : i32
    %mul3A_3 = arith.constant 10000 : i32
    %mul3A_4 = arith.muli %add3A, %mul3A_3 : i32
    "tpu.region"() ({
      %run_scoped3A_85 = tpu.sem_alloc : memref<!tpu.dma_semaphore, #tpu.memory_space<semaphore_mem>>
      %dma_start3A_86 = arith.constant 0 : i32
      %dma_start3A_87 = tpu.memref_slice %arg22[%mul3A_2, %dma_start3A_86] : memref<10112x16xf32, #tpu.memory_space<vmem_shared>> -> memref<632x16xf32, #tpu.memory_space<vmem_shared>>
      %dma_start3A_88 = arith.constant 0 : i32
      %dma_start3A_89 = tpu.memref_slice %arg3[%mul3A_2, %dma_start3A_88] : memref<10112x16xf32, #tpu.memory_space<hbm>> -> memref<632x16xf32, #tpu.memory_space<hbm>>
      tpu.enqueue_dma source(%dma_start3A_89 : memref<632x16xf32, #tpu.memory_space<hbm>>) target(%dma_start3A_87 : memref<632x16xf32, #tpu.memory_space<vmem_shared>>) target_semaphore(%run_scoped3A_85 : memref<!tpu.dma_semaphore, #tpu.memory_space<semaphore_mem>>)
      %dma_wait3A_90 = arith.constant 0 : i32
      %dma_wait3A_91 = tpu.memref_slice %arg22[%mul3A_2, %dma_wait3A_90] : memref<10112x16xf32, #tpu.memory_space<vmem_shared>> -> memref<632x16xf32, #tpu.memory_space<vmem_shared>>
      %dma_wait3A_92 = arith.constant 0 : i32
      %dma_wait3A_93 = tpu.memref_slice %arg3[%mul3A_2, %dma_wait3A_92] : memref<10112x16xf32, #tpu.memory_space<hbm>> -> memref<632x16xf32, #tpu.memory_space<hbm>>
      tpu.wait_dma2 semaphore(%run_scoped3A_85 : memref<!tpu.dma_semaphore, #tpu.memory_space<semaphore_mem>>) src(%dma_wait3A_93 : memref<632x16xf32, #tpu.memory_space<hbm>>) dst(%dma_wait3A_91 : memref<632x16xf32, #tpu.memory_space<vmem_shared>>)
      tpu.yield
    }) : () -> ()
    %run_scoped3A = arith.constant 0 : i32
    "tpu.region"() ({
      %run_scoped3A_85 = tpu.sem_alloc : memref<!tpu.dma_semaphore, #tpu.memory_space<semaphore_mem>>
      %dma_start3A_86 = tpu.memref_slice %arg4[%run_scoped3A, %mul3A_4] : memref<2x320000xi32, #tpu.memory_space<hbm>> -> memref<1x10000xi32, #tpu.memory_space<hbm>>
      %dma_start3A_87 = tpu.memref_squeeze %dma_start3A_86 : memref<1x10000xi32, #tpu.memory_space<hbm>> -> memref<10000xi32, #tpu.memory_space<hbm>>
      %dma_start3A_88 = tpu.memref_slice %arg4[%run_scoped3A, %mul3A_4] : memref<2x320000xi32, #tpu.memory_space<hbm>> -> memref<1x10000xi32, #tpu.memory_space<hbm>>
      %dma_start3A_89 = tpu.memref_squeeze %dma_start3A_88 : memref<1x10000xi32, #tpu.memory_space<hbm>> -> memref<10000xi32, #tpu.memory_space<hbm>>
      tpu.enqueue_dma source(%dma_start3A_89 : memref<10000xi32, #tpu.memory_space<hbm>>) target(%arg6 : memref<10000xi32, #tpu.memory_space<vmem>>) target_semaphore(%run_scoped3A_85 : memref<!tpu.dma_semaphore, #tpu.memory_space<semaphore_mem>>)
      %dma_wait3A_90 = tpu.memref_slice %arg4[%run_scoped3A, %mul3A_4] : memref<2x320000xi32, #tpu.memory_space<hbm>> -> memref<1x10000xi32, #tpu.memory_space<hbm>>
      %dma_wait3A_91 = tpu.memref_squeeze %dma_wait3A_90 : memref<1x10000xi32, #tpu.memory_space<hbm>> -> memref<10000xi32, #tpu.memory_space<hbm>>
      %dma_wait3A_92 = tpu.memref_slice %arg4[%run_scoped3A, %mul3A_4] : memref<2x320000xi32, #tpu.memory_space<hbm>> -> memref<1x10000xi32, #tpu.memory_space<hbm>>
      %dma_wait3A_93 = tpu.memref_squeeze %dma_wait3A_92 : memref<1x10000xi32, #tpu.memory_space<hbm>> -> memref<10000xi32, #tpu.memory_space<hbm>>
      tpu.wait_dma2 semaphore(%run_scoped3A_85 : memref<!tpu.dma_semaphore, #tpu.memory_space<semaphore_mem>>) src(%dma_wait3A_93 : memref<10000xi32, #tpu.memory_space<hbm>>) dst(%arg6 : memref<10000xi32, #tpu.memory_space<vmem>>)
      tpu.yield
    }) : () -> ()
    %run_scoped3A_5 = arith.constant 1 : i32
    "tpu.region"() ({
      %run_scoped3A_85 = tpu.sem_alloc : memref<!tpu.dma_semaphore, #tpu.memory_space<semaphore_mem>>
      %dma_start3A_86 = tpu.memref_slice %arg4[%run_scoped3A_5, %mul3A_4] : memref<2x320000xi32, #tpu.memory_space<hbm>> -> memref<1x10000xi32, #tpu.memory_space<hbm>>
      %dma_start3A_87 = tpu.memref_squeeze %dma_start3A_86 : memref<1x10000xi32, #tpu.memory_space<hbm>> -> memref<10000xi32, #tpu.memory_space<hbm>>
      %dma_start3A_88 = tpu.memref_slice %arg4[%run_scoped3A_5, %mul3A_4] : memref<2x320000xi32, #tpu.memory_space<hbm>> -> memref<1x10000xi32, #tpu.memory_space<hbm>>
      %dma_start3A_89 = tpu.memref_squeeze %dma_start3A_88 : memref<1x10000xi32, #tpu.memory_space<hbm>> -> memref<10000xi32, #tpu.memory_space<hbm>>
      tpu.enqueue_dma source(%dma_start3A_89 : memref<10000xi32, #tpu.memory_space<hbm>>) target(%arg7 : memref<10000xi32, #tpu.memory_space<vmem>>) target_semaphore(%run_scoped3A_85 : memref<!tpu.dma_semaphore, #tpu.memory_space<semaphore_mem>>)
      %dma_wait3A_90 = tpu.memref_slice %arg4[%run_scoped3A_5, %mul3A_4] : memref<2x320000xi32, #tpu.memory_space<hbm>> -> memref<1x10000xi32, #tpu.memory_space<hbm>>
      %dma_wait3A_91 = tpu.memref_squeeze %dma_wait3A_90 : memref<1x10000xi32, #tpu.memory_space<hbm>> -> memref<10000xi32, #tpu.memory_space<hbm>>
      %dma_wait3A_92 = tpu.memref_slice %arg4[%run_scoped3A_5, %mul3A_4] : memref<2x320000xi32, #tpu.memory_space<hbm>> -> memref<1x10000xi32, #tpu.memory_space<hbm>>
      %dma_wait3A_93 = tpu.memref_squeeze %dma_wait3A_92 : memref<1x10000xi32, #tpu.memory_space<hbm>> -> memref<10000xi32, #tpu.memory_space<hbm>>
      tpu.wait_dma2 semaphore(%run_scoped3A_85 : memref<!tpu.dma_semaphore, #tpu.memory_space<semaphore_mem>>) src(%dma_wait3A_93 : memref<10000xi32, #tpu.memory_space<hbm>>) dst(%arg7 : memref<10000xi32, #tpu.memory_space<vmem>>)
      tpu.yield
    }) : () -> ()
    %barrier3A = arith.constant 0 : index
    tpu.barrier barrier_id(%barrier3A)
    %dma_start3A = arith.constant 0 : i32
    %dma_start3A_6 = tpu.memref_slice %arg6[%dma_start3A] : memref<10000xi32, #tpu.memory_space<vmem>> -> memref<128xi32, #tpu.memory_space<vmem>>
    %dma_start3A_7 = arith.constant 0 : i32
    %dma_start3A_8 = arith.constant 0 : i32
    %dma_start3A_9 = tpu.memref_slice %arg2[%dma_start3A_7, %dma_start3A_8] : memref<10000x16xf32, #tpu.memory_space<hbm>> -> memref<10000x16xf32, #tpu.memory_space<hbm>>
    tpu.enqueue_indirect_dma source(%dma_start3A_9 : memref<10000x16xf32, #tpu.memory_space<hbm>>) target(%arg8 : memref<128x16xf32, #tpu.memory_space<vmem>>) offsets(%dma_start3A_6 : memref<128xi32, #tpu.memory_space<vmem>>) semaphore(%arg23 : memref<!tpu.dma_semaphore, #tpu.memory_space<semaphore_mem>>)
    %dma_start3A_10 = arith.constant 128 : i32
    %dma_start3A_11 = tpu.memref_slice %arg6[%dma_start3A_10] : memref<10000xi32, #tpu.memory_space<vmem>> -> memref<128xi32, #tpu.memory_space<vmem>>
    %dma_start3A_12 = arith.constant 0 : i32
    %dma_start3A_13 = arith.constant 0 : i32
    %dma_start3A_14 = tpu.memref_slice %arg2[%dma_start3A_12, %dma_start3A_13] : memref<10000x16xf32, #tpu.memory_space<hbm>> -> memref<10000x16xf32, #tpu.memory_space<hbm>>
    tpu.enqueue_indirect_dma source(%dma_start3A_14 : memref<10000x16xf32, #tpu.memory_space<hbm>>) target(%arg9 : memref<128x16xf32, #tpu.memory_space<vmem>>) offsets(%dma_start3A_11 : memref<128xi32, #tpu.memory_space<vmem>>) semaphore(%arg24 : memref<!tpu.dma_semaphore, #tpu.memory_space<semaphore_mem>>)
    %dma_start3A_15 = arith.constant 256 : i32
    %dma_start3A_16 = tpu.memref_slice %arg6[%dma_start3A_15] : memref<10000xi32, #tpu.memory_space<vmem>> -> memref<128xi32, #tpu.memory_space<vmem>>
    %dma_start3A_17 = arith.constant 0 : i32
    %dma_start3A_18 = arith.constant 0 : i32
    %dma_start3A_19 = tpu.memref_slice %arg2[%dma_start3A_17, %dma_start3A_18] : memref<10000x16xf32, #tpu.memory_space<hbm>> -> memref<10000x16xf32, #tpu.memory_space<hbm>>
    tpu.enqueue_indirect_dma source(%dma_start3A_19 : memref<10000x16xf32, #tpu.memory_space<hbm>>) target(%arg10 : memref<128x16xf32, #tpu.memory_space<vmem>>) offsets(%dma_start3A_16 : memref<128xi32, #tpu.memory_space<vmem>>) semaphore(%arg25 : memref<!tpu.dma_semaphore, #tpu.memory_space<semaphore_mem>>)
    %dma_start3A_20 = arith.constant 384 : i32
    %dma_start3A_21 = tpu.memref_slice %arg6[%dma_start3A_20] : memref<10000xi32, #tpu.memory_space<vmem>> -> memref<128xi32, #tpu.memory_space<vmem>>
    %dma_start3A_22 = arith.constant 0 : i32
    %dma_start3A_23 = arith.constant 0 : i32
    %dma_start3A_24 = tpu.memref_slice %arg2[%dma_start3A_22, %dma_start3A_23] : memref<10000x16xf32, #tpu.memory_space<hbm>> -> memref<10000x16xf32, #tpu.memory_space<hbm>>
    tpu.enqueue_indirect_dma source(%dma_start3A_24 : memref<10000x16xf32, #tpu.memory_space<hbm>>) target(%arg11 : memref<128x16xf32, #tpu.memory_space<vmem>>) offsets(%dma_start3A_21 : memref<128xi32, #tpu.memory_space<vmem>>) semaphore(%arg26 : memref<!tpu.dma_semaphore, #tpu.memory_space<semaphore_mem>>)
    %dma_start3A_25 = arith.constant 512 : i32
    %dma_start3A_26 = tpu.memref_slice %arg6[%dma_start3A_25] : memref<10000xi32, #tpu.memory_space<vmem>> -> memref<128xi32, #tpu.memory_space<vmem>>
    %dma_start3A_27 = arith.constant 0 : i32
    %dma_start3A_28 = arith.constant 0 : i32
    %dma_start3A_29 = tpu.memref_slice %arg2[%dma_start3A_27, %dma_start3A_28] : memref<10000x16xf32, #tpu.memory_space<hbm>> -> memref<10000x16xf32, #tpu.memory_space<hbm>>
    tpu.enqueue_indirect_dma source(%dma_start3A_29 : memref<10000x16xf32, #tpu.memory_space<hbm>>) target(%arg12 : memref<128x16xf32, #tpu.memory_space<vmem>>) offsets(%dma_start3A_26 : memref<128xi32, #tpu.memory_space<vmem>>) semaphore(%arg27 : memref<!tpu.dma_semaphore, #tpu.memory_space<semaphore_mem>>)
    %dma_start3A_30 = arith.constant 640 : i32
    %dma_start3A_31 = tpu.memref_slice %arg6[%dma_start3A_30] : memref<10000xi32, #tpu.memory_space<vmem>> -> memref<128xi32, #tpu.memory_space<vmem>>
    %dma_start3A_32 = arith.constant 0 : i32
    %dma_start3A_33 = arith.constant 0 : i32
    %dma_start3A_34 = tpu.memref_slice %arg2[%dma_start3A_32, %dma_start3A_33] : memref<10000x16xf32, #tpu.memory_space<hbm>> -> memref<10000x16xf32, #tpu.memory_space<hbm>>
    tpu.enqueue_indirect_dma source(%dma_start3A_34 : memref<10000x16xf32, #tpu.memory_space<hbm>>) target(%arg13 : memref<128x16xf32, #tpu.memory_space<vmem>>) offsets(%dma_start3A_31 : memref<128xi32, #tpu.memory_space<vmem>>) semaphore(%arg28 : memref<!tpu.dma_semaphore, #tpu.memory_space<semaphore_mem>>)
    %dma_start3A_35 = arith.constant 768 : i32
    %dma_start3A_36 = tpu.memref_slice %arg6[%dma_start3A_35] : memref<10000xi32, #tpu.memory_space<vmem>> -> memref<128xi32, #tpu.memory_space<vmem>>
    %dma_start3A_37 = arith.constant 0 : i32
    %dma_start3A_38 = arith.constant 0 : i32
    %dma_start3A_39 = tpu.memref_slice %arg2[%dma_start3A_37, %dma_start3A_38] : memref<10000x16xf32, #tpu.memory_space<hbm>> -> memref<10000x16xf32, #tpu.memory_space<hbm>>
    tpu.enqueue_indirect_dma source(%dma_start3A_39 : memref<10000x16xf32, #tpu.memory_space<hbm>>) target(%arg14 : memref<128x16xf32, #tpu.memory_space<vmem>>) offsets(%dma_start3A_36 : memref<128xi32, #tpu.memory_space<vmem>>) semaphore(%arg29 : memref<!tpu.dma_semaphore, #tpu.memory_space<semaphore_mem>>)
    %dma_start3A_40 = arith.constant 896 : i32
    %dma_start3A_41 = tpu.memref_slice %arg6[%dma_start3A_40] : memref<10000xi32, #tpu.memory_space<vmem>> -> memref<128xi32, #tpu.memory_space<vmem>>
    %dma_start3A_42 = arith.constant 0 : i32
    %dma_start3A_43 = arith.constant 0 : i32
    %dma_start3A_44 = tpu.memref_slice %arg2[%dma_start3A_42, %dma_start3A_43] : memref<10000x16xf32, #tpu.memory_space<hbm>> -> memref<10000x16xf32, #tpu.memory_space<hbm>>
    tpu.enqueue_indirect_dma source(%dma_start3A_44 : memref<10000x16xf32, #tpu.memory_space<hbm>>) target(%arg15 : memref<128x16xf32, #tpu.memory_space<vmem>>) offsets(%dma_start3A_41 : memref<128xi32, #tpu.memory_space<vmem>>) semaphore(%arg30 : memref<!tpu.dma_semaphore, #tpu.memory_space<semaphore_mem>>)
    %scan3A = arith.constant 0 : i32
    %scan3A_45 = arith.constant 0 : i32
    %scan3A_46 = arith.constant 6 : i32
    %scan3A_47 = arith.addi %scan3A_45, %scan3A_46 : i32
    %scan3A_48 = arith.constant 1 : i32
    scf.for %scan3A_85 = %scan3A_45 to %scan3A_47 step %scan3A_48  : i32 {
      %mul3A_86 = arith.constant 13 : i32
      %mul3A_87 = arith.muli %scan3A_85, %mul3A_86 : i32
      %add3A_88 = arith.constant 0 : i32
      %add3A_89 = arith.addi %mul3A_87, %add3A_88 : i32
      %add3A_90 = arith.constant 8 : i32
      %add3A_91 = arith.addi %add3A_89, %add3A_90 : i32
      %ge3A = arith.constant 13 : i32
      %ge3A_92 = arith.cmpi sge, %add3A_91, %ge3A : i32
      %convert_element_type3A = arith.extui %ge3A_92 : i1 to i32
      %cond3A = arith.constant 0 : i32
      %cond3A_93 = arith.cmpi ne, %convert_element_type3A, %cond3A : i32
      scf.if %cond3A_93 {
        %add3A_472 = arith.constant 8 : i32
        %add3A_473 = arith.addi %add3A_89, %add3A_472 : i32
        %sub3A = arith.constant 13 : i32
        %sub3A_474 = arith.subi %add3A_473, %sub3A : i32
        %mul3A_475 = arith.constant 128 : i32
        %mul3A_476 = arith.muli %sub3A_474, %mul3A_475 : i32
        %dma_wait3A_477 = tpu.memref_slice %arg7[%mul3A_476] : memref<10000xi32, #tpu.memory_space<vmem>> -> memref<128xi32, #tpu.memory_space<vmem>>
        %dma_wait3A_478 = arith.constant 0 : i32
        %dma_wait3A_479 = arith.constant 0 : i32
        %dma_wait3A_480 = tpu.memref_slice %arg22[%dma_wait3A_478, %dma_wait3A_479] : memref<10112x16xf32, #tpu.memory_space<vmem_shared>> -> memref<10112x16xf32, #tpu.memory_space<vmem_shared>>
        tpu.wait_indirect_dma semaphore(%arg44 : memref<!tpu.dma_semaphore, #tpu.memory_space<semaphore_mem>>) src(%arg16 : memref<128x16xf32, #tpu.memory_space<vmem>>) dst(%dma_wait3A_480 : memref<10112x16xf32, #tpu.memory_space<vmem_shared>>)
      } else {
      }
      %add3A_94 = arith.constant 8 : i32
      %add3A_95 = arith.addi %add3A_89, %add3A_94 : i32
      %lt3A = arith.constant 78 : i32
      %lt3A_96 = arith.cmpi slt, %add3A_95, %lt3A : i32
      %convert_element_type3A_97 = arith.extui %lt3A_96 : i1 to i32
      %cond3A_98 = arith.constant 0 : i32
      %cond3A_99 = arith.cmpi ne, %convert_element_type3A_97, %cond3A_98 : i32
      scf.if %cond3A_99 {
        %add3A_472 = arith.constant 8 : i32
        %add3A_473 = arith.addi %add3A_89, %add3A_472 : i32
        %mul3A_474 = arith.constant 128 : i32
        %mul3A_475 = arith.muli %add3A_473, %mul3A_474 : i32
        %dma_start3A_476 = tpu.memref_slice %arg6[%mul3A_475] : memref<10000xi32, #tpu.memory_space<vmem>> -> memref<128xi32, #tpu.memory_space<vmem>>
        %dma_start3A_477 = arith.constant 0 : i32
        %dma_start3A_478 = arith.constant 0 : i32
        %dma_start3A_479 = tpu.memref_slice %arg2[%dma_start3A_477, %dma_start3A_478] : memref<10000x16xf32, #tpu.memory_space<hbm>> -> memref<10000x16xf32, #tpu.memory_space<hbm>>
        tpu.enqueue_indirect_dma source(%dma_start3A_479 : memref<10000x16xf32, #tpu.memory_space<hbm>>) target(%arg16 : memref<128x16xf32, #tpu.memory_space<vmem>>) offsets(%dma_start3A_476 : memref<128xi32, #tpu.memory_space<vmem>>) semaphore(%arg31 : memref<!tpu.dma_semaphore, #tpu.memory_space<semaphore_mem>>)
      } else {
      }
      %mul3A_100 = arith.constant 128 : i32
      %mul3A_101 = arith.muli %add3A_89, %mul3A_100 : i32
      %dma_wait3A_102 = tpu.memref_slice %arg6[%mul3A_101] : memref<10000xi32, #tpu.memory_space<vmem>> -> memref<128xi32, #tpu.memory_space<vmem>>
      %dma_wait3A_103 = arith.constant 0 : i32
      %dma_wait3A_104 = arith.constant 0 : i32
      %dma_wait3A_105 = tpu.memref_slice %arg2[%dma_wait3A_103, %dma_wait3A_104] : memref<10000x16xf32, #tpu.memory_space<hbm>> -> memref<10000x16xf32, #tpu.memory_space<hbm>>
      tpu.wait_indirect_dma semaphore(%arg23 : memref<!tpu.dma_semaphore, #tpu.memory_space<semaphore_mem>>) src(%dma_wait3A_105 : memref<10000x16xf32, #tpu.memory_space<hbm>>) dst(%arg8 : memref<128x16xf32, #tpu.memory_space<vmem>>)
      %mul3A_106 = arith.constant 128 : i32
      %mul3A_107 = arith.muli %add3A_89, %mul3A_106 : i32
      %dma_start3A_108 = tpu.memref_slice %arg7[%mul3A_107] : memref<10000xi32, #tpu.memory_space<vmem>> -> memref<128xi32, #tpu.memory_space<vmem>>
      %dma_start3A_109 = arith.constant 0 : i32
      %dma_start3A_110 = arith.constant 0 : i32
      %dma_start3A_111 = tpu.memref_slice %arg22[%dma_start3A_109, %dma_start3A_110] : memref<10112x16xf32, #tpu.memory_space<vmem_shared>> -> memref<10112x16xf32, #tpu.memory_space<vmem_shared>>
      tpu.enqueue_indirect_dma source(%arg8 : memref<128x16xf32, #tpu.memory_space<vmem>>) target(%dma_start3A_111 : memref<10112x16xf32, #tpu.memory_space<vmem_shared>>) offsets(%dma_start3A_108 : memref<128xi32, #tpu.memory_space<vmem>>) semaphore(%arg36 : memref<!tpu.dma_semaphore, #tpu.memory_space<semaphore_mem>>) {add = true}
      %mul3A_112 = arith.constant 13 : i32
      %mul3A_113 = arith.muli %scan3A_85, %mul3A_112 : i32
      %add3A_114 = arith.constant 1 : i32
      %add3A_115 = arith.addi %mul3A_113, %add3A_114 : i32
      %add3A_116 = arith.constant 8 : i32
      %add3A_117 = arith.addi %add3A_115, %add3A_116 : i32
      %ge3A_118 = arith.constant 13 : i32
      %ge3A_119 = arith.cmpi sge, %add3A_117, %ge3A_118 : i32
      %convert_element_type3A_120 = arith.extui %ge3A_119 : i1 to i32
      %cond3A_121 = arith.constant 0 : i32
      %cond3A_122 = arith.cmpi ne, %convert_element_type3A_120, %cond3A_121 : i32
      scf.if %cond3A_122 {
        %add3A_472 = arith.constant 8 : i32
        %add3A_473 = arith.addi %add3A_115, %add3A_472 : i32
        %sub3A = arith.constant 13 : i32
        %sub3A_474 = arith.subi %add3A_473, %sub3A : i32
        %mul3A_475 = arith.constant 128 : i32
        %mul3A_476 = arith.muli %sub3A_474, %mul3A_475 : i32
        %dma_wait3A_477 = tpu.memref_slice %arg7[%mul3A_476] : memref<10000xi32, #tpu.memory_space<vmem>> -> memref<128xi32, #tpu.memory_space<vmem>>
        %dma_wait3A_478 = arith.constant 0 : i32
        %dma_wait3A_479 = arith.constant 0 : i32
        %dma_wait3A_480 = tpu.memref_slice %arg22[%dma_wait3A_478, %dma_wait3A_479] : memref<10112x16xf32, #tpu.memory_space<vmem_shared>> -> memref<10112x16xf32, #tpu.memory_space<vmem_shared>>
        tpu.wait_indirect_dma semaphore(%arg45 : memref<!tpu.dma_semaphore, #tpu.memory_space<semaphore_mem>>) src(%arg17 : memref<128x16xf32, #tpu.memory_space<vmem>>) dst(%dma_wait3A_480 : memref<10112x16xf32, #tpu.memory_space<vmem_shared>>)
      } else {
      }
      %add3A_123 = arith.constant 8 : i32
      %add3A_124 = arith.addi %add3A_115, %add3A_123 : i32
      %lt3A_125 = arith.constant 78 : i32
      %lt3A_126 = arith.cmpi slt, %add3A_124, %lt3A_125 : i32
      %convert_element_type3A_127 = arith.extui %lt3A_126 : i1 to i32
      %cond3A_128 = arith.constant 0 : i32
      %cond3A_129 = arith.cmpi ne, %convert_element_type3A_127, %cond3A_128 : i32
      scf.if %cond3A_129 {
        %add3A_472 = arith.constant 8 : i32
        %add3A_473 = arith.addi %add3A_115, %add3A_472 : i32
        %mul3A_474 = arith.constant 128 : i32
        %mul3A_475 = arith.muli %add3A_473, %mul3A_474 : i32
        %dma_start3A_476 = tpu.memref_slice %arg6[%mul3A_475] : memref<10000xi32, #tpu.memory_space<vmem>> -> memref<128xi32, #tpu.memory_space<vmem>>
        %dma_start3A_477 = arith.constant 0 : i32
        %dma_start3A_478 = arith.constant 0 : i32
        %dma_start3A_479 = tpu.memref_slice %arg2[%dma_start3A_477, %dma_start3A_478] : memref<10000x16xf32, #tpu.memory_space<hbm>> -> memref<10000x16xf32, #tpu.memory_space<hbm>>
        tpu.enqueue_indirect_dma source(%dma_start3A_479 : memref<10000x16xf32, #tpu.memory_space<hbm>>) target(%arg17 : memref<128x16xf32, #tpu.memory_space<vmem>>) offsets(%dma_start3A_476 : memref<128xi32, #tpu.memory_space<vmem>>) semaphore(%arg32 : memref<!tpu.dma_semaphore, #tpu.memory_space<semaphore_mem>>)
      } else {
      }
      %mul3A_130 = arith.constant 128 : i32
      %mul3A_131 = arith.muli %add3A_115, %mul3A_130 : i32
      %dma_wait3A_132 = tpu.memref_slice %arg6[%mul3A_131] : memref<10000xi32, #tpu.memory_space<vmem>> -> memref<128xi32, #tpu.memory_space<vmem>>
      %dma_wait3A_133 = arith.constant 0 : i32
      %dma_wait3A_134 = arith.constant 0 : i32
      %dma_wait3A_135 = tpu.memref_slice %arg2[%dma_wait3A_133, %dma_wait3A_134] : memref<10000x16xf32, #tpu.memory_space<hbm>> -> memref<10000x16xf32, #tpu.memory_space<hbm>>
      tpu.wait_indirect_dma semaphore(%arg24 : memref<!tpu.dma_semaphore, #tpu.memory_space<semaphore_mem>>) src(%dma_wait3A_135 : memref<10000x16xf32, #tpu.memory_space<hbm>>) dst(%arg9 : memref<128x16xf32, #tpu.memory_space<vmem>>)
      %mul3A_136 = arith.constant 128 : i32
      %mul3A_137 = arith.muli %add3A_115, %mul3A_136 : i32
      %dma_start3A_138 = tpu.memref_slice %arg7[%mul3A_137] : memref<10000xi32, #tpu.memory_space<vmem>> -> memref<128xi32, #tpu.memory_space<vmem>>
      %dma_start3A_139 = arith.constant 0 : i32
      %dma_start3A_140 = arith.constant 0 : i32
      %dma_start3A_141 = tpu.memref_slice %arg22[%dma_start3A_139, %dma_start3A_140] : memref<10112x16xf32, #tpu.memory_space<vmem_shared>> -> memref<10112x16xf32, #tpu.memory_space<vmem_shared>>
      tpu.enqueue_indirect_dma source(%arg9 : memref<128x16xf32, #tpu.memory_space<vmem>>) target(%dma_start3A_141 : memref<10112x16xf32, #tpu.memory_space<vmem_shared>>) offsets(%dma_start3A_138 : memref<128xi32, #tpu.memory_space<vmem>>) semaphore(%arg37 : memref<!tpu.dma_semaphore, #tpu.memory_space<semaphore_mem>>) {add = true}
      %mul3A_142 = arith.constant 13 : i32
      %mul3A_143 = arith.muli %scan3A_85, %mul3A_142 : i32
      %add3A_144 = arith.constant 2 : i32
      %add3A_145 = arith.addi %mul3A_143, %add3A_144 : i32
      %add3A_146 = arith.constant 8 : i32
      %add3A_147 = arith.addi %add3A_145, %add3A_146 : i32
      %ge3A_148 = arith.constant 13 : i32
      %ge3A_149 = arith.cmpi sge, %add3A_147, %ge3A_148 : i32
      %convert_element_type3A_150 = arith.extui %ge3A_149 : i1 to i32
      %cond3A_151 = arith.constant 0 : i32
      %cond3A_152 = arith.cmpi ne, %convert_element_type3A_150, %cond3A_151 : i32
      scf.if %cond3A_152 {
        %add3A_472 = arith.constant 8 : i32
        %add3A_473 = arith.addi %add3A_145, %add3A_472 : i32
        %sub3A = arith.constant 13 : i32
        %sub3A_474 = arith.subi %add3A_473, %sub3A : i32
        %mul3A_475 = arith.constant 128 : i32
        %mul3A_476 = arith.muli %sub3A_474, %mul3A_475 : i32
        %dma_wait3A_477 = tpu.memref_slice %arg7[%mul3A_476] : memref<10000xi32, #tpu.memory_space<vmem>> -> memref<128xi32, #tpu.memory_space<vmem>>
        %dma_wait3A_478 = arith.constant 0 : i32
        %dma_wait3A_479 = arith.constant 0 : i32
        %dma_wait3A_480 = tpu.memref_slice %arg22[%dma_wait3A_478, %dma_wait3A_479] : memref<10112x16xf32, #tpu.memory_space<vmem_shared>> -> memref<10112x16xf32, #tpu.memory_space<vmem_shared>>
        tpu.wait_indirect_dma semaphore(%arg46 : memref<!tpu.dma_semaphore, #tpu.memory_space<semaphore_mem>>) src(%arg18 : memref<128x16xf32, #tpu.memory_space<vmem>>) dst(%dma_wait3A_480 : memref<10112x16xf32, #tpu.memory_space<vmem_shared>>)
      } else {
      }
      %add3A_153 = arith.constant 8 : i32
      %add3A_154 = arith.addi %add3A_145, %add3A_153 : i32
      %lt3A_155 = arith.constant 78 : i32
      %lt3A_156 = arith.cmpi slt, %add3A_154, %lt3A_155 : i32
      %convert_element_type3A_157 = arith.extui %lt3A_156 : i1 to i32
      %cond3A_158 = arith.constant 0 : i32
      %cond3A_159 = arith.cmpi ne, %convert_element_type3A_157, %cond3A_158 : i32
      scf.if %cond3A_159 {
        %add3A_472 = arith.constant 8 : i32
        %add3A_473 = arith.addi %add3A_145, %add3A_472 : i32
        %mul3A_474 = arith.constant 128 : i32
        %mul3A_475 = arith.muli %add3A_473, %mul3A_474 : i32
        %dma_start3A_476 = tpu.memref_slice %arg6[%mul3A_475] : memref<10000xi32, #tpu.memory_space<vmem>> -> memref<128xi32, #tpu.memory_space<vmem>>
        %dma_start3A_477 = arith.constant 0 : i32
        %dma_start3A_478 = arith.constant 0 : i32
        %dma_start3A_479 = tpu.memref_slice %arg2[%dma_start3A_477, %dma_start3A_478] : memref<10000x16xf32, #tpu.memory_space<hbm>> -> memref<10000x16xf32, #tpu.memory_space<hbm>>
        tpu.enqueue_indirect_dma source(%dma_start3A_479 : memref<10000x16xf32, #tpu.memory_space<hbm>>) target(%arg18 : memref<128x16xf32, #tpu.memory_space<vmem>>) offsets(%dma_start3A_476 : memref<128xi32, #tpu.memory_space<vmem>>) semaphore(%arg33 : memref<!tpu.dma_semaphore, #tpu.memory_space<semaphore_mem>>)
      } else {
      }
      %mul3A_160 = arith.constant 128 : i32
      %mul3A_161 = arith.muli %add3A_145, %mul3A_160 : i32
      %dma_wait3A_162 = tpu.memref_slice %arg6[%mul3A_161] : memref<10000xi32, #tpu.memory_space<vmem>> -> memref<128xi32, #tpu.memory_space<vmem>>
      %dma_wait3A_163 = arith.constant 0 : i32
      %dma_wait3A_164 = arith.constant 0 : i32
      %dma_wait3A_165 = tpu.memref_slice %arg2[%dma_wait3A_163, %dma_wait3A_164] : memref<10000x16xf32, #tpu.memory_space<hbm>> -> memref<10000x16xf32, #tpu.memory_space<hbm>>
      tpu.wait_indirect_dma semaphore(%arg25 : memref<!tpu.dma_semaphore, #tpu.memory_space<semaphore_mem>>) src(%dma_wait3A_165 : memref<10000x16xf32, #tpu.memory_space<hbm>>) dst(%arg10 : memref<128x16xf32, #tpu.memory_space<vmem>>)
      %mul3A_166 = arith.constant 128 : i32
      %mul3A_167 = arith.muli %add3A_145, %mul3A_166 : i32
      %dma_start3A_168 = tpu.memref_slice %arg7[%mul3A_167] : memref<10000xi32, #tpu.memory_space<vmem>> -> memref<128xi32, #tpu.memory_space<vmem>>
      %dma_start3A_169 = arith.constant 0 : i32
      %dma_start3A_170 = arith.constant 0 : i32
      %dma_start3A_171 = tpu.memref_slice %arg22[%dma_start3A_169, %dma_start3A_170] : memref<10112x16xf32, #tpu.memory_space<vmem_shared>> -> memref<10112x16xf32, #tpu.memory_space<vmem_shared>>
      tpu.enqueue_indirect_dma source(%arg10 : memref<128x16xf32, #tpu.memory_space<vmem>>) target(%dma_start3A_171 : memref<10112x16xf32, #tpu.memory_space<vmem_shared>>) offsets(%dma_start3A_168 : memref<128xi32, #tpu.memory_space<vmem>>) semaphore(%arg38 : memref<!tpu.dma_semaphore, #tpu.memory_space<semaphore_mem>>) {add = true}
      %mul3A_172 = arith.constant 13 : i32
      %mul3A_173 = arith.muli %scan3A_85, %mul3A_172 : i32
      %add3A_174 = arith.constant 3 : i32
      %add3A_175 = arith.addi %mul3A_173, %add3A_174 : i32
      %add3A_176 = arith.constant 8 : i32
      %add3A_177 = arith.addi %add3A_175, %add3A_176 : i32
      %ge3A_178 = arith.constant 13 : i32
      %ge3A_179 = arith.cmpi sge, %add3A_177, %ge3A_178 : i32
      %convert_element_type3A_180 = arith.extui %ge3A_179 : i1 to i32
      %cond3A_181 = arith.constant 0 : i32
      %cond3A_182 = arith.cmpi ne, %convert_element_type3A_180, %cond3A_181 : i32
      scf.if %cond3A_182 {
        %add3A_472 = arith.constant 8 : i32
        %add3A_473 = arith.addi %add3A_175, %add3A_472 : i32
        %sub3A = arith.constant 13 : i32
        %sub3A_474 = arith.subi %add3A_473, %sub3A : i32
        %mul3A_475 = arith.constant 128 : i32
        %mul3A_476 = arith.muli %sub3A_474, %mul3A_475 : i32
        %dma_wait3A_477 = tpu.memref_slice %arg7[%mul3A_476] : memref<10000xi32, #tpu.memory_space<vmem>> -> memref<128xi32, #tpu.memory_space<vmem>>
        %dma_wait3A_478 = arith.constant 0 : i32
        %dma_wait3A_479 = arith.constant 0 : i32
        %dma_wait3A_480 = tpu.memref_slice %arg22[%dma_wait3A_478, %dma_wait3A_479] : memref<10112x16xf32, #tpu.memory_space<vmem_shared>> -> memref<10112x16xf32, #tpu.memory_space<vmem_shared>>
        tpu.wait_indirect_dma semaphore(%arg47 : memref<!tpu.dma_semaphore, #tpu.memory_space<semaphore_mem>>) src(%arg19 : memref<128x16xf32, #tpu.memory_space<vmem>>) dst(%dma_wait3A_480 : memref<10112x16xf32, #tpu.memory_space<vmem_shared>>)
      } else {
      }
      %add3A_183 = arith.constant 8 : i32
      %add3A_184 = arith.addi %add3A_175, %add3A_183 : i32
      %lt3A_185 = arith.constant 78 : i32
      %lt3A_186 = arith.cmpi slt, %add3A_184, %lt3A_185 : i32
      %convert_element_type3A_187 = arith.extui %lt3A_186 : i1 to i32
      %cond3A_188 = arith.constant 0 : i32
      %cond3A_189 = arith.cmpi ne, %convert_element_type3A_187, %cond3A_188 : i32
      scf.if %cond3A_189 {
        %add3A_472 = arith.constant 8 : i32
        %add3A_473 = arith.addi %add3A_175, %add3A_472 : i32
        %mul3A_474 = arith.constant 128 : i32
        %mul3A_475 = arith.muli %add3A_473, %mul3A_474 : i32
        %dma_start3A_476 = tpu.memref_slice %arg6[%mul3A_475] : memref<10000xi32, #tpu.memory_space<vmem>> -> memref<128xi32, #tpu.memory_space<vmem>>
        %dma_start3A_477 = arith.constant 0 : i32
        %dma_start3A_478 = arith.constant 0 : i32
        %dma_start3A_479 = tpu.memref_slice %arg2[%dma_start3A_477, %dma_start3A_478] : memref<10000x16xf32, #tpu.memory_space<hbm>> -> memref<10000x16xf32, #tpu.memory_space<hbm>>
        tpu.enqueue_indirect_dma source(%dma_start3A_479 : memref<10000x16xf32, #tpu.memory_space<hbm>>) target(%arg19 : memref<128x16xf32, #tpu.memory_space<vmem>>) offsets(%dma_start3A_476 : memref<128xi32, #tpu.memory_space<vmem>>) semaphore(%arg34 : memref<!tpu.dma_semaphore, #tpu.memory_space<semaphore_mem>>)
      } else {
      }
      %mul3A_190 = arith.constant 128 : i32
      %mul3A_191 = arith.muli %add3A_175, %mul3A_190 : i32
      %dma_wait3A_192 = tpu.memref_slice %arg6[%mul3A_191] : memref<10000xi32, #tpu.memory_space<vmem>> -> memref<128xi32, #tpu.memory_space<vmem>>
      %dma_wait3A_193 = arith.constant 0 : i32
      %dma_wait3A_194 = arith.constant 0 : i32
      %dma_wait3A_195 = tpu.memref_slice %arg2[%dma_wait3A_193, %dma_wait3A_194] : memref<10000x16xf32, #tpu.memory_space<hbm>> -> memref<10000x16xf32, #tpu.memory_space<hbm>>
      tpu.wait_indirect_dma semaphore(%arg26 : memref<!tpu.dma_semaphore, #tpu.memory_space<semaphore_mem>>) src(%dma_wait3A_195 : memref<10000x16xf32, #tpu.memory_space<hbm>>) dst(%arg11 : memref<128x16xf32, #tpu.memory_space<vmem>>)
      %mul3A_196 = arith.constant 128 : i32
      %mul3A_197 = arith.muli %add3A_175, %mul3A_196 : i32
      %dma_start3A_198 = tpu.memref_slice %arg7[%mul3A_197] : memref<10000xi32, #tpu.memory_space<vmem>> -> memref<128xi32, #tpu.memory_space<vmem>>
      %dma_start3A_199 = arith.constant 0 : i32
      %dma_start3A_200 = arith.constant 0 : i32
      %dma_start3A_201 = tpu.memref_slice %arg22[%dma_start3A_199, %dma_start3A_200] : memref<10112x16xf32, #tpu.memory_space<vmem_shared>> -> memref<10112x16xf32, #tpu.memory_space<vmem_shared>>
      tpu.enqueue_indirect_dma source(%arg11 : memref<128x16xf32, #tpu.memory_space<vmem>>) target(%dma_start3A_201 : memref<10112x16xf32, #tpu.memory_space<vmem_shared>>) offsets(%dma_start3A_198 : memref<128xi32, #tpu.memory_space<vmem>>) semaphore(%arg39 : memref<!tpu.dma_semaphore, #tpu.memory_space<semaphore_mem>>) {add = true}
      %mul3A_202 = arith.constant 13 : i32
      %mul3A_203 = arith.muli %scan3A_85, %mul3A_202 : i32
      %add3A_204 = arith.constant 4 : i32
      %add3A_205 = arith.addi %mul3A_203, %add3A_204 : i32
      %add3A_206 = arith.constant 8 : i32
      %add3A_207 = arith.addi %add3A_205, %add3A_206 : i32
      %ge3A_208 = arith.constant 13 : i32
      %ge3A_209 = arith.cmpi sge, %add3A_207, %ge3A_208 : i32
      %convert_element_type3A_210 = arith.extui %ge3A_209 : i1 to i32
      %cond3A_211 = arith.constant 0 : i32
      %cond3A_212 = arith.cmpi ne, %convert_element_type3A_210, %cond3A_211 : i32
      scf.if %cond3A_212 {
        %add3A_472 = arith.constant 8 : i32
        %add3A_473 = arith.addi %add3A_205, %add3A_472 : i32
        %sub3A = arith.constant 13 : i32
        %sub3A_474 = arith.subi %add3A_473, %sub3A : i32
        %mul3A_475 = arith.constant 128 : i32
        %mul3A_476 = arith.muli %sub3A_474, %mul3A_475 : i32
        %dma_wait3A_477 = tpu.memref_slice %arg7[%mul3A_476] : memref<10000xi32, #tpu.memory_space<vmem>> -> memref<128xi32, #tpu.memory_space<vmem>>
        %dma_wait3A_478 = arith.constant 0 : i32
        %dma_wait3A_479 = arith.constant 0 : i32
        %dma_wait3A_480 = tpu.memref_slice %arg22[%dma_wait3A_478, %dma_wait3A_479] : memref<10112x16xf32, #tpu.memory_space<vmem_shared>> -> memref<10112x16xf32, #tpu.memory_space<vmem_shared>>
        tpu.wait_indirect_dma semaphore(%arg48 : memref<!tpu.dma_semaphore, #tpu.memory_space<semaphore_mem>>) src(%arg20 : memref<128x16xf32, #tpu.memory_space<vmem>>) dst(%dma_wait3A_480 : memref<10112x16xf32, #tpu.memory_space<vmem_shared>>)
      } else {
      }
      %add3A_213 = arith.constant 8 : i32
      %add3A_214 = arith.addi %add3A_205, %add3A_213 : i32
      %lt3A_215 = arith.constant 78 : i32
      %lt3A_216 = arith.cmpi slt, %add3A_214, %lt3A_215 : i32
      %convert_element_type3A_217 = arith.extui %lt3A_216 : i1 to i32
      %cond3A_218 = arith.constant 0 : i32
      %cond3A_219 = arith.cmpi ne, %convert_element_type3A_217, %cond3A_218 : i32
      scf.if %cond3A_219 {
        %add3A_472 = arith.constant 8 : i32
        %add3A_473 = arith.addi %add3A_205, %add3A_472 : i32
        %mul3A_474 = arith.constant 128 : i32
        %mul3A_475 = arith.muli %add3A_473, %mul3A_474 : i32
        %dma_start3A_476 = tpu.memref_slice %arg6[%mul3A_475] : memref<10000xi32, #tpu.memory_space<vmem>> -> memref<128xi32, #tpu.memory_space<vmem>>
        %dma_start3A_477 = arith.constant 0 : i32
        %dma_start3A_478 = arith.constant 0 : i32
        %dma_start3A_479 = tpu.memref_slice %arg2[%dma_start3A_477, %dma_start3A_478] : memref<10000x16xf32, #tpu.memory_space<hbm>> -> memref<10000x16xf32, #tpu.memory_space<hbm>>
        tpu.enqueue_indirect_dma source(%dma_start3A_479 : memref<10000x16xf32, #tpu.memory_space<hbm>>) target(%arg20 : memref<128x16xf32, #tpu.memory_space<vmem>>) offsets(%dma_start3A_476 : memref<128xi32, #tpu.memory_space<vmem>>) semaphore(%arg35 : memref<!tpu.dma_semaphore, #tpu.memory_space<semaphore_mem>>)
      } else {
      }
      %mul3A_220 = arith.constant 128 : i32
      %mul3A_221 = arith.muli %add3A_205, %mul3A_220 : i32
      %dma_wait3A_222 = tpu.memref_slice %arg6[%mul3A_221] : memref<10000xi32, #tpu.memory_space<vmem>> -> memref<128xi32, #tpu.memory_space<vmem>>
      %dma_wait3A_223 = arith.constant 0 : i32
      %dma_wait3A_224 = arith.constant 0 : i32
      %dma_wait3A_225 = tpu.memref_slice %arg2[%dma_wait3A_223, %dma_wait3A_224] : memref<10000x16xf32, #tpu.memory_space<hbm>> -> memref<10000x16xf32, #tpu.memory_space<hbm>>
      tpu.wait_indirect_dma semaphore(%arg27 : memref<!tpu.dma_semaphore, #tpu.memory_space<semaphore_mem>>) src(%dma_wait3A_225 : memref<10000x16xf32, #tpu.memory_space<hbm>>) dst(%arg12 : memref<128x16xf32, #tpu.memory_space<vmem>>)
      %mul3A_226 = arith.constant 128 : i32
      %mul3A_227 = arith.muli %add3A_205, %mul3A_226 : i32
      %dma_start3A_228 = tpu.memref_slice %arg7[%mul3A_227] : memref<10000xi32, #tpu.memory_space<vmem>> -> memref<128xi32, #tpu.memory_space<vmem>>
      %dma_start3A_229 = arith.constant 0 : i32
      %dma_start3A_230 = arith.constant 0 : i32
      %dma_start3A_231 = tpu.memref_slice %arg22[%dma_start3A_229, %dma_start3A_230] : memref<10112x16xf32, #tpu.memory_space<vmem_shared>> -> memref<10112x16xf32, #tpu.memory_space<vmem_shared>>
      tpu.enqueue_indirect_dma source(%arg12 : memref<128x16xf32, #tpu.memory_space<vmem>>) target(%dma_start3A_231 : memref<10112x16xf32, #tpu.memory_space<vmem_shared>>) offsets(%dma_start3A_228 : memref<128xi32, #tpu.memory_space<vmem>>) semaphore(%arg40 : memref<!tpu.dma_semaphore, #tpu.memory_space<semaphore_mem>>) {add = true}
      %mul3A_232 = arith.constant 13 : i32
      %mul3A_233 = arith.muli %scan3A_85, %mul3A_232 : i32
      %add3A_234 = arith.constant 5 : i32
      %add3A_235 = arith.addi %mul3A_233, %add3A_234 : i32
      %add3A_236 = arith.constant 8 : i32
      %add3A_237 = arith.addi %add3A_235, %add3A_236 : i32
      %ge3A_238 = arith.constant 13 : i32
      %ge3A_239 = arith.cmpi sge, %add3A_237, %ge3A_238 : i32
      %convert_element_type3A_240 = arith.extui %ge3A_239 : i1 to i32
      %cond3A_241 = arith.constant 0 : i32
      %cond3A_242 = arith.cmpi ne, %convert_element_type3A_240, %cond3A_241 : i32
      scf.if %cond3A_242 {
        %add3A_472 = arith.constant 8 : i32
        %add3A_473 = arith.addi %add3A_235, %add3A_472 : i32
        %sub3A = arith.constant 13 : i32
        %sub3A_474 = arith.subi %add3A_473, %sub3A : i32
        %mul3A_475 = arith.constant 128 : i32
        %mul3A_476 = arith.muli %sub3A_474, %mul3A_475 : i32
        %dma_wait3A_477 = tpu.memref_slice %arg7[%mul3A_476] : memref<10000xi32, #tpu.memory_space<vmem>> -> memref<128xi32, #tpu.memory_space<vmem>>
        %dma_wait3A_478 = arith.constant 0 : i32
        %dma_wait3A_479 = arith.constant 0 : i32
        %dma_wait3A_480 = tpu.memref_slice %arg22[%dma_wait3A_478, %dma_wait3A_479] : memref<10112x16xf32, #tpu.memory_space<vmem_shared>> -> memref<10112x16xf32, #tpu.memory_space<vmem_shared>>
        tpu.wait_indirect_dma semaphore(%arg36 : memref<!tpu.dma_semaphore, #tpu.memory_space<semaphore_mem>>) src(%arg8 : memref<128x16xf32, #tpu.memory_space<vmem>>) dst(%dma_wait3A_480 : memref<10112x16xf32, #tpu.memory_space<vmem_shared>>)
      } else {
      }
      %add3A_243 = arith.constant 8 : i32
      %add3A_244 = arith.addi %add3A_235, %add3A_243 : i32
      %lt3A_245 = arith.constant 78 : i32
      %lt3A_246 = arith.cmpi slt, %add3A_244, %lt3A_245 : i32
      %convert_element_type3A_247 = arith.extui %lt3A_246 : i1 to i32
      %cond3A_248 = arith.constant 0 : i32
      %cond3A_249 = arith.cmpi ne, %convert_element_type3A_247, %cond3A_248 : i32
      scf.if %cond3A_249 {
        %add3A_472 = arith.constant 8 : i32
        %add3A_473 = arith.addi %add3A_235, %add3A_472 : i32
        %mul3A_474 = arith.constant 128 : i32
        %mul3A_475 = arith.muli %add3A_473, %mul3A_474 : i32
        %dma_start3A_476 = tpu.memref_slice %arg6[%mul3A_475] : memref<10000xi32, #tpu.memory_space<vmem>> -> memref<128xi32, #tpu.memory_space<vmem>>
        %dma_start3A_477 = arith.constant 0 : i32
        %dma_start3A_478 = arith.constant 0 : i32
        %dma_start3A_479 = tpu.memref_slice %arg2[%dma_start3A_477, %dma_start3A_478] : memref<10000x16xf32, #tpu.memory_space<hbm>> -> memref<10000x16xf32, #tpu.memory_space<hbm>>
        tpu.enqueue_indirect_dma source(%dma_start3A_479 : memref<10000x16xf32, #tpu.memory_space<hbm>>) target(%arg8 : memref<128x16xf32, #tpu.memory_space<vmem>>) offsets(%dma_start3A_476 : memref<128xi32, #tpu.memory_space<vmem>>) semaphore(%arg23 : memref<!tpu.dma_semaphore, #tpu.memory_space<semaphore_mem>>)
      } else {
      }
      %mul3A_250 = arith.constant 128 : i32
      %mul3A_251 = arith.muli %add3A_235, %mul3A_250 : i32
      %dma_wait3A_252 = tpu.memref_slice %arg6[%mul3A_251] : memref<10000xi32, #tpu.memory_space<vmem>> -> memref<128xi32, #tpu.memory_space<vmem>>
      %dma_wait3A_253 = arith.constant 0 : i32
      %dma_wait3A_254 = arith.constant 0 : i32
      %dma_wait3A_255 = tpu.memref_slice %arg2[%dma_wait3A_253, %dma_wait3A_254] : memref<10000x16xf32, #tpu.memory_space<hbm>> -> memref<10000x16xf32, #tpu.memory_space<hbm>>
      tpu.wait_indirect_dma semaphore(%arg28 : memref<!tpu.dma_semaphore, #tpu.memory_space<semaphore_mem>>) src(%dma_wait3A_255 : memref<10000x16xf32, #tpu.memory_space<hbm>>) dst(%arg13 : memref<128x16xf32, #tpu.memory_space<vmem>>)
      %mul3A_256 = arith.constant 128 : i32
      %mul3A_257 = arith.muli %add3A_235, %mul3A_256 : i32
      %dma_start3A_258 = tpu.memref_slice %arg7[%mul3A_257] : memref<10000xi32, #tpu.memory_space<vmem>> -> memref<128xi32, #tpu.memory_space<vmem>>
      %dma_start3A_259 = arith.constant 0 : i32
      %dma_start3A_260 = arith.constant 0 : i32
      %dma_start3A_261 = tpu.memref_slice %arg22[%dma_start3A_259, %dma_start3A_260] : memref<10112x16xf32, #tpu.memory_space<vmem_shared>> -> memref<10112x16xf32, #tpu.memory_space<vmem_shared>>
      tpu.enqueue_indirect_dma source(%arg13 : memref<128x16xf32, #tpu.memory_space<vmem>>) target(%dma_start3A_261 : memref<10112x16xf32, #tpu.memory_space<vmem_shared>>) offsets(%dma_start3A_258 : memref<128xi32, #tpu.memory_space<vmem>>) semaphore(%arg41 : memref<!tpu.dma_semaphore, #tpu.memory_space<semaphore_mem>>) {add = true}
      %mul3A_262 = arith.constant 13 : i32
      %mul3A_263 = arith.muli %scan3A_85, %mul3A_262 : i32
      %add3A_264 = arith.constant 6 : i32
      %add3A_265 = arith.addi %mul3A_263, %add3A_264 : i32
      %add3A_266 = arith.constant 8 : i32
      %add3A_267 = arith.addi %add3A_265, %add3A_266 : i32
      %ge3A_268 = arith.constant 13 : i32
      %ge3A_269 = arith.cmpi sge, %add3A_267, %ge3A_268 : i32
      %convert_element_type3A_270 = arith.extui %ge3A_269 : i1 to i32
      %cond3A_271 = arith.constant 0 : i32
      %cond3A_272 = arith.cmpi ne, %convert_element_type3A_270, %cond3A_271 : i32
      scf.if %cond3A_272 {
        %add3A_472 = arith.constant 8 : i32
        %add3A_473 = arith.addi %add3A_265, %add3A_472 : i32
        %sub3A = arith.constant 13 : i32
        %sub3A_474 = arith.subi %add3A_473, %sub3A : i32
        %mul3A_475 = arith.constant 128 : i32
        %mul3A_476 = arith.muli %sub3A_474, %mul3A_475 : i32
        %dma_wait3A_477 = tpu.memref_slice %arg7[%mul3A_476] : memref<10000xi32, #tpu.memory_space<vmem>> -> memref<128xi32, #tpu.memory_space<vmem>>
        %dma_wait3A_478 = arith.constant 0 : i32
        %dma_wait3A_479 = arith.constant 0 : i32
        %dma_wait3A_480 = tpu.memref_slice %arg22[%dma_wait3A_478, %dma_wait3A_479] : memref<10112x16xf32, #tpu.memory_space<vmem_shared>> -> memref<10112x16xf32, #tpu.memory_space<vmem_shared>>
        tpu.wait_indirect_dma semaphore(%arg37 : memref<!tpu.dma_semaphore, #tpu.memory_space<semaphore_mem>>) src(%arg9 : memref<128x16xf32, #tpu.memory_space<vmem>>) dst(%dma_wait3A_480 : memref<10112x16xf32, #tpu.memory_space<vmem_shared>>)
      } else {
      }
      %add3A_273 = arith.constant 8 : i32
      %add3A_274 = arith.addi %add3A_265, %add3A_273 : i32
      %lt3A_275 = arith.constant 78 : i32
      %lt3A_276 = arith.cmpi slt, %add3A_274, %lt3A_275 : i32
      %convert_element_type3A_277 = arith.extui %lt3A_276 : i1 to i32
      %cond3A_278 = arith.constant 0 : i32
      %cond3A_279 = arith.cmpi ne, %convert_element_type3A_277, %cond3A_278 : i32
      scf.if %cond3A_279 {
        %add3A_472 = arith.constant 8 : i32
        %add3A_473 = arith.addi %add3A_265, %add3A_472 : i32
        %mul3A_474 = arith.constant 128 : i32
        %mul3A_475 = arith.muli %add3A_473, %mul3A_474 : i32
        %dma_start3A_476 = tpu.memref_slice %arg6[%mul3A_475] : memref<10000xi32, #tpu.memory_space<vmem>> -> memref<128xi32, #tpu.memory_space<vmem>>
        %dma_start3A_477 = arith.constant 0 : i32
        %dma_start3A_478 = arith.constant 0 : i32
        %dma_start3A_479 = tpu.memref_slice %arg2[%dma_start3A_477, %dma_start3A_478] : memref<10000x16xf32, #tpu.memory_space<hbm>> -> memref<10000x16xf32, #tpu.memory_space<hbm>>
        tpu.enqueue_indirect_dma source(%dma_start3A_479 : memref<10000x16xf32, #tpu.memory_space<hbm>>) target(%arg9 : memref<128x16xf32, #tpu.memory_space<vmem>>) offsets(%dma_start3A_476 : memref<128xi32, #tpu.memory_space<vmem>>) semaphore(%arg24 : memref<!tpu.dma_semaphore, #tpu.memory_space<semaphore_mem>>)
      } else {
      }
      %mul3A_280 = arith.constant 128 : i32
      %mul3A_281 = arith.muli %add3A_265, %mul3A_280 : i32
      %dma_wait3A_282 = tpu.memref_slice %arg6[%mul3A_281] : memref<10000xi32, #tpu.memory_space<vmem>> -> memref<128xi32, #tpu.memory_space<vmem>>
      %dma_wait3A_283 = arith.constant 0 : i32
      %dma_wait3A_284 = arith.constant 0 : i32
      %dma_wait3A_285 = tpu.memref_slice %arg2[%dma_wait3A_283, %dma_wait3A_284] : memref<10000x16xf32, #tpu.memory_space<hbm>> -> memref<10000x16xf32, #tpu.memory_space<hbm>>
      tpu.wait_indirect_dma semaphore(%arg29 : memref<!tpu.dma_semaphore, #tpu.memory_space<semaphore_mem>>) src(%dma_wait3A_285 : memref<10000x16xf32, #tpu.memory_space<hbm>>) dst(%arg14 : memref<128x16xf32, #tpu.memory_space<vmem>>)
      %mul3A_286 = arith.constant 128 : i32
      %mul3A_287 = arith.muli %add3A_265, %mul3A_286 : i32
      %dma_start3A_288 = tpu.memref_slice %arg7[%mul3A_287] : memref<10000xi32, #tpu.memory_space<vmem>> -> memref<128xi32, #tpu.memory_space<vmem>>
      %dma_start3A_289 = arith.constant 0 : i32
      %dma_start3A_290 = arith.constant 0 : i32
      %dma_start3A_291 = tpu.memref_slice %arg22[%dma_start3A_289, %dma_start3A_290] : memref<10112x16xf32, #tpu.memory_space<vmem_shared>> -> memref<10112x16xf32, #tpu.memory_space<vmem_shared>>
      tpu.enqueue_indirect_dma source(%arg14 : memref<128x16xf32, #tpu.memory_space<vmem>>) target(%dma_start3A_291 : memref<10112x16xf32, #tpu.memory_space<vmem_shared>>) offsets(%dma_start3A_288 : memref<128xi32, #tpu.memory_space<vmem>>) semaphore(%arg42 : memref<!tpu.dma_semaphore, #tpu.memory_space<semaphore_mem>>) {add = true}
      %mul3A_292 = arith.constant 13 : i32
      %mul3A_293 = arith.muli %scan3A_85, %mul3A_292 : i32
      %add3A_294 = arith.constant 7 : i32
      %add3A_295 = arith.addi %mul3A_293, %add3A_294 : i32
      %add3A_296 = arith.constant 8 : i32
      %add3A_297 = arith.addi %add3A_295, %add3A_296 : i32
      %ge3A_298 = arith.constant 13 : i32
      %ge3A_299 = arith.cmpi sge, %add3A_297, %ge3A_298 : i32
      %convert_element_type3A_300 = arith.extui %ge3A_299 : i1 to i32
      %cond3A_301 = arith.constant 0 : i32
      %cond3A_302 = arith.cmpi ne, %convert_element_type3A_300, %cond3A_301 : i32
      scf.if %cond3A_302 {
        %add3A_472 = arith.constant 8 : i32
        %add3A_473 = arith.addi %add3A_295, %add3A_472 : i32
        %sub3A = arith.constant 13 : i32
        %sub3A_474 = arith.subi %add3A_473, %sub3A : i32
        %mul3A_475 = arith.constant 128 : i32
        %mul3A_476 = arith.muli %sub3A_474, %mul3A_475 : i32
        %dma_wait3A_477 = tpu.memref_slice %arg7[%mul3A_476] : memref<10000xi32, #tpu.memory_space<vmem>> -> memref<128xi32, #tpu.memory_space<vmem>>
        %dma_wait3A_478 = arith.constant 0 : i32
        %dma_wait3A_479 = arith.constant 0 : i32
        %dma_wait3A_480 = tpu.memref_slice %arg22[%dma_wait3A_478, %dma_wait3A_479] : memref<10112x16xf32, #tpu.memory_space<vmem_shared>> -> memref<10112x16xf32, #tpu.memory_space<vmem_shared>>
        tpu.wait_indirect_dma semaphore(%arg38 : memref<!tpu.dma_semaphore, #tpu.memory_space<semaphore_mem>>) src(%arg10 : memref<128x16xf32, #tpu.memory_space<vmem>>) dst(%dma_wait3A_480 : memref<10112x16xf32, #tpu.memory_space<vmem_shared>>)
      } else {
      }
      %add3A_303 = arith.constant 8 : i32
      %add3A_304 = arith.addi %add3A_295, %add3A_303 : i32
      %lt3A_305 = arith.constant 78 : i32
      %lt3A_306 = arith.cmpi slt, %add3A_304, %lt3A_305 : i32
      %convert_element_type3A_307 = arith.extui %lt3A_306 : i1 to i32
      %cond3A_308 = arith.constant 0 : i32
      %cond3A_309 = arith.cmpi ne, %convert_element_type3A_307, %cond3A_308 : i32
      scf.if %cond3A_309 {
        %add3A_472 = arith.constant 8 : i32
        %add3A_473 = arith.addi %add3A_295, %add3A_472 : i32
        %mul3A_474 = arith.constant 128 : i32
        %mul3A_475 = arith.muli %add3A_473, %mul3A_474 : i32
        %dma_start3A_476 = tpu.memref_slice %arg6[%mul3A_475] : memref<10000xi32, #tpu.memory_space<vmem>> -> memref<128xi32, #tpu.memory_space<vmem>>
        %dma_start3A_477 = arith.constant 0 : i32
        %dma_start3A_478 = arith.constant 0 : i32
        %dma_start3A_479 = tpu.memref_slice %arg2[%dma_start3A_477, %dma_start3A_478] : memref<10000x16xf32, #tpu.memory_space<hbm>> -> memref<10000x16xf32, #tpu.memory_space<hbm>>
        tpu.enqueue_indirect_dma source(%dma_start3A_479 : memref<10000x16xf32, #tpu.memory_space<hbm>>) target(%arg10 : memref<128x16xf32, #tpu.memory_space<vmem>>) offsets(%dma_start3A_476 : memref<128xi32, #tpu.memory_space<vmem>>) semaphore(%arg25 : memref<!tpu.dma_semaphore, #tpu.memory_space<semaphore_mem>>)
      } else {
      }
      %mul3A_310 = arith.constant 128 : i32
      %mul3A_311 = arith.muli %add3A_295, %mul3A_310 : i32
      %dma_wait3A_312 = tpu.memref_slice %arg6[%mul3A_311] : memref<10000xi32, #tpu.memory_space<vmem>> -> memref<128xi32, #tpu.memory_space<vmem>>
      %dma_wait3A_313 = arith.constant 0 : i32
      %dma_wait3A_314 = arith.constant 0 : i32
      %dma_wait3A_315 = tpu.memref_slice %arg2[%dma_wait3A_313, %dma_wait3A_314] : memref<10000x16xf32, #tpu.memory_space<hbm>> -> memref<10000x16xf32, #tpu.memory_space<hbm>>
      tpu.wait_indirect_dma semaphore(%arg30 : memref<!tpu.dma_semaphore, #tpu.memory_space<semaphore_mem>>) src(%dma_wait3A_315 : memref<10000x16xf32, #tpu.memory_space<hbm>>) dst(%arg15 : memref<128x16xf32, #tpu.memory_space<vmem>>)
      %mul3A_316 = arith.constant 128 : i32
      %mul3A_317 = arith.muli %add3A_295, %mul3A_316 : i32
      %dma_start3A_318 = tpu.memref_slice %arg7[%mul3A_317] : memref<10000xi32, #tpu.memory_space<vmem>> -> memref<128xi32, #tpu.memory_space<vmem>>
      %dma_start3A_319 = arith.constant 0 : i32
      %dma_start3A_320 = arith.constant 0 : i32
      %dma_start3A_321 = tpu.memref_slice %arg22[%dma_start3A_319, %dma_start3A_320] : memref<10112x16xf32, #tpu.memory_space<vmem_shared>> -> memref<10112x16xf32, #tpu.memory_space<vmem_shared>>
      tpu.enqueue_indirect_dma source(%arg15 : memref<128x16xf32, #tpu.memory_space<vmem>>) target(%dma_start3A_321 : memref<10112x16xf32, #tpu.memory_space<vmem_shared>>) offsets(%dma_start3A_318 : memref<128xi32, #tpu.memory_space<vmem>>) semaphore(%arg43 : memref<!tpu.dma_semaphore, #tpu.memory_space<semaphore_mem>>) {add = true}
      %mul3A_322 = arith.constant 13 : i32
      %mul3A_323 = arith.muli %scan3A_85, %mul3A_322 : i32
      %add3A_324 = arith.constant 8 : i32
      %add3A_325 = arith.addi %mul3A_323, %add3A_324 : i32
      %add3A_326 = arith.constant 8 : i32
      %add3A_327 = arith.addi %add3A_325, %add3A_326 : i32
      %ge3A_328 = arith.constant 13 : i32
      %ge3A_329 = arith.cmpi sge, %add3A_327, %ge3A_328 : i32
      %convert_element_type3A_330 = arith.extui %ge3A_329 : i1 to i32
      %cond3A_331 = arith.constant 0 : i32
      %cond3A_332 = arith.cmpi ne, %convert_element_type3A_330, %cond3A_331 : i32
      scf.if %cond3A_332 {
        %add3A_472 = arith.constant 8 : i32
        %add3A_473 = arith.addi %add3A_325, %add3A_472 : i32
        %sub3A = arith.constant 13 : i32
        %sub3A_474 = arith.subi %add3A_473, %sub3A : i32
        %mul3A_475 = arith.constant 128 : i32
        %mul3A_476 = arith.muli %sub3A_474, %mul3A_475 : i32
        %dma_wait3A_477 = tpu.memref_slice %arg7[%mul3A_476] : memref<10000xi32, #tpu.memory_space<vmem>> -> memref<128xi32, #tpu.memory_space<vmem>>
        %dma_wait3A_478 = arith.constant 0 : i32
        %dma_wait3A_479 = arith.constant 0 : i32
        %dma_wait3A_480 = tpu.memref_slice %arg22[%dma_wait3A_478, %dma_wait3A_479] : memref<10112x16xf32, #tpu.memory_space<vmem_shared>> -> memref<10112x16xf32, #tpu.memory_space<vmem_shared>>
        tpu.wait_indirect_dma semaphore(%arg39 : memref<!tpu.dma_semaphore, #tpu.memory_space<semaphore_mem>>) src(%arg11 : memref<128x16xf32, #tpu.memory_space<vmem>>) dst(%dma_wait3A_480 : memref<10112x16xf32, #tpu.memory_space<vmem_shared>>)
      } else {
      }
      %add3A_333 = arith.constant 8 : i32
      %add3A_334 = arith.addi %add3A_325, %add3A_333 : i32
      %lt3A_335 = arith.constant 78 : i32
      %lt3A_336 = arith.cmpi slt, %add3A_334, %lt3A_335 : i32
      %convert_element_type3A_337 = arith.extui %lt3A_336 : i1 to i32
      %cond3A_338 = arith.constant 0 : i32
      %cond3A_339 = arith.cmpi ne, %convert_element_type3A_337, %cond3A_338 : i32
      scf.if %cond3A_339 {
        %add3A_472 = arith.constant 8 : i32
        %add3A_473 = arith.addi %add3A_325, %add3A_472 : i32
        %mul3A_474 = arith.constant 128 : i32
        %mul3A_475 = arith.muli %add3A_473, %mul3A_474 : i32
        %dma_start3A_476 = tpu.memref_slice %arg6[%mul3A_475] : memref<10000xi32, #tpu.memory_space<vmem>> -> memref<128xi32, #tpu.memory_space<vmem>>
        %dma_start3A_477 = arith.constant 0 : i32
        %dma_start3A_478 = arith.constant 0 : i32
        %dma_start3A_479 = tpu.memref_slice %arg2[%dma_start3A_477, %dma_start3A_478] : memref<10000x16xf32, #tpu.memory_space<hbm>> -> memref<10000x16xf32, #tpu.memory_space<hbm>>
        tpu.enqueue_indirect_dma source(%dma_start3A_479 : memref<10000x16xf32, #tpu.memory_space<hbm>>) target(%arg11 : memref<128x16xf32, #tpu.memory_space<vmem>>) offsets(%dma_start3A_476 : memref<128xi32, #tpu.memory_space<vmem>>) semaphore(%arg26 : memref<!tpu.dma_semaphore, #tpu.memory_space<semaphore_mem>>)
      } else {
      }
      %mul3A_340 = arith.constant 128 : i32
      %mul3A_341 = arith.muli %add3A_325, %mul3A_340 : i32
      %dma_wait3A_342 = tpu.memref_slice %arg6[%mul3A_341] : memref<10000xi32, #tpu.memory_space<vmem>> -> memref<128xi32, #tpu.memory_space<vmem>>
      %dma_wait3A_343 = arith.constant 0 : i32
      %dma_wait3A_344 = arith.constant 0 : i32
      %dma_wait3A_345 = tpu.memref_slice %arg2[%dma_wait3A_343, %dma_wait3A_344] : memref<10000x16xf32, #tpu.memory_space<hbm>> -> memref<10000x16xf32, #tpu.memory_space<hbm>>
      tpu.wait_indirect_dma semaphore(%arg31 : memref<!tpu.dma_semaphore, #tpu.memory_space<semaphore_mem>>) src(%dma_wait3A_345 : memref<10000x16xf32, #tpu.memory_space<hbm>>) dst(%arg16 : memref<128x16xf32, #tpu.memory_space<vmem>>)
      %mul3A_346 = arith.constant 128 : i32
      %mul3A_347 = arith.muli %add3A_325, %mul3A_346 : i32
      %dma_start3A_348 = tpu.memref_slice %arg7[%mul3A_347] : memref<10000xi32, #tpu.memory_space<vmem>> -> memref<128xi32, #tpu.memory_space<vmem>>
      %dma_start3A_349 = arith.constant 0 : i32
      %dma_start3A_350 = arith.constant 0 : i32
      %dma_start3A_351 = tpu.memref_slice %arg22[%dma_start3A_349, %dma_start3A_350] : memref<10112x16xf32, #tpu.memory_space<vmem_shared>> -> memref<10112x16xf32, #tpu.memory_space<vmem_shared>>
      tpu.enqueue_indirect_dma source(%arg16 : memref<128x16xf32, #tpu.memory_space<vmem>>) target(%dma_start3A_351 : memref<10112x16xf32, #tpu.memory_space<vmem_shared>>) offsets(%dma_start3A_348 : memref<128xi32, #tpu.memory_space<vmem>>) semaphore(%arg44 : memref<!tpu.dma_semaphore, #tpu.memory_space<semaphore_mem>>) {add = true}
      %mul3A_352 = arith.constant 13 : i32
      %mul3A_353 = arith.muli %scan3A_85, %mul3A_352 : i32
      %add3A_354 = arith.constant 9 : i32
      %add3A_355 = arith.addi %mul3A_353, %add3A_354 : i32
      %add3A_356 = arith.constant 8 : i32
      %add3A_357 = arith.addi %add3A_355, %add3A_356 : i32
      %ge3A_358 = arith.constant 13 : i32
      %ge3A_359 = arith.cmpi sge, %add3A_357, %ge3A_358 : i32
      %convert_element_type3A_360 = arith.extui %ge3A_359 : i1 to i32
      %cond3A_361 = arith.constant 0 : i32
      %cond3A_362 = arith.cmpi ne, %convert_element_type3A_360, %cond3A_361 : i32
      scf.if %cond3A_362 {
        %add3A_472 = arith.constant 8 : i32
        %add3A_473 = arith.addi %add3A_355, %add3A_472 : i32
        %sub3A = arith.constant 13 : i32
        %sub3A_474 = arith.subi %add3A_473, %sub3A : i32
        %mul3A_475 = arith.constant 128 : i32
        %mul3A_476 = arith.muli %sub3A_474, %mul3A_475 : i32
        %dma_wait3A_477 = tpu.memref_slice %arg7[%mul3A_476] : memref<10000xi32, #tpu.memory_space<vmem>> -> memref<128xi32, #tpu.memory_space<vmem>>
        %dma_wait3A_478 = arith.constant 0 : i32
        %dma_wait3A_479 = arith.constant 0 : i32
        %dma_wait3A_480 = tpu.memref_slice %arg22[%dma_wait3A_478, %dma_wait3A_479] : memref<10112x16xf32, #tpu.memory_space<vmem_shared>> -> memref<10112x16xf32, #tpu.memory_space<vmem_shared>>
        tpu.wait_indirect_dma semaphore(%arg40 : memref<!tpu.dma_semaphore, #tpu.memory_space<semaphore_mem>>) src(%arg12 : memref<128x16xf32, #tpu.memory_space<vmem>>) dst(%dma_wait3A_480 : memref<10112x16xf32, #tpu.memory_space<vmem_shared>>)
      } else {
      }
      %add3A_363 = arith.constant 8 : i32
      %add3A_364 = arith.addi %add3A_355, %add3A_363 : i32
      %lt3A_365 = arith.constant 78 : i32
      %lt3A_366 = arith.cmpi slt, %add3A_364, %lt3A_365 : i32
      %convert_element_type3A_367 = arith.extui %lt3A_366 : i1 to i32
      %cond3A_368 = arith.constant 0 : i32
      %cond3A_369 = arith.cmpi ne, %convert_element_type3A_367, %cond3A_368 : i32
      scf.if %cond3A_369 {
        %add3A_472 = arith.constant 8 : i32
        %add3A_473 = arith.addi %add3A_355, %add3A_472 : i32
        %mul3A_474 = arith.constant 128 : i32
        %mul3A_475 = arith.muli %add3A_473, %mul3A_474 : i32
        %dma_start3A_476 = tpu.memref_slice %arg6[%mul3A_475] : memref<10000xi32, #tpu.memory_space<vmem>> -> memref<128xi32, #tpu.memory_space<vmem>>
        %dma_start3A_477 = arith.constant 0 : i32
        %dma_start3A_478 = arith.constant 0 : i32
        %dma_start3A_479 = tpu.memref_slice %arg2[%dma_start3A_477, %dma_start3A_478] : memref<10000x16xf32, #tpu.memory_space<hbm>> -> memref<10000x16xf32, #tpu.memory_space<hbm>>
        tpu.enqueue_indirect_dma source(%dma_start3A_479 : memref<10000x16xf32, #tpu.memory_space<hbm>>) target(%arg12 : memref<128x16xf32, #tpu.memory_space<vmem>>) offsets(%dma_start3A_476 : memref<128xi32, #tpu.memory_space<vmem>>) semaphore(%arg27 : memref<!tpu.dma_semaphore, #tpu.memory_space<semaphore_mem>>)
      } else {
      }
      %mul3A_370 = arith.constant 128 : i32
      %mul3A_371 = arith.muli %add3A_355, %mul3A_370 : i32
      %dma_wait3A_372 = tpu.memref_slice %arg6[%mul3A_371] : memref<10000xi32, #tpu.memory_space<vmem>> -> memref<128xi32, #tpu.memory_space<vmem>>
      %dma_wait3A_373 = arith.constant 0 : i32
      %dma_wait3A_374 = arith.constant 0 : i32
      %dma_wait3A_375 = tpu.memref_slice %arg2[%dma_wait3A_373, %dma_wait3A_374] : memref<10000x16xf32, #tpu.memory_space<hbm>> -> memref<10000x16xf32, #tpu.memory_space<hbm>>
      tpu.wait_indirect_dma semaphore(%arg32 : memref<!tpu.dma_semaphore, #tpu.memory_space<semaphore_mem>>) src(%dma_wait3A_375 : memref<10000x16xf32, #tpu.memory_space<hbm>>) dst(%arg17 : memref<128x16xf32, #tpu.memory_space<vmem>>)
      %mul3A_376 = arith.constant 128 : i32
      %mul3A_377 = arith.muli %add3A_355, %mul3A_376 : i32
      %dma_start3A_378 = tpu.memref_slice %arg7[%mul3A_377] : memref<10000xi32, #tpu.memory_space<vmem>> -> memref<128xi32, #tpu.memory_space<vmem>>
      %dma_start3A_379 = arith.constant 0 : i32
      %dma_start3A_380 = arith.constant 0 : i32
      %dma_start3A_381 = tpu.memref_slice %arg22[%dma_start3A_379, %dma_start3A_380] : memref<10112x16xf32, #tpu.memory_space<vmem_shared>> -> memref<10112x16xf32, #tpu.memory_space<vmem_shared>>
      tpu.enqueue_indirect_dma source(%arg17 : memref<128x16xf32, #tpu.memory_space<vmem>>) target(%dma_start3A_381 : memref<10112x16xf32, #tpu.memory_space<vmem_shared>>) offsets(%dma_start3A_378 : memref<128xi32, #tpu.memory_space<vmem>>) semaphore(%arg45 : memref<!tpu.dma_semaphore, #tpu.memory_space<semaphore_mem>>) {add = true}
      %mul3A_382 = arith.constant 13 : i32
      %mul3A_383 = arith.muli %scan3A_85, %mul3A_382 : i32
      %add3A_384 = arith.constant 10 : i32
      %add3A_385 = arith.addi %mul3A_383, %add3A_384 : i32
      %add3A_386 = arith.constant 8 : i32
      %add3A_387 = arith.addi %add3A_385, %add3A_386 : i32
      %ge3A_388 = arith.constant 13 : i32
      %ge3A_389 = arith.cmpi sge, %add3A_387, %ge3A_388 : i32
      %convert_element_type3A_390 = arith.extui %ge3A_389 : i1 to i32
      %cond3A_391 = arith.constant 0 : i32
      %cond3A_392 = arith.cmpi ne, %convert_element_type3A_390, %cond3A_391 : i32
      scf.if %cond3A_392 {
        %add3A_472 = arith.constant 8 : i32
        %add3A_473 = arith.addi %add3A_385, %add3A_472 : i32
        %sub3A = arith.constant 13 : i32
        %sub3A_474 = arith.subi %add3A_473, %sub3A : i32
        %mul3A_475 = arith.constant 128 : i32
        %mul3A_476 = arith.muli %sub3A_474, %mul3A_475 : i32
        %dma_wait3A_477 = tpu.memref_slice %arg7[%mul3A_476] : memref<10000xi32, #tpu.memory_space<vmem>> -> memref<128xi32, #tpu.memory_space<vmem>>
        %dma_wait3A_478 = arith.constant 0 : i32
        %dma_wait3A_479 = arith.constant 0 : i32
        %dma_wait3A_480 = tpu.memref_slice %arg22[%dma_wait3A_478, %dma_wait3A_479] : memref<10112x16xf32, #tpu.memory_space<vmem_shared>> -> memref<10112x16xf32, #tpu.memory_space<vmem_shared>>
        tpu.wait_indirect_dma semaphore(%arg41 : memref<!tpu.dma_semaphore, #tpu.memory_space<semaphore_mem>>) src(%arg13 : memref<128x16xf32, #tpu.memory_space<vmem>>) dst(%dma_wait3A_480 : memref<10112x16xf32, #tpu.memory_space<vmem_shared>>)
      } else {
      }
      %add3A_393 = arith.constant 8 : i32
      %add3A_394 = arith.addi %add3A_385, %add3A_393 : i32
      %lt3A_395 = arith.constant 78 : i32
      %lt3A_396 = arith.cmpi slt, %add3A_394, %lt3A_395 : i32
      %convert_element_type3A_397 = arith.extui %lt3A_396 : i1 to i32
      %cond3A_398 = arith.constant 0 : i32
      %cond3A_399 = arith.cmpi ne, %convert_element_type3A_397, %cond3A_398 : i32
      scf.if %cond3A_399 {
        %add3A_472 = arith.constant 8 : i32
        %add3A_473 = arith.addi %add3A_385, %add3A_472 : i32
        %mul3A_474 = arith.constant 128 : i32
        %mul3A_475 = arith.muli %add3A_473, %mul3A_474 : i32
        %dma_start3A_476 = tpu.memref_slice %arg6[%mul3A_475] : memref<10000xi32, #tpu.memory_space<vmem>> -> memref<128xi32, #tpu.memory_space<vmem>>
        %dma_start3A_477 = arith.constant 0 : i32
        %dma_start3A_478 = arith.constant 0 : i32
        %dma_start3A_479 = tpu.memref_slice %arg2[%dma_start3A_477, %dma_start3A_478] : memref<10000x16xf32, #tpu.memory_space<hbm>> -> memref<10000x16xf32, #tpu.memory_space<hbm>>
        tpu.enqueue_indirect_dma source(%dma_start3A_479 : memref<10000x16xf32, #tpu.memory_space<hbm>>) target(%arg13 : memref<128x16xf32, #tpu.memory_space<vmem>>) offsets(%dma_start3A_476 : memref<128xi32, #tpu.memory_space<vmem>>) semaphore(%arg28 : memref<!tpu.dma_semaphore, #tpu.memory_space<semaphore_mem>>)
      } else {
      }
      %mul3A_400 = arith.constant 128 : i32
      %mul3A_401 = arith.muli %add3A_385, %mul3A_400 : i32
      %dma_wait3A_402 = tpu.memref_slice %arg6[%mul3A_401] : memref<10000xi32, #tpu.memory_space<vmem>> -> memref<128xi32, #tpu.memory_space<vmem>>
      %dma_wait3A_403 = arith.constant 0 : i32
      %dma_wait3A_404 = arith.constant 0 : i32
      %dma_wait3A_405 = tpu.memref_slice %arg2[%dma_wait3A_403, %dma_wait3A_404] : memref<10000x16xf32, #tpu.memory_space<hbm>> -> memref<10000x16xf32, #tpu.memory_space<hbm>>
      tpu.wait_indirect_dma semaphore(%arg33 : memref<!tpu.dma_semaphore, #tpu.memory_space<semaphore_mem>>) src(%dma_wait3A_405 : memref<10000x16xf32, #tpu.memory_space<hbm>>) dst(%arg18 : memref<128x16xf32, #tpu.memory_space<vmem>>)
      %mul3A_406 = arith.constant 128 : i32
      %mul3A_407 = arith.muli %add3A_385, %mul3A_406 : i32
      %dma_start3A_408 = tpu.memref_slice %arg7[%mul3A_407] : memref<10000xi32, #tpu.memory_space<vmem>> -> memref<128xi32, #tpu.memory_space<vmem>>
      %dma_start3A_409 = arith.constant 0 : i32
      %dma_start3A_410 = arith.constant 0 : i32
      %dma_start3A_411 = tpu.memref_slice %arg22[%dma_start3A_409, %dma_start3A_410] : memref<10112x16xf32, #tpu.memory_space<vmem_shared>> -> memref<10112x16xf32, #tpu.memory_space<vmem_shared>>
      tpu.enqueue_indirect_dma source(%arg18 : memref<128x16xf32, #tpu.memory_space<vmem>>) target(%dma_start3A_411 : memref<10112x16xf32, #tpu.memory_space<vmem_shared>>) offsets(%dma_start3A_408 : memref<128xi32, #tpu.memory_space<vmem>>) semaphore(%arg46 : memref<!tpu.dma_semaphore, #tpu.memory_space<semaphore_mem>>) {add = true}
      %mul3A_412 = arith.constant 13 : i32
      %mul3A_413 = arith.muli %scan3A_85, %mul3A_412 : i32
      %add3A_414 = arith.constant 11 : i32
      %add3A_415 = arith.addi %mul3A_413, %add3A_414 : i32
      %add3A_416 = arith.constant 8 : i32
      %add3A_417 = arith.addi %add3A_415, %add3A_416 : i32
      %ge3A_418 = arith.constant 13 : i32
      %ge3A_419 = arith.cmpi sge, %add3A_417, %ge3A_418 : i32
      %convert_element_type3A_420 = arith.extui %ge3A_419 : i1 to i32
      %cond3A_421 = arith.constant 0 : i32
      %cond3A_422 = arith.cmpi ne, %convert_element_type3A_420, %cond3A_421 : i32
      scf.if %cond3A_422 {
        %add3A_472 = arith.constant 8 : i32
        %add3A_473 = arith.addi %add3A_415, %add3A_472 : i32
        %sub3A = arith.constant 13 : i32
        %sub3A_474 = arith.subi %add3A_473, %sub3A : i32
        %mul3A_475 = arith.constant 128 : i32
        %mul3A_476 = arith.muli %sub3A_474, %mul3A_475 : i32
        %dma_wait3A_477 = tpu.memref_slice %arg7[%mul3A_476] : memref<10000xi32, #tpu.memory_space<vmem>> -> memref<128xi32, #tpu.memory_space<vmem>>
        %dma_wait3A_478 = arith.constant 0 : i32
        %dma_wait3A_479 = arith.constant 0 : i32
        %dma_wait3A_480 = tpu.memref_slice %arg22[%dma_wait3A_478, %dma_wait3A_479] : memref<10112x16xf32, #tpu.memory_space<vmem_shared>> -> memref<10112x16xf32, #tpu.memory_space<vmem_shared>>
        tpu.wait_indirect_dma semaphore(%arg42 : memref<!tpu.dma_semaphore, #tpu.memory_space<semaphore_mem>>) src(%arg14 : memref<128x16xf32, #tpu.memory_space<vmem>>) dst(%dma_wait3A_480 : memref<10112x16xf32, #tpu.memory_space<vmem_shared>>)
      } else {
      }
      %add3A_423 = arith.constant 8 : i32
      %add3A_424 = arith.addi %add3A_415, %add3A_423 : i32
      %lt3A_425 = arith.constant 78 : i32
      %lt3A_426 = arith.cmpi slt, %add3A_424, %lt3A_425 : i32
      %convert_element_type3A_427 = arith.extui %lt3A_426 : i1 to i32
      %cond3A_428 = arith.constant 0 : i32
      %cond3A_429 = arith.cmpi ne, %convert_element_type3A_427, %cond3A_428 : i32
      scf.if %cond3A_429 {
        %add3A_472 = arith.constant 8 : i32
        %add3A_473 = arith.addi %add3A_415, %add3A_472 : i32
        %mul3A_474 = arith.constant 128 : i32
        %mul3A_475 = arith.muli %add3A_473, %mul3A_474 : i32
        %dma_start3A_476 = tpu.memref_slice %arg6[%mul3A_475] : memref<10000xi32, #tpu.memory_space<vmem>> -> memref<128xi32, #tpu.memory_space<vmem>>
        %dma_start3A_477 = arith.constant 0 : i32
        %dma_start3A_478 = arith.constant 0 : i32
        %dma_start3A_479 = tpu.memref_slice %arg2[%dma_start3A_477, %dma_start3A_478] : memref<10000x16xf32, #tpu.memory_space<hbm>> -> memref<10000x16xf32, #tpu.memory_space<hbm>>
        tpu.enqueue_indirect_dma source(%dma_start3A_479 : memref<10000x16xf32, #tpu.memory_space<hbm>>) target(%arg14 : memref<128x16xf32, #tpu.memory_space<vmem>>) offsets(%dma_start3A_476 : memref<128xi32, #tpu.memory_space<vmem>>) semaphore(%arg29 : memref<!tpu.dma_semaphore, #tpu.memory_space<semaphore_mem>>)
      } else {
      }
      %mul3A_430 = arith.constant 128 : i32
      %mul3A_431 = arith.muli %add3A_415, %mul3A_430 : i32
      %dma_wait3A_432 = tpu.memref_slice %arg6[%mul3A_431] : memref<10000xi32, #tpu.memory_space<vmem>> -> memref<128xi32, #tpu.memory_space<vmem>>
      %dma_wait3A_433 = arith.constant 0 : i32
      %dma_wait3A_434 = arith.constant 0 : i32
      %dma_wait3A_435 = tpu.memref_slice %arg2[%dma_wait3A_433, %dma_wait3A_434] : memref<10000x16xf32, #tpu.memory_space<hbm>> -> memref<10000x16xf32, #tpu.memory_space<hbm>>
      tpu.wait_indirect_dma semaphore(%arg34 : memref<!tpu.dma_semaphore, #tpu.memory_space<semaphore_mem>>) src(%dma_wait3A_435 : memref<10000x16xf32, #tpu.memory_space<hbm>>) dst(%arg19 : memref<128x16xf32, #tpu.memory_space<vmem>>)
      %mul3A_436 = arith.constant 128 : i32
      %mul3A_437 = arith.muli %add3A_415, %mul3A_436 : i32
      %dma_start3A_438 = tpu.memref_slice %arg7[%mul3A_437] : memref<10000xi32, #tpu.memory_space<vmem>> -> memref<128xi32, #tpu.memory_space<vmem>>
      %dma_start3A_439 = arith.constant 0 : i32
      %dma_start3A_440 = arith.constant 0 : i32
      %dma_start3A_441 = tpu.memref_slice %arg22[%dma_start3A_439, %dma_start3A_440] : memref<10112x16xf32, #tpu.memory_space<vmem_shared>> -> memref<10112x16xf32, #tpu.memory_space<vmem_shared>>
      tpu.enqueue_indirect_dma source(%arg19 : memref<128x16xf32, #tpu.memory_space<vmem>>) target(%dma_start3A_441 : memref<10112x16xf32, #tpu.memory_space<vmem_shared>>) offsets(%dma_start3A_438 : memref<128xi32, #tpu.memory_space<vmem>>) semaphore(%arg47 : memref<!tpu.dma_semaphore, #tpu.memory_space<semaphore_mem>>) {add = true}
      %mul3A_442 = arith.constant 13 : i32
      %mul3A_443 = arith.muli %scan3A_85, %mul3A_442 : i32
      %add3A_444 = arith.constant 12 : i32
      %add3A_445 = arith.addi %mul3A_443, %add3A_444 : i32
      %add3A_446 = arith.constant 8 : i32
      %add3A_447 = arith.addi %add3A_445, %add3A_446 : i32
      %ge3A_448 = arith.constant 13 : i32
      %ge3A_449 = arith.cmpi sge, %add3A_447, %ge3A_448 : i32
      %convert_element_type3A_450 = arith.extui %ge3A_449 : i1 to i32
      %cond3A_451 = arith.constant 0 : i32
      %cond3A_452 = arith.cmpi ne, %convert_element_type3A_450, %cond3A_451 : i32
      scf.if %cond3A_452 {
        %add3A_472 = arith.constant 8 : i32
        %add3A_473 = arith.addi %add3A_445, %add3A_472 : i32
        %sub3A = arith.constant 13 : i32
        %sub3A_474 = arith.subi %add3A_473, %sub3A : i32
        %mul3A_475 = arith.constant 128 : i32
        %mul3A_476 = arith.muli %sub3A_474, %mul3A_475 : i32
        %dma_wait3A_477 = tpu.memref_slice %arg7[%mul3A_476] : memref<10000xi32, #tpu.memory_space<vmem>> -> memref<128xi32, #tpu.memory_space<vmem>>
        %dma_wait3A_478 = arith.constant 0 : i32
        %dma_wait3A_479 = arith.constant 0 : i32
        %dma_wait3A_480 = tpu.memref_slice %arg22[%dma_wait3A_478, %dma_wait3A_479] : memref<10112x16xf32, #tpu.memory_space<vmem_shared>> -> memref<10112x16xf32, #tpu.memory_space<vmem_shared>>
        tpu.wait_indirect_dma semaphore(%arg43 : memref<!tpu.dma_semaphore, #tpu.memory_space<semaphore_mem>>) src(%arg15 : memref<128x16xf32, #tpu.memory_space<vmem>>) dst(%dma_wait3A_480 : memref<10112x16xf32, #tpu.memory_space<vmem_shared>>)
      } else {
      }
      %add3A_453 = arith.constant 8 : i32
      %add3A_454 = arith.addi %add3A_445, %add3A_453 : i32
      %lt3A_455 = arith.constant 78 : i32
      %lt3A_456 = arith.cmpi slt, %add3A_454, %lt3A_455 : i32
      %convert_element_type3A_457 = arith.extui %lt3A_456 : i1 to i32
      %cond3A_458 = arith.constant 0 : i32
      %cond3A_459 = arith.cmpi ne, %convert_element_type3A_457, %cond3A_458 : i32
      scf.if %cond3A_459 {
        %add3A_472 = arith.constant 8 : i32
        %add3A_473 = arith.addi %add3A_445, %add3A_472 : i32
        %mul3A_474 = arith.constant 128 : i32
        %mul3A_475 = arith.muli %add3A_473, %mul3A_474 : i32
        %dma_start3A_476 = tpu.memref_slice %arg6[%mul3A_475] : memref<10000xi32, #tpu.memory_space<vmem>> -> memref<128xi32, #tpu.memory_space<vmem>>
        %dma_start3A_477 = arith.constant 0 : i32
        %dma_start3A_478 = arith.constant 0 : i32
        %dma_start3A_479 = tpu.memref_slice %arg2[%dma_start3A_477, %dma_start3A_478] : memref<10000x16xf32, #tpu.memory_space<hbm>> -> memref<10000x16xf32, #tpu.memory_space<hbm>>
        tpu.enqueue_indirect_dma source(%dma_start3A_479 : memref<10000x16xf32, #tpu.memory_space<hbm>>) target(%arg15 : memref<128x16xf32, #tpu.memory_space<vmem>>) offsets(%dma_start3A_476 : memref<128xi32, #tpu.memory_space<vmem>>) semaphore(%arg30 : memref<!tpu.dma_semaphore, #tpu.memory_space<semaphore_mem>>)
      } else {
      }
      %mul3A_460 = arith.constant 128 : i32
      %mul3A_461 = arith.muli %add3A_445, %mul3A_460 : i32
      %dma_wait3A_462 = tpu.memref_slice %arg6[%mul3A_461] : memref<10000xi32, #tpu.memory_space<vmem>> -> memref<128xi32, #tpu.memory_space<vmem>>
      %dma_wait3A_463 = arith.constant 0 : i32
      %dma_wait3A_464 = arith.constant 0 : i32
      %dma_wait3A_465 = tpu.memref_slice %arg2[%dma_wait3A_463, %dma_wait3A_464] : memref<10000x16xf32, #tpu.memory_space<hbm>> -> memref<10000x16xf32, #tpu.memory_space<hbm>>
      tpu.wait_indirect_dma semaphore(%arg35 : memref<!tpu.dma_semaphore, #tpu.memory_space<semaphore_mem>>) src(%dma_wait3A_465 : memref<10000x16xf32, #tpu.memory_space<hbm>>) dst(%arg20 : memref<128x16xf32, #tpu.memory_space<vmem>>)
      %mul3A_466 = arith.constant 128 : i32
      %mul3A_467 = arith.muli %add3A_445, %mul3A_466 : i32
      %dma_start3A_468 = tpu.memref_slice %arg7[%mul3A_467] : memref<10000xi32, #tpu.memory_space<vmem>> -> memref<128xi32, #tpu.memory_space<vmem>>
      %dma_start3A_469 = arith.constant 0 : i32
      %dma_start3A_470 = arith.constant 0 : i32
      %dma_start3A_471 = tpu.memref_slice %arg22[%dma_start3A_469, %dma_start3A_470] : memref<10112x16xf32, #tpu.memory_space<vmem_shared>> -> memref<10112x16xf32, #tpu.memory_space<vmem_shared>>
      tpu.enqueue_indirect_dma source(%arg20 : memref<128x16xf32, #tpu.memory_space<vmem>>) target(%dma_start3A_471 : memref<10112x16xf32, #tpu.memory_space<vmem_shared>>) offsets(%dma_start3A_468 : memref<128xi32, #tpu.memory_space<vmem>>) semaphore(%arg48 : memref<!tpu.dma_semaphore, #tpu.memory_space<semaphore_mem>>) {add = true}
    }
    %scan3A_49 = arith.constant 6 : i32
    %dma_start3A_50 = arith.constant 9984 : i32
    %dma_start3A_51 = tpu.memref_slice %arg6[%dma_start3A_50] : memref<10000xi32, #tpu.memory_space<vmem>> -> memref<16xi32, #tpu.memory_space<vmem>>
    %dma_start3A_52 = arith.constant 0 : i32
    %dma_start3A_53 = arith.constant 0 : i32
    %dma_start3A_54 = tpu.memref_slice %arg2[%dma_start3A_52, %dma_start3A_53] : memref<10000x16xf32, #tpu.memory_space<hbm>> -> memref<10000x16xf32, #tpu.memory_space<hbm>>
    tpu.enqueue_indirect_dma source(%dma_start3A_54 : memref<10000x16xf32, #tpu.memory_space<hbm>>) target(%arg21 : memref<16x16xf32, #tpu.memory_space<vmem>>) offsets(%dma_start3A_51 : memref<16xi32, #tpu.memory_space<vmem>>) semaphore(%arg30 : memref<!tpu.dma_semaphore, #tpu.memory_space<semaphore_mem>>)
    %dma_wait3A = arith.constant 9344 : i32
    %dma_wait3A_55 = tpu.memref_slice %arg7[%dma_wait3A] : memref<10000xi32, #tpu.memory_space<vmem>> -> memref<128xi32, #tpu.memory_space<vmem>>
    %dma_wait3A_56 = arith.constant 0 : i32
    %dma_wait3A_57 = arith.constant 0 : i32
    %dma_wait3A_58 = tpu.memref_slice %arg22[%dma_wait3A_56, %dma_wait3A_57] : memref<10112x16xf32, #tpu.memory_space<vmem_shared>> -> memref<10112x16xf32, #tpu.memory_space<vmem_shared>>
    tpu.wait_indirect_dma semaphore(%arg44 : memref<!tpu.dma_semaphore, #tpu.memory_space<semaphore_mem>>) src(%arg16 : memref<128x16xf32, #tpu.memory_space<vmem>>) dst(%dma_wait3A_58 : memref<10112x16xf32, #tpu.memory_space<vmem_shared>>)
    %dma_wait3A_59 = arith.constant 9472 : i32
    %dma_wait3A_60 = tpu.memref_slice %arg7[%dma_wait3A_59] : memref<10000xi32, #tpu.memory_space<vmem>> -> memref<128xi32, #tpu.memory_space<vmem>>
    %dma_wait3A_61 = arith.constant 0 : i32
    %dma_wait3A_62 = arith.constant 0 : i32
    %dma_wait3A_63 = tpu.memref_slice %arg22[%dma_wait3A_61, %dma_wait3A_62] : memref<10112x16xf32, #tpu.memory_space<vmem_shared>> -> memref<10112x16xf32, #tpu.memory_space<vmem_shared>>
    tpu.wait_indirect_dma semaphore(%arg45 : memref<!tpu.dma_semaphore, #tpu.memory_space<semaphore_mem>>) src(%arg17 : memref<128x16xf32, #tpu.memory_space<vmem>>) dst(%dma_wait3A_63 : memref<10112x16xf32, #tpu.memory_space<vmem_shared>>)
    %dma_wait3A_64 = arith.constant 9600 : i32
    %dma_wait3A_65 = tpu.memref_slice %arg7[%dma_wait3A_64] : memref<10000xi32, #tpu.memory_space<vmem>> -> memref<128xi32, #tpu.memory_space<vmem>>
    %dma_wait3A_66 = arith.constant 0 : i32
    %dma_wait3A_67 = arith.constant 0 : i32
    %dma_wait3A_68 = tpu.memref_slice %arg22[%dma_wait3A_66, %dma_wait3A_67] : memref<10112x16xf32, #tpu.memory_space<vmem_shared>> -> memref<10112x16xf32, #tpu.memory_space<vmem_shared>>
    tpu.wait_indirect_dma semaphore(%arg46 : memref<!tpu.dma_semaphore, #tpu.memory_space<semaphore_mem>>) src(%arg18 : memref<128x16xf32, #tpu.memory_space<vmem>>) dst(%dma_wait3A_68 : memref<10112x16xf32, #tpu.memory_space<vmem_shared>>)
    %dma_wait3A_69 = arith.constant 9728 : i32
    %dma_wait3A_70 = tpu.memref_slice %arg7[%dma_wait3A_69] : memref<10000xi32, #tpu.memory_space<vmem>> -> memref<128xi32, #tpu.memory_space<vmem>>
    %dma_wait3A_71 = arith.constant 0 : i32
    %dma_wait3A_72 = arith.constant 0 : i32
    %dma_wait3A_73 = tpu.memref_slice %arg22[%dma_wait3A_71, %dma_wait3A_72] : memref<10112x16xf32, #tpu.memory_space<vmem_shared>> -> memref<10112x16xf32, #tpu.memory_space<vmem_shared>>
    tpu.wait_indirect_dma semaphore(%arg47 : memref<!tpu.dma_semaphore, #tpu.memory_space<semaphore_mem>>) src(%arg19 : memref<128x16xf32, #tpu.memory_space<vmem>>) dst(%dma_wait3A_73 : memref<10112x16xf32, #tpu.memory_space<vmem_shared>>)
    %dma_wait3A_74 = arith.constant 9856 : i32
    %dma_wait3A_75 = tpu.memref_slice %arg7[%dma_wait3A_74] : memref<10000xi32, #tpu.memory_space<vmem>> -> memref<128xi32, #tpu.memory_space<vmem>>
    %dma_wait3A_76 = arith.constant 0 : i32
    %dma_wait3A_77 = arith.constant 0 : i32
    %dma_wait3A_78 = tpu.memref_slice %arg22[%dma_wait3A_76, %dma_wait3A_77] : memref<10112x16xf32, #tpu.memory_space<vmem_shared>> -> memref<10112x16xf32, #tpu.memory_space<vmem_shared>>
    tpu.wait_indirect_dma semaphore(%arg48 : memref<!tpu.dma_semaphore, #tpu.memory_space<semaphore_mem>>) src(%arg20 : memref<128x16xf32, #tpu.memory_space<vmem>>) dst(%dma_wait3A_78 : memref<10112x16xf32, #tpu.memory_space<vmem_shared>>)
    %dma_wait3A_79 = arith.constant 9984 : i32
    %dma_wait3A_80 = tpu.memref_slice %arg6[%dma_wait3A_79] : memref<10000xi32, #tpu.memory_space<vmem>> -> memref<16xi32, #tpu.memory_space<vmem>>
    %dma_wait3A_81 = arith.constant 0 : i32
    %dma_wait3A_82 = arith.constant 0 : i32
    %dma_wait3A_83 = tpu.memref_slice %arg2[%dma_wait3A_81, %dma_wait3A_82] : memref<10000x16xf32, #tpu.memory_space<hbm>> -> memref<10000x16xf32, #tpu.memory_space<hbm>>
    tpu.wait_indirect_dma semaphore(%arg30 : memref<!tpu.dma_semaphore, #tpu.memory_space<semaphore_mem>>) src(%dma_wait3A_83 : memref<10000x16xf32, #tpu.memory_space<hbm>>) dst(%arg21 : memref<16x16xf32, #tpu.memory_space<vmem>>)
    "tpu.region"() ({
      %run_scoped3A_85 = tpu.sem_alloc : memref<!tpu.dma_semaphore, #tpu.memory_space<semaphore_mem>>
      %dma_start3A_86 = arith.constant 9984 : i32
      %dma_start3A_87 = tpu.memref_slice %arg7[%dma_start3A_86] : memref<10000xi32, #tpu.memory_space<vmem>> -> memref<16xi32, #tpu.memory_space<vmem>>
      %dma_start3A_88 = arith.constant 0 : i32
      %dma_start3A_89 = arith.constant 0 : i32
      %dma_start3A_90 = tpu.memref_slice %arg22[%dma_start3A_88, %dma_start3A_89] : memref<10112x16xf32, #tpu.memory_space<vmem_shared>> -> memref<10112x16xf32, #tpu.memory_space<vmem_shared>>
      tpu.enqueue_indirect_dma source(%arg21 : memref<16x16xf32, #tpu.memory_space<vmem>>) target(%dma_start3A_90 : memref<10112x16xf32, #tpu.memory_space<vmem_shared>>) offsets(%dma_start3A_87 : memref<16xi32, #tpu.memory_space<vmem>>) semaphore(%run_scoped3A_85 : memref<!tpu.dma_semaphore, #tpu.memory_space<semaphore_mem>>) {add = true}
      %dma_wait3A_91 = arith.constant 9984 : i32
      %dma_wait3A_92 = tpu.memref_slice %arg7[%dma_wait3A_91] : memref<10000xi32, #tpu.memory_space<vmem>> -> memref<16xi32, #tpu.memory_space<vmem>>
      %dma_wait3A_93 = arith.constant 0 : i32
      %dma_wait3A_94 = arith.constant 0 : i32
      %dma_wait3A_95 = tpu.memref_slice %arg22[%dma_wait3A_93, %dma_wait3A_94] : memref<10112x16xf32, #tpu.memory_space<vmem_shared>> -> memref<10112x16xf32, #tpu.memory_space<vmem_shared>>
      tpu.wait_indirect_dma semaphore(%run_scoped3A_85 : memref<!tpu.dma_semaphore, #tpu.memory_space<semaphore_mem>>) src(%arg21 : memref<16x16xf32, #tpu.memory_space<vmem>>) dst(%dma_wait3A_95 : memref<10112x16xf32, #tpu.memory_space<vmem_shared>>)
      tpu.yield
    }) : () -> ()
    %barrier3A_84 = arith.constant 0 : index
    tpu.barrier barrier_id(%barrier3A_84)
    "tpu.region"() ({
      %run_scoped3A_85 = tpu.sem_alloc : memref<!tpu.dma_semaphore, #tpu.memory_space<semaphore_mem>>
      %dma_start3A_86 = arith.constant 0 : i32
      %dma_start3A_87 = arith.constant 0 : i32
      %dma_start3A_88 = tpu.memref_slice %arg5[%arg0, %dma_start3A_86, %dma_start3A_87] : memref<2x10112x16xf32, #tpu.memory_space<hbm>> -> memref<1x10112x16xf32, #tpu.memory_space<hbm>>
      %dma_start3A_89 = tpu.memref_squeeze %dma_start3A_88 : memref<1x10112x16xf32, #tpu.memory_space<hbm>> -> memref<10112x16xf32, #tpu.memory_space<hbm>>
      %dma_start3A_90 = arith.constant 0 : i32
      %dma_start3A_91 = tpu.memref_slice %dma_start3A_89[%mul3A_2, %dma_start3A_90] : memref<10112x16xf32, #tpu.memory_space<hbm>> -> memref<632x16xf32, #tpu.memory_space<hbm>>
      %dma_start3A_92 = arith.constant 0 : i32
      %dma_start3A_93 = tpu.memref_slice %arg22[%mul3A_2, %dma_start3A_92] : memref<10112x16xf32, #tpu.memory_space<vmem_shared>> -> memref<632x16xf32, #tpu.memory_space<vmem_shared>>
      tpu.enqueue_dma source(%dma_start3A_93 : memref<632x16xf32, #tpu.memory_space<vmem_shared>>) target(%dma_start3A_91 : memref<632x16xf32, #tpu.memory_space<hbm>>) target_semaphore(%run_scoped3A_85 : memref<!tpu.dma_semaphore, #tpu.memory_space<semaphore_mem>>)
      %dma_wait3A_94 = arith.constant 0 : i32
      %dma_wait3A_95 = arith.constant 0 : i32
      %dma_wait3A_96 = tpu.memref_slice %arg5[%arg0, %dma_wait3A_94, %dma_wait3A_95] : memref<2x10112x16xf32, #tpu.memory_space<hbm>> -> memref<1x10112x16xf32, #tpu.memory_space<hbm>>
      %dma_wait3A_97 = tpu.memref_squeeze %dma_wait3A_96 : memref<1x10112x16xf32, #tpu.memory_space<hbm>> -> memref<10112x16xf32, #tpu.memory_space<hbm>>
      %dma_wait3A_98 = arith.constant 0 : i32
      %dma_wait3A_99 = tpu.memref_slice %dma_wait3A_97[%mul3A_2, %dma_wait3A_98] : memref<10112x16xf32, #tpu.memory_space<hbm>> -> memref<632x16xf32, #tpu.memory_space<hbm>>
      %dma_wait3A_100 = arith.constant 0 : i32
      %dma_wait3A_101 = tpu.memref_slice %arg22[%mul3A_2, %dma_wait3A_100] : memref<10112x16xf32, #tpu.memory_space<vmem_shared>> -> memref<632x16xf32, #tpu.memory_space<vmem_shared>>
      tpu.wait_dma2 semaphore(%run_scoped3A_85 : memref<!tpu.dma_semaphore, #tpu.memory_space<semaphore_mem>>) src(%dma_wait3A_101 : memref<632x16xf32, #tpu.memory_space<vmem_shared>>) dst(%dma_wait3A_99 : memref<632x16xf32, #tpu.memory_space<hbm>>)
      tpu.yield
    }) : () -> ()
    return
  }
}

#map = affine_map<(d0, d1) -> (0, 0)>
#map1 = affine_map<(d0, d1) -> (0, 0, 0)>
module attributes {stable_mosaic.version = 14 : i64} {
  func.func @segsum(%arg0: i32, %arg1: i32, %arg2: memref<10000x16xf32, #tpu.memory_space<hbm>>, %arg3: memref<10112x16xf32, #tpu.memory_space<hbm>>, %arg4: memref<2x320000xi32, #tpu.memory_space<hbm>>, %arg5: memref<2x10112x16xf32, #tpu.memory_space<hbm>>, %arg6: memref<10000xi32, #tpu.memory_space<vmem>>, %arg7: memref<10000xi32, #tpu.memory_space<vmem>>, %arg8: memref<128x16xf32, #tpu.memory_space<vmem>>, %arg9: memref<128x16xf32, #tpu.memory_space<vmem>>, %arg10: memref<128x16xf32, #tpu.memory_space<vmem>>, %arg11: memref<128x16xf32, #tpu.memory_space<vmem>>, %arg12: memref<128x16xf32, #tpu.memory_space<vmem>>, %arg13: memref<128x16xf32, #tpu.memory_space<vmem>>, %arg14: memref<128x16xf32, #tpu.memory_space<vmem>>, %arg15: memref<128x16xf32, #tpu.memory_space<vmem>>, %arg16: memref<128x16xf32, #tpu.memory_space<vmem>>, %arg17: memref<128x16xf32, #tpu.memory_space<vmem>>, %arg18: memref<128x16xf32, #tpu.memory_space<vmem>>, %arg19: memref<128x16xf32, #tpu.memory_space<vmem>>, %arg20: memref<128x16xf32, #tpu.memory_space<vmem>>, %arg21: memref<16x16xf32, #tpu.memory_space<vmem>>, %arg22: memref<10112x16xf32, #tpu.memory_space<vmem_shared>>, %arg23: memref<!tpu.dma_semaphore, #tpu.memory_space<semaphore_mem>>, %arg24: memref<!tpu.dma_semaphore, #tpu.memory_space<semaphore_mem>>, %arg25: memref<!tpu.dma_semaphore, #tpu.memory_space<semaphore_mem>>, %arg26: memref<!tpu.dma_semaphore, #tpu.memory_space<semaphore_mem>>, %arg27: memref<!tpu.dma_semaphore, #tpu.memory_space<semaphore_mem>>, %arg28: memref<!tpu.dma_semaphore, #tpu.memory_space<semaphore_mem>>, %arg29: memref<!tpu.dma_semaphore, #tpu.memory_space<semaphore_mem>>, %arg30: memref<!tpu.dma_semaphore, #tpu.memory_space<semaphore_mem>>, %arg31: memref<!tpu.dma_semaphore, #tpu.memory_space<semaphore_mem>>, %arg32: memref<!tpu.dma_semaphore, #tpu.memory_space<semaphore_mem>>, %arg33: memref<!tpu.dma_semaphore, #tpu.memory_space<semaphore_mem>>, %arg34: memref<!tpu.dma_semaphore, #tpu.memory_space<semaphore_mem>>, %arg35: memref<!tpu.dma_semaphore, #tpu.memory_space<semaphore_mem>>, %arg36: memref<!tpu.dma_semaphore, #tpu.memory_space<semaphore_mem>>, %arg37: memref<!tpu.dma_semaphore, #tpu.memory_space<semaphore_mem>>, %arg38: memref<!tpu.dma_semaphore, #tpu.memory_space<semaphore_mem>>, %arg39: memref<!tpu.dma_semaphore, #tpu.memory_space<semaphore_mem>>, %arg40: memref<!tpu.dma_semaphore, #tpu.memory_space<semaphore_mem>>, %arg41: memref<!tpu.dma_semaphore, #tpu.memory_space<semaphore_mem>>, %arg42: memref<!tpu.dma_semaphore, #tpu.memory_space<semaphore_mem>>, %arg43: memref<!tpu.dma_semaphore, #tpu.memory_space<semaphore_mem>>, %arg44: memref<!tpu.dma_semaphore, #tpu.memory_space<semaphore_mem>>, %arg45: memref<!tpu.dma_semaphore, #tpu.memory_space<semaphore_mem>>, %arg46: memref<!tpu.dma_semaphore, #tpu.memory_space<semaphore_mem>>, %arg47: memref<!tpu.dma_semaphore, #tpu.memory_space<semaphore_mem>>, %arg48: memref<!tpu.dma_semaphore, #tpu.memory_space<semaphore_mem>>) attributes {dimension_semantics = [#tpu.dimension_semantics<core_parallel>, #tpu.dimension_semantics<subcore_parallel>], iteration_bounds = array<i64: 2, 16>, scalar_prefetch = 0 : i64, scratch_operands = 43 : i64, tpu.core_type = #tpu.core_type<sc_vector_subcore>, window_params = [{transform_indices = #map}, {transform_indices = #map}, {transform_indices = #map}, {transform_indices = #map1}]} {
    %mul3A = arith.constant 16 : i32
    %mul3A_0 = arith.muli %arg0, %mul3A : i32
    %add3A = arith.addi %mul3A_0, %arg1 : i32
    %mul3A_1 = arith.constant 632 : i32
    %mul3A_2 = arith.muli %arg1, %mul3A_1 : i32
    %mul3A_3 = arith.constant 10000 : i32
    %mul3A_4 = arith.muli %add3A, %mul3A_3 : i32
    "tpu.region"() ({
      %run_scoped3A_85 = tpu.sem_alloc : memref<!tpu.dma_semaphore, #tpu.memory_space<semaphore_mem>>
      %dma_start3A_86 = arith.constant 0 : i32
      %dma_start3A_87 = tpu.memref_slice %arg22[%mul3A_2, %dma_start3A_86] : memref<10112x16xf32, #tpu.memory_space<vmem_shared>> -> memref<632x16xf32, #tpu.memory_space<vmem_shared>>
      %dma_start3A_88 = arith.constant 0 : i32
      %dma_start3A_89 = tpu.memref_slice %arg3[%mul3A_2, %dma_start3A_88] : memref<10112x16xf32, #tpu.memory_space<hbm>> -> memref<632x16xf32, #tpu.memory_space<hbm>>
      tpu.enqueue_dma source(%dma_start3A_89 : memref<632x16xf32, #tpu.memory_space<hbm>>) target(%dma_start3A_87 : memref<632x16xf32, #tpu.memory_space<vmem_shared>>) target_semaphore(%run_scoped3A_85 : memref<!tpu.dma_semaphore, #tpu.memory_space<semaphore_mem>>)
      %dma_wait3A_90 = arith.constant 0 : i32
      %dma_wait3A_91 = tpu.memref_slice %arg22[%mul3A_2, %dma_wait3A_90] : memref<10112x16xf32, #tpu.memory_space<vmem_shared>> -> memref<632x16xf32, #tpu.memory_space<vmem_shared>>
      %dma_wait3A_92 = arith.constant 0 : i32
      %dma_wait3A_93 = tpu.memref_slice %arg3[%mul3A_2, %dma_wait3A_92] : memref<10112x16xf32, #tpu.memory_space<hbm>> -> memref<632x16xf32, #tpu.memory_space<hbm>>
      tpu.wait_dma2 semaphore(%run_scoped3A_85 : memref<!tpu.dma_semaphore, #tpu.memory_space<semaphore_mem>>) src(%dma_wait3A_93 : memref<632x16xf32, #tpu.memory_space<hbm>>) dst(%dma_wait3A_91 : memref<632x16xf32, #tpu.memory_space<vmem_shared>>)
      tpu.yield
    }) : () -> ()
    %run_scoped3A = arith.constant 0 : i32
    "tpu.region"() ({
      %run_scoped3A_85 = tpu.sem_alloc : memref<!tpu.dma_semaphore, #tpu.memory_space<semaphore_mem>>
      %dma_start3A_86 = tpu.memref_slice %arg4[%run_scoped3A, %mul3A_4] : memref<2x320000xi32, #tpu.memory_space<hbm>> -> memref<1x10000xi32, #tpu.memory_space<hbm>>
      %dma_start3A_87 = tpu.memref_squeeze %dma_start3A_86 : memref<1x10000xi32, #tpu.memory_space<hbm>> -> memref<10000xi32, #tpu.memory_space<hbm>>
      %dma_start3A_88 = tpu.memref_slice %arg4[%run_scoped3A, %mul3A_4] : memref<2x320000xi32, #tpu.memory_space<hbm>> -> memref<1x10000xi32, #tpu.memory_space<hbm>>
      %dma_start3A_89 = tpu.memref_squeeze %dma_start3A_88 : memref<1x10000xi32, #tpu.memory_space<hbm>> -> memref<10000xi32, #tpu.memory_space<hbm>>
      tpu.enqueue_dma source(%dma_start3A_89 : memref<10000xi32, #tpu.memory_space<hbm>>) target(%arg6 : memref<10000xi32, #tpu.memory_space<vmem>>) target_semaphore(%run_scoped3A_85 : memref<!tpu.dma_semaphore, #tpu.memory_space<semaphore_mem>>)
      %dma_wait3A_90 = tpu.memref_slice %arg4[%run_scoped3A, %mul3A_4] : memref<2x320000xi32, #tpu.memory_space<hbm>> -> memref<1x10000xi32, #tpu.memory_space<hbm>>
      %dma_wait3A_91 = tpu.memref_squeeze %dma_wait3A_90 : memref<1x10000xi32, #tpu.memory_space<hbm>> -> memref<10000xi32, #tpu.memory_space<hbm>>
      %dma_wait3A_92 = tpu.memref_slice %arg4[%run_scoped3A, %mul3A_4] : memref<2x320000xi32, #tpu.memory_space<hbm>> -> memref<1x10000xi32, #tpu.memory_space<hbm>>
      %dma_wait3A_93 = tpu.memref_squeeze %dma_wait3A_92 : memref<1x10000xi32, #tpu.memory_space<hbm>> -> memref<10000xi32, #tpu.memory_space<hbm>>
      tpu.wait_dma2 semaphore(%run_scoped3A_85 : memref<!tpu.dma_semaphore, #tpu.memory_space<semaphore_mem>>) src(%dma_wait3A_93 : memref<10000xi32, #tpu.memory_space<hbm>>) dst(%arg6 : memref<10000xi32, #tpu.memory_space<vmem>>)
      tpu.yield
    }) : () -> ()
    %run_scoped3A_5 = arith.constant 1 : i32
    "tpu.region"() ({
      %run_scoped3A_85 = tpu.sem_alloc : memref<!tpu.dma_semaphore, #tpu.memory_space<semaphore_mem>>
      %dma_start3A_86 = tpu.memref_slice %arg4[%run_scoped3A_5, %mul3A_4] : memref<2x320000xi32, #tpu.memory_space<hbm>> -> memref<1x10000xi32, #tpu.memory_space<hbm>>
      %dma_start3A_87 = tpu.memref_squeeze %dma_start3A_86 : memref<1x10000xi32, #tpu.memory_space<hbm>> -> memref<10000xi32, #tpu.memory_space<hbm>>
      %dma_start3A_88 = tpu.memref_slice %arg4[%run_scoped3A_5, %mul3A_4] : memref<2x320000xi32, #tpu.memory_space<hbm>> -> memref<1x10000xi32, #tpu.memory_space<hbm>>
      %dma_start3A_89 = tpu.memref_squeeze %dma_start3A_88 : memref<1x10000xi32, #tpu.memory_space<hbm>> -> memref<10000xi32, #tpu.memory_space<hbm>>
      tpu.enqueue_dma source(%dma_start3A_89 : memref<10000xi32, #tpu.memory_space<hbm>>) target(%arg7 : memref<10000xi32, #tpu.memory_space<vmem>>) target_semaphore(%run_scoped3A_85 : memref<!tpu.dma_semaphore, #tpu.memory_space<semaphore_mem>>)
      %dma_wait3A_90 = tpu.memref_slice %arg4[%run_scoped3A_5, %mul3A_4] : memref<2x320000xi32, #tpu.memory_space<hbm>> -> memref<1x10000xi32, #tpu.memory_space<hbm>>
      %dma_wait3A_91 = tpu.memref_squeeze %dma_wait3A_90 : memref<1x10000xi32, #tpu.memory_space<hbm>> -> memref<10000xi32, #tpu.memory_space<hbm>>
      %dma_wait3A_92 = tpu.memref_slice %arg4[%run_scoped3A_5, %mul3A_4] : memref<2x320000xi32, #tpu.memory_space<hbm>> -> memref<1x10000xi32, #tpu.memory_space<hbm>>
      %dma_wait3A_93 = tpu.memref_squeeze %dma_wait3A_92 : memref<1x10000xi32, #tpu.memory_space<hbm>> -> memref<10000xi32, #tpu.memory_space<hbm>>
      tpu.wait_dma2 semaphore(%run_scoped3A_85 : memref<!tpu.dma_semaphore, #tpu.memory_space<semaphore_mem>>) src(%dma_wait3A_93 : memref<10000xi32, #tpu.memory_space<hbm>>) dst(%arg7 : memref<10000xi32, #tpu.memory_space<vmem>>)
      tpu.yield
    }) : () -> ()
    %barrier3A = arith.constant 0 : index
    tpu.barrier barrier_id(%barrier3A)
    %dma_start3A = arith.constant 0 : i32
    %dma_start3A_6 = tpu.memref_slice %arg6[%dma_start3A] : memref<10000xi32, #tpu.memory_space<vmem>> -> memref<128xi32, #tpu.memory_space<vmem>>
    %dma_start3A_7 = arith.constant 0 : i32
    %dma_start3A_8 = arith.constant 0 : i32
    %dma_start3A_9 = tpu.memref_slice %arg2[%dma_start3A_7, %dma_start3A_8] : memref<10000x16xf32, #tpu.memory_space<hbm>> -> memref<10000x16xf32, #tpu.memory_space<hbm>>
    tpu.enqueue_indirect_dma source(%dma_start3A_9 : memref<10000x16xf32, #tpu.memory_space<hbm>>) target(%arg8 : memref<128x16xf32, #tpu.memory_space<vmem>>) offsets(%dma_start3A_6 : memref<128xi32, #tpu.memory_space<vmem>>) semaphore(%arg23 : memref<!tpu.dma_semaphore, #tpu.memory_space<semaphore_mem>>)
    %dma_start3A_10 = arith.constant 128 : i32
    %dma_start3A_11 = tpu.memref_slice %arg6[%dma_start3A_10] : memref<10000xi32, #tpu.memory_space<vmem>> -> memref<128xi32, #tpu.memory_space<vmem>>
    %dma_start3A_12 = arith.constant 0 : i32
    %dma_start3A_13 = arith.constant 0 : i32
    %dma_start3A_14 = tpu.memref_slice %arg2[%dma_start3A_12, %dma_start3A_13] : memref<10000x16xf32, #tpu.memory_space<hbm>> -> memref<10000x16xf32, #tpu.memory_space<hbm>>
    tpu.enqueue_indirect_dma source(%dma_start3A_14 : memref<10000x16xf32, #tpu.memory_space<hbm>>) target(%arg9 : memref<128x16xf32, #tpu.memory_space<vmem>>) offsets(%dma_start3A_11 : memref<128xi32, #tpu.memory_space<vmem>>) semaphore(%arg24 : memref<!tpu.dma_semaphore, #tpu.memory_space<semaphore_mem>>)
    %dma_start3A_15 = arith.constant 256 : i32
    %dma_start3A_16 = tpu.memref_slice %arg6[%dma_start3A_15] : memref<10000xi32, #tpu.memory_space<vmem>> -> memref<128xi32, #tpu.memory_space<vmem>>
    %dma_start3A_17 = arith.constant 0 : i32
    %dma_start3A_18 = arith.constant 0 : i32
    %dma_start3A_19 = tpu.memref_slice %arg2[%dma_start3A_17, %dma_start3A_18] : memref<10000x16xf32, #tpu.memory_space<hbm>> -> memref<10000x16xf32, #tpu.memory_space<hbm>>
    tpu.enqueue_indirect_dma source(%dma_start3A_19 : memref<10000x16xf32, #tpu.memory_space<hbm>>) target(%arg10 : memref<128x16xf32, #tpu.memory_space<vmem>>) offsets(%dma_start3A_16 : memref<128xi32, #tpu.memory_space<vmem>>) semaphore(%arg25 : memref<!tpu.dma_semaphore, #tpu.memory_space<semaphore_mem>>)
    %dma_start3A_20 = arith.constant 384 : i32
    %dma_start3A_21 = tpu.memref_slice %arg6[%dma_start3A_20] : memref<10000xi32, #tpu.memory_space<vmem>> -> memref<128xi32, #tpu.memory_space<vmem>>
    %dma_start3A_22 = arith.constant 0 : i32
    %dma_start3A_23 = arith.constant 0 : i32
    %dma_start3A_24 = tpu.memref_slice %arg2[%dma_start3A_22, %dma_start3A_23] : memref<10000x16xf32, #tpu.memory_space<hbm>> -> memref<10000x16xf32, #tpu.memory_space<hbm>>
    tpu.enqueue_indirect_dma source(%dma_start3A_24 : memref<10000x16xf32, #tpu.memory_space<hbm>>) target(%arg11 : memref<128x16xf32, #tpu.memory_space<vmem>>) offsets(%dma_start3A_21 : memref<128xi32, #tpu.memory_space<vmem>>) semaphore(%arg26 : memref<!tpu.dma_semaphore, #tpu.memory_space<semaphore_mem>>)
    %dma_start3A_25 = arith.constant 512 : i32
    %dma_start3A_26 = tpu.memref_slice %arg6[%dma_start3A_25] : memref<10000xi32, #tpu.memory_space<vmem>> -> memref<128xi32, #tpu.memory_space<vmem>>
    %dma_start3A_27 = arith.constant 0 : i32
    %dma_start3A_28 = arith.constant 0 : i32
    %dma_start3A_29 = tpu.memref_slice %arg2[%dma_start3A_27, %dma_start3A_28] : memref<10000x16xf32, #tpu.memory_space<hbm>> -> memref<10000x16xf32, #tpu.memory_space<hbm>>
    tpu.enqueue_indirect_dma source(%dma_start3A_29 : memref<10000x16xf32, #tpu.memory_space<hbm>>) target(%arg12 : memref<128x16xf32, #tpu.memory_space<vmem>>) offsets(%dma_start3A_26 : memref<128xi32, #tpu.memory_space<vmem>>) semaphore(%arg27 : memref<!tpu.dma_semaphore, #tpu.memory_space<semaphore_mem>>)
    %dma_start3A_30 = arith.constant 640 : i32
    %dma_start3A_31 = tpu.memref_slice %arg6[%dma_start3A_30] : memref<10000xi32, #tpu.memory_space<vmem>> -> memref<128xi32, #tpu.memory_space<vmem>>
    %dma_start3A_32 = arith.constant 0 : i32
    %dma_start3A_33 = arith.constant 0 : i32
    %dma_start3A_34 = tpu.memref_slice %arg2[%dma_start3A_32, %dma_start3A_33] : memref<10000x16xf32, #tpu.memory_space<hbm>> -> memref<10000x16xf32, #tpu.memory_space<hbm>>
    tpu.enqueue_indirect_dma source(%dma_start3A_34 : memref<10000x16xf32, #tpu.memory_space<hbm>>) target(%arg13 : memref<128x16xf32, #tpu.memory_space<vmem>>) offsets(%dma_start3A_31 : memref<128xi32, #tpu.memory_space<vmem>>) semaphore(%arg28 : memref<!tpu.dma_semaphore, #tpu.memory_space<semaphore_mem>>)
    %dma_start3A_35 = arith.constant 768 : i32
    %dma_start3A_36 = tpu.memref_slice %arg6[%dma_start3A_35] : memref<10000xi32, #tpu.memory_space<vmem>> -> memref<128xi32, #tpu.memory_space<vmem>>
    %dma_start3A_37 = arith.constant 0 : i32
    %dma_start3A_38 = arith.constant 0 : i32
    %dma_start3A_39 = tpu.memref_slice %arg2[%dma_start3A_37, %dma_start3A_38] : memref<10000x16xf32, #tpu.memory_space<hbm>> -> memref<10000x16xf32, #tpu.memory_space<hbm>>
    tpu.enqueue_indirect_dma source(%dma_start3A_39 : memref<10000x16xf32, #tpu.memory_space<hbm>>) target(%arg14 : memref<128x16xf32, #tpu.memory_space<vmem>>) offsets(%dma_start3A_36 : memref<128xi32, #tpu.memory_space<vmem>>) semaphore(%arg29 : memref<!tpu.dma_semaphore, #tpu.memory_space<semaphore_mem>>)
    %dma_start3A_40 = arith.constant 896 : i32
    %dma_start3A_41 = tpu.memref_slice %arg6[%dma_start3A_40] : memref<10000xi32, #tpu.memory_space<vmem>> -> memref<128xi32, #tpu.memory_space<vmem>>
    %dma_start3A_42 = arith.constant 0 : i32
    %dma_start3A_43 = arith.constant 0 : i32
    %dma_start3A_44 = tpu.memref_slice %arg2[%dma_start3A_42, %dma_start3A_43] : memref<10000x16xf32, #tpu.memory_space<hbm>> -> memref<10000x16xf32, #tpu.memory_space<hbm>>
    tpu.enqueue_indirect_dma source(%dma_start3A_44 : memref<10000x16xf32, #tpu.memory_space<hbm>>) target(%arg15 : memref<128x16xf32, #tpu.memory_space<vmem>>) offsets(%dma_start3A_41 : memref<128xi32, #tpu.memory_space<vmem>>) semaphore(%arg30 : memref<!tpu.dma_semaphore, #tpu.memory_space<semaphore_mem>>)
    %scan3A = arith.constant 0 : i32
    %scan3A_45 = arith.constant 0 : i32
    %scan3A_46 = arith.constant 6 : i32
    %scan3A_47 = arith.addi %scan3A_45, %scan3A_46 : i32
    %scan3A_48 = arith.constant 1 : i32
    scf.for %scan3A_85 = %scan3A_45 to %scan3A_47 step %scan3A_48  : i32 {
      %mul3A_86 = arith.constant 13 : i32
      %mul3A_87 = arith.muli %scan3A_85, %mul3A_86 : i32
      %add3A_88 = arith.constant 0 : i32
      %add3A_89 = arith.addi %mul3A_87, %add3A_88 : i32
      %add3A_90 = arith.constant 8 : i32
      %add3A_91 = arith.addi %add3A_89, %add3A_90 : i32
      %ge3A = arith.constant 13 : i32
      %ge3A_92 = arith.cmpi sge, %add3A_91, %ge3A : i32
      %convert_element_type3A = arith.extui %ge3A_92 : i1 to i32
      %cond3A = arith.constant 0 : i32
      %cond3A_93 = arith.cmpi ne, %convert_element_type3A, %cond3A : i32
      scf.if %cond3A_93 {
        %add3A_472 = arith.constant 8 : i32
        %add3A_473 = arith.addi %add3A_89, %add3A_472 : i32
        %sub3A = arith.constant 13 : i32
        %sub3A_474 = arith.subi %add3A_473, %sub3A : i32
        %mul3A_475 = arith.constant 128 : i32
        %mul3A_476 = arith.muli %sub3A_474, %mul3A_475 : i32
        %dma_wait3A_477 = tpu.memref_slice %arg7[%mul3A_476] : memref<10000xi32, #tpu.memory_space<vmem>> -> memref<128xi32, #tpu.memory_space<vmem>>
        %dma_wait3A_478 = arith.constant 0 : i32
        %dma_wait3A_479 = arith.constant 0 : i32
        %dma_wait3A_480 = tpu.memref_slice %arg22[%dma_wait3A_478, %dma_wait3A_479] : memref<10112x16xf32, #tpu.memory_space<vmem_shared>> -> memref<10112x16xf32, #tpu.memory_space<vmem_shared>>
        tpu.wait_indirect_dma semaphore(%arg44 : memref<!tpu.dma_semaphore, #tpu.memory_space<semaphore_mem>>) src(%arg16 : memref<128x16xf32, #tpu.memory_space<vmem>>) dst(%dma_wait3A_480 : memref<10112x16xf32, #tpu.memory_space<vmem_shared>>)
      } else {
      }
      %add3A_94 = arith.constant 8 : i32
      %add3A_95 = arith.addi %add3A_89, %add3A_94 : i32
      %lt3A = arith.constant 78 : i32
      %lt3A_96 = arith.cmpi slt, %add3A_95, %lt3A : i32
      %convert_element_type3A_97 = arith.extui %lt3A_96 : i1 to i32
      %cond3A_98 = arith.constant 0 : i32
      %cond3A_99 = arith.cmpi ne, %convert_element_type3A_97, %cond3A_98 : i32
      scf.if %cond3A_99 {
        %add3A_472 = arith.constant 8 : i32
        %add3A_473 = arith.addi %add3A_89, %add3A_472 : i32
        %mul3A_474 = arith.constant 128 : i32
        %mul3A_475 = arith.muli %add3A_473, %mul3A_474 : i32
        %dma_start3A_476 = tpu.memref_slice %arg6[%mul3A_475] : memref<10000xi32, #tpu.memory_space<vmem>> -> memref<128xi32, #tpu.memory_space<vmem>>
        %dma_start3A_477 = arith.constant 0 : i32
        %dma_start3A_478 = arith.constant 0 : i32
        %dma_start3A_479 = tpu.memref_slice %arg2[%dma_start3A_477, %dma_start3A_478] : memref<10000x16xf32, #tpu.memory_space<hbm>> -> memref<10000x16xf32, #tpu.memory_space<hbm>>
        tpu.enqueue_indirect_dma source(%dma_start3A_479 : memref<10000x16xf32, #tpu.memory_space<hbm>>) target(%arg16 : memref<128x16xf32, #tpu.memory_space<vmem>>) offsets(%dma_start3A_476 : memref<128xi32, #tpu.memory_space<vmem>>) semaphore(%arg31 : memref<!tpu.dma_semaphore, #tpu.memory_space<semaphore_mem>>)
      } else {
      }
      %mul3A_100 = arith.constant 128 : i32
      %mul3A_101 = arith.muli %add3A_89, %mul3A_100 : i32
      %dma_wait3A_102 = tpu.memref_slice %arg6[%mul3A_101] : memref<10000xi32, #tpu.memory_space<vmem>> -> memref<128xi32, #tpu.memory_space<vmem>>
      %dma_wait3A_103 = arith.constant 0 : i32
      %dma_wait3A_104 = arith.constant 0 : i32
      %dma_wait3A_105 = tpu.memref_slice %arg2[%dma_wait3A_103, %dma_wait3A_104] : memref<10000x16xf32, #tpu.memory_space<hbm>> -> memref<10000x16xf32, #tpu.memory_space<hbm>>
      tpu.wait_indirect_dma semaphore(%arg23 : memref<!tpu.dma_semaphore, #tpu.memory_space<semaphore_mem>>) src(%dma_wait3A_105 : memref<10000x16xf32, #tpu.memory_space<hbm>>) dst(%arg8 : memref<128x16xf32, #tpu.memory_space<vmem>>)
      %mul3A_106 = arith.constant 128 : i32
      %mul3A_107 = arith.muli %add3A_89, %mul3A_106 : i32
      %dma_start3A_108 = tpu.memref_slice %arg7[%mul3A_107] : memref<10000xi32, #tpu.memory_space<vmem>> -> memref<128xi32, #tpu.memory_space<vmem>>
      %dma_start3A_109 = arith.constant 0 : i32
      %dma_start3A_110 = arith.constant 0 : i32
      %dma_start3A_111 = tpu.memref_slice %arg22[%dma_start3A_109, %dma_start3A_110] : memref<10112x16xf32, #tpu.memory_space<vmem_shared>> -> memref<10112x16xf32, #tpu.memory_space<vmem_shared>>
      tpu.enqueue_indirect_dma source(%arg8 : memref<128x16xf32, #tpu.memory_space<vmem>>) target(%dma_start3A_111 : memref<10112x16xf32, #tpu.memory_space<vmem_shared>>) offsets(%dma_start3A_108 : memref<128xi32, #tpu.memory_space<vmem>>) semaphore(%arg36 : memref<!tpu.dma_semaphore, #tpu.memory_space<semaphore_mem>>) {add = true}
      %mul3A_112 = arith.constant 13 : i32
      %mul3A_113 = arith.muli %scan3A_85, %mul3A_112 : i32
      %add3A_114 = arith.constant 1 : i32
      %add3A_115 = arith.addi %mul3A_113, %add3A_114 : i32
      %add3A_116 = arith.constant 8 : i32
      %add3A_117 = arith.addi %add3A_115, %add3A_116 : i32
      %ge3A_118 = arith.constant 13 : i32
      %ge3A_119 = arith.cmpi sge, %add3A_117, %ge3A_118 : i32
      %convert_element_type3A_120 = arith.extui %ge3A_119 : i1 to i32
      %cond3A_121 = arith.constant 0 : i32
      %cond3A_122 = arith.cmpi ne, %convert_element_type3A_120, %cond3A_121 : i32
      scf.if %cond3A_122 {
        %add3A_472 = arith.constant 8 : i32
        %add3A_473 = arith.addi %add3A_115, %add3A_472 : i32
        %sub3A = arith.constant 13 : i32
        %sub3A_474 = arith.subi %add3A_473, %sub3A : i32
        %mul3A_475 = arith.constant 128 : i32
        %mul3A_476 = arith.muli %sub3A_474, %mul3A_475 : i32
        %dma_wait3A_477 = tpu.memref_slice %arg7[%mul3A_476] : memref<10000xi32, #tpu.memory_space<vmem>> -> memref<128xi32, #tpu.memory_space<vmem>>
        %dma_wait3A_478 = arith.constant 0 : i32
        %dma_wait3A_479 = arith.constant 0 : i32
        %dma_wait3A_480 = tpu.memref_slice %arg22[%dma_wait3A_478, %dma_wait3A_479] : memref<10112x16xf32, #tpu.memory_space<vmem_shared>> -> memref<10112x16xf32, #tpu.memory_space<vmem_shared>>
        tpu.wait_indirect_dma semaphore(%arg45 : memref<!tpu.dma_semaphore, #tpu.memory_space<semaphore_mem>>) src(%arg17 : memref<128x16xf32, #tpu.memory_space<vmem>>) dst(%dma_wait3A_480 : memref<10112x16xf32, #tpu.memory_space<vmem_shared>>)
      } else {
      }
      %add3A_123 = arith.constant 8 : i32
      %add3A_124 = arith.addi %add3A_115, %add3A_123 : i32
      %lt3A_125 = arith.constant 78 : i32
      %lt3A_126 = arith.cmpi slt, %add3A_124, %lt3A_125 : i32
      %convert_element_type3A_127 = arith.extui %lt3A_126 : i1 to i32
      %cond3A_128 = arith.constant 0 : i32
      %cond3A_129 = arith.cmpi ne, %convert_element_type3A_127, %cond3A_128 : i32
      scf.if %cond3A_129 {
        %add3A_472 = arith.constant 8 : i32
        %add3A_473 = arith.addi %add3A_115, %add3A_472 : i32
        %mul3A_474 = arith.constant 128 : i32
        %mul3A_475 = arith.muli %add3A_473, %mul3A_474 : i32
        %dma_start3A_476 = tpu.memref_slice %arg6[%mul3A_475] : memref<10000xi32, #tpu.memory_space<vmem>> -> memref<128xi32, #tpu.memory_space<vmem>>
        %dma_start3A_477 = arith.constant 0 : i32
        %dma_start3A_478 = arith.constant 0 : i32
        %dma_start3A_479 = tpu.memref_slice %arg2[%dma_start3A_477, %dma_start3A_478] : memref<10000x16xf32, #tpu.memory_space<hbm>> -> memref<10000x16xf32, #tpu.memory_space<hbm>>
        tpu.enqueue_indirect_dma source(%dma_start3A_479 : memref<10000x16xf32, #tpu.memory_space<hbm>>) target(%arg17 : memref<128x16xf32, #tpu.memory_space<vmem>>) offsets(%dma_start3A_476 : memref<128xi32, #tpu.memory_space<vmem>>) semaphore(%arg32 : memref<!tpu.dma_semaphore, #tpu.memory_space<semaphore_mem>>)
      } else {
      }
      %mul3A_130 = arith.constant 128 : i32
      %mul3A_131 = arith.muli %add3A_115, %mul3A_130 : i32
      %dma_wait3A_132 = tpu.memref_slice %arg6[%mul3A_131] : memref<10000xi32, #tpu.memory_space<vmem>> -> memref<128xi32, #tpu.memory_space<vmem>>
      %dma_wait3A_133 = arith.constant 0 : i32
      %dma_wait3A_134 = arith.constant 0 : i32
      %dma_wait3A_135 = tpu.memref_slice %arg2[%dma_wait3A_133, %dma_wait3A_134] : memref<10000x16xf32, #tpu.memory_space<hbm>> -> memref<10000x16xf32, #tpu.memory_space<hbm>>
      tpu.wait_indirect_dma semaphore(%arg24 : memref<!tpu.dma_semaphore, #tpu.memory_space<semaphore_mem>>) src(%dma_wait3A_135 : memref<10000x16xf32, #tpu.memory_space<hbm>>) dst(%arg9 : memref<128x16xf32, #tpu.memory_space<vmem>>)
      %mul3A_136 = arith.constant 128 : i32
      %mul3A_137 = arith.muli %add3A_115, %mul3A_136 : i32
      %dma_start3A_138 = tpu.memref_slice %arg7[%mul3A_137] : memref<10000xi32, #tpu.memory_space<vmem>> -> memref<128xi32, #tpu.memory_space<vmem>>
      %dma_start3A_139 = arith.constant 0 : i32
      %dma_start3A_140 = arith.constant 0 : i32
      %dma_start3A_141 = tpu.memref_slice %arg22[%dma_start3A_139, %dma_start3A_140] : memref<10112x16xf32, #tpu.memory_space<vmem_shared>> -> memref<10112x16xf32, #tpu.memory_space<vmem_shared>>
      tpu.enqueue_indirect_dma source(%arg9 : memref<128x16xf32, #tpu.memory_space<vmem>>) target(%dma_start3A_141 : memref<10112x16xf32, #tpu.memory_space<vmem_shared>>) offsets(%dma_start3A_138 : memref<128xi32, #tpu.memory_space<vmem>>) semaphore(%arg37 : memref<!tpu.dma_semaphore, #tpu.memory_space<semaphore_mem>>) {add = true}
      %mul3A_142 = arith.constant 13 : i32
      %mul3A_143 = arith.muli %scan3A_85, %mul3A_142 : i32
      %add3A_144 = arith.constant 2 : i32
      %add3A_145 = arith.addi %mul3A_143, %add3A_144 : i32
      %add3A_146 = arith.constant 8 : i32
      %add3A_147 = arith.addi %add3A_145, %add3A_146 : i32
      %ge3A_148 = arith.constant 13 : i32
      %ge3A_149 = arith.cmpi sge, %add3A_147, %ge3A_148 : i32
      %convert_element_type3A_150 = arith.extui %ge3A_149 : i1 to i32
      %cond3A_151 = arith.constant 0 : i32
      %cond3A_152 = arith.cmpi ne, %convert_element_type3A_150, %cond3A_151 : i32
      scf.if %cond3A_152 {
        %add3A_472 = arith.constant 8 : i32
        %add3A_473 = arith.addi %add3A_145, %add3A_472 : i32
        %sub3A = arith.constant 13 : i32
        %sub3A_474 = arith.subi %add3A_473, %sub3A : i32
        %mul3A_475 = arith.constant 128 : i32
        %mul3A_476 = arith.muli %sub3A_474, %mul3A_475 : i32
        %dma_wait3A_477 = tpu.memref_slice %arg7[%mul3A_476] : memref<10000xi32, #tpu.memory_space<vmem>> -> memref<128xi32, #tpu.memory_space<vmem>>
        %dma_wait3A_478 = arith.constant 0 : i32
        %dma_wait3A_479 = arith.constant 0 : i32
        %dma_wait3A_480 = tpu.memref_slice %arg22[%dma_wait3A_478, %dma_wait3A_479] : memref<10112x16xf32, #tpu.memory_space<vmem_shared>> -> memref<10112x16xf32, #tpu.memory_space<vmem_shared>>
        tpu.wait_indirect_dma semaphore(%arg46 : memref<!tpu.dma_semaphore, #tpu.memory_space<semaphore_mem>>) src(%arg18 : memref<128x16xf32, #tpu.memory_space<vmem>>) dst(%dma_wait3A_480 : memref<10112x16xf32, #tpu.memory_space<vmem_shared>>)
      } else {
      }
      %add3A_153 = arith.constant 8 : i32
      %add3A_154 = arith.addi %add3A_145, %add3A_153 : i32
      %lt3A_155 = arith.constant 78 : i32
      %lt3A_156 = arith.cmpi slt, %add3A_154, %lt3A_155 : i32
      %convert_element_type3A_157 = arith.extui %lt3A_156 : i1 to i32
      %cond3A_158 = arith.constant 0 : i32
      %cond3A_159 = arith.cmpi ne, %convert_element_type3A_157, %cond3A_158 : i32
      scf.if %cond3A_159 {
        %add3A_472 = arith.constant 8 : i32
        %add3A_473 = arith.addi %add3A_145, %add3A_472 : i32
        %mul3A_474 = arith.constant 128 : i32
        %mul3A_475 = arith.muli %add3A_473, %mul3A_474 : i32
        %dma_start3A_476 = tpu.memref_slice %arg6[%mul3A_475] : memref<10000xi32, #tpu.memory_space<vmem>> -> memref<128xi32, #tpu.memory_space<vmem>>
        %dma_start3A_477 = arith.constant 0 : i32
        %dma_start3A_478 = arith.constant 0 : i32
        %dma_start3A_479 = tpu.memref_slice %arg2[%dma_start3A_477, %dma_start3A_478] : memref<10000x16xf32, #tpu.memory_space<hbm>> -> memref<10000x16xf32, #tpu.memory_space<hbm>>
        tpu.enqueue_indirect_dma source(%dma_start3A_479 : memref<10000x16xf32, #tpu.memory_space<hbm>>) target(%arg18 : memref<128x16xf32, #tpu.memory_space<vmem>>) offsets(%dma_start3A_476 : memref<128xi32, #tpu.memory_space<vmem>>) semaphore(%arg33 : memref<!tpu.dma_semaphore, #tpu.memory_space<semaphore_mem>>)
      } else {
      }
      %mul3A_160 = arith.constant 128 : i32
      %mul3A_161 = arith.muli %add3A_145, %mul3A_160 : i32
      %dma_wait3A_162 = tpu.memref_slice %arg6[%mul3A_161] : memref<10000xi32, #tpu.memory_space<vmem>> -> memref<128xi32, #tpu.memory_space<vmem>>
      %dma_wait3A_163 = arith.constant 0 : i32
      %dma_wait3A_164 = arith.constant 0 : i32
      %dma_wait3A_165 = tpu.memref_slice %arg2[%dma_wait3A_163, %dma_wait3A_164] : memref<10000x16xf32, #tpu.memory_space<hbm>> -> memref<10000x16xf32, #tpu.memory_space<hbm>>
      tpu.wait_indirect_dma semaphore(%arg25 : memref<!tpu.dma_semaphore, #tpu.memory_space<semaphore_mem>>) src(%dma_wait3A_165 : memref<10000x16xf32, #tpu.memory_space<hbm>>) dst(%arg10 : memref<128x16xf32, #tpu.memory_space<vmem>>)
      %mul3A_166 = arith.constant 128 : i32
      %mul3A_167 = arith.muli %add3A_145, %mul3A_166 : i32
      %dma_start3A_168 = tpu.memref_slice %arg7[%mul3A_167] : memref<10000xi32, #tpu.memory_space<vmem>> -> memref<128xi32, #tpu.memory_space<vmem>>
      %dma_start3A_169 = arith.constant 0 : i32
      %dma_start3A_170 = arith.constant 0 : i32
      %dma_start3A_171 = tpu.memref_slice %arg22[%dma_start3A_169, %dma_start3A_170] : memref<10112x16xf32, #tpu.memory_space<vmem_shared>> -> memref<10112x16xf32, #tpu.memory_space<vmem_shared>>
      tpu.enqueue_indirect_dma source(%arg10 : memref<128x16xf32, #tpu.memory_space<vmem>>) target(%dma_start3A_171 : memref<10112x16xf32, #tpu.memory_space<vmem_shared>>) offsets(%dma_start3A_168 : memref<128xi32, #tpu.memory_space<vmem>>) semaphore(%arg38 : memref<!tpu.dma_semaphore, #tpu.memory_space<semaphore_mem>>) {add = true}
      %mul3A_172 = arith.constant 13 : i32
      %mul3A_173 = arith.muli %scan3A_85, %mul3A_172 : i32
      %add3A_174 = arith.constant 3 : i32
      %add3A_175 = arith.addi %mul3A_173, %add3A_174 : i32
      %add3A_176 = arith.constant 8 : i32
      %add3A_177 = arith.addi %add3A_175, %add3A_176 : i32
      %ge3A_178 = arith.constant 13 : i32
      %ge3A_179 = arith.cmpi sge, %add3A_177, %ge3A_178 : i32
      %convert_element_type3A_180 = arith.extui %ge3A_179 : i1 to i32
      %cond3A_181 = arith.constant 0 : i32
      %cond3A_182 = arith.cmpi ne, %convert_element_type3A_180, %cond3A_181 : i32
      scf.if %cond3A_182 {
        %add3A_472 = arith.constant 8 : i32
        %add3A_473 = arith.addi %add3A_175, %add3A_472 : i32
        %sub3A = arith.constant 13 : i32
        %sub3A_474 = arith.subi %add3A_473, %sub3A : i32
        %mul3A_475 = arith.constant 128 : i32
        %mul3A_476 = arith.muli %sub3A_474, %mul3A_475 : i32
        %dma_wait3A_477 = tpu.memref_slice %arg7[%mul3A_476] : memref<10000xi32, #tpu.memory_space<vmem>> -> memref<128xi32, #tpu.memory_space<vmem>>
        %dma_wait3A_478 = arith.constant 0 : i32
        %dma_wait3A_479 = arith.constant 0 : i32
        %dma_wait3A_480 = tpu.memref_slice %arg22[%dma_wait3A_478, %dma_wait3A_479] : memref<10112x16xf32, #tpu.memory_space<vmem_shared>> -> memref<10112x16xf32, #tpu.memory_space<vmem_shared>>
        tpu.wait_indirect_dma semaphore(%arg47 : memref<!tpu.dma_semaphore, #tpu.memory_space<semaphore_mem>>) src(%arg19 : memref<128x16xf32, #tpu.memory_space<vmem>>) dst(%dma_wait3A_480 : memref<10112x16xf32, #tpu.memory_space<vmem_shared>>)
      } else {
      }
      %add3A_183 = arith.constant 8 : i32
      %add3A_184 = arith.addi %add3A_175, %add3A_183 : i32
      %lt3A_185 = arith.constant 78 : i32
      %lt3A_186 = arith.cmpi slt, %add3A_184, %lt3A_185 : i32
      %convert_element_type3A_187 = arith.extui %lt3A_186 : i1 to i32
      %cond3A_188 = arith.constant 0 : i32
      %cond3A_189 = arith.cmpi ne, %convert_element_type3A_187, %cond3A_188 : i32
      scf.if %cond3A_189 {
        %add3A_472 = arith.constant 8 : i32
        %add3A_473 = arith.addi %add3A_175, %add3A_472 : i32
        %mul3A_474 = arith.constant 128 : i32
        %mul3A_475 = arith.muli %add3A_473, %mul3A_474 : i32
        %dma_start3A_476 = tpu.memref_slice %arg6[%mul3A_475] : memref<10000xi32, #tpu.memory_space<vmem>> -> memref<128xi32, #tpu.memory_space<vmem>>
        %dma_start3A_477 = arith.constant 0 : i32
        %dma_start3A_478 = arith.constant 0 : i32
        %dma_start3A_479 = tpu.memref_slice %arg2[%dma_start3A_477, %dma_start3A_478] : memref<10000x16xf32, #tpu.memory_space<hbm>> -> memref<10000x16xf32, #tpu.memory_space<hbm>>
        tpu.enqueue_indirect_dma source(%dma_start3A_479 : memref<10000x16xf32, #tpu.memory_space<hbm>>) target(%arg19 : memref<128x16xf32, #tpu.memory_space<vmem>>) offsets(%dma_start3A_476 : memref<128xi32, #tpu.memory_space<vmem>>) semaphore(%arg34 : memref<!tpu.dma_semaphore, #tpu.memory_space<semaphore_mem>>)
      } else {
      }
      %mul3A_190 = arith.constant 128 : i32
      %mul3A_191 = arith.muli %add3A_175, %mul3A_190 : i32
      %dma_wait3A_192 = tpu.memref_slice %arg6[%mul3A_191] : memref<10000xi32, #tpu.memory_space<vmem>> -> memref<128xi32, #tpu.memory_space<vmem>>
      %dma_wait3A_193 = arith.constant 0 : i32
      %dma_wait3A_194 = arith.constant 0 : i32
      %dma_wait3A_195 = tpu.memref_slice %arg2[%dma_wait3A_193, %dma_wait3A_194] : memref<10000x16xf32, #tpu.memory_space<hbm>> -> memref<10000x16xf32, #tpu.memory_space<hbm>>
      tpu.wait_indirect_dma semaphore(%arg26 : memref<!tpu.dma_semaphore, #tpu.memory_space<semaphore_mem>>) src(%dma_wait3A_195 : memref<10000x16xf32, #tpu.memory_space<hbm>>) dst(%arg11 : memref<128x16xf32, #tpu.memory_space<vmem>>)
      %mul3A_196 = arith.constant 128 : i32
      %mul3A_197 = arith.muli %add3A_175, %mul3A_196 : i32
      %dma_start3A_198 = tpu.memref_slice %arg7[%mul3A_197] : memref<10000xi32, #tpu.memory_space<vmem>> -> memref<128xi32, #tpu.memory_space<vmem>>
      %dma_start3A_199 = arith.constant 0 : i32
      %dma_start3A_200 = arith.constant 0 : i32
      %dma_start3A_201 = tpu.memref_slice %arg22[%dma_start3A_199, %dma_start3A_200] : memref<10112x16xf32, #tpu.memory_space<vmem_shared>> -> memref<10112x16xf32, #tpu.memory_space<vmem_shared>>
      tpu.enqueue_indirect_dma source(%arg11 : memref<128x16xf32, #tpu.memory_space<vmem>>) target(%dma_start3A_201 : memref<10112x16xf32, #tpu.memory_space<vmem_shared>>) offsets(%dma_start3A_198 : memref<128xi32, #tpu.memory_space<vmem>>) semaphore(%arg39 : memref<!tpu.dma_semaphore, #tpu.memory_space<semaphore_mem>>) {add = true}
      %mul3A_202 = arith.constant 13 : i32
      %mul3A_203 = arith.muli %scan3A_85, %mul3A_202 : i32
      %add3A_204 = arith.constant 4 : i32
      %add3A_205 = arith.addi %mul3A_203, %add3A_204 : i32
      %add3A_206 = arith.constant 8 : i32
      %add3A_207 = arith.addi %add3A_205, %add3A_206 : i32
      %ge3A_208 = arith.constant 13 : i32
      %ge3A_209 = arith.cmpi sge, %add3A_207, %ge3A_208 : i32
      %convert_element_type3A_210 = arith.extui %ge3A_209 : i1 to i32
      %cond3A_211 = arith.constant 0 : i32
      %cond3A_212 = arith.cmpi ne, %convert_element_type3A_210, %cond3A_211 : i32
      scf.if %cond3A_212 {
        %add3A_472 = arith.constant 8 : i32
        %add3A_473 = arith.addi %add3A_205, %add3A_472 : i32
        %sub3A = arith.constant 13 : i32
        %sub3A_474 = arith.subi %add3A_473, %sub3A : i32
        %mul3A_475 = arith.constant 128 : i32
        %mul3A_476 = arith.muli %sub3A_474, %mul3A_475 : i32
        %dma_wait3A_477 = tpu.memref_slice %arg7[%mul3A_476] : memref<10000xi32, #tpu.memory_space<vmem>> -> memref<128xi32, #tpu.memory_space<vmem>>
        %dma_wait3A_478 = arith.constant 0 : i32
        %dma_wait3A_479 = arith.constant 0 : i32
        %dma_wait3A_480 = tpu.memref_slice %arg22[%dma_wait3A_478, %dma_wait3A_479] : memref<10112x16xf32, #tpu.memory_space<vmem_shared>> -> memref<10112x16xf32, #tpu.memory_space<vmem_shared>>
        tpu.wait_indirect_dma semaphore(%arg48 : memref<!tpu.dma_semaphore, #tpu.memory_space<semaphore_mem>>) src(%arg20 : memref<128x16xf32, #tpu.memory_space<vmem>>) dst(%dma_wait3A_480 : memref<10112x16xf32, #tpu.memory_space<vmem_shared>>)
      } else {
      }
      %add3A_213 = arith.constant 8 : i32
      %add3A_214 = arith.addi %add3A_205, %add3A_213 : i32
      %lt3A_215 = arith.constant 78 : i32
      %lt3A_216 = arith.cmpi slt, %add3A_214, %lt3A_215 : i32
      %convert_element_type3A_217 = arith.extui %lt3A_216 : i1 to i32
      %cond3A_218 = arith.constant 0 : i32
      %cond3A_219 = arith.cmpi ne, %convert_element_type3A_217, %cond3A_218 : i32
      scf.if %cond3A_219 {
        %add3A_472 = arith.constant 8 : i32
        %add3A_473 = arith.addi %add3A_205, %add3A_472 : i32
        %mul3A_474 = arith.constant 128 : i32
        %mul3A_475 = arith.muli %add3A_473, %mul3A_474 : i32
        %dma_start3A_476 = tpu.memref_slice %arg6[%mul3A_475] : memref<10000xi32, #tpu.memory_space<vmem>> -> memref<128xi32, #tpu.memory_space<vmem>>
        %dma_start3A_477 = arith.constant 0 : i32
        %dma_start3A_478 = arith.constant 0 : i32
        %dma_start3A_479 = tpu.memref_slice %arg2[%dma_start3A_477, %dma_start3A_478] : memref<10000x16xf32, #tpu.memory_space<hbm>> -> memref<10000x16xf32, #tpu.memory_space<hbm>>
        tpu.enqueue_indirect_dma source(%dma_start3A_479 : memref<10000x16xf32, #tpu.memory_space<hbm>>) target(%arg20 : memref<128x16xf32, #tpu.memory_space<vmem>>) offsets(%dma_start3A_476 : memref<128xi32, #tpu.memory_space<vmem>>) semaphore(%arg35 : memref<!tpu.dma_semaphore, #tpu.memory_space<semaphore_mem>>)
      } else {
      }
      %mul3A_220 = arith.constant 128 : i32
      %mul3A_221 = arith.muli %add3A_205, %mul3A_220 : i32
      %dma_wait3A_222 = tpu.memref_slice %arg6[%mul3A_221] : memref<10000xi32, #tpu.memory_space<vmem>> -> memref<128xi32, #tpu.memory_space<vmem>>
      %dma_wait3A_223 = arith.constant 0 : i32
      %dma_wait3A_224 = arith.constant 0 : i32
      %dma_wait3A_225 = tpu.memref_slice %arg2[%dma_wait3A_223, %dma_wait3A_224] : memref<10000x16xf32, #tpu.memory_space<hbm>> -> memref<10000x16xf32, #tpu.memory_space<hbm>>
      tpu.wait_indirect_dma semaphore(%arg27 : memref<!tpu.dma_semaphore, #tpu.memory_space<semaphore_mem>>) src(%dma_wait3A_225 : memref<10000x16xf32, #tpu.memory_space<hbm>>) dst(%arg12 : memref<128x16xf32, #tpu.memory_space<vmem>>)
      %mul3A_226 = arith.constant 128 : i32
      %mul3A_227 = arith.muli %add3A_205, %mul3A_226 : i32
      %dma_start3A_228 = tpu.memref_slice %arg7[%mul3A_227] : memref<10000xi32, #tpu.memory_space<vmem>> -> memref<128xi32, #tpu.memory_space<vmem>>
      %dma_start3A_229 = arith.constant 0 : i32
      %dma_start3A_230 = arith.constant 0 : i32
      %dma_start3A_231 = tpu.memref_slice %arg22[%dma_start3A_229, %dma_start3A_230] : memref<10112x16xf32, #tpu.memory_space<vmem_shared>> -> memref<10112x16xf32, #tpu.memory_space<vmem_shared>>
      tpu.enqueue_indirect_dma source(%arg12 : memref<128x16xf32, #tpu.memory_space<vmem>>) target(%dma_start3A_231 : memref<10112x16xf32, #tpu.memory_space<vmem_shared>>) offsets(%dma_start3A_228 : memref<128xi32, #tpu.memory_space<vmem>>) semaphore(%arg40 : memref<!tpu.dma_semaphore, #tpu.memory_space<semaphore_mem>>) {add = true}
      %mul3A_232 = arith.constant 13 : i32
      %mul3A_233 = arith.muli %scan3A_85, %mul3A_232 : i32
      %add3A_234 = arith.constant 5 : i32
      %add3A_235 = arith.addi %mul3A_233, %add3A_234 : i32
      %add3A_236 = arith.constant 8 : i32
      %add3A_237 = arith.addi %add3A_235, %add3A_236 : i32
      %ge3A_238 = arith.constant 13 : i32
      %ge3A_239 = arith.cmpi sge, %add3A_237, %ge3A_238 : i32
      %convert_element_type3A_240 = arith.extui %ge3A_239 : i1 to i32
      %cond3A_241 = arith.constant 0 : i32
      %cond3A_242 = arith.cmpi ne, %convert_element_type3A_240, %cond3A_241 : i32
      scf.if %cond3A_242 {
        %add3A_472 = arith.constant 8 : i32
        %add3A_473 = arith.addi %add3A_235, %add3A_472 : i32
        %sub3A = arith.constant 13 : i32
        %sub3A_474 = arith.subi %add3A_473, %sub3A : i32
        %mul3A_475 = arith.constant 128 : i32
        %mul3A_476 = arith.muli %sub3A_474, %mul3A_475 : i32
        %dma_wait3A_477 = tpu.memref_slice %arg7[%mul3A_476] : memref<10000xi32, #tpu.memory_space<vmem>> -> memref<128xi32, #tpu.memory_space<vmem>>
        %dma_wait3A_478 = arith.constant 0 : i32
        %dma_wait3A_479 = arith.constant 0 : i32
        %dma_wait3A_480 = tpu.memref_slice %arg22[%dma_wait3A_478, %dma_wait3A_479] : memref<10112x16xf32, #tpu.memory_space<vmem_shared>> -> memref<10112x16xf32, #tpu.memory_space<vmem_shared>>
        tpu.wait_indirect_dma semaphore(%arg36 : memref<!tpu.dma_semaphore, #tpu.memory_space<semaphore_mem>>) src(%arg8 : memref<128x16xf32, #tpu.memory_space<vmem>>) dst(%dma_wait3A_480 : memref<10112x16xf32, #tpu.memory_space<vmem_shared>>)
      } else {
      }
      %add3A_243 = arith.constant 8 : i32
      %add3A_244 = arith.addi %add3A_235, %add3A_243 : i32
      %lt3A_245 = arith.constant 78 : i32
      %lt3A_246 = arith.cmpi slt, %add3A_244, %lt3A_245 : i32
      %convert_element_type3A_247 = arith.extui %lt3A_246 : i1 to i32
      %cond3A_248 = arith.constant 0 : i32
      %cond3A_249 = arith.cmpi ne, %convert_element_type3A_247, %cond3A_248 : i32
      scf.if %cond3A_249 {
        %add3A_472 = arith.constant 8 : i32
        %add3A_473 = arith.addi %add3A_235, %add3A_472 : i32
        %mul3A_474 = arith.constant 128 : i32
        %mul3A_475 = arith.muli %add3A_473, %mul3A_474 : i32
        %dma_start3A_476 = tpu.memref_slice %arg6[%mul3A_475] : memref<10000xi32, #tpu.memory_space<vmem>> -> memref<128xi32, #tpu.memory_space<vmem>>
        %dma_start3A_477 = arith.constant 0 : i32
        %dma_start3A_478 = arith.constant 0 : i32
        %dma_start3A_479 = tpu.memref_slice %arg2[%dma_start3A_477, %dma_start3A_478] : memref<10000x16xf32, #tpu.memory_space<hbm>> -> memref<10000x16xf32, #tpu.memory_space<hbm>>
        tpu.enqueue_indirect_dma source(%dma_start3A_479 : memref<10000x16xf32, #tpu.memory_space<hbm>>) target(%arg8 : memref<128x16xf32, #tpu.memory_space<vmem>>) offsets(%dma_start3A_476 : memref<128xi32, #tpu.memory_space<vmem>>) semaphore(%arg23 : memref<!tpu.dma_semaphore, #tpu.memory_space<semaphore_mem>>)
      } else {
      }
      %mul3A_250 = arith.constant 128 : i32
      %mul3A_251 = arith.muli %add3A_235, %mul3A_250 : i32
      %dma_wait3A_252 = tpu.memref_slice %arg6[%mul3A_251] : memref<10000xi32, #tpu.memory_space<vmem>> -> memref<128xi32, #tpu.memory_space<vmem>>
      %dma_wait3A_253 = arith.constant 0 : i32
      %dma_wait3A_254 = arith.constant 0 : i32
      %dma_wait3A_255 = tpu.memref_slice %arg2[%dma_wait3A_253, %dma_wait3A_254] : memref<10000x16xf32, #tpu.memory_space<hbm>> -> memref<10000x16xf32, #tpu.memory_space<hbm>>
      tpu.wait_indirect_dma semaphore(%arg28 : memref<!tpu.dma_semaphore, #tpu.memory_space<semaphore_mem>>) src(%dma_wait3A_255 : memref<10000x16xf32, #tpu.memory_space<hbm>>) dst(%arg13 : memref<128x16xf32, #tpu.memory_space<vmem>>)
      %mul3A_256 = arith.constant 128 : i32
      %mul3A_257 = arith.muli %add3A_235, %mul3A_256 : i32
      %dma_start3A_258 = tpu.memref_slice %arg7[%mul3A_257] : memref<10000xi32, #tpu.memory_space<vmem>> -> memref<128xi32, #tpu.memory_space<vmem>>
      %dma_start3A_259 = arith.constant 0 : i32
      %dma_start3A_260 = arith.constant 0 : i32
      %dma_start3A_261 = tpu.memref_slice %arg22[%dma_start3A_259, %dma_start3A_260] : memref<10112x16xf32, #tpu.memory_space<vmem_shared>> -> memref<10112x16xf32, #tpu.memory_space<vmem_shared>>
      tpu.enqueue_indirect_dma source(%arg13 : memref<128x16xf32, #tpu.memory_space<vmem>>) target(%dma_start3A_261 : memref<10112x16xf32, #tpu.memory_space<vmem_shared>>) offsets(%dma_start3A_258 : memref<128xi32, #tpu.memory_space<vmem>>) semaphore(%arg41 : memref<!tpu.dma_semaphore, #tpu.memory_space<semaphore_mem>>) {add = true}
      %mul3A_262 = arith.constant 13 : i32
      %mul3A_263 = arith.muli %scan3A_85, %mul3A_262 : i32
      %add3A_264 = arith.constant 6 : i32
      %add3A_265 = arith.addi %mul3A_263, %add3A_264 : i32
      %add3A_266 = arith.constant 8 : i32
      %add3A_267 = arith.addi %add3A_265, %add3A_266 : i32
      %ge3A_268 = arith.constant 13 : i32
      %ge3A_269 = arith.cmpi sge, %add3A_267, %ge3A_268 : i32
      %convert_element_type3A_270 = arith.extui %ge3A_269 : i1 to i32
      %cond3A_271 = arith.constant 0 : i32
      %cond3A_272 = arith.cmpi ne, %convert_element_type3A_270, %cond3A_271 : i32
      scf.if %cond3A_272 {
        %add3A_472 = arith.constant 8 : i32
        %add3A_473 = arith.addi %add3A_265, %add3A_472 : i32
        %sub3A = arith.constant 13 : i32
        %sub3A_474 = arith.subi %add3A_473, %sub3A : i32
        %mul3A_475 = arith.constant 128 : i32
        %mul3A_476 = arith.muli %sub3A_474, %mul3A_475 : i32
        %dma_wait3A_477 = tpu.memref_slice %arg7[%mul3A_476] : memref<10000xi32, #tpu.memory_space<vmem>> -> memref<128xi32, #tpu.memory_space<vmem>>
        %dma_wait3A_478 = arith.constant 0 : i32
        %dma_wait3A_479 = arith.constant 0 : i32
        %dma_wait3A_480 = tpu.memref_slice %arg22[%dma_wait3A_478, %dma_wait3A_479] : memref<10112x16xf32, #tpu.memory_space<vmem_shared>> -> memref<10112x16xf32, #tpu.memory_space<vmem_shared>>
        tpu.wait_indirect_dma semaphore(%arg37 : memref<!tpu.dma_semaphore, #tpu.memory_space<semaphore_mem>>) src(%arg9 : memref<128x16xf32, #tpu.memory_space<vmem>>) dst(%dma_wait3A_480 : memref<10112x16xf32, #tpu.memory_space<vmem_shared>>)
      } else {
      }
      %add3A_273 = arith.constant 8 : i32
      %add3A_274 = arith.addi %add3A_265, %add3A_273 : i32
      %lt3A_275 = arith.constant 78 : i32
      %lt3A_276 = arith.cmpi slt, %add3A_274, %lt3A_275 : i32
      %convert_element_type3A_277 = arith.extui %lt3A_276 : i1 to i32
      %cond3A_278 = arith.constant 0 : i32
      %cond3A_279 = arith.cmpi ne, %convert_element_type3A_277, %cond3A_278 : i32
      scf.if %cond3A_279 {
        %add3A_472 = arith.constant 8 : i32
        %add3A_473 = arith.addi %add3A_265, %add3A_472 : i32
        %mul3A_474 = arith.constant 128 : i32
        %mul3A_475 = arith.muli %add3A_473, %mul3A_474 : i32
        %dma_start3A_476 = tpu.memref_slice %arg6[%mul3A_475] : memref<10000xi32, #tpu.memory_space<vmem>> -> memref<128xi32, #tpu.memory_space<vmem>>
        %dma_start3A_477 = arith.constant 0 : i32
        %dma_start3A_478 = arith.constant 0 : i32
        %dma_start3A_479 = tpu.memref_slice %arg2[%dma_start3A_477, %dma_start3A_478] : memref<10000x16xf32, #tpu.memory_space<hbm>> -> memref<10000x16xf32, #tpu.memory_space<hbm>>
        tpu.enqueue_indirect_dma source(%dma_start3A_479 : memref<10000x16xf32, #tpu.memory_space<hbm>>) target(%arg9 : memref<128x16xf32, #tpu.memory_space<vmem>>) offsets(%dma_start3A_476 : memref<128xi32, #tpu.memory_space<vmem>>) semaphore(%arg24 : memref<!tpu.dma_semaphore, #tpu.memory_space<semaphore_mem>>)
      } else {
      }
      %mul3A_280 = arith.constant 128 : i32
      %mul3A_281 = arith.muli %add3A_265, %mul3A_280 : i32
      %dma_wait3A_282 = tpu.memref_slice %arg6[%mul3A_281] : memref<10000xi32, #tpu.memory_space<vmem>> -> memref<128xi32, #tpu.memory_space<vmem>>
      %dma_wait3A_283 = arith.constant 0 : i32
      %dma_wait3A_284 = arith.constant 0 : i32
      %dma_wait3A_285 = tpu.memref_slice %arg2[%dma_wait3A_283, %dma_wait3A_284] : memref<10000x16xf32, #tpu.memory_space<hbm>> -> memref<10000x16xf32, #tpu.memory_space<hbm>>
      tpu.wait_indirect_dma semaphore(%arg29 : memref<!tpu.dma_semaphore, #tpu.memory_space<semaphore_mem>>) src(%dma_wait3A_285 : memref<10000x16xf32, #tpu.memory_space<hbm>>) dst(%arg14 : memref<128x16xf32, #tpu.memory_space<vmem>>)
      %mul3A_286 = arith.constant 128 : i32
      %mul3A_287 = arith.muli %add3A_265, %mul3A_286 : i32
      %dma_start3A_288 = tpu.memref_slice %arg7[%mul3A_287] : memref<10000xi32, #tpu.memory_space<vmem>> -> memref<128xi32, #tpu.memory_space<vmem>>
      %dma_start3A_289 = arith.constant 0 : i32
      %dma_start3A_290 = arith.constant 0 : i32
      %dma_start3A_291 = tpu.memref_slice %arg22[%dma_start3A_289, %dma_start3A_290] : memref<10112x16xf32, #tpu.memory_space<vmem_shared>> -> memref<10112x16xf32, #tpu.memory_space<vmem_shared>>
      tpu.enqueue_indirect_dma source(%arg14 : memref<128x16xf32, #tpu.memory_space<vmem>>) target(%dma_start3A_291 : memref<10112x16xf32, #tpu.memory_space<vmem_shared>>) offsets(%dma_start3A_288 : memref<128xi32, #tpu.memory_space<vmem>>) semaphore(%arg42 : memref<!tpu.dma_semaphore, #tpu.memory_space<semaphore_mem>>) {add = true}
      %mul3A_292 = arith.constant 13 : i32
      %mul3A_293 = arith.muli %scan3A_85, %mul3A_292 : i32
      %add3A_294 = arith.constant 7 : i32
      %add3A_295 = arith.addi %mul3A_293, %add3A_294 : i32
      %add3A_296 = arith.constant 8 : i32
      %add3A_297 = arith.addi %add3A_295, %add3A_296 : i32
      %ge3A_298 = arith.constant 13 : i32
      %ge3A_299 = arith.cmpi sge, %add3A_297, %ge3A_298 : i32
      %convert_element_type3A_300 = arith.extui %ge3A_299 : i1 to i32
      %cond3A_301 = arith.constant 0 : i32
      %cond3A_302 = arith.cmpi ne, %convert_element_type3A_300, %cond3A_301 : i32
      scf.if %cond3A_302 {
        %add3A_472 = arith.constant 8 : i32
        %add3A_473 = arith.addi %add3A_295, %add3A_472 : i32
        %sub3A = arith.constant 13 : i32
        %sub3A_474 = arith.subi %add3A_473, %sub3A : i32
        %mul3A_475 = arith.constant 128 : i32
        %mul3A_476 = arith.muli %sub3A_474, %mul3A_475 : i32
        %dma_wait3A_477 = tpu.memref_slice %arg7[%mul3A_476] : memref<10000xi32, #tpu.memory_space<vmem>> -> memref<128xi32, #tpu.memory_space<vmem>>
        %dma_wait3A_478 = arith.constant 0 : i32
        %dma_wait3A_479 = arith.constant 0 : i32
        %dma_wait3A_480 = tpu.memref_slice %arg22[%dma_wait3A_478, %dma_wait3A_479] : memref<10112x16xf32, #tpu.memory_space<vmem_shared>> -> memref<10112x16xf32, #tpu.memory_space<vmem_shared>>
        tpu.wait_indirect_dma semaphore(%arg38 : memref<!tpu.dma_semaphore, #tpu.memory_space<semaphore_mem>>) src(%arg10 : memref<128x16xf32, #tpu.memory_space<vmem>>) dst(%dma_wait3A_480 : memref<10112x16xf32, #tpu.memory_space<vmem_shared>>)
      } else {
      }
      %add3A_303 = arith.constant 8 : i32
      %add3A_304 = arith.addi %add3A_295, %add3A_303 : i32
      %lt3A_305 = arith.constant 78 : i32
      %lt3A_306 = arith.cmpi slt, %add3A_304, %lt3A_305 : i32
      %convert_element_type3A_307 = arith.extui %lt3A_306 : i1 to i32
      %cond3A_308 = arith.constant 0 : i32
      %cond3A_309 = arith.cmpi ne, %convert_element_type3A_307, %cond3A_308 : i32
      scf.if %cond3A_309 {
        %add3A_472 = arith.constant 8 : i32
        %add3A_473 = arith.addi %add3A_295, %add3A_472 : i32
        %mul3A_474 = arith.constant 128 : i32
        %mul3A_475 = arith.muli %add3A_473, %mul3A_474 : i32
        %dma_start3A_476 = tpu.memref_slice %arg6[%mul3A_475] : memref<10000xi32, #tpu.memory_space<vmem>> -> memref<128xi32, #tpu.memory_space<vmem>>
        %dma_start3A_477 = arith.constant 0 : i32
        %dma_start3A_478 = arith.constant 0 : i32
        %dma_start3A_479 = tpu.memref_slice %arg2[%dma_start3A_477, %dma_start3A_478] : memref<10000x16xf32, #tpu.memory_space<hbm>> -> memref<10000x16xf32, #tpu.memory_space<hbm>>
        tpu.enqueue_indirect_dma source(%dma_start3A_479 : memref<10000x16xf32, #tpu.memory_space<hbm>>) target(%arg10 : memref<128x16xf32, #tpu.memory_space<vmem>>) offsets(%dma_start3A_476 : memref<128xi32, #tpu.memory_space<vmem>>) semaphore(%arg25 : memref<!tpu.dma_semaphore, #tpu.memory_space<semaphore_mem>>)
      } else {
      }
      %mul3A_310 = arith.constant 128 : i32
      %mul3A_311 = arith.muli %add3A_295, %mul3A_310 : i32
      %dma_wait3A_312 = tpu.memref_slice %arg6[%mul3A_311] : memref<10000xi32, #tpu.memory_space<vmem>> -> memref<128xi32, #tpu.memory_space<vmem>>
      %dma_wait3A_313 = arith.constant 0 : i32
      %dma_wait3A_314 = arith.constant 0 : i32
      %dma_wait3A_315 = tpu.memref_slice %arg2[%dma_wait3A_313, %dma_wait3A_314] : memref<10000x16xf32, #tpu.memory_space<hbm>> -> memref<10000x16xf32, #tpu.memory_space<hbm>>
      tpu.wait_indirect_dma semaphore(%arg30 : memref<!tpu.dma_semaphore, #tpu.memory_space<semaphore_mem>>) src(%dma_wait3A_315 : memref<10000x16xf32, #tpu.memory_space<hbm>>) dst(%arg15 : memref<128x16xf32, #tpu.memory_space<vmem>>)
      %mul3A_316 = arith.constant 128 : i32
      %mul3A_317 = arith.muli %add3A_295, %mul3A_316 : i32
      %dma_start3A_318 = tpu.memref_slice %arg7[%mul3A_317] : memref<10000xi32, #tpu.memory_space<vmem>> -> memref<128xi32, #tpu.memory_space<vmem>>
      %dma_start3A_319 = arith.constant 0 : i32
      %dma_start3A_320 = arith.constant 0 : i32
      %dma_start3A_321 = tpu.memref_slice %arg22[%dma_start3A_319, %dma_start3A_320] : memref<10112x16xf32, #tpu.memory_space<vmem_shared>> -> memref<10112x16xf32, #tpu.memory_space<vmem_shared>>
      tpu.enqueue_indirect_dma source(%arg15 : memref<128x16xf32, #tpu.memory_space<vmem>>) target(%dma_start3A_321 : memref<10112x16xf32, #tpu.memory_space<vmem_shared>>) offsets(%dma_start3A_318 : memref<128xi32, #tpu.memory_space<vmem>>) semaphore(%arg43 : memref<!tpu.dma_semaphore, #tpu.memory_space<semaphore_mem>>) {add = true}
      %mul3A_322 = arith.constant 13 : i32
      %mul3A_323 = arith.muli %scan3A_85, %mul3A_322 : i32
      %add3A_324 = arith.constant 8 : i32
      %add3A_325 = arith.addi %mul3A_323, %add3A_324 : i32
      %add3A_326 = arith.constant 8 : i32
      %add3A_327 = arith.addi %add3A_325, %add3A_326 : i32
      %ge3A_328 = arith.constant 13 : i32
      %ge3A_329 = arith.cmpi sge, %add3A_327, %ge3A_328 : i32
      %convert_element_type3A_330 = arith.extui %ge3A_329 : i1 to i32
      %cond3A_331 = arith.constant 0 : i32
      %cond3A_332 = arith.cmpi ne, %convert_element_type3A_330, %cond3A_331 : i32
      scf.if %cond3A_332 {
        %add3A_472 = arith.constant 8 : i32
        %add3A_473 = arith.addi %add3A_325, %add3A_472 : i32
        %sub3A = arith.constant 13 : i32
        %sub3A_474 = arith.subi %add3A_473, %sub3A : i32
        %mul3A_475 = arith.constant 128 : i32
        %mul3A_476 = arith.muli %sub3A_474, %mul3A_475 : i32
        %dma_wait3A_477 = tpu.memref_slice %arg7[%mul3A_476] : memref<10000xi32, #tpu.memory_space<vmem>> -> memref<128xi32, #tpu.memory_space<vmem>>
        %dma_wait3A_478 = arith.constant 0 : i32
        %dma_wait3A_479 = arith.constant 0 : i32
        %dma_wait3A_480 = tpu.memref_slice %arg22[%dma_wait3A_478, %dma_wait3A_479] : memref<10112x16xf32, #tpu.memory_space<vmem_shared>> -> memref<10112x16xf32, #tpu.memory_space<vmem_shared>>
        tpu.wait_indirect_dma semaphore(%arg39 : memref<!tpu.dma_semaphore, #tpu.memory_space<semaphore_mem>>) src(%arg11 : memref<128x16xf32, #tpu.memory_space<vmem>>) dst(%dma_wait3A_480 : memref<10112x16xf32, #tpu.memory_space<vmem_shared>>)
      } else {
      }
      %add3A_333 = arith.constant 8 : i32
      %add3A_334 = arith.addi %add3A_325, %add3A_333 : i32
      %lt3A_335 = arith.constant 78 : i32
      %lt3A_336 = arith.cmpi slt, %add3A_334, %lt3A_335 : i32
      %convert_element_type3A_337 = arith.extui %lt3A_336 : i1 to i32
      %cond3A_338 = arith.constant 0 : i32
      %cond3A_339 = arith.cmpi ne, %convert_element_type3A_337, %cond3A_338 : i32
      scf.if %cond3A_339 {
        %add3A_472 = arith.constant 8 : i32
        %add3A_473 = arith.addi %add3A_325, %add3A_472 : i32
        %mul3A_474 = arith.constant 128 : i32
        %mul3A_475 = arith.muli %add3A_473, %mul3A_474 : i32
        %dma_start3A_476 = tpu.memref_slice %arg6[%mul3A_475] : memref<10000xi32, #tpu.memory_space<vmem>> -> memref<128xi32, #tpu.memory_space<vmem>>
        %dma_start3A_477 = arith.constant 0 : i32
        %dma_start3A_478 = arith.constant 0 : i32
        %dma_start3A_479 = tpu.memref_slice %arg2[%dma_start3A_477, %dma_start3A_478] : memref<10000x16xf32, #tpu.memory_space<hbm>> -> memref<10000x16xf32, #tpu.memory_space<hbm>>
        tpu.enqueue_indirect_dma source(%dma_start3A_479 : memref<10000x16xf32, #tpu.memory_space<hbm>>) target(%arg11 : memref<128x16xf32, #tpu.memory_space<vmem>>) offsets(%dma_start3A_476 : memref<128xi32, #tpu.memory_space<vmem>>) semaphore(%arg26 : memref<!tpu.dma_semaphore, #tpu.memory_space<semaphore_mem>>)
      } else {
      }
      %mul3A_340 = arith.constant 128 : i32
      %mul3A_341 = arith.muli %add3A_325, %mul3A_340 : i32
      %dma_wait3A_342 = tpu.memref_slice %arg6[%mul3A_341] : memref<10000xi32, #tpu.memory_space<vmem>> -> memref<128xi32, #tpu.memory_space<vmem>>
      %dma_wait3A_343 = arith.constant 0 : i32
      %dma_wait3A_344 = arith.constant 0 : i32
      %dma_wait3A_345 = tpu.memref_slice %arg2[%dma_wait3A_343, %dma_wait3A_344] : memref<10000x16xf32, #tpu.memory_space<hbm>> -> memref<10000x16xf32, #tpu.memory_space<hbm>>
      tpu.wait_indirect_dma semaphore(%arg31 : memref<!tpu.dma_semaphore, #tpu.memory_space<semaphore_mem>>) src(%dma_wait3A_345 : memref<10000x16xf32, #tpu.memory_space<hbm>>) dst(%arg16 : memref<128x16xf32, #tpu.memory_space<vmem>>)
      %mul3A_346 = arith.constant 128 : i32
      %mul3A_347 = arith.muli %add3A_325, %mul3A_346 : i32
      %dma_start3A_348 = tpu.memref_slice %arg7[%mul3A_347] : memref<10000xi32, #tpu.memory_space<vmem>> -> memref<128xi32, #tpu.memory_space<vmem>>
      %dma_start3A_349 = arith.constant 0 : i32
      %dma_start3A_350 = arith.constant 0 : i32
      %dma_start3A_351 = tpu.memref_slice %arg22[%dma_start3A_349, %dma_start3A_350] : memref<10112x16xf32, #tpu.memory_space<vmem_shared>> -> memref<10112x16xf32, #tpu.memory_space<vmem_shared>>
      tpu.enqueue_indirect_dma source(%arg16 : memref<128x16xf32, #tpu.memory_space<vmem>>) target(%dma_start3A_351 : memref<10112x16xf32, #tpu.memory_space<vmem_shared>>) offsets(%dma_start3A_348 : memref<128xi32, #tpu.memory_space<vmem>>) semaphore(%arg44 : memref<!tpu.dma_semaphore, #tpu.memory_space<semaphore_mem>>) {add = true}
      %mul3A_352 = arith.constant 13 : i32
      %mul3A_353 = arith.muli %scan3A_85, %mul3A_352 : i32
      %add3A_354 = arith.constant 9 : i32
      %add3A_355 = arith.addi %mul3A_353, %add3A_354 : i32
      %add3A_356 = arith.constant 8 : i32
      %add3A_357 = arith.addi %add3A_355, %add3A_356 : i32
      %ge3A_358 = arith.constant 13 : i32
      %ge3A_359 = arith.cmpi sge, %add3A_357, %ge3A_358 : i32
      %convert_element_type3A_360 = arith.extui %ge3A_359 : i1 to i32
      %cond3A_361 = arith.constant 0 : i32
      %cond3A_362 = arith.cmpi ne, %convert_element_type3A_360, %cond3A_361 : i32
      scf.if %cond3A_362 {
        %add3A_472 = arith.constant 8 : i32
        %add3A_473 = arith.addi %add3A_355, %add3A_472 : i32
        %sub3A = arith.constant 13 : i32
        %sub3A_474 = arith.subi %add3A_473, %sub3A : i32
        %mul3A_475 = arith.constant 128 : i32
        %mul3A_476 = arith.muli %sub3A_474, %mul3A_475 : i32
        %dma_wait3A_477 = tpu.memref_slice %arg7[%mul3A_476] : memref<10000xi32, #tpu.memory_space<vmem>> -> memref<128xi32, #tpu.memory_space<vmem>>
        %dma_wait3A_478 = arith.constant 0 : i32
        %dma_wait3A_479 = arith.constant 0 : i32
        %dma_wait3A_480 = tpu.memref_slice %arg22[%dma_wait3A_478, %dma_wait3A_479] : memref<10112x16xf32, #tpu.memory_space<vmem_shared>> -> memref<10112x16xf32, #tpu.memory_space<vmem_shared>>
        tpu.wait_indirect_dma semaphore(%arg40 : memref<!tpu.dma_semaphore, #tpu.memory_space<semaphore_mem>>) src(%arg12 : memref<128x16xf32, #tpu.memory_space<vmem>>) dst(%dma_wait3A_480 : memref<10112x16xf32, #tpu.memory_space<vmem_shared>>)
      } else {
      }
      %add3A_363 = arith.constant 8 : i32
      %add3A_364 = arith.addi %add3A_355, %add3A_363 : i32
      %lt3A_365 = arith.constant 78 : i32
      %lt3A_366 = arith.cmpi slt, %add3A_364, %lt3A_365 : i32
      %convert_element_type3A_367 = arith.extui %lt3A_366 : i1 to i32
      %cond3A_368 = arith.constant 0 : i32
      %cond3A_369 = arith.cmpi ne, %convert_element_type3A_367, %cond3A_368 : i32
      scf.if %cond3A_369 {
        %add3A_472 = arith.constant 8 : i32
        %add3A_473 = arith.addi %add3A_355, %add3A_472 : i32
        %mul3A_474 = arith.constant 128 : i32
        %mul3A_475 = arith.muli %add3A_473, %mul3A_474 : i32
        %dma_start3A_476 = tpu.memref_slice %arg6[%mul3A_475] : memref<10000xi32, #tpu.memory_space<vmem>> -> memref<128xi32, #tpu.memory_space<vmem>>
        %dma_start3A_477 = arith.constant 0 : i32
        %dma_start3A_478 = arith.constant 0 : i32
        %dma_start3A_479 = tpu.memref_slice %arg2[%dma_start3A_477, %dma_start3A_478] : memref<10000x16xf32, #tpu.memory_space<hbm>> -> memref<10000x16xf32, #tpu.memory_space<hbm>>
        tpu.enqueue_indirect_dma source(%dma_start3A_479 : memref<10000x16xf32, #tpu.memory_space<hbm>>) target(%arg12 : memref<128x16xf32, #tpu.memory_space<vmem>>) offsets(%dma_start3A_476 : memref<128xi32, #tpu.memory_space<vmem>>) semaphore(%arg27 : memref<!tpu.dma_semaphore, #tpu.memory_space<semaphore_mem>>)
      } else {
      }
      %mul3A_370 = arith.constant 128 : i32
      %mul3A_371 = arith.muli %add3A_355, %mul3A_370 : i32
      %dma_wait3A_372 = tpu.memref_slice %arg6[%mul3A_371] : memref<10000xi32, #tpu.memory_space<vmem>> -> memref<128xi32, #tpu.memory_space<vmem>>
      %dma_wait3A_373 = arith.constant 0 : i32
      %dma_wait3A_374 = arith.constant 0 : i32
      %dma_wait3A_375 = tpu.memref_slice %arg2[%dma_wait3A_373, %dma_wait3A_374] : memref<10000x16xf32, #tpu.memory_space<hbm>> -> memref<10000x16xf32, #tpu.memory_space<hbm>>
      tpu.wait_indirect_dma semaphore(%arg32 : memref<!tpu.dma_semaphore, #tpu.memory_space<semaphore_mem>>) src(%dma_wait3A_375 : memref<10000x16xf32, #tpu.memory_space<hbm>>) dst(%arg17 : memref<128x16xf32, #tpu.memory_space<vmem>>)
      %mul3A_376 = arith.constant 128 : i32
      %mul3A_377 = arith.muli %add3A_355, %mul3A_376 : i32
      %dma_start3A_378 = tpu.memref_slice %arg7[%mul3A_377] : memref<10000xi32, #tpu.memory_space<vmem>> -> memref<128xi32, #tpu.memory_space<vmem>>
      %dma_start3A_379 = arith.constant 0 : i32
      %dma_start3A_380 = arith.constant 0 : i32
      %dma_start3A_381 = tpu.memref_slice %arg22[%dma_start3A_379, %dma_start3A_380] : memref<10112x16xf32, #tpu.memory_space<vmem_shared>> -> memref<10112x16xf32, #tpu.memory_space<vmem_shared>>
      tpu.enqueue_indirect_dma source(%arg17 : memref<128x16xf32, #tpu.memory_space<vmem>>) target(%dma_start3A_381 : memref<10112x16xf32, #tpu.memory_space<vmem_shared>>) offsets(%dma_start3A_378 : memref<128xi32, #tpu.memory_space<vmem>>) semaphore(%arg45 : memref<!tpu.dma_semaphore, #tpu.memory_space<semaphore_mem>>) {add = true}
      %mul3A_382 = arith.constant 13 : i32
      %mul3A_383 = arith.muli %scan3A_85, %mul3A_382 : i32
      %add3A_384 = arith.constant 10 : i32
      %add3A_385 = arith.addi %mul3A_383, %add3A_384 : i32
      %add3A_386 = arith.constant 8 : i32
      %add3A_387 = arith.addi %add3A_385, %add3A_386 : i32
      %ge3A_388 = arith.constant 13 : i32
      %ge3A_389 = arith.cmpi sge, %add3A_387, %ge3A_388 : i32
      %convert_element_type3A_390 = arith.extui %ge3A_389 : i1 to i32
      %cond3A_391 = arith.constant 0 : i32
      %cond3A_392 = arith.cmpi ne, %convert_element_type3A_390, %cond3A_391 : i32
      scf.if %cond3A_392 {
        %add3A_472 = arith.constant 8 : i32
        %add3A_473 = arith.addi %add3A_385, %add3A_472 : i32
        %sub3A = arith.constant 13 : i32
        %sub3A_474 = arith.subi %add3A_473, %sub3A : i32
        %mul3A_475 = arith.constant 128 : i32
        %mul3A_476 = arith.muli %sub3A_474, %mul3A_475 : i32
        %dma_wait3A_477 = tpu.memref_slice %arg7[%mul3A_476] : memref<10000xi32, #tpu.memory_space<vmem>> -> memref<128xi32, #tpu.memory_space<vmem>>
        %dma_wait3A_478 = arith.constant 0 : i32
        %dma_wait3A_479 = arith.constant 0 : i32
        %dma_wait3A_480 = tpu.memref_slice %arg22[%dma_wait3A_478, %dma_wait3A_479] : memref<10112x16xf32, #tpu.memory_space<vmem_shared>> -> memref<10112x16xf32, #tpu.memory_space<vmem_shared>>
        tpu.wait_indirect_dma semaphore(%arg41 : memref<!tpu.dma_semaphore, #tpu.memory_space<semaphore_mem>>) src(%arg13 : memref<128x16xf32, #tpu.memory_space<vmem>>) dst(%dma_wait3A_480 : memref<10112x16xf32, #tpu.memory_space<vmem_shared>>)
      } else {
      }
      %add3A_393 = arith.constant 8 : i32
      %add3A_394 = arith.addi %add3A_385, %add3A_393 : i32
      %lt3A_395 = arith.constant 78 : i32
      %lt3A_396 = arith.cmpi slt, %add3A_394, %lt3A_395 : i32
      %convert_element_type3A_397 = arith.extui %lt3A_396 : i1 to i32
      %cond3A_398 = arith.constant 0 : i32
      %cond3A_399 = arith.cmpi ne, %convert_element_type3A_397, %cond3A_398 : i32
      scf.if %cond3A_399 {
        %add3A_472 = arith.constant 8 : i32
        %add3A_473 = arith.addi %add3A_385, %add3A_472 : i32
        %mul3A_474 = arith.constant 128 : i32
        %mul3A_475 = arith.muli %add3A_473, %mul3A_474 : i32
        %dma_start3A_476 = tpu.memref_slice %arg6[%mul3A_475] : memref<10000xi32, #tpu.memory_space<vmem>> -> memref<128xi32, #tpu.memory_space<vmem>>
        %dma_start3A_477 = arith.constant 0 : i32
        %dma_start3A_478 = arith.constant 0 : i32
        %dma_start3A_479 = tpu.memref_slice %arg2[%dma_start3A_477, %dma_start3A_478] : memref<10000x16xf32, #tpu.memory_space<hbm>> -> memref<10000x16xf32, #tpu.memory_space<hbm>>
        tpu.enqueue_indirect_dma source(%dma_start3A_479 : memref<10000x16xf32, #tpu.memory_space<hbm>>) target(%arg13 : memref<128x16xf32, #tpu.memory_space<vmem>>) offsets(%dma_start3A_476 : memref<128xi32, #tpu.memory_space<vmem>>) semaphore(%arg28 : memref<!tpu.dma_semaphore, #tpu.memory_space<semaphore_mem>>)
      } else {
      }
      %mul3A_400 = arith.constant 128 : i32
      %mul3A_401 = arith.muli %add3A_385, %mul3A_400 : i32
      %dma_wait3A_402 = tpu.memref_slice %arg6[%mul3A_401] : memref<10000xi32, #tpu.memory_space<vmem>> -> memref<128xi32, #tpu.memory_space<vmem>>
      %dma_wait3A_403 = arith.constant 0 : i32
      %dma_wait3A_404 = arith.constant 0 : i32
      %dma_wait3A_405 = tpu.memref_slice %arg2[%dma_wait3A_403, %dma_wait3A_404] : memref<10000x16xf32, #tpu.memory_space<hbm>> -> memref<10000x16xf32, #tpu.memory_space<hbm>>
      tpu.wait_indirect_dma semaphore(%arg33 : memref<!tpu.dma_semaphore, #tpu.memory_space<semaphore_mem>>) src(%dma_wait3A_405 : memref<10000x16xf32, #tpu.memory_space<hbm>>) dst(%arg18 : memref<128x16xf32, #tpu.memory_space<vmem>>)
      %mul3A_406 = arith.constant 128 : i32
      %mul3A_407 = arith.muli %add3A_385, %mul3A_406 : i32
      %dma_start3A_408 = tpu.memref_slice %arg7[%mul3A_407] : memref<10000xi32, #tpu.memory_space<vmem>> -> memref<128xi32, #tpu.memory_space<vmem>>
      %dma_start3A_409 = arith.constant 0 : i32
      %dma_start3A_410 = arith.constant 0 : i32
      %dma_start3A_411 = tpu.memref_slice %arg22[%dma_start3A_409, %dma_start3A_410] : memref<10112x16xf32, #tpu.memory_space<vmem_shared>> -> memref<10112x16xf32, #tpu.memory_space<vmem_shared>>
      tpu.enqueue_indirect_dma source(%arg18 : memref<128x16xf32, #tpu.memory_space<vmem>>) target(%dma_start3A_411 : memref<10112x16xf32, #tpu.memory_space<vmem_shared>>) offsets(%dma_start3A_408 : memref<128xi32, #tpu.memory_space<vmem>>) semaphore(%arg46 : memref<!tpu.dma_semaphore, #tpu.memory_space<semaphore_mem>>) {add = true}
      %mul3A_412 = arith.constant 13 : i32
      %mul3A_413 = arith.muli %scan3A_85, %mul3A_412 : i32
      %add3A_414 = arith.constant 11 : i32
      %add3A_415 = arith.addi %mul3A_413, %add3A_414 : i32
      %add3A_416 = arith.constant 8 : i32
      %add3A_417 = arith.addi %add3A_415, %add3A_416 : i32
      %ge3A_418 = arith.constant 13 : i32
      %ge3A_419 = arith.cmpi sge, %add3A_417, %ge3A_418 : i32
      %convert_element_type3A_420 = arith.extui %ge3A_419 : i1 to i32
      %cond3A_421 = arith.constant 0 : i32
      %cond3A_422 = arith.cmpi ne, %convert_element_type3A_420, %cond3A_421 : i32
      scf.if %cond3A_422 {
        %add3A_472 = arith.constant 8 : i32
        %add3A_473 = arith.addi %add3A_415, %add3A_472 : i32
        %sub3A = arith.constant 13 : i32
        %sub3A_474 = arith.subi %add3A_473, %sub3A : i32
        %mul3A_475 = arith.constant 128 : i32
        %mul3A_476 = arith.muli %sub3A_474, %mul3A_475 : i32
        %dma_wait3A_477 = tpu.memref_slice %arg7[%mul3A_476] : memref<10000xi32, #tpu.memory_space<vmem>> -> memref<128xi32, #tpu.memory_space<vmem>>
        %dma_wait3A_478 = arith.constant 0 : i32
        %dma_wait3A_479 = arith.constant 0 : i32
        %dma_wait3A_480 = tpu.memref_slice %arg22[%dma_wait3A_478, %dma_wait3A_479] : memref<10112x16xf32, #tpu.memory_space<vmem_shared>> -> memref<10112x16xf32, #tpu.memory_space<vmem_shared>>
        tpu.wait_indirect_dma semaphore(%arg42 : memref<!tpu.dma_semaphore, #tpu.memory_space<semaphore_mem>>) src(%arg14 : memref<128x16xf32, #tpu.memory_space<vmem>>) dst(%dma_wait3A_480 : memref<10112x16xf32, #tpu.memory_space<vmem_shared>>)
      } else {
      }
      %add3A_423 = arith.constant 8 : i32
      %add3A_424 = arith.addi %add3A_415, %add3A_423 : i32
      %lt3A_425 = arith.constant 78 : i32
      %lt3A_426 = arith.cmpi slt, %add3A_424, %lt3A_425 : i32
      %convert_element_type3A_427 = arith.extui %lt3A_426 : i1 to i32
      %cond3A_428 = arith.constant 0 : i32
      %cond3A_429 = arith.cmpi ne, %convert_element_type3A_427, %cond3A_428 : i32
      scf.if %cond3A_429 {
        %add3A_472 = arith.constant 8 : i32
        %add3A_473 = arith.addi %add3A_415, %add3A_472 : i32
        %mul3A_474 = arith.constant 128 : i32
        %mul3A_475 = arith.muli %add3A_473, %mul3A_474 : i32
        %dma_start3A_476 = tpu.memref_slice %arg6[%mul3A_475] : memref<10000xi32, #tpu.memory_space<vmem>> -> memref<128xi32, #tpu.memory_space<vmem>>
        %dma_start3A_477 = arith.constant 0 : i32
        %dma_start3A_478 = arith.constant 0 : i32
        %dma_start3A_479 = tpu.memref_slice %arg2[%dma_start3A_477, %dma_start3A_478] : memref<10000x16xf32, #tpu.memory_space<hbm>> -> memref<10000x16xf32, #tpu.memory_space<hbm>>
        tpu.enqueue_indirect_dma source(%dma_start3A_479 : memref<10000x16xf32, #tpu.memory_space<hbm>>) target(%arg14 : memref<128x16xf32, #tpu.memory_space<vmem>>) offsets(%dma_start3A_476 : memref<128xi32, #tpu.memory_space<vmem>>) semaphore(%arg29 : memref<!tpu.dma_semaphore, #tpu.memory_space<semaphore_mem>>)
      } else {
      }
      %mul3A_430 = arith.constant 128 : i32
      %mul3A_431 = arith.muli %add3A_415, %mul3A_430 : i32
      %dma_wait3A_432 = tpu.memref_slice %arg6[%mul3A_431] : memref<10000xi32, #tpu.memory_space<vmem>> -> memref<128xi32, #tpu.memory_space<vmem>>
      %dma_wait3A_433 = arith.constant 0 : i32
      %dma_wait3A_434 = arith.constant 0 : i32
      %dma_wait3A_435 = tpu.memref_slice %arg2[%dma_wait3A_433, %dma_wait3A_434] : memref<10000x16xf32, #tpu.memory_space<hbm>> -> memref<10000x16xf32, #tpu.memory_space<hbm>>
      tpu.wait_indirect_dma semaphore(%arg34 : memref<!tpu.dma_semaphore, #tpu.memory_space<semaphore_mem>>) src(%dma_wait3A_435 : memref<10000x16xf32, #tpu.memory_space<hbm>>) dst(%arg19 : memref<128x16xf32, #tpu.memory_space<vmem>>)
      %mul3A_436 = arith.constant 128 : i32
      %mul3A_437 = arith.muli %add3A_415, %mul3A_436 : i32
      %dma_start3A_438 = tpu.memref_slice %arg7[%mul3A_437] : memref<10000xi32, #tpu.memory_space<vmem>> -> memref<128xi32, #tpu.memory_space<vmem>>
      %dma_start3A_439 = arith.constant 0 : i32
      %dma_start3A_440 = arith.constant 0 : i32
      %dma_start3A_441 = tpu.memref_slice %arg22[%dma_start3A_439, %dma_start3A_440] : memref<10112x16xf32, #tpu.memory_space<vmem_shared>> -> memref<10112x16xf32, #tpu.memory_space<vmem_shared>>
      tpu.enqueue_indirect_dma source(%arg19 : memref<128x16xf32, #tpu.memory_space<vmem>>) target(%dma_start3A_441 : memref<10112x16xf32, #tpu.memory_space<vmem_shared>>) offsets(%dma_start3A_438 : memref<128xi32, #tpu.memory_space<vmem>>) semaphore(%arg47 : memref<!tpu.dma_semaphore, #tpu.memory_space<semaphore_mem>>) {add = true}
      %mul3A_442 = arith.constant 13 : i32
      %mul3A_443 = arith.muli %scan3A_85, %mul3A_442 : i32
      %add3A_444 = arith.constant 12 : i32
      %add3A_445 = arith.addi %mul3A_443, %add3A_444 : i32
      %add3A_446 = arith.constant 8 : i32
      %add3A_447 = arith.addi %add3A_445, %add3A_446 : i32
      %ge3A_448 = arith.constant 13 : i32
      %ge3A_449 = arith.cmpi sge, %add3A_447, %ge3A_448 : i32
      %convert_element_type3A_450 = arith.extui %ge3A_449 : i1 to i32
      %cond3A_451 = arith.constant 0 : i32
      %cond3A_452 = arith.cmpi ne, %convert_element_type3A_450, %cond3A_451 : i32
      scf.if %cond3A_452 {
        %add3A_472 = arith.constant 8 : i32
        %add3A_473 = arith.addi %add3A_445, %add3A_472 : i32
        %sub3A = arith.constant 13 : i32
        %sub3A_474 = arith.subi %add3A_473, %sub3A : i32
        %mul3A_475 = arith.constant 128 : i32
        %mul3A_476 = arith.muli %sub3A_474, %mul3A_475 : i32
        %dma_wait3A_477 = tpu.memref_slice %arg7[%mul3A_476] : memref<10000xi32, #tpu.memory_space<vmem>> -> memref<128xi32, #tpu.memory_space<vmem>>
        %dma_wait3A_478 = arith.constant 0 : i32
        %dma_wait3A_479 = arith.constant 0 : i32
        %dma_wait3A_480 = tpu.memref_slice %arg22[%dma_wait3A_478, %dma_wait3A_479] : memref<10112x16xf32, #tpu.memory_space<vmem_shared>> -> memref<10112x16xf32, #tpu.memory_space<vmem_shared>>
        tpu.wait_indirect_dma semaphore(%arg43 : memref<!tpu.dma_semaphore, #tpu.memory_space<semaphore_mem>>) src(%arg15 : memref<128x16xf32, #tpu.memory_space<vmem>>) dst(%dma_wait3A_480 : memref<10112x16xf32, #tpu.memory_space<vmem_shared>>)
      } else {
      }
      %add3A_453 = arith.constant 8 : i32
      %add3A_454 = arith.addi %add3A_445, %add3A_453 : i32
      %lt3A_455 = arith.constant 78 : i32
      %lt3A_456 = arith.cmpi slt, %add3A_454, %lt3A_455 : i32
      %convert_element_type3A_457 = arith.extui %lt3A_456 : i1 to i32
      %cond3A_458 = arith.constant 0 : i32
      %cond3A_459 = arith.cmpi ne, %convert_element_type3A_457, %cond3A_458 : i32
      scf.if %cond3A_459 {
        %add3A_472 = arith.constant 8 : i32
        %add3A_473 = arith.addi %add3A_445, %add3A_472 : i32
        %mul3A_474 = arith.constant 128 : i32
        %mul3A_475 = arith.muli %add3A_473, %mul3A_474 : i32
        %dma_start3A_476 = tpu.memref_slice %arg6[%mul3A_475] : memref<10000xi32, #tpu.memory_space<vmem>> -> memref<128xi32, #tpu.memory_space<vmem>>
        %dma_start3A_477 = arith.constant 0 : i32
        %dma_start3A_478 = arith.constant 0 : i32
        %dma_start3A_479 = tpu.memref_slice %arg2[%dma_start3A_477, %dma_start3A_478] : memref<10000x16xf32, #tpu.memory_space<hbm>> -> memref<10000x16xf32, #tpu.memory_space<hbm>>
        tpu.enqueue_indirect_dma source(%dma_start3A_479 : memref<10000x16xf32, #tpu.memory_space<hbm>>) target(%arg15 : memref<128x16xf32, #tpu.memory_space<vmem>>) offsets(%dma_start3A_476 : memref<128xi32, #tpu.memory_space<vmem>>) semaphore(%arg30 : memref<!tpu.dma_semaphore, #tpu.memory_space<semaphore_mem>>)
      } else {
      }
      %mul3A_460 = arith.constant 128 : i32
      %mul3A_461 = arith.muli %add3A_445, %mul3A_460 : i32
      %dma_wait3A_462 = tpu.memref_slice %arg6[%mul3A_461] : memref<10000xi32, #tpu.memory_space<vmem>> -> memref<128xi32, #tpu.memory_space<vmem>>
      %dma_wait3A_463 = arith.constant 0 : i32
      %dma_wait3A_464 = arith.constant 0 : i32
      %dma_wait3A_465 = tpu.memref_slice %arg2[%dma_wait3A_463, %dma_wait3A_464] : memref<10000x16xf32, #tpu.memory_space<hbm>> -> memref<10000x16xf32, #tpu.memory_space<hbm>>
      tpu.wait_indirect_dma semaphore(%arg35 : memref<!tpu.dma_semaphore, #tpu.memory_space<semaphore_mem>>) src(%dma_wait3A_465 : memref<10000x16xf32, #tpu.memory_space<hbm>>) dst(%arg20 : memref<128x16xf32, #tpu.memory_space<vmem>>)
      %mul3A_466 = arith.constant 128 : i32
      %mul3A_467 = arith.muli %add3A_445, %mul3A_466 : i32
      %dma_start3A_468 = tpu.memref_slice %arg7[%mul3A_467] : memref<10000xi32, #tpu.memory_space<vmem>> -> memref<128xi32, #tpu.memory_space<vmem>>
      %dma_start3A_469 = arith.constant 0 : i32
      %dma_start3A_470 = arith.constant 0 : i32
      %dma_start3A_471 = tpu.memref_slice %arg22[%dma_start3A_469, %dma_start3A_470] : memref<10112x16xf32, #tpu.memory_space<vmem_shared>> -> memref<10112x16xf32, #tpu.memory_space<vmem_shared>>
      tpu.enqueue_indirect_dma source(%arg20 : memref<128x16xf32, #tpu.memory_space<vmem>>) target(%dma_start3A_471 : memref<10112x16xf32, #tpu.memory_space<vmem_shared>>) offsets(%dma_start3A_468 : memref<128xi32, #tpu.memory_space<vmem>>) semaphore(%arg48 : memref<!tpu.dma_semaphore, #tpu.memory_space<semaphore_mem>>) {add = true}
    }
    %scan3A_49 = arith.constant 6 : i32
    %dma_start3A_50 = arith.constant 9984 : i32
    %dma_start3A_51 = tpu.memref_slice %arg6[%dma_start3A_50] : memref<10000xi32, #tpu.memory_space<vmem>> -> memref<16xi32, #tpu.memory_space<vmem>>
    %dma_start3A_52 = arith.constant 0 : i32
    %dma_start3A_53 = arith.constant 0 : i32
    %dma_start3A_54 = tpu.memref_slice %arg2[%dma_start3A_52, %dma_start3A_53] : memref<10000x16xf32, #tpu.memory_space<hbm>> -> memref<10000x16xf32, #tpu.memory_space<hbm>>
    tpu.enqueue_indirect_dma source(%dma_start3A_54 : memref<10000x16xf32, #tpu.memory_space<hbm>>) target(%arg21 : memref<16x16xf32, #tpu.memory_space<vmem>>) offsets(%dma_start3A_51 : memref<16xi32, #tpu.memory_space<vmem>>) semaphore(%arg30 : memref<!tpu.dma_semaphore, #tpu.memory_space<semaphore_mem>>)
    %dma_wait3A = arith.constant 9344 : i32
    %dma_wait3A_55 = tpu.memref_slice %arg7[%dma_wait3A] : memref<10000xi32, #tpu.memory_space<vmem>> -> memref<128xi32, #tpu.memory_space<vmem>>
    %dma_wait3A_56 = arith.constant 0 : i32
    %dma_wait3A_57 = arith.constant 0 : i32
    %dma_wait3A_58 = tpu.memref_slice %arg22[%dma_wait3A_56, %dma_wait3A_57] : memref<10112x16xf32, #tpu.memory_space<vmem_shared>> -> memref<10112x16xf32, #tpu.memory_space<vmem_shared>>
    tpu.wait_indirect_dma semaphore(%arg44 : memref<!tpu.dma_semaphore, #tpu.memory_space<semaphore_mem>>) src(%arg16 : memref<128x16xf32, #tpu.memory_space<vmem>>) dst(%dma_wait3A_58 : memref<10112x16xf32, #tpu.memory_space<vmem_shared>>)
    %dma_wait3A_59 = arith.constant 9472 : i32
    %dma_wait3A_60 = tpu.memref_slice %arg7[%dma_wait3A_59] : memref<10000xi32, #tpu.memory_space<vmem>> -> memref<128xi32, #tpu.memory_space<vmem>>
    %dma_wait3A_61 = arith.constant 0 : i32
    %dma_wait3A_62 = arith.constant 0 : i32
    %dma_wait3A_63 = tpu.memref_slice %arg22[%dma_wait3A_61, %dma_wait3A_62] : memref<10112x16xf32, #tpu.memory_space<vmem_shared>> -> memref<10112x16xf32, #tpu.memory_space<vmem_shared>>
    tpu.wait_indirect_dma semaphore(%arg45 : memref<!tpu.dma_semaphore, #tpu.memory_space<semaphore_mem>>) src(%arg17 : memref<128x16xf32, #tpu.memory_space<vmem>>) dst(%dma_wait3A_63 : memref<10112x16xf32, #tpu.memory_space<vmem_shared>>)
    %dma_wait3A_64 = arith.constant 9600 : i32
    %dma_wait3A_65 = tpu.memref_slice %arg7[%dma_wait3A_64] : memref<10000xi32, #tpu.memory_space<vmem>> -> memref<128xi32, #tpu.memory_space<vmem>>
    %dma_wait3A_66 = arith.constant 0 : i32
    %dma_wait3A_67 = arith.constant 0 : i32
    %dma_wait3A_68 = tpu.memref_slice %arg22[%dma_wait3A_66, %dma_wait3A_67] : memref<10112x16xf32, #tpu.memory_space<vmem_shared>> -> memref<10112x16xf32, #tpu.memory_space<vmem_shared>>
    tpu.wait_indirect_dma semaphore(%arg46 : memref<!tpu.dma_semaphore, #tpu.memory_space<semaphore_mem>>) src(%arg18 : memref<128x16xf32, #tpu.memory_space<vmem>>) dst(%dma_wait3A_68 : memref<10112x16xf32, #tpu.memory_space<vmem_shared>>)
    %dma_wait3A_69 = arith.constant 9728 : i32
    %dma_wait3A_70 = tpu.memref_slice %arg7[%dma_wait3A_69] : memref<10000xi32, #tpu.memory_space<vmem>> -> memref<128xi32, #tpu.memory_space<vmem>>
    %dma_wait3A_71 = arith.constant 0 : i32
    %dma_wait3A_72 = arith.constant 0 : i32
    %dma_wait3A_73 = tpu.memref_slice %arg22[%dma_wait3A_71, %dma_wait3A_72] : memref<10112x16xf32, #tpu.memory_space<vmem_shared>> -> memref<10112x16xf32, #tpu.memory_space<vmem_shared>>
    tpu.wait_indirect_dma semaphore(%arg47 : memref<!tpu.dma_semaphore, #tpu.memory_space<semaphore_mem>>) src(%arg19 : memref<128x16xf32, #tpu.memory_space<vmem>>) dst(%dma_wait3A_73 : memref<10112x16xf32, #tpu.memory_space<vmem_shared>>)
    %dma_wait3A_74 = arith.constant 9856 : i32
    %dma_wait3A_75 = tpu.memref_slice %arg7[%dma_wait3A_74] : memref<10000xi32, #tpu.memory_space<vmem>> -> memref<128xi32, #tpu.memory_space<vmem>>
    %dma_wait3A_76 = arith.constant 0 : i32
    %dma_wait3A_77 = arith.constant 0 : i32
    %dma_wait3A_78 = tpu.memref_slice %arg22[%dma_wait3A_76, %dma_wait3A_77] : memref<10112x16xf32, #tpu.memory_space<vmem_shared>> -> memref<10112x16xf32, #tpu.memory_space<vmem_shared>>
    tpu.wait_indirect_dma semaphore(%arg48 : memref<!tpu.dma_semaphore, #tpu.memory_space<semaphore_mem>>) src(%arg20 : memref<128x16xf32, #tpu.memory_space<vmem>>) dst(%dma_wait3A_78 : memref<10112x16xf32, #tpu.memory_space<vmem_shared>>)
    %dma_wait3A_79 = arith.constant 9984 : i32
    %dma_wait3A_80 = tpu.memref_slice %arg6[%dma_wait3A_79] : memref<10000xi32, #tpu.memory_space<vmem>> -> memref<16xi32, #tpu.memory_space<vmem>>
    %dma_wait3A_81 = arith.constant 0 : i32
    %dma_wait3A_82 = arith.constant 0 : i32
    %dma_wait3A_83 = tpu.memref_slice %arg2[%dma_wait3A_81, %dma_wait3A_82] : memref<10000x16xf32, #tpu.memory_space<hbm>> -> memref<10000x16xf32, #tpu.memory_space<hbm>>
    tpu.wait_indirect_dma semaphore(%arg30 : memref<!tpu.dma_semaphore, #tpu.memory_space<semaphore_mem>>) src(%dma_wait3A_83 : memref<10000x16xf32, #tpu.memory_space<hbm>>) dst(%arg21 : memref<16x16xf32, #tpu.memory_space<vmem>>)
    "tpu.region"() ({
      %run_scoped3A_85 = tpu.sem_alloc : memref<!tpu.dma_semaphore, #tpu.memory_space<semaphore_mem>>
      %dma_start3A_86 = arith.constant 9984 : i32
      %dma_start3A_87 = tpu.memref_slice %arg7[%dma_start3A_86] : memref<10000xi32, #tpu.memory_space<vmem>> -> memref<16xi32, #tpu.memory_space<vmem>>
      %dma_start3A_88 = arith.constant 0 : i32
      %dma_start3A_89 = arith.constant 0 : i32
      %dma_start3A_90 = tpu.memref_slice %arg22[%dma_start3A_88, %dma_start3A_89] : memref<10112x16xf32, #tpu.memory_space<vmem_shared>> -> memref<10112x16xf32, #tpu.memory_space<vmem_shared>>
      tpu.enqueue_indirect_dma source(%arg21 : memref<16x16xf32, #tpu.memory_space<vmem>>) target(%dma_start3A_90 : memref<10112x16xf32, #tpu.memory_space<vmem_shared>>) offsets(%dma_start3A_87 : memref<16xi32, #tpu.memory_space<vmem>>) semaphore(%run_scoped3A_85 : memref<!tpu.dma_semaphore, #tpu.memory_space<semaphore_mem>>) {add = true}
      %dma_wait3A_91 = arith.constant 9984 : i32
      %dma_wait3A_92 = tpu.memref_slice %arg7[%dma_wait3A_91] : memref<10000xi32, #tpu.memory_space<vmem>> -> memref<16xi32, #tpu.memory_space<vmem>>
      %dma_wait3A_93 = arith.constant 0 : i32
      %dma_wait3A_94 = arith.constant 0 : i32
      %dma_wait3A_95 = tpu.memref_slice %arg22[%dma_wait3A_93, %dma_wait3A_94] : memref<10112x16xf32, #tpu.memory_space<vmem_shared>> -> memref<10112x16xf32, #tpu.memory_space<vmem_shared>>
      tpu.wait_indirect_dma semaphore(%run_scoped3A_85 : memref<!tpu.dma_semaphore, #tpu.memory_space<semaphore_mem>>) src(%arg21 : memref<16x16xf32, #tpu.memory_space<vmem>>) dst(%dma_wait3A_95 : memref<10112x16xf32, #tpu.memory_space<vmem_shared>>)
      tpu.yield
    }) : () -> ()
    %barrier3A_84 = arith.constant 0 : index
    tpu.barrier barrier_id(%barrier3A_84)
    "tpu.region"() ({
      %run_scoped3A_85 = tpu.sem_alloc : memref<!tpu.dma_semaphore, #tpu.memory_space<semaphore_mem>>
      %dma_start3A_86 = arith.constant 0 : i32
      %dma_start3A_87 = arith.constant 0 : i32
      %dma_start3A_88 = tpu.memref_slice %arg5[%arg0, %dma_start3A_86, %dma_start3A_87] : memref<2x10112x16xf32, #tpu.memory_space<hbm>> -> memref<1x10112x16xf32, #tpu.memory_space<hbm>>
      %dma_start3A_89 = tpu.memref_squeeze %dma_start3A_88 : memref<1x10112x16xf32, #tpu.memory_space<hbm>> -> memref<10112x16xf32, #tpu.memory_space<hbm>>
      %dma_start3A_90 = arith.constant 0 : i32
      %dma_start3A_91 = tpu.memref_slice %dma_start3A_89[%mul3A_2, %dma_start3A_90] : memref<10112x16xf32, #tpu.memory_space<hbm>> -> memref<632x16xf32, #tpu.memory_space<hbm>>
      %dma_start3A_92 = arith.constant 0 : i32
      %dma_start3A_93 = tpu.memref_slice %arg22[%mul3A_2, %dma_start3A_92] : memref<10112x16xf32, #tpu.memory_space<vmem_shared>> -> memref<632x16xf32, #tpu.memory_space<vmem_shared>>
      tpu.enqueue_dma source(%dma_start3A_93 : memref<632x16xf32, #tpu.memory_space<vmem_shared>>) target(%dma_start3A_91 : memref<632x16xf32, #tpu.memory_space<hbm>>) target_semaphore(%run_scoped3A_85 : memref<!tpu.dma_semaphore, #tpu.memory_space<semaphore_mem>>)
      %dma_wait3A_94 = arith.constant 0 : i32
      %dma_wait3A_95 = arith.constant 0 : i32
      %dma_wait3A_96 = tpu.memref_slice %arg5[%arg0, %dma_wait3A_94, %dma_wait3A_95] : memref<2x10112x16xf32, #tpu.memory_space<hbm>> -> memref<1x10112x16xf32, #tpu.memory_space<hbm>>
      %dma_wait3A_97 = tpu.memref_squeeze %dma_wait3A_96 : memref<1x10112x16xf32, #tpu.memory_space<hbm>> -> memref<10112x16xf32, #tpu.memory_space<hbm>>
      %dma_wait3A_98 = arith.constant 0 : i32
      %dma_wait3A_99 = tpu.memref_slice %dma_wait3A_97[%mul3A_2, %dma_wait3A_98] : memref<10112x16xf32, #tpu.memory_space<hbm>> -> memref<632x16xf32, #tpu.memory_space<hbm>>
      %dma_wait3A_100 = arith.constant 0 : i32
      %dma_wait3A_101 = tpu.memref_slice %arg22[%mul3A_2, %dma_wait3A_100] : memref<10112x16xf32, #tpu.memory_space<vmem_shared>> -> memref<632x16xf32, #tpu.memory_space<vmem_shared>>
      tpu.wait_dma2 semaphore(%run_scoped3A_85 : memref<!tpu.dma_semaphore, #tpu.memory_space<semaphore_mem>>) src(%dma_wait3A_101 : memref<632x16xf32, #tpu.memory_space<vmem_shared>>) dst(%dma_wait3A_99 : memref<632x16xf32, #tpu.memory_space<hbm>>)
      tpu.yield
    }) : () -> ()
    return
  }
}

#map = affine_map<(d0, d1) -> (0, 0)>
#map1 = affine_map<(d0, d1) -> (0, 0, 0)>
module attributes {stable_mosaic.version = 14 : i64} {
  func.func @segsum(%arg0: i32, %arg1: i32, %arg2: memref<10000x16xf32, #tpu.memory_space<hbm>>, %arg3: memref<10112x16xf32, #tpu.memory_space<hbm>>, %arg4: memref<2x320000xi32, #tpu.memory_space<hbm>>, %arg5: memref<2x10112x16xf32, #tpu.memory_space<hbm>>, %arg6: memref<10000xi32, #tpu.memory_space<vmem>>, %arg7: memref<10000xi32, #tpu.memory_space<vmem>>, %arg8: memref<128x16xf32, #tpu.memory_space<vmem>>, %arg9: memref<128x16xf32, #tpu.memory_space<vmem>>, %arg10: memref<128x16xf32, #tpu.memory_space<vmem>>, %arg11: memref<128x16xf32, #tpu.memory_space<vmem>>, %arg12: memref<128x16xf32, #tpu.memory_space<vmem>>, %arg13: memref<128x16xf32, #tpu.memory_space<vmem>>, %arg14: memref<128x16xf32, #tpu.memory_space<vmem>>, %arg15: memref<128x16xf32, #tpu.memory_space<vmem>>, %arg16: memref<128x16xf32, #tpu.memory_space<vmem>>, %arg17: memref<128x16xf32, #tpu.memory_space<vmem>>, %arg18: memref<128x16xf32, #tpu.memory_space<vmem>>, %arg19: memref<128x16xf32, #tpu.memory_space<vmem>>, %arg20: memref<128x16xf32, #tpu.memory_space<vmem>>, %arg21: memref<16x16xf32, #tpu.memory_space<vmem>>, %arg22: memref<10112x16xf32, #tpu.memory_space<vmem_shared>>, %arg23: memref<!tpu.dma_semaphore, #tpu.memory_space<semaphore_mem>>, %arg24: memref<!tpu.dma_semaphore, #tpu.memory_space<semaphore_mem>>, %arg25: memref<!tpu.dma_semaphore, #tpu.memory_space<semaphore_mem>>, %arg26: memref<!tpu.dma_semaphore, #tpu.memory_space<semaphore_mem>>, %arg27: memref<!tpu.dma_semaphore, #tpu.memory_space<semaphore_mem>>, %arg28: memref<!tpu.dma_semaphore, #tpu.memory_space<semaphore_mem>>, %arg29: memref<!tpu.dma_semaphore, #tpu.memory_space<semaphore_mem>>, %arg30: memref<!tpu.dma_semaphore, #tpu.memory_space<semaphore_mem>>, %arg31: memref<!tpu.dma_semaphore, #tpu.memory_space<semaphore_mem>>, %arg32: memref<!tpu.dma_semaphore, #tpu.memory_space<semaphore_mem>>, %arg33: memref<!tpu.dma_semaphore, #tpu.memory_space<semaphore_mem>>, %arg34: memref<!tpu.dma_semaphore, #tpu.memory_space<semaphore_mem>>, %arg35: memref<!tpu.dma_semaphore, #tpu.memory_space<semaphore_mem>>, %arg36: memref<!tpu.dma_semaphore, #tpu.memory_space<semaphore_mem>>, %arg37: memref<!tpu.dma_semaphore, #tpu.memory_space<semaphore_mem>>, %arg38: memref<!tpu.dma_semaphore, #tpu.memory_space<semaphore_mem>>, %arg39: memref<!tpu.dma_semaphore, #tpu.memory_space<semaphore_mem>>, %arg40: memref<!tpu.dma_semaphore, #tpu.memory_space<semaphore_mem>>, %arg41: memref<!tpu.dma_semaphore, #tpu.memory_space<semaphore_mem>>, %arg42: memref<!tpu.dma_semaphore, #tpu.memory_space<semaphore_mem>>, %arg43: memref<!tpu.dma_semaphore, #tpu.memory_space<semaphore_mem>>, %arg44: memref<!tpu.dma_semaphore, #tpu.memory_space<semaphore_mem>>, %arg45: memref<!tpu.dma_semaphore, #tpu.memory_space<semaphore_mem>>, %arg46: memref<!tpu.dma_semaphore, #tpu.memory_space<semaphore_mem>>, %arg47: memref<!tpu.dma_semaphore, #tpu.memory_space<semaphore_mem>>, %arg48: memref<!tpu.dma_semaphore, #tpu.memory_space<semaphore_mem>>) attributes {dimension_semantics = [#tpu.dimension_semantics<core_parallel>, #tpu.dimension_semantics<subcore_parallel>], iteration_bounds = array<i64: 2, 16>, scalar_prefetch = 0 : i64, scratch_operands = 43 : i64, tpu.core_type = #tpu.core_type<sc_vector_subcore>, window_params = [{transform_indices = #map}, {transform_indices = #map}, {transform_indices = #map}, {transform_indices = #map1}]} {
    %mul3A = arith.constant 16 : i32
    %mul3A_0 = arith.muli %arg0, %mul3A : i32
    %add3A = arith.addi %mul3A_0, %arg1 : i32
    %mul3A_1 = arith.constant 632 : i32
    %mul3A_2 = arith.muli %arg1, %mul3A_1 : i32
    %mul3A_3 = arith.constant 10000 : i32
    %mul3A_4 = arith.muli %add3A, %mul3A_3 : i32
    "tpu.region"() ({
      %run_scoped3A_85 = tpu.sem_alloc : memref<!tpu.dma_semaphore, #tpu.memory_space<semaphore_mem>>
      %dma_start3A_86 = arith.constant 0 : i32
      %dma_start3A_87 = tpu.memref_slice %arg22[%mul3A_2, %dma_start3A_86] : memref<10112x16xf32, #tpu.memory_space<vmem_shared>> -> memref<632x16xf32, #tpu.memory_space<vmem_shared>>
      %dma_start3A_88 = arith.constant 0 : i32
      %dma_start3A_89 = tpu.memref_slice %arg3[%mul3A_2, %dma_start3A_88] : memref<10112x16xf32, #tpu.memory_space<hbm>> -> memref<632x16xf32, #tpu.memory_space<hbm>>
      tpu.enqueue_dma source(%dma_start3A_89 : memref<632x16xf32, #tpu.memory_space<hbm>>) target(%dma_start3A_87 : memref<632x16xf32, #tpu.memory_space<vmem_shared>>) target_semaphore(%run_scoped3A_85 : memref<!tpu.dma_semaphore, #tpu.memory_space<semaphore_mem>>)
      %dma_wait3A_90 = arith.constant 0 : i32
      %dma_wait3A_91 = tpu.memref_slice %arg22[%mul3A_2, %dma_wait3A_90] : memref<10112x16xf32, #tpu.memory_space<vmem_shared>> -> memref<632x16xf32, #tpu.memory_space<vmem_shared>>
      %dma_wait3A_92 = arith.constant 0 : i32
      %dma_wait3A_93 = tpu.memref_slice %arg3[%mul3A_2, %dma_wait3A_92] : memref<10112x16xf32, #tpu.memory_space<hbm>> -> memref<632x16xf32, #tpu.memory_space<hbm>>
      tpu.wait_dma2 semaphore(%run_scoped3A_85 : memref<!tpu.dma_semaphore, #tpu.memory_space<semaphore_mem>>) src(%dma_wait3A_93 : memref<632x16xf32, #tpu.memory_space<hbm>>) dst(%dma_wait3A_91 : memref<632x16xf32, #tpu.memory_space<vmem_shared>>)
      tpu.yield
    }) : () -> ()
    %run_scoped3A = arith.constant 0 : i32
    "tpu.region"() ({
      %run_scoped3A_85 = tpu.sem_alloc : memref<!tpu.dma_semaphore, #tpu.memory_space<semaphore_mem>>
      %dma_start3A_86 = tpu.memref_slice %arg4[%run_scoped3A, %mul3A_4] : memref<2x320000xi32, #tpu.memory_space<hbm>> -> memref<1x10000xi32, #tpu.memory_space<hbm>>
      %dma_start3A_87 = tpu.memref_squeeze %dma_start3A_86 : memref<1x10000xi32, #tpu.memory_space<hbm>> -> memref<10000xi32, #tpu.memory_space<hbm>>
      %dma_start3A_88 = tpu.memref_slice %arg4[%run_scoped3A, %mul3A_4] : memref<2x320000xi32, #tpu.memory_space<hbm>> -> memref<1x10000xi32, #tpu.memory_space<hbm>>
      %dma_start3A_89 = tpu.memref_squeeze %dma_start3A_88 : memref<1x10000xi32, #tpu.memory_space<hbm>> -> memref<10000xi32, #tpu.memory_space<hbm>>
      tpu.enqueue_dma source(%dma_start3A_89 : memref<10000xi32, #tpu.memory_space<hbm>>) target(%arg6 : memref<10000xi32, #tpu.memory_space<vmem>>) target_semaphore(%run_scoped3A_85 : memref<!tpu.dma_semaphore, #tpu.memory_space<semaphore_mem>>)
      %dma_wait3A_90 = tpu.memref_slice %arg4[%run_scoped3A, %mul3A_4] : memref<2x320000xi32, #tpu.memory_space<hbm>> -> memref<1x10000xi32, #tpu.memory_space<hbm>>
      %dma_wait3A_91 = tpu.memref_squeeze %dma_wait3A_90 : memref<1x10000xi32, #tpu.memory_space<hbm>> -> memref<10000xi32, #tpu.memory_space<hbm>>
      %dma_wait3A_92 = tpu.memref_slice %arg4[%run_scoped3A, %mul3A_4] : memref<2x320000xi32, #tpu.memory_space<hbm>> -> memref<1x10000xi32, #tpu.memory_space<hbm>>
      %dma_wait3A_93 = tpu.memref_squeeze %dma_wait3A_92 : memref<1x10000xi32, #tpu.memory_space<hbm>> -> memref<10000xi32, #tpu.memory_space<hbm>>
      tpu.wait_dma2 semaphore(%run_scoped3A_85 : memref<!tpu.dma_semaphore, #tpu.memory_space<semaphore_mem>>) src(%dma_wait3A_93 : memref<10000xi32, #tpu.memory_space<hbm>>) dst(%arg6 : memref<10000xi32, #tpu.memory_space<vmem>>)
      tpu.yield
    }) : () -> ()
    %run_scoped3A_5 = arith.constant 1 : i32
    "tpu.region"() ({
      %run_scoped3A_85 = tpu.sem_alloc : memref<!tpu.dma_semaphore, #tpu.memory_space<semaphore_mem>>
      %dma_start3A_86 = tpu.memref_slice %arg4[%run_scoped3A_5, %mul3A_4] : memref<2x320000xi32, #tpu.memory_space<hbm>> -> memref<1x10000xi32, #tpu.memory_space<hbm>>
      %dma_start3A_87 = tpu.memref_squeeze %dma_start3A_86 : memref<1x10000xi32, #tpu.memory_space<hbm>> -> memref<10000xi32, #tpu.memory_space<hbm>>
      %dma_start3A_88 = tpu.memref_slice %arg4[%run_scoped3A_5, %mul3A_4] : memref<2x320000xi32, #tpu.memory_space<hbm>> -> memref<1x10000xi32, #tpu.memory_space<hbm>>
      %dma_start3A_89 = tpu.memref_squeeze %dma_start3A_88 : memref<1x10000xi32, #tpu.memory_space<hbm>> -> memref<10000xi32, #tpu.memory_space<hbm>>
      tpu.enqueue_dma source(%dma_start3A_89 : memref<10000xi32, #tpu.memory_space<hbm>>) target(%arg7 : memref<10000xi32, #tpu.memory_space<vmem>>) target_semaphore(%run_scoped3A_85 : memref<!tpu.dma_semaphore, #tpu.memory_space<semaphore_mem>>)
      %dma_wait3A_90 = tpu.memref_slice %arg4[%run_scoped3A_5, %mul3A_4] : memref<2x320000xi32, #tpu.memory_space<hbm>> -> memref<1x10000xi32, #tpu.memory_space<hbm>>
      %dma_wait3A_91 = tpu.memref_squeeze %dma_wait3A_90 : memref<1x10000xi32, #tpu.memory_space<hbm>> -> memref<10000xi32, #tpu.memory_space<hbm>>
      %dma_wait3A_92 = tpu.memref_slice %arg4[%run_scoped3A_5, %mul3A_4] : memref<2x320000xi32, #tpu.memory_space<hbm>> -> memref<1x10000xi32, #tpu.memory_space<hbm>>
      %dma_wait3A_93 = tpu.memref_squeeze %dma_wait3A_92 : memref<1x10000xi32, #tpu.memory_space<hbm>> -> memref<10000xi32, #tpu.memory_space<hbm>>
      tpu.wait_dma2 semaphore(%run_scoped3A_85 : memref<!tpu.dma_semaphore, #tpu.memory_space<semaphore_mem>>) src(%dma_wait3A_93 : memref<10000xi32, #tpu.memory_space<hbm>>) dst(%arg7 : memref<10000xi32, #tpu.memory_space<vmem>>)
      tpu.yield
    }) : () -> ()
    %barrier3A = arith.constant 0 : index
    tpu.barrier barrier_id(%barrier3A)
    %dma_start3A = arith.constant 0 : i32
    %dma_start3A_6 = tpu.memref_slice %arg6[%dma_start3A] : memref<10000xi32, #tpu.memory_space<vmem>> -> memref<128xi32, #tpu.memory_space<vmem>>
    %dma_start3A_7 = arith.constant 0 : i32
    %dma_start3A_8 = arith.constant 0 : i32
    %dma_start3A_9 = tpu.memref_slice %arg2[%dma_start3A_7, %dma_start3A_8] : memref<10000x16xf32, #tpu.memory_space<hbm>> -> memref<10000x16xf32, #tpu.memory_space<hbm>>
    tpu.enqueue_indirect_dma source(%dma_start3A_9 : memref<10000x16xf32, #tpu.memory_space<hbm>>) target(%arg8 : memref<128x16xf32, #tpu.memory_space<vmem>>) offsets(%dma_start3A_6 : memref<128xi32, #tpu.memory_space<vmem>>) semaphore(%arg23 : memref<!tpu.dma_semaphore, #tpu.memory_space<semaphore_mem>>)
    %dma_start3A_10 = arith.constant 128 : i32
    %dma_start3A_11 = tpu.memref_slice %arg6[%dma_start3A_10] : memref<10000xi32, #tpu.memory_space<vmem>> -> memref<128xi32, #tpu.memory_space<vmem>>
    %dma_start3A_12 = arith.constant 0 : i32
    %dma_start3A_13 = arith.constant 0 : i32
    %dma_start3A_14 = tpu.memref_slice %arg2[%dma_start3A_12, %dma_start3A_13] : memref<10000x16xf32, #tpu.memory_space<hbm>> -> memref<10000x16xf32, #tpu.memory_space<hbm>>
    tpu.enqueue_indirect_dma source(%dma_start3A_14 : memref<10000x16xf32, #tpu.memory_space<hbm>>) target(%arg9 : memref<128x16xf32, #tpu.memory_space<vmem>>) offsets(%dma_start3A_11 : memref<128xi32, #tpu.memory_space<vmem>>) semaphore(%arg24 : memref<!tpu.dma_semaphore, #tpu.memory_space<semaphore_mem>>)
    %dma_start3A_15 = arith.constant 256 : i32
    %dma_start3A_16 = tpu.memref_slice %arg6[%dma_start3A_15] : memref<10000xi32, #tpu.memory_space<vmem>> -> memref<128xi32, #tpu.memory_space<vmem>>
    %dma_start3A_17 = arith.constant 0 : i32
    %dma_start3A_18 = arith.constant 0 : i32
    %dma_start3A_19 = tpu.memref_slice %arg2[%dma_start3A_17, %dma_start3A_18] : memref<10000x16xf32, #tpu.memory_space<hbm>> -> memref<10000x16xf32, #tpu.memory_space<hbm>>
    tpu.enqueue_indirect_dma source(%dma_start3A_19 : memref<10000x16xf32, #tpu.memory_space<hbm>>) target(%arg10 : memref<128x16xf32, #tpu.memory_space<vmem>>) offsets(%dma_start3A_16 : memref<128xi32, #tpu.memory_space<vmem>>) semaphore(%arg25 : memref<!tpu.dma_semaphore, #tpu.memory_space<semaphore_mem>>)
    %dma_start3A_20 = arith.constant 384 : i32
    %dma_start3A_21 = tpu.memref_slice %arg6[%dma_start3A_20] : memref<10000xi32, #tpu.memory_space<vmem>> -> memref<128xi32, #tpu.memory_space<vmem>>
    %dma_start3A_22 = arith.constant 0 : i32
    %dma_start3A_23 = arith.constant 0 : i32
    %dma_start3A_24 = tpu.memref_slice %arg2[%dma_start3A_22, %dma_start3A_23] : memref<10000x16xf32, #tpu.memory_space<hbm>> -> memref<10000x16xf32, #tpu.memory_space<hbm>>
    tpu.enqueue_indirect_dma source(%dma_start3A_24 : memref<10000x16xf32, #tpu.memory_space<hbm>>) target(%arg11 : memref<128x16xf32, #tpu.memory_space<vmem>>) offsets(%dma_start3A_21 : memref<128xi32, #tpu.memory_space<vmem>>) semaphore(%arg26 : memref<!tpu.dma_semaphore, #tpu.memory_space<semaphore_mem>>)
    %dma_start3A_25 = arith.constant 512 : i32
    %dma_start3A_26 = tpu.memref_slice %arg6[%dma_start3A_25] : memref<10000xi32, #tpu.memory_space<vmem>> -> memref<128xi32, #tpu.memory_space<vmem>>
    %dma_start3A_27 = arith.constant 0 : i32
    %dma_start3A_28 = arith.constant 0 : i32
    %dma_start3A_29 = tpu.memref_slice %arg2[%dma_start3A_27, %dma_start3A_28] : memref<10000x16xf32, #tpu.memory_space<hbm>> -> memref<10000x16xf32, #tpu.memory_space<hbm>>
    tpu.enqueue_indirect_dma source(%dma_start3A_29 : memref<10000x16xf32, #tpu.memory_space<hbm>>) target(%arg12 : memref<128x16xf32, #tpu.memory_space<vmem>>) offsets(%dma_start3A_26 : memref<128xi32, #tpu.memory_space<vmem>>) semaphore(%arg27 : memref<!tpu.dma_semaphore, #tpu.memory_space<semaphore_mem>>)
    %dma_start3A_30 = arith.constant 640 : i32
    %dma_start3A_31 = tpu.memref_slice %arg6[%dma_start3A_30] : memref<10000xi32, #tpu.memory_space<vmem>> -> memref<128xi32, #tpu.memory_space<vmem>>
    %dma_start3A_32 = arith.constant 0 : i32
    %dma_start3A_33 = arith.constant 0 : i32
    %dma_start3A_34 = tpu.memref_slice %arg2[%dma_start3A_32, %dma_start3A_33] : memref<10000x16xf32, #tpu.memory_space<hbm>> -> memref<10000x16xf32, #tpu.memory_space<hbm>>
    tpu.enqueue_indirect_dma source(%dma_start3A_34 : memref<10000x16xf32, #tpu.memory_space<hbm>>) target(%arg13 : memref<128x16xf32, #tpu.memory_space<vmem>>) offsets(%dma_start3A_31 : memref<128xi32, #tpu.memory_space<vmem>>) semaphore(%arg28 : memref<!tpu.dma_semaphore, #tpu.memory_space<semaphore_mem>>)
    %dma_start3A_35 = arith.constant 768 : i32
    %dma_start3A_36 = tpu.memref_slice %arg6[%dma_start3A_35] : memref<10000xi32, #tpu.memory_space<vmem>> -> memref<128xi32, #tpu.memory_space<vmem>>
    %dma_start3A_37 = arith.constant 0 : i32
    %dma_start3A_38 = arith.constant 0 : i32
    %dma_start3A_39 = tpu.memref_slice %arg2[%dma_start3A_37, %dma_start3A_38] : memref<10000x16xf32, #tpu.memory_space<hbm>> -> memref<10000x16xf32, #tpu.memory_space<hbm>>
    tpu.enqueue_indirect_dma source(%dma_start3A_39 : memref<10000x16xf32, #tpu.memory_space<hbm>>) target(%arg14 : memref<128x16xf32, #tpu.memory_space<vmem>>) offsets(%dma_start3A_36 : memref<128xi32, #tpu.memory_space<vmem>>) semaphore(%arg29 : memref<!tpu.dma_semaphore, #tpu.memory_space<semaphore_mem>>)
    %dma_start3A_40 = arith.constant 896 : i32
    %dma_start3A_41 = tpu.memref_slice %arg6[%dma_start3A_40] : memref<10000xi32, #tpu.memory_space<vmem>> -> memref<128xi32, #tpu.memory_space<vmem>>
    %dma_start3A_42 = arith.constant 0 : i32
    %dma_start3A_43 = arith.constant 0 : i32
    %dma_start3A_44 = tpu.memref_slice %arg2[%dma_start3A_42, %dma_start3A_43] : memref<10000x16xf32, #tpu.memory_space<hbm>> -> memref<10000x16xf32, #tpu.memory_space<hbm>>
    tpu.enqueue_indirect_dma source(%dma_start3A_44 : memref<10000x16xf32, #tpu.memory_space<hbm>>) target(%arg15 : memref<128x16xf32, #tpu.memory_space<vmem>>) offsets(%dma_start3A_41 : memref<128xi32, #tpu.memory_space<vmem>>) semaphore(%arg30 : memref<!tpu.dma_semaphore, #tpu.memory_space<semaphore_mem>>)
    %scan3A = arith.constant 0 : i32
    %scan3A_45 = arith.constant 0 : i32
    %scan3A_46 = arith.constant 6 : i32
    %scan3A_47 = arith.addi %scan3A_45, %scan3A_46 : i32
    %scan3A_48 = arith.constant 1 : i32
    scf.for %scan3A_85 = %scan3A_45 to %scan3A_47 step %scan3A_48  : i32 {
      %mul3A_86 = arith.constant 13 : i32
      %mul3A_87 = arith.muli %scan3A_85, %mul3A_86 : i32
      %add3A_88 = arith.constant 0 : i32
      %add3A_89 = arith.addi %mul3A_87, %add3A_88 : i32
      %add3A_90 = arith.constant 8 : i32
      %add3A_91 = arith.addi %add3A_89, %add3A_90 : i32
      %ge3A = arith.constant 13 : i32
      %ge3A_92 = arith.cmpi sge, %add3A_91, %ge3A : i32
      %convert_element_type3A = arith.extui %ge3A_92 : i1 to i32
      %cond3A = arith.constant 0 : i32
      %cond3A_93 = arith.cmpi ne, %convert_element_type3A, %cond3A : i32
      scf.if %cond3A_93 {
        %add3A_472 = arith.constant 8 : i32
        %add3A_473 = arith.addi %add3A_89, %add3A_472 : i32
        %sub3A = arith.constant 13 : i32
        %sub3A_474 = arith.subi %add3A_473, %sub3A : i32
        %mul3A_475 = arith.constant 128 : i32
        %mul3A_476 = arith.muli %sub3A_474, %mul3A_475 : i32
        %dma_wait3A_477 = tpu.memref_slice %arg7[%mul3A_476] : memref<10000xi32, #tpu.memory_space<vmem>> -> memref<128xi32, #tpu.memory_space<vmem>>
        %dma_wait3A_478 = arith.constant 0 : i32
        %dma_wait3A_479 = arith.constant 0 : i32
        %dma_wait3A_480 = tpu.memref_slice %arg22[%dma_wait3A_478, %dma_wait3A_479] : memref<10112x16xf32, #tpu.memory_space<vmem_shared>> -> memref<10112x16xf32, #tpu.memory_space<vmem_shared>>
        tpu.wait_indirect_dma semaphore(%arg44 : memref<!tpu.dma_semaphore, #tpu.memory_space<semaphore_mem>>) src(%arg16 : memref<128x16xf32, #tpu.memory_space<vmem>>) dst(%dma_wait3A_480 : memref<10112x16xf32, #tpu.memory_space<vmem_shared>>)
      } else {
      }
      %add3A_94 = arith.constant 8 : i32
      %add3A_95 = arith.addi %add3A_89, %add3A_94 : i32
      %lt3A = arith.constant 78 : i32
      %lt3A_96 = arith.cmpi slt, %add3A_95, %lt3A : i32
      %convert_element_type3A_97 = arith.extui %lt3A_96 : i1 to i32
      %cond3A_98 = arith.constant 0 : i32
      %cond3A_99 = arith.cmpi ne, %convert_element_type3A_97, %cond3A_98 : i32
      scf.if %cond3A_99 {
        %add3A_472 = arith.constant 8 : i32
        %add3A_473 = arith.addi %add3A_89, %add3A_472 : i32
        %mul3A_474 = arith.constant 128 : i32
        %mul3A_475 = arith.muli %add3A_473, %mul3A_474 : i32
        %dma_start3A_476 = tpu.memref_slice %arg6[%mul3A_475] : memref<10000xi32, #tpu.memory_space<vmem>> -> memref<128xi32, #tpu.memory_space<vmem>>
        %dma_start3A_477 = arith.constant 0 : i32
        %dma_start3A_478 = arith.constant 0 : i32
        %dma_start3A_479 = tpu.memref_slice %arg2[%dma_start3A_477, %dma_start3A_478] : memref<10000x16xf32, #tpu.memory_space<hbm>> -> memref<10000x16xf32, #tpu.memory_space<hbm>>
        tpu.enqueue_indirect_dma source(%dma_start3A_479 : memref<10000x16xf32, #tpu.memory_space<hbm>>) target(%arg16 : memref<128x16xf32, #tpu.memory_space<vmem>>) offsets(%dma_start3A_476 : memref<128xi32, #tpu.memory_space<vmem>>) semaphore(%arg31 : memref<!tpu.dma_semaphore, #tpu.memory_space<semaphore_mem>>)
      } else {
      }
      %mul3A_100 = arith.constant 128 : i32
      %mul3A_101 = arith.muli %add3A_89, %mul3A_100 : i32
      %dma_wait3A_102 = tpu.memref_slice %arg6[%mul3A_101] : memref<10000xi32, #tpu.memory_space<vmem>> -> memref<128xi32, #tpu.memory_space<vmem>>
      %dma_wait3A_103 = arith.constant 0 : i32
      %dma_wait3A_104 = arith.constant 0 : i32
      %dma_wait3A_105 = tpu.memref_slice %arg2[%dma_wait3A_103, %dma_wait3A_104] : memref<10000x16xf32, #tpu.memory_space<hbm>> -> memref<10000x16xf32, #tpu.memory_space<hbm>>
      tpu.wait_indirect_dma semaphore(%arg23 : memref<!tpu.dma_semaphore, #tpu.memory_space<semaphore_mem>>) src(%dma_wait3A_105 : memref<10000x16xf32, #tpu.memory_space<hbm>>) dst(%arg8 : memref<128x16xf32, #tpu.memory_space<vmem>>)
      %mul3A_106 = arith.constant 128 : i32
      %mul3A_107 = arith.muli %add3A_89, %mul3A_106 : i32
      %dma_start3A_108 = tpu.memref_slice %arg7[%mul3A_107] : memref<10000xi32, #tpu.memory_space<vmem>> -> memref<128xi32, #tpu.memory_space<vmem>>
      %dma_start3A_109 = arith.constant 0 : i32
      %dma_start3A_110 = arith.constant 0 : i32
      %dma_start3A_111 = tpu.memref_slice %arg22[%dma_start3A_109, %dma_start3A_110] : memref<10112x16xf32, #tpu.memory_space<vmem_shared>> -> memref<10112x16xf32, #tpu.memory_space<vmem_shared>>
      tpu.enqueue_indirect_dma source(%arg8 : memref<128x16xf32, #tpu.memory_space<vmem>>) target(%dma_start3A_111 : memref<10112x16xf32, #tpu.memory_space<vmem_shared>>) offsets(%dma_start3A_108 : memref<128xi32, #tpu.memory_space<vmem>>) semaphore(%arg36 : memref<!tpu.dma_semaphore, #tpu.memory_space<semaphore_mem>>) {add = true}
      %mul3A_112 = arith.constant 13 : i32
      %mul3A_113 = arith.muli %scan3A_85, %mul3A_112 : i32
      %add3A_114 = arith.constant 1 : i32
      %add3A_115 = arith.addi %mul3A_113, %add3A_114 : i32
      %add3A_116 = arith.constant 8 : i32
      %add3A_117 = arith.addi %add3A_115, %add3A_116 : i32
      %ge3A_118 = arith.constant 13 : i32
      %ge3A_119 = arith.cmpi sge, %add3A_117, %ge3A_118 : i32
      %convert_element_type3A_120 = arith.extui %ge3A_119 : i1 to i32
      %cond3A_121 = arith.constant 0 : i32
      %cond3A_122 = arith.cmpi ne, %convert_element_type3A_120, %cond3A_121 : i32
      scf.if %cond3A_122 {
        %add3A_472 = arith.constant 8 : i32
        %add3A_473 = arith.addi %add3A_115, %add3A_472 : i32
        %sub3A = arith.constant 13 : i32
        %sub3A_474 = arith.subi %add3A_473, %sub3A : i32
        %mul3A_475 = arith.constant 128 : i32
        %mul3A_476 = arith.muli %sub3A_474, %mul3A_475 : i32
        %dma_wait3A_477 = tpu.memref_slice %arg7[%mul3A_476] : memref<10000xi32, #tpu.memory_space<vmem>> -> memref<128xi32, #tpu.memory_space<vmem>>
        %dma_wait3A_478 = arith.constant 0 : i32
        %dma_wait3A_479 = arith.constant 0 : i32
        %dma_wait3A_480 = tpu.memref_slice %arg22[%dma_wait3A_478, %dma_wait3A_479] : memref<10112x16xf32, #tpu.memory_space<vmem_shared>> -> memref<10112x16xf32, #tpu.memory_space<vmem_shared>>
        tpu.wait_indirect_dma semaphore(%arg45 : memref<!tpu.dma_semaphore, #tpu.memory_space<semaphore_mem>>) src(%arg17 : memref<128x16xf32, #tpu.memory_space<vmem>>) dst(%dma_wait3A_480 : memref<10112x16xf32, #tpu.memory_space<vmem_shared>>)
      } else {
      }
      %add3A_123 = arith.constant 8 : i32
      %add3A_124 = arith.addi %add3A_115, %add3A_123 : i32
      %lt3A_125 = arith.constant 78 : i32
      %lt3A_126 = arith.cmpi slt, %add3A_124, %lt3A_125 : i32
      %convert_element_type3A_127 = arith.extui %lt3A_126 : i1 to i32
      %cond3A_128 = arith.constant 0 : i32
      %cond3A_129 = arith.cmpi ne, %convert_element_type3A_127, %cond3A_128 : i32
      scf.if %cond3A_129 {
        %add3A_472 = arith.constant 8 : i32
        %add3A_473 = arith.addi %add3A_115, %add3A_472 : i32
        %mul3A_474 = arith.constant 128 : i32
        %mul3A_475 = arith.muli %add3A_473, %mul3A_474 : i32
        %dma_start3A_476 = tpu.memref_slice %arg6[%mul3A_475] : memref<10000xi32, #tpu.memory_space<vmem>> -> memref<128xi32, #tpu.memory_space<vmem>>
        %dma_start3A_477 = arith.constant 0 : i32
        %dma_start3A_478 = arith.constant 0 : i32
        %dma_start3A_479 = tpu.memref_slice %arg2[%dma_start3A_477, %dma_start3A_478] : memref<10000x16xf32, #tpu.memory_space<hbm>> -> memref<10000x16xf32, #tpu.memory_space<hbm>>
        tpu.enqueue_indirect_dma source(%dma_start3A_479 : memref<10000x16xf32, #tpu.memory_space<hbm>>) target(%arg17 : memref<128x16xf32, #tpu.memory_space<vmem>>) offsets(%dma_start3A_476 : memref<128xi32, #tpu.memory_space<vmem>>) semaphore(%arg32 : memref<!tpu.dma_semaphore, #tpu.memory_space<semaphore_mem>>)
      } else {
      }
      %mul3A_130 = arith.constant 128 : i32
      %mul3A_131 = arith.muli %add3A_115, %mul3A_130 : i32
      %dma_wait3A_132 = tpu.memref_slice %arg6[%mul3A_131] : memref<10000xi32, #tpu.memory_space<vmem>> -> memref<128xi32, #tpu.memory_space<vmem>>
      %dma_wait3A_133 = arith.constant 0 : i32
      %dma_wait3A_134 = arith.constant 0 : i32
      %dma_wait3A_135 = tpu.memref_slice %arg2[%dma_wait3A_133, %dma_wait3A_134] : memref<10000x16xf32, #tpu.memory_space<hbm>> -> memref<10000x16xf32, #tpu.memory_space<hbm>>
      tpu.wait_indirect_dma semaphore(%arg24 : memref<!tpu.dma_semaphore, #tpu.memory_space<semaphore_mem>>) src(%dma_wait3A_135 : memref<10000x16xf32, #tpu.memory_space<hbm>>) dst(%arg9 : memref<128x16xf32, #tpu.memory_space<vmem>>)
      %mul3A_136 = arith.constant 128 : i32
      %mul3A_137 = arith.muli %add3A_115, %mul3A_136 : i32
      %dma_start3A_138 = tpu.memref_slice %arg7[%mul3A_137] : memref<10000xi32, #tpu.memory_space<vmem>> -> memref<128xi32, #tpu.memory_space<vmem>>
      %dma_start3A_139 = arith.constant 0 : i32
      %dma_start3A_140 = arith.constant 0 : i32
      %dma_start3A_141 = tpu.memref_slice %arg22[%dma_start3A_139, %dma_start3A_140] : memref<10112x16xf32, #tpu.memory_space<vmem_shared>> -> memref<10112x16xf32, #tpu.memory_space<vmem_shared>>
      tpu.enqueue_indirect_dma source(%arg9 : memref<128x16xf32, #tpu.memory_space<vmem>>) target(%dma_start3A_141 : memref<10112x16xf32, #tpu.memory_space<vmem_shared>>) offsets(%dma_start3A_138 : memref<128xi32, #tpu.memory_space<vmem>>) semaphore(%arg37 : memref<!tpu.dma_semaphore, #tpu.memory_space<semaphore_mem>>) {add = true}
      %mul3A_142 = arith.constant 13 : i32
      %mul3A_143 = arith.muli %scan3A_85, %mul3A_142 : i32
      %add3A_144 = arith.constant 2 : i32
      %add3A_145 = arith.addi %mul3A_143, %add3A_144 : i32
      %add3A_146 = arith.constant 8 : i32
      %add3A_147 = arith.addi %add3A_145, %add3A_146 : i32
      %ge3A_148 = arith.constant 13 : i32
      %ge3A_149 = arith.cmpi sge, %add3A_147, %ge3A_148 : i32
      %convert_element_type3A_150 = arith.extui %ge3A_149 : i1 to i32
      %cond3A_151 = arith.constant 0 : i32
      %cond3A_152 = arith.cmpi ne, %convert_element_type3A_150, %cond3A_151 : i32
      scf.if %cond3A_152 {
        %add3A_472 = arith.constant 8 : i32
        %add3A_473 = arith.addi %add3A_145, %add3A_472 : i32
        %sub3A = arith.constant 13 : i32
        %sub3A_474 = arith.subi %add3A_473, %sub3A : i32
        %mul3A_475 = arith.constant 128 : i32
        %mul3A_476 = arith.muli %sub3A_474, %mul3A_475 : i32
        %dma_wait3A_477 = tpu.memref_slice %arg7[%mul3A_476] : memref<10000xi32, #tpu.memory_space<vmem>> -> memref<128xi32, #tpu.memory_space<vmem>>
        %dma_wait3A_478 = arith.constant 0 : i32
        %dma_wait3A_479 = arith.constant 0 : i32
        %dma_wait3A_480 = tpu.memref_slice %arg22[%dma_wait3A_478, %dma_wait3A_479] : memref<10112x16xf32, #tpu.memory_space<vmem_shared>> -> memref<10112x16xf32, #tpu.memory_space<vmem_shared>>
        tpu.wait_indirect_dma semaphore(%arg46 : memref<!tpu.dma_semaphore, #tpu.memory_space<semaphore_mem>>) src(%arg18 : memref<128x16xf32, #tpu.memory_space<vmem>>) dst(%dma_wait3A_480 : memref<10112x16xf32, #tpu.memory_space<vmem_shared>>)
      } else {
      }
      %add3A_153 = arith.constant 8 : i32
      %add3A_154 = arith.addi %add3A_145, %add3A_153 : i32
      %lt3A_155 = arith.constant 78 : i32
      %lt3A_156 = arith.cmpi slt, %add3A_154, %lt3A_155 : i32
      %convert_element_type3A_157 = arith.extui %lt3A_156 : i1 to i32
      %cond3A_158 = arith.constant 0 : i32
      %cond3A_159 = arith.cmpi ne, %convert_element_type3A_157, %cond3A_158 : i32
      scf.if %cond3A_159 {
        %add3A_472 = arith.constant 8 : i32
        %add3A_473 = arith.addi %add3A_145, %add3A_472 : i32
        %mul3A_474 = arith.constant 128 : i32
        %mul3A_475 = arith.muli %add3A_473, %mul3A_474 : i32
        %dma_start3A_476 = tpu.memref_slice %arg6[%mul3A_475] : memref<10000xi32, #tpu.memory_space<vmem>> -> memref<128xi32, #tpu.memory_space<vmem>>
        %dma_start3A_477 = arith.constant 0 : i32
        %dma_start3A_478 = arith.constant 0 : i32
        %dma_start3A_479 = tpu.memref_slice %arg2[%dma_start3A_477, %dma_start3A_478] : memref<10000x16xf32, #tpu.memory_space<hbm>> -> memref<10000x16xf32, #tpu.memory_space<hbm>>
        tpu.enqueue_indirect_dma source(%dma_start3A_479 : memref<10000x16xf32, #tpu.memory_space<hbm>>) target(%arg18 : memref<128x16xf32, #tpu.memory_space<vmem>>) offsets(%dma_start3A_476 : memref<128xi32, #tpu.memory_space<vmem>>) semaphore(%arg33 : memref<!tpu.dma_semaphore, #tpu.memory_space<semaphore_mem>>)
      } else {
      }
      %mul3A_160 = arith.constant 128 : i32
      %mul3A_161 = arith.muli %add3A_145, %mul3A_160 : i32
      %dma_wait3A_162 = tpu.memref_slice %arg6[%mul3A_161] : memref<10000xi32, #tpu.memory_space<vmem>> -> memref<128xi32, #tpu.memory_space<vmem>>
      %dma_wait3A_163 = arith.constant 0 : i32
      %dma_wait3A_164 = arith.constant 0 : i32
      %dma_wait3A_165 = tpu.memref_slice %arg2[%dma_wait3A_163, %dma_wait3A_164] : memref<10000x16xf32, #tpu.memory_space<hbm>> -> memref<10000x16xf32, #tpu.memory_space<hbm>>
      tpu.wait_indirect_dma semaphore(%arg25 : memref<!tpu.dma_semaphore, #tpu.memory_space<semaphore_mem>>) src(%dma_wait3A_165 : memref<10000x16xf32, #tpu.memory_space<hbm>>) dst(%arg10 : memref<128x16xf32, #tpu.memory_space<vmem>>)
      %mul3A_166 = arith.constant 128 : i32
      %mul3A_167 = arith.muli %add3A_145, %mul3A_166 : i32
      %dma_start3A_168 = tpu.memref_slice %arg7[%mul3A_167] : memref<10000xi32, #tpu.memory_space<vmem>> -> memref<128xi32, #tpu.memory_space<vmem>>
      %dma_start3A_169 = arith.constant 0 : i32
      %dma_start3A_170 = arith.constant 0 : i32
      %dma_start3A_171 = tpu.memref_slice %arg22[%dma_start3A_169, %dma_start3A_170] : memref<10112x16xf32, #tpu.memory_space<vmem_shared>> -> memref<10112x16xf32, #tpu.memory_space<vmem_shared>>
      tpu.enqueue_indirect_dma source(%arg10 : memref<128x16xf32, #tpu.memory_space<vmem>>) target(%dma_start3A_171 : memref<10112x16xf32, #tpu.memory_space<vmem_shared>>) offsets(%dma_start3A_168 : memref<128xi32, #tpu.memory_space<vmem>>) semaphore(%arg38 : memref<!tpu.dma_semaphore, #tpu.memory_space<semaphore_mem>>) {add = true}
      %mul3A_172 = arith.constant 13 : i32
      %mul3A_173 = arith.muli %scan3A_85, %mul3A_172 : i32
      %add3A_174 = arith.constant 3 : i32
      %add3A_175 = arith.addi %mul3A_173, %add3A_174 : i32
      %add3A_176 = arith.constant 8 : i32
      %add3A_177 = arith.addi %add3A_175, %add3A_176 : i32
      %ge3A_178 = arith.constant 13 : i32
      %ge3A_179 = arith.cmpi sge, %add3A_177, %ge3A_178 : i32
      %convert_element_type3A_180 = arith.extui %ge3A_179 : i1 to i32
      %cond3A_181 = arith.constant 0 : i32
      %cond3A_182 = arith.cmpi ne, %convert_element_type3A_180, %cond3A_181 : i32
      scf.if %cond3A_182 {
        %add3A_472 = arith.constant 8 : i32
        %add3A_473 = arith.addi %add3A_175, %add3A_472 : i32
        %sub3A = arith.constant 13 : i32
        %sub3A_474 = arith.subi %add3A_473, %sub3A : i32
        %mul3A_475 = arith.constant 128 : i32
        %mul3A_476 = arith.muli %sub3A_474, %mul3A_475 : i32
        %dma_wait3A_477 = tpu.memref_slice %arg7[%mul3A_476] : memref<10000xi32, #tpu.memory_space<vmem>> -> memref<128xi32, #tpu.memory_space<vmem>>
        %dma_wait3A_478 = arith.constant 0 : i32
        %dma_wait3A_479 = arith.constant 0 : i32
        %dma_wait3A_480 = tpu.memref_slice %arg22[%dma_wait3A_478, %dma_wait3A_479] : memref<10112x16xf32, #tpu.memory_space<vmem_shared>> -> memref<10112x16xf32, #tpu.memory_space<vmem_shared>>
        tpu.wait_indirect_dma semaphore(%arg47 : memref<!tpu.dma_semaphore, #tpu.memory_space<semaphore_mem>>) src(%arg19 : memref<128x16xf32, #tpu.memory_space<vmem>>) dst(%dma_wait3A_480 : memref<10112x16xf32, #tpu.memory_space<vmem_shared>>)
      } else {
      }
      %add3A_183 = arith.constant 8 : i32
      %add3A_184 = arith.addi %add3A_175, %add3A_183 : i32
      %lt3A_185 = arith.constant 78 : i32
      %lt3A_186 = arith.cmpi slt, %add3A_184, %lt3A_185 : i32
      %convert_element_type3A_187 = arith.extui %lt3A_186 : i1 to i32
      %cond3A_188 = arith.constant 0 : i32
      %cond3A_189 = arith.cmpi ne, %convert_element_type3A_187, %cond3A_188 : i32
      scf.if %cond3A_189 {
        %add3A_472 = arith.constant 8 : i32
        %add3A_473 = arith.addi %add3A_175, %add3A_472 : i32
        %mul3A_474 = arith.constant 128 : i32
        %mul3A_475 = arith.muli %add3A_473, %mul3A_474 : i32
        %dma_start3A_476 = tpu.memref_slice %arg6[%mul3A_475] : memref<10000xi32, #tpu.memory_space<vmem>> -> memref<128xi32, #tpu.memory_space<vmem>>
        %dma_start3A_477 = arith.constant 0 : i32
        %dma_start3A_478 = arith.constant 0 : i32
        %dma_start3A_479 = tpu.memref_slice %arg2[%dma_start3A_477, %dma_start3A_478] : memref<10000x16xf32, #tpu.memory_space<hbm>> -> memref<10000x16xf32, #tpu.memory_space<hbm>>
        tpu.enqueue_indirect_dma source(%dma_start3A_479 : memref<10000x16xf32, #tpu.memory_space<hbm>>) target(%arg19 : memref<128x16xf32, #tpu.memory_space<vmem>>) offsets(%dma_start3A_476 : memref<128xi32, #tpu.memory_space<vmem>>) semaphore(%arg34 : memref<!tpu.dma_semaphore, #tpu.memory_space<semaphore_mem>>)
      } else {
      }
      %mul3A_190 = arith.constant 128 : i32
      %mul3A_191 = arith.muli %add3A_175, %mul3A_190 : i32
      %dma_wait3A_192 = tpu.memref_slice %arg6[%mul3A_191] : memref<10000xi32, #tpu.memory_space<vmem>> -> memref<128xi32, #tpu.memory_space<vmem>>
      %dma_wait3A_193 = arith.constant 0 : i32
      %dma_wait3A_194 = arith.constant 0 : i32
      %dma_wait3A_195 = tpu.memref_slice %arg2[%dma_wait3A_193, %dma_wait3A_194] : memref<10000x16xf32, #tpu.memory_space<hbm>> -> memref<10000x16xf32, #tpu.memory_space<hbm>>
      tpu.wait_indirect_dma semaphore(%arg26 : memref<!tpu.dma_semaphore, #tpu.memory_space<semaphore_mem>>) src(%dma_wait3A_195 : memref<10000x16xf32, #tpu.memory_space<hbm>>) dst(%arg11 : memref<128x16xf32, #tpu.memory_space<vmem>>)
      %mul3A_196 = arith.constant 128 : i32
      %mul3A_197 = arith.muli %add3A_175, %mul3A_196 : i32
      %dma_start3A_198 = tpu.memref_slice %arg7[%mul3A_197] : memref<10000xi32, #tpu.memory_space<vmem>> -> memref<128xi32, #tpu.memory_space<vmem>>
      %dma_start3A_199 = arith.constant 0 : i32
      %dma_start3A_200 = arith.constant 0 : i32
      %dma_start3A_201 = tpu.memref_slice %arg22[%dma_start3A_199, %dma_start3A_200] : memref<10112x16xf32, #tpu.memory_space<vmem_shared>> -> memref<10112x16xf32, #tpu.memory_space<vmem_shared>>
      tpu.enqueue_indirect_dma source(%arg11 : memref<128x16xf32, #tpu.memory_space<vmem>>) target(%dma_start3A_201 : memref<10112x16xf32, #tpu.memory_space<vmem_shared>>) offsets(%dma_start3A_198 : memref<128xi32, #tpu.memory_space<vmem>>) semaphore(%arg39 : memref<!tpu.dma_semaphore, #tpu.memory_space<semaphore_mem>>) {add = true}
      %mul3A_202 = arith.constant 13 : i32
      %mul3A_203 = arith.muli %scan3A_85, %mul3A_202 : i32
      %add3A_204 = arith.constant 4 : i32
      %add3A_205 = arith.addi %mul3A_203, %add3A_204 : i32
      %add3A_206 = arith.constant 8 : i32
      %add3A_207 = arith.addi %add3A_205, %add3A_206 : i32
      %ge3A_208 = arith.constant 13 : i32
      %ge3A_209 = arith.cmpi sge, %add3A_207, %ge3A_208 : i32
      %convert_element_type3A_210 = arith.extui %ge3A_209 : i1 to i32
      %cond3A_211 = arith.constant 0 : i32
      %cond3A_212 = arith.cmpi ne, %convert_element_type3A_210, %cond3A_211 : i32
      scf.if %cond3A_212 {
        %add3A_472 = arith.constant 8 : i32
        %add3A_473 = arith.addi %add3A_205, %add3A_472 : i32
        %sub3A = arith.constant 13 : i32
        %sub3A_474 = arith.subi %add3A_473, %sub3A : i32
        %mul3A_475 = arith.constant 128 : i32
        %mul3A_476 = arith.muli %sub3A_474, %mul3A_475 : i32
        %dma_wait3A_477 = tpu.memref_slice %arg7[%mul3A_476] : memref<10000xi32, #tpu.memory_space<vmem>> -> memref<128xi32, #tpu.memory_space<vmem>>
        %dma_wait3A_478 = arith.constant 0 : i32
        %dma_wait3A_479 = arith.constant 0 : i32
        %dma_wait3A_480 = tpu.memref_slice %arg22[%dma_wait3A_478, %dma_wait3A_479] : memref<10112x16xf32, #tpu.memory_space<vmem_shared>> -> memref<10112x16xf32, #tpu.memory_space<vmem_shared>>
        tpu.wait_indirect_dma semaphore(%arg48 : memref<!tpu.dma_semaphore, #tpu.memory_space<semaphore_mem>>) src(%arg20 : memref<128x16xf32, #tpu.memory_space<vmem>>) dst(%dma_wait3A_480 : memref<10112x16xf32, #tpu.memory_space<vmem_shared>>)
      } else {
      }
      %add3A_213 = arith.constant 8 : i32
      %add3A_214 = arith.addi %add3A_205, %add3A_213 : i32
      %lt3A_215 = arith.constant 78 : i32
      %lt3A_216 = arith.cmpi slt, %add3A_214, %lt3A_215 : i32
      %convert_element_type3A_217 = arith.extui %lt3A_216 : i1 to i32
      %cond3A_218 = arith.constant 0 : i32
      %cond3A_219 = arith.cmpi ne, %convert_element_type3A_217, %cond3A_218 : i32
      scf.if %cond3A_219 {
        %add3A_472 = arith.constant 8 : i32
        %add3A_473 = arith.addi %add3A_205, %add3A_472 : i32
        %mul3A_474 = arith.constant 128 : i32
        %mul3A_475 = arith.muli %add3A_473, %mul3A_474 : i32
        %dma_start3A_476 = tpu.memref_slice %arg6[%mul3A_475] : memref<10000xi32, #tpu.memory_space<vmem>> -> memref<128xi32, #tpu.memory_space<vmem>>
        %dma_start3A_477 = arith.constant 0 : i32
        %dma_start3A_478 = arith.constant 0 : i32
        %dma_start3A_479 = tpu.memref_slice %arg2[%dma_start3A_477, %dma_start3A_478] : memref<10000x16xf32, #tpu.memory_space<hbm>> -> memref<10000x16xf32, #tpu.memory_space<hbm>>
        tpu.enqueue_indirect_dma source(%dma_start3A_479 : memref<10000x16xf32, #tpu.memory_space<hbm>>) target(%arg20 : memref<128x16xf32, #tpu.memory_space<vmem>>) offsets(%dma_start3A_476 : memref<128xi32, #tpu.memory_space<vmem>>) semaphore(%arg35 : memref<!tpu.dma_semaphore, #tpu.memory_space<semaphore_mem>>)
      } else {
      }
      %mul3A_220 = arith.constant 128 : i32
      %mul3A_221 = arith.muli %add3A_205, %mul3A_220 : i32
      %dma_wait3A_222 = tpu.memref_slice %arg6[%mul3A_221] : memref<10000xi32, #tpu.memory_space<vmem>> -> memref<128xi32, #tpu.memory_space<vmem>>
      %dma_wait3A_223 = arith.constant 0 : i32
      %dma_wait3A_224 = arith.constant 0 : i32
      %dma_wait3A_225 = tpu.memref_slice %arg2[%dma_wait3A_223, %dma_wait3A_224] : memref<10000x16xf32, #tpu.memory_space<hbm>> -> memref<10000x16xf32, #tpu.memory_space<hbm>>
      tpu.wait_indirect_dma semaphore(%arg27 : memref<!tpu.dma_semaphore, #tpu.memory_space<semaphore_mem>>) src(%dma_wait3A_225 : memref<10000x16xf32, #tpu.memory_space<hbm>>) dst(%arg12 : memref<128x16xf32, #tpu.memory_space<vmem>>)
      %mul3A_226 = arith.constant 128 : i32
      %mul3A_227 = arith.muli %add3A_205, %mul3A_226 : i32
      %dma_start3A_228 = tpu.memref_slice %arg7[%mul3A_227] : memref<10000xi32, #tpu.memory_space<vmem>> -> memref<128xi32, #tpu.memory_space<vmem>>
      %dma_start3A_229 = arith.constant 0 : i32
      %dma_start3A_230 = arith.constant 0 : i32
      %dma_start3A_231 = tpu.memref_slice %arg22[%dma_start3A_229, %dma_start3A_230] : memref<10112x16xf32, #tpu.memory_space<vmem_shared>> -> memref<10112x16xf32, #tpu.memory_space<vmem_shared>>
      tpu.enqueue_indirect_dma source(%arg12 : memref<128x16xf32, #tpu.memory_space<vmem>>) target(%dma_start3A_231 : memref<10112x16xf32, #tpu.memory_space<vmem_shared>>) offsets(%dma_start3A_228 : memref<128xi32, #tpu.memory_space<vmem>>) semaphore(%arg40 : memref<!tpu.dma_semaphore, #tpu.memory_space<semaphore_mem>>) {add = true}
      %mul3A_232 = arith.constant 13 : i32
      %mul3A_233 = arith.muli %scan3A_85, %mul3A_232 : i32
      %add3A_234 = arith.constant 5 : i32
      %add3A_235 = arith.addi %mul3A_233, %add3A_234 : i32
      %add3A_236 = arith.constant 8 : i32
      %add3A_237 = arith.addi %add3A_235, %add3A_236 : i32
      %ge3A_238 = arith.constant 13 : i32
      %ge3A_239 = arith.cmpi sge, %add3A_237, %ge3A_238 : i32
      %convert_element_type3A_240 = arith.extui %ge3A_239 : i1 to i32
      %cond3A_241 = arith.constant 0 : i32
      %cond3A_242 = arith.cmpi ne, %convert_element_type3A_240, %cond3A_241 : i32
      scf.if %cond3A_242 {
        %add3A_472 = arith.constant 8 : i32
        %add3A_473 = arith.addi %add3A_235, %add3A_472 : i32
        %sub3A = arith.constant 13 : i32
        %sub3A_474 = arith.subi %add3A_473, %sub3A : i32
        %mul3A_475 = arith.constant 128 : i32
        %mul3A_476 = arith.muli %sub3A_474, %mul3A_475 : i32
        %dma_wait3A_477 = tpu.memref_slice %arg7[%mul3A_476] : memref<10000xi32, #tpu.memory_space<vmem>> -> memref<128xi32, #tpu.memory_space<vmem>>
        %dma_wait3A_478 = arith.constant 0 : i32
        %dma_wait3A_479 = arith.constant 0 : i32
        %dma_wait3A_480 = tpu.memref_slice %arg22[%dma_wait3A_478, %dma_wait3A_479] : memref<10112x16xf32, #tpu.memory_space<vmem_shared>> -> memref<10112x16xf32, #tpu.memory_space<vmem_shared>>
        tpu.wait_indirect_dma semaphore(%arg36 : memref<!tpu.dma_semaphore, #tpu.memory_space<semaphore_mem>>) src(%arg8 : memref<128x16xf32, #tpu.memory_space<vmem>>) dst(%dma_wait3A_480 : memref<10112x16xf32, #tpu.memory_space<vmem_shared>>)
      } else {
      }
      %add3A_243 = arith.constant 8 : i32
      %add3A_244 = arith.addi %add3A_235, %add3A_243 : i32
      %lt3A_245 = arith.constant 78 : i32
      %lt3A_246 = arith.cmpi slt, %add3A_244, %lt3A_245 : i32
      %convert_element_type3A_247 = arith.extui %lt3A_246 : i1 to i32
      %cond3A_248 = arith.constant 0 : i32
      %cond3A_249 = arith.cmpi ne, %convert_element_type3A_247, %cond3A_248 : i32
      scf.if %cond3A_249 {
        %add3A_472 = arith.constant 8 : i32
        %add3A_473 = arith.addi %add3A_235, %add3A_472 : i32
        %mul3A_474 = arith.constant 128 : i32
        %mul3A_475 = arith.muli %add3A_473, %mul3A_474 : i32
        %dma_start3A_476 = tpu.memref_slice %arg6[%mul3A_475] : memref<10000xi32, #tpu.memory_space<vmem>> -> memref<128xi32, #tpu.memory_space<vmem>>
        %dma_start3A_477 = arith.constant 0 : i32
        %dma_start3A_478 = arith.constant 0 : i32
        %dma_start3A_479 = tpu.memref_slice %arg2[%dma_start3A_477, %dma_start3A_478] : memref<10000x16xf32, #tpu.memory_space<hbm>> -> memref<10000x16xf32, #tpu.memory_space<hbm>>
        tpu.enqueue_indirect_dma source(%dma_start3A_479 : memref<10000x16xf32, #tpu.memory_space<hbm>>) target(%arg8 : memref<128x16xf32, #tpu.memory_space<vmem>>) offsets(%dma_start3A_476 : memref<128xi32, #tpu.memory_space<vmem>>) semaphore(%arg23 : memref<!tpu.dma_semaphore, #tpu.memory_space<semaphore_mem>>)
      } else {
      }
      %mul3A_250 = arith.constant 128 : i32
      %mul3A_251 = arith.muli %add3A_235, %mul3A_250 : i32
      %dma_wait3A_252 = tpu.memref_slice %arg6[%mul3A_251] : memref<10000xi32, #tpu.memory_space<vmem>> -> memref<128xi32, #tpu.memory_space<vmem>>
      %dma_wait3A_253 = arith.constant 0 : i32
      %dma_wait3A_254 = arith.constant 0 : i32
      %dma_wait3A_255 = tpu.memref_slice %arg2[%dma_wait3A_253, %dma_wait3A_254] : memref<10000x16xf32, #tpu.memory_space<hbm>> -> memref<10000x16xf32, #tpu.memory_space<hbm>>
      tpu.wait_indirect_dma semaphore(%arg28 : memref<!tpu.dma_semaphore, #tpu.memory_space<semaphore_mem>>) src(%dma_wait3A_255 : memref<10000x16xf32, #tpu.memory_space<hbm>>) dst(%arg13 : memref<128x16xf32, #tpu.memory_space<vmem>>)
      %mul3A_256 = arith.constant 128 : i32
      %mul3A_257 = arith.muli %add3A_235, %mul3A_256 : i32
      %dma_start3A_258 = tpu.memref_slice %arg7[%mul3A_257] : memref<10000xi32, #tpu.memory_space<vmem>> -> memref<128xi32, #tpu.memory_space<vmem>>
      %dma_start3A_259 = arith.constant 0 : i32
      %dma_start3A_260 = arith.constant 0 : i32
      %dma_start3A_261 = tpu.memref_slice %arg22[%dma_start3A_259, %dma_start3A_260] : memref<10112x16xf32, #tpu.memory_space<vmem_shared>> -> memref<10112x16xf32, #tpu.memory_space<vmem_shared>>
      tpu.enqueue_indirect_dma source(%arg13 : memref<128x16xf32, #tpu.memory_space<vmem>>) target(%dma_start3A_261 : memref<10112x16xf32, #tpu.memory_space<vmem_shared>>) offsets(%dma_start3A_258 : memref<128xi32, #tpu.memory_space<vmem>>) semaphore(%arg41 : memref<!tpu.dma_semaphore, #tpu.memory_space<semaphore_mem>>) {add = true}
      %mul3A_262 = arith.constant 13 : i32
      %mul3A_263 = arith.muli %scan3A_85, %mul3A_262 : i32
      %add3A_264 = arith.constant 6 : i32
      %add3A_265 = arith.addi %mul3A_263, %add3A_264 : i32
      %add3A_266 = arith.constant 8 : i32
      %add3A_267 = arith.addi %add3A_265, %add3A_266 : i32
      %ge3A_268 = arith.constant 13 : i32
      %ge3A_269 = arith.cmpi sge, %add3A_267, %ge3A_268 : i32
      %convert_element_type3A_270 = arith.extui %ge3A_269 : i1 to i32
      %cond3A_271 = arith.constant 0 : i32
      %cond3A_272 = arith.cmpi ne, %convert_element_type3A_270, %cond3A_271 : i32
      scf.if %cond3A_272 {
        %add3A_472 = arith.constant 8 : i32
        %add3A_473 = arith.addi %add3A_265, %add3A_472 : i32
        %sub3A = arith.constant 13 : i32
        %sub3A_474 = arith.subi %add3A_473, %sub3A : i32
        %mul3A_475 = arith.constant 128 : i32
        %mul3A_476 = arith.muli %sub3A_474, %mul3A_475 : i32
        %dma_wait3A_477 = tpu.memref_slice %arg7[%mul3A_476] : memref<10000xi32, #tpu.memory_space<vmem>> -> memref<128xi32, #tpu.memory_space<vmem>>
        %dma_wait3A_478 = arith.constant 0 : i32
        %dma_wait3A_479 = arith.constant 0 : i32
        %dma_wait3A_480 = tpu.memref_slice %arg22[%dma_wait3A_478, %dma_wait3A_479] : memref<10112x16xf32, #tpu.memory_space<vmem_shared>> -> memref<10112x16xf32, #tpu.memory_space<vmem_shared>>
        tpu.wait_indirect_dma semaphore(%arg37 : memref<!tpu.dma_semaphore, #tpu.memory_space<semaphore_mem>>) src(%arg9 : memref<128x16xf32, #tpu.memory_space<vmem>>) dst(%dma_wait3A_480 : memref<10112x16xf32, #tpu.memory_space<vmem_shared>>)
      } else {
      }
      %add3A_273 = arith.constant 8 : i32
      %add3A_274 = arith.addi %add3A_265, %add3A_273 : i32
      %lt3A_275 = arith.constant 78 : i32
      %lt3A_276 = arith.cmpi slt, %add3A_274, %lt3A_275 : i32
      %convert_element_type3A_277 = arith.extui %lt3A_276 : i1 to i32
      %cond3A_278 = arith.constant 0 : i32
      %cond3A_279 = arith.cmpi ne, %convert_element_type3A_277, %cond3A_278 : i32
      scf.if %cond3A_279 {
        %add3A_472 = arith.constant 8 : i32
        %add3A_473 = arith.addi %add3A_265, %add3A_472 : i32
        %mul3A_474 = arith.constant 128 : i32
        %mul3A_475 = arith.muli %add3A_473, %mul3A_474 : i32
        %dma_start3A_476 = tpu.memref_slice %arg6[%mul3A_475] : memref<10000xi32, #tpu.memory_space<vmem>> -> memref<128xi32, #tpu.memory_space<vmem>>
        %dma_start3A_477 = arith.constant 0 : i32
        %dma_start3A_478 = arith.constant 0 : i32
        %dma_start3A_479 = tpu.memref_slice %arg2[%dma_start3A_477, %dma_start3A_478] : memref<10000x16xf32, #tpu.memory_space<hbm>> -> memref<10000x16xf32, #tpu.memory_space<hbm>>
        tpu.enqueue_indirect_dma source(%dma_start3A_479 : memref<10000x16xf32, #tpu.memory_space<hbm>>) target(%arg9 : memref<128x16xf32, #tpu.memory_space<vmem>>) offsets(%dma_start3A_476 : memref<128xi32, #tpu.memory_space<vmem>>) semaphore(%arg24 : memref<!tpu.dma_semaphore, #tpu.memory_space<semaphore_mem>>)
      } else {
      }
      %mul3A_280 = arith.constant 128 : i32
      %mul3A_281 = arith.muli %add3A_265, %mul3A_280 : i32
      %dma_wait3A_282 = tpu.memref_slice %arg6[%mul3A_281] : memref<10000xi32, #tpu.memory_space<vmem>> -> memref<128xi32, #tpu.memory_space<vmem>>
      %dma_wait3A_283 = arith.constant 0 : i32
      %dma_wait3A_284 = arith.constant 0 : i32
      %dma_wait3A_285 = tpu.memref_slice %arg2[%dma_wait3A_283, %dma_wait3A_284] : memref<10000x16xf32, #tpu.memory_space<hbm>> -> memref<10000x16xf32, #tpu.memory_space<hbm>>
      tpu.wait_indirect_dma semaphore(%arg29 : memref<!tpu.dma_semaphore, #tpu.memory_space<semaphore_mem>>) src(%dma_wait3A_285 : memref<10000x16xf32, #tpu.memory_space<hbm>>) dst(%arg14 : memref<128x16xf32, #tpu.memory_space<vmem>>)
      %mul3A_286 = arith.constant 128 : i32
      %mul3A_287 = arith.muli %add3A_265, %mul3A_286 : i32
      %dma_start3A_288 = tpu.memref_slice %arg7[%mul3A_287] : memref<10000xi32, #tpu.memory_space<vmem>> -> memref<128xi32, #tpu.memory_space<vmem>>
      %dma_start3A_289 = arith.constant 0 : i32
      %dma_start3A_290 = arith.constant 0 : i32
      %dma_start3A_291 = tpu.memref_slice %arg22[%dma_start3A_289, %dma_start3A_290] : memref<10112x16xf32, #tpu.memory_space<vmem_shared>> -> memref<10112x16xf32, #tpu.memory_space<vmem_shared>>
      tpu.enqueue_indirect_dma source(%arg14 : memref<128x16xf32, #tpu.memory_space<vmem>>) target(%dma_start3A_291 : memref<10112x16xf32, #tpu.memory_space<vmem_shared>>) offsets(%dma_start3A_288 : memref<128xi32, #tpu.memory_space<vmem>>) semaphore(%arg42 : memref<!tpu.dma_semaphore, #tpu.memory_space<semaphore_mem>>) {add = true}
      %mul3A_292 = arith.constant 13 : i32
      %mul3A_293 = arith.muli %scan3A_85, %mul3A_292 : i32
      %add3A_294 = arith.constant 7 : i32
      %add3A_295 = arith.addi %mul3A_293, %add3A_294 : i32
      %add3A_296 = arith.constant 8 : i32
      %add3A_297 = arith.addi %add3A_295, %add3A_296 : i32
      %ge3A_298 = arith.constant 13 : i32
      %ge3A_299 = arith.cmpi sge, %add3A_297, %ge3A_298 : i32
      %convert_element_type3A_300 = arith.extui %ge3A_299 : i1 to i32
      %cond3A_301 = arith.constant 0 : i32
      %cond3A_302 = arith.cmpi ne, %convert_element_type3A_300, %cond3A_301 : i32
      scf.if %cond3A_302 {
        %add3A_472 = arith.constant 8 : i32
        %add3A_473 = arith.addi %add3A_295, %add3A_472 : i32
        %sub3A = arith.constant 13 : i32
        %sub3A_474 = arith.subi %add3A_473, %sub3A : i32
        %mul3A_475 = arith.constant 128 : i32
        %mul3A_476 = arith.muli %sub3A_474, %mul3A_475 : i32
        %dma_wait3A_477 = tpu.memref_slice %arg7[%mul3A_476] : memref<10000xi32, #tpu.memory_space<vmem>> -> memref<128xi32, #tpu.memory_space<vmem>>
        %dma_wait3A_478 = arith.constant 0 : i32
        %dma_wait3A_479 = arith.constant 0 : i32
        %dma_wait3A_480 = tpu.memref_slice %arg22[%dma_wait3A_478, %dma_wait3A_479] : memref<10112x16xf32, #tpu.memory_space<vmem_shared>> -> memref<10112x16xf32, #tpu.memory_space<vmem_shared>>
        tpu.wait_indirect_dma semaphore(%arg38 : memref<!tpu.dma_semaphore, #tpu.memory_space<semaphore_mem>>) src(%arg10 : memref<128x16xf32, #tpu.memory_space<vmem>>) dst(%dma_wait3A_480 : memref<10112x16xf32, #tpu.memory_space<vmem_shared>>)
      } else {
      }
      %add3A_303 = arith.constant 8 : i32
      %add3A_304 = arith.addi %add3A_295, %add3A_303 : i32
      %lt3A_305 = arith.constant 78 : i32
      %lt3A_306 = arith.cmpi slt, %add3A_304, %lt3A_305 : i32
      %convert_element_type3A_307 = arith.extui %lt3A_306 : i1 to i32
      %cond3A_308 = arith.constant 0 : i32
      %cond3A_309 = arith.cmpi ne, %convert_element_type3A_307, %cond3A_308 : i32
      scf.if %cond3A_309 {
        %add3A_472 = arith.constant 8 : i32
        %add3A_473 = arith.addi %add3A_295, %add3A_472 : i32
        %mul3A_474 = arith.constant 128 : i32
        %mul3A_475 = arith.muli %add3A_473, %mul3A_474 : i32
        %dma_start3A_476 = tpu.memref_slice %arg6[%mul3A_475] : memref<10000xi32, #tpu.memory_space<vmem>> -> memref<128xi32, #tpu.memory_space<vmem>>
        %dma_start3A_477 = arith.constant 0 : i32
        %dma_start3A_478 = arith.constant 0 : i32
        %dma_start3A_479 = tpu.memref_slice %arg2[%dma_start3A_477, %dma_start3A_478] : memref<10000x16xf32, #tpu.memory_space<hbm>> -> memref<10000x16xf32, #tpu.memory_space<hbm>>
        tpu.enqueue_indirect_dma source(%dma_start3A_479 : memref<10000x16xf32, #tpu.memory_space<hbm>>) target(%arg10 : memref<128x16xf32, #tpu.memory_space<vmem>>) offsets(%dma_start3A_476 : memref<128xi32, #tpu.memory_space<vmem>>) semaphore(%arg25 : memref<!tpu.dma_semaphore, #tpu.memory_space<semaphore_mem>>)
      } else {
      }
      %mul3A_310 = arith.constant 128 : i32
      %mul3A_311 = arith.muli %add3A_295, %mul3A_310 : i32
      %dma_wait3A_312 = tpu.memref_slice %arg6[%mul3A_311] : memref<10000xi32, #tpu.memory_space<vmem>> -> memref<128xi32, #tpu.memory_space<vmem>>
      %dma_wait3A_313 = arith.constant 0 : i32
      %dma_wait3A_314 = arith.constant 0 : i32
      %dma_wait3A_315 = tpu.memref_slice %arg2[%dma_wait3A_313, %dma_wait3A_314] : memref<10000x16xf32, #tpu.memory_space<hbm>> -> memref<10000x16xf32, #tpu.memory_space<hbm>>
      tpu.wait_indirect_dma semaphore(%arg30 : memref<!tpu.dma_semaphore, #tpu.memory_space<semaphore_mem>>) src(%dma_wait3A_315 : memref<10000x16xf32, #tpu.memory_space<hbm>>) dst(%arg15 : memref<128x16xf32, #tpu.memory_space<vmem>>)
      %mul3A_316 = arith.constant 128 : i32
      %mul3A_317 = arith.muli %add3A_295, %mul3A_316 : i32
      %dma_start3A_318 = tpu.memref_slice %arg7[%mul3A_317] : memref<10000xi32, #tpu.memory_space<vmem>> -> memref<128xi32, #tpu.memory_space<vmem>>
      %dma_start3A_319 = arith.constant 0 : i32
      %dma_start3A_320 = arith.constant 0 : i32
      %dma_start3A_321 = tpu.memref_slice %arg22[%dma_start3A_319, %dma_start3A_320] : memref<10112x16xf32, #tpu.memory_space<vmem_shared>> -> memref<10112x16xf32, #tpu.memory_space<vmem_shared>>
      tpu.enqueue_indirect_dma source(%arg15 : memref<128x16xf32, #tpu.memory_space<vmem>>) target(%dma_start3A_321 : memref<10112x16xf32, #tpu.memory_space<vmem_shared>>) offsets(%dma_start3A_318 : memref<128xi32, #tpu.memory_space<vmem>>) semaphore(%arg43 : memref<!tpu.dma_semaphore, #tpu.memory_space<semaphore_mem>>) {add = true}
      %mul3A_322 = arith.constant 13 : i32
      %mul3A_323 = arith.muli %scan3A_85, %mul3A_322 : i32
      %add3A_324 = arith.constant 8 : i32
      %add3A_325 = arith.addi %mul3A_323, %add3A_324 : i32
      %add3A_326 = arith.constant 8 : i32
      %add3A_327 = arith.addi %add3A_325, %add3A_326 : i32
      %ge3A_328 = arith.constant 13 : i32
      %ge3A_329 = arith.cmpi sge, %add3A_327, %ge3A_328 : i32
      %convert_element_type3A_330 = arith.extui %ge3A_329 : i1 to i32
      %cond3A_331 = arith.constant 0 : i32
      %cond3A_332 = arith.cmpi ne, %convert_element_type3A_330, %cond3A_331 : i32
      scf.if %cond3A_332 {
        %add3A_472 = arith.constant 8 : i32
        %add3A_473 = arith.addi %add3A_325, %add3A_472 : i32
        %sub3A = arith.constant 13 : i32
        %sub3A_474 = arith.subi %add3A_473, %sub3A : i32
        %mul3A_475 = arith.constant 128 : i32
        %mul3A_476 = arith.muli %sub3A_474, %mul3A_475 : i32
        %dma_wait3A_477 = tpu.memref_slice %arg7[%mul3A_476] : memref<10000xi32, #tpu.memory_space<vmem>> -> memref<128xi32, #tpu.memory_space<vmem>>
        %dma_wait3A_478 = arith.constant 0 : i32
        %dma_wait3A_479 = arith.constant 0 : i32
        %dma_wait3A_480 = tpu.memref_slice %arg22[%dma_wait3A_478, %dma_wait3A_479] : memref<10112x16xf32, #tpu.memory_space<vmem_shared>> -> memref<10112x16xf32, #tpu.memory_space<vmem_shared>>
        tpu.wait_indirect_dma semaphore(%arg39 : memref<!tpu.dma_semaphore, #tpu.memory_space<semaphore_mem>>) src(%arg11 : memref<128x16xf32, #tpu.memory_space<vmem>>) dst(%dma_wait3A_480 : memref<10112x16xf32, #tpu.memory_space<vmem_shared>>)
      } else {
      }
      %add3A_333 = arith.constant 8 : i32
      %add3A_334 = arith.addi %add3A_325, %add3A_333 : i32
      %lt3A_335 = arith.constant 78 : i32
      %lt3A_336 = arith.cmpi slt, %add3A_334, %lt3A_335 : i32
      %convert_element_type3A_337 = arith.extui %lt3A_336 : i1 to i32
      %cond3A_338 = arith.constant 0 : i32
      %cond3A_339 = arith.cmpi ne, %convert_element_type3A_337, %cond3A_338 : i32
      scf.if %cond3A_339 {
        %add3A_472 = arith.constant 8 : i32
        %add3A_473 = arith.addi %add3A_325, %add3A_472 : i32
        %mul3A_474 = arith.constant 128 : i32
        %mul3A_475 = arith.muli %add3A_473, %mul3A_474 : i32
        %dma_start3A_476 = tpu.memref_slice %arg6[%mul3A_475] : memref<10000xi32, #tpu.memory_space<vmem>> -> memref<128xi32, #tpu.memory_space<vmem>>
        %dma_start3A_477 = arith.constant 0 : i32
        %dma_start3A_478 = arith.constant 0 : i32
        %dma_start3A_479 = tpu.memref_slice %arg2[%dma_start3A_477, %dma_start3A_478] : memref<10000x16xf32, #tpu.memory_space<hbm>> -> memref<10000x16xf32, #tpu.memory_space<hbm>>
        tpu.enqueue_indirect_dma source(%dma_start3A_479 : memref<10000x16xf32, #tpu.memory_space<hbm>>) target(%arg11 : memref<128x16xf32, #tpu.memory_space<vmem>>) offsets(%dma_start3A_476 : memref<128xi32, #tpu.memory_space<vmem>>) semaphore(%arg26 : memref<!tpu.dma_semaphore, #tpu.memory_space<semaphore_mem>>)
      } else {
      }
      %mul3A_340 = arith.constant 128 : i32
      %mul3A_341 = arith.muli %add3A_325, %mul3A_340 : i32
      %dma_wait3A_342 = tpu.memref_slice %arg6[%mul3A_341] : memref<10000xi32, #tpu.memory_space<vmem>> -> memref<128xi32, #tpu.memory_space<vmem>>
      %dma_wait3A_343 = arith.constant 0 : i32
      %dma_wait3A_344 = arith.constant 0 : i32
      %dma_wait3A_345 = tpu.memref_slice %arg2[%dma_wait3A_343, %dma_wait3A_344] : memref<10000x16xf32, #tpu.memory_space<hbm>> -> memref<10000x16xf32, #tpu.memory_space<hbm>>
      tpu.wait_indirect_dma semaphore(%arg31 : memref<!tpu.dma_semaphore, #tpu.memory_space<semaphore_mem>>) src(%dma_wait3A_345 : memref<10000x16xf32, #tpu.memory_space<hbm>>) dst(%arg16 : memref<128x16xf32, #tpu.memory_space<vmem>>)
      %mul3A_346 = arith.constant 128 : i32
      %mul3A_347 = arith.muli %add3A_325, %mul3A_346 : i32
      %dma_start3A_348 = tpu.memref_slice %arg7[%mul3A_347] : memref<10000xi32, #tpu.memory_space<vmem>> -> memref<128xi32, #tpu.memory_space<vmem>>
      %dma_start3A_349 = arith.constant 0 : i32
      %dma_start3A_350 = arith.constant 0 : i32
      %dma_start3A_351 = tpu.memref_slice %arg22[%dma_start3A_349, %dma_start3A_350] : memref<10112x16xf32, #tpu.memory_space<vmem_shared>> -> memref<10112x16xf32, #tpu.memory_space<vmem_shared>>
      tpu.enqueue_indirect_dma source(%arg16 : memref<128x16xf32, #tpu.memory_space<vmem>>) target(%dma_start3A_351 : memref<10112x16xf32, #tpu.memory_space<vmem_shared>>) offsets(%dma_start3A_348 : memref<128xi32, #tpu.memory_space<vmem>>) semaphore(%arg44 : memref<!tpu.dma_semaphore, #tpu.memory_space<semaphore_mem>>) {add = true}
      %mul3A_352 = arith.constant 13 : i32
      %mul3A_353 = arith.muli %scan3A_85, %mul3A_352 : i32
      %add3A_354 = arith.constant 9 : i32
      %add3A_355 = arith.addi %mul3A_353, %add3A_354 : i32
      %add3A_356 = arith.constant 8 : i32
      %add3A_357 = arith.addi %add3A_355, %add3A_356 : i32
      %ge3A_358 = arith.constant 13 : i32
      %ge3A_359 = arith.cmpi sge, %add3A_357, %ge3A_358 : i32
      %convert_element_type3A_360 = arith.extui %ge3A_359 : i1 to i32
      %cond3A_361 = arith.constant 0 : i32
      %cond3A_362 = arith.cmpi ne, %convert_element_type3A_360, %cond3A_361 : i32
      scf.if %cond3A_362 {
        %add3A_472 = arith.constant 8 : i32
        %add3A_473 = arith.addi %add3A_355, %add3A_472 : i32
        %sub3A = arith.constant 13 : i32
        %sub3A_474 = arith.subi %add3A_473, %sub3A : i32
        %mul3A_475 = arith.constant 128 : i32
        %mul3A_476 = arith.muli %sub3A_474, %mul3A_475 : i32
        %dma_wait3A_477 = tpu.memref_slice %arg7[%mul3A_476] : memref<10000xi32, #tpu.memory_space<vmem>> -> memref<128xi32, #tpu.memory_space<vmem>>
        %dma_wait3A_478 = arith.constant 0 : i32
        %dma_wait3A_479 = arith.constant 0 : i32
        %dma_wait3A_480 = tpu.memref_slice %arg22[%dma_wait3A_478, %dma_wait3A_479] : memref<10112x16xf32, #tpu.memory_space<vmem_shared>> -> memref<10112x16xf32, #tpu.memory_space<vmem_shared>>
        tpu.wait_indirect_dma semaphore(%arg40 : memref<!tpu.dma_semaphore, #tpu.memory_space<semaphore_mem>>) src(%arg12 : memref<128x16xf32, #tpu.memory_space<vmem>>) dst(%dma_wait3A_480 : memref<10112x16xf32, #tpu.memory_space<vmem_shared>>)
      } else {
      }
      %add3A_363 = arith.constant 8 : i32
      %add3A_364 = arith.addi %add3A_355, %add3A_363 : i32
      %lt3A_365 = arith.constant 78 : i32
      %lt3A_366 = arith.cmpi slt, %add3A_364, %lt3A_365 : i32
      %convert_element_type3A_367 = arith.extui %lt3A_366 : i1 to i32
      %cond3A_368 = arith.constant 0 : i32
      %cond3A_369 = arith.cmpi ne, %convert_element_type3A_367, %cond3A_368 : i32
      scf.if %cond3A_369 {
        %add3A_472 = arith.constant 8 : i32
        %add3A_473 = arith.addi %add3A_355, %add3A_472 : i32
        %mul3A_474 = arith.constant 128 : i32
        %mul3A_475 = arith.muli %add3A_473, %mul3A_474 : i32
        %dma_start3A_476 = tpu.memref_slice %arg6[%mul3A_475] : memref<10000xi32, #tpu.memory_space<vmem>> -> memref<128xi32, #tpu.memory_space<vmem>>
        %dma_start3A_477 = arith.constant 0 : i32
        %dma_start3A_478 = arith.constant 0 : i32
        %dma_start3A_479 = tpu.memref_slice %arg2[%dma_start3A_477, %dma_start3A_478] : memref<10000x16xf32, #tpu.memory_space<hbm>> -> memref<10000x16xf32, #tpu.memory_space<hbm>>
        tpu.enqueue_indirect_dma source(%dma_start3A_479 : memref<10000x16xf32, #tpu.memory_space<hbm>>) target(%arg12 : memref<128x16xf32, #tpu.memory_space<vmem>>) offsets(%dma_start3A_476 : memref<128xi32, #tpu.memory_space<vmem>>) semaphore(%arg27 : memref<!tpu.dma_semaphore, #tpu.memory_space<semaphore_mem>>)
      } else {
      }
      %mul3A_370 = arith.constant 128 : i32
      %mul3A_371 = arith.muli %add3A_355, %mul3A_370 : i32
      %dma_wait3A_372 = tpu.memref_slice %arg6[%mul3A_371] : memref<10000xi32, #tpu.memory_space<vmem>> -> memref<128xi32, #tpu.memory_space<vmem>>
      %dma_wait3A_373 = arith.constant 0 : i32
      %dma_wait3A_374 = arith.constant 0 : i32
      %dma_wait3A_375 = tpu.memref_slice %arg2[%dma_wait3A_373, %dma_wait3A_374] : memref<10000x16xf32, #tpu.memory_space<hbm>> -> memref<10000x16xf32, #tpu.memory_space<hbm>>
      tpu.wait_indirect_dma semaphore(%arg32 : memref<!tpu.dma_semaphore, #tpu.memory_space<semaphore_mem>>) src(%dma_wait3A_375 : memref<10000x16xf32, #tpu.memory_space<hbm>>) dst(%arg17 : memref<128x16xf32, #tpu.memory_space<vmem>>)
      %mul3A_376 = arith.constant 128 : i32
      %mul3A_377 = arith.muli %add3A_355, %mul3A_376 : i32
      %dma_start3A_378 = tpu.memref_slice %arg7[%mul3A_377] : memref<10000xi32, #tpu.memory_space<vmem>> -> memref<128xi32, #tpu.memory_space<vmem>>
      %dma_start3A_379 = arith.constant 0 : i32
      %dma_start3A_380 = arith.constant 0 : i32
      %dma_start3A_381 = tpu.memref_slice %arg22[%dma_start3A_379, %dma_start3A_380] : memref<10112x16xf32, #tpu.memory_space<vmem_shared>> -> memref<10112x16xf32, #tpu.memory_space<vmem_shared>>
      tpu.enqueue_indirect_dma source(%arg17 : memref<128x16xf32, #tpu.memory_space<vmem>>) target(%dma_start3A_381 : memref<10112x16xf32, #tpu.memory_space<vmem_shared>>) offsets(%dma_start3A_378 : memref<128xi32, #tpu.memory_space<vmem>>) semaphore(%arg45 : memref<!tpu.dma_semaphore, #tpu.memory_space<semaphore_mem>>) {add = true}
      %mul3A_382 = arith.constant 13 : i32
      %mul3A_383 = arith.muli %scan3A_85, %mul3A_382 : i32
      %add3A_384 = arith.constant 10 : i32
      %add3A_385 = arith.addi %mul3A_383, %add3A_384 : i32
      %add3A_386 = arith.constant 8 : i32
      %add3A_387 = arith.addi %add3A_385, %add3A_386 : i32
      %ge3A_388 = arith.constant 13 : i32
      %ge3A_389 = arith.cmpi sge, %add3A_387, %ge3A_388 : i32
      %convert_element_type3A_390 = arith.extui %ge3A_389 : i1 to i32
      %cond3A_391 = arith.constant 0 : i32
      %cond3A_392 = arith.cmpi ne, %convert_element_type3A_390, %cond3A_391 : i32
      scf.if %cond3A_392 {
        %add3A_472 = arith.constant 8 : i32
        %add3A_473 = arith.addi %add3A_385, %add3A_472 : i32
        %sub3A = arith.constant 13 : i32
        %sub3A_474 = arith.subi %add3A_473, %sub3A : i32
        %mul3A_475 = arith.constant 128 : i32
        %mul3A_476 = arith.muli %sub3A_474, %mul3A_475 : i32
        %dma_wait3A_477 = tpu.memref_slice %arg7[%mul3A_476] : memref<10000xi32, #tpu.memory_space<vmem>> -> memref<128xi32, #tpu.memory_space<vmem>>
        %dma_wait3A_478 = arith.constant 0 : i32
        %dma_wait3A_479 = arith.constant 0 : i32
        %dma_wait3A_480 = tpu.memref_slice %arg22[%dma_wait3A_478, %dma_wait3A_479] : memref<10112x16xf32, #tpu.memory_space<vmem_shared>> -> memref<10112x16xf32, #tpu.memory_space<vmem_shared>>
        tpu.wait_indirect_dma semaphore(%arg41 : memref<!tpu.dma_semaphore, #tpu.memory_space<semaphore_mem>>) src(%arg13 : memref<128x16xf32, #tpu.memory_space<vmem>>) dst(%dma_wait3A_480 : memref<10112x16xf32, #tpu.memory_space<vmem_shared>>)
      } else {
      }
      %add3A_393 = arith.constant 8 : i32
      %add3A_394 = arith.addi %add3A_385, %add3A_393 : i32
      %lt3A_395 = arith.constant 78 : i32
      %lt3A_396 = arith.cmpi slt, %add3A_394, %lt3A_395 : i32
      %convert_element_type3A_397 = arith.extui %lt3A_396 : i1 to i32
      %cond3A_398 = arith.constant 0 : i32
      %cond3A_399 = arith.cmpi ne, %convert_element_type3A_397, %cond3A_398 : i32
      scf.if %cond3A_399 {
        %add3A_472 = arith.constant 8 : i32
        %add3A_473 = arith.addi %add3A_385, %add3A_472 : i32
        %mul3A_474 = arith.constant 128 : i32
        %mul3A_475 = arith.muli %add3A_473, %mul3A_474 : i32
        %dma_start3A_476 = tpu.memref_slice %arg6[%mul3A_475] : memref<10000xi32, #tpu.memory_space<vmem>> -> memref<128xi32, #tpu.memory_space<vmem>>
        %dma_start3A_477 = arith.constant 0 : i32
        %dma_start3A_478 = arith.constant 0 : i32
        %dma_start3A_479 = tpu.memref_slice %arg2[%dma_start3A_477, %dma_start3A_478] : memref<10000x16xf32, #tpu.memory_space<hbm>> -> memref<10000x16xf32, #tpu.memory_space<hbm>>
        tpu.enqueue_indirect_dma source(%dma_start3A_479 : memref<10000x16xf32, #tpu.memory_space<hbm>>) target(%arg13 : memref<128x16xf32, #tpu.memory_space<vmem>>) offsets(%dma_start3A_476 : memref<128xi32, #tpu.memory_space<vmem>>) semaphore(%arg28 : memref<!tpu.dma_semaphore, #tpu.memory_space<semaphore_mem>>)
      } else {
      }
      %mul3A_400 = arith.constant 128 : i32
      %mul3A_401 = arith.muli %add3A_385, %mul3A_400 : i32
      %dma_wait3A_402 = tpu.memref_slice %arg6[%mul3A_401] : memref<10000xi32, #tpu.memory_space<vmem>> -> memref<128xi32, #tpu.memory_space<vmem>>
      %dma_wait3A_403 = arith.constant 0 : i32
      %dma_wait3A_404 = arith.constant 0 : i32
      %dma_wait3A_405 = tpu.memref_slice %arg2[%dma_wait3A_403, %dma_wait3A_404] : memref<10000x16xf32, #tpu.memory_space<hbm>> -> memref<10000x16xf32, #tpu.memory_space<hbm>>
      tpu.wait_indirect_dma semaphore(%arg33 : memref<!tpu.dma_semaphore, #tpu.memory_space<semaphore_mem>>) src(%dma_wait3A_405 : memref<10000x16xf32, #tpu.memory_space<hbm>>) dst(%arg18 : memref<128x16xf32, #tpu.memory_space<vmem>>)
      %mul3A_406 = arith.constant 128 : i32
      %mul3A_407 = arith.muli %add3A_385, %mul3A_406 : i32
      %dma_start3A_408 = tpu.memref_slice %arg7[%mul3A_407] : memref<10000xi32, #tpu.memory_space<vmem>> -> memref<128xi32, #tpu.memory_space<vmem>>
      %dma_start3A_409 = arith.constant 0 : i32
      %dma_start3A_410 = arith.constant 0 : i32
      %dma_start3A_411 = tpu.memref_slice %arg22[%dma_start3A_409, %dma_start3A_410] : memref<10112x16xf32, #tpu.memory_space<vmem_shared>> -> memref<10112x16xf32, #tpu.memory_space<vmem_shared>>
      tpu.enqueue_indirect_dma source(%arg18 : memref<128x16xf32, #tpu.memory_space<vmem>>) target(%dma_start3A_411 : memref<10112x16xf32, #tpu.memory_space<vmem_shared>>) offsets(%dma_start3A_408 : memref<128xi32, #tpu.memory_space<vmem>>) semaphore(%arg46 : memref<!tpu.dma_semaphore, #tpu.memory_space<semaphore_mem>>) {add = true}
      %mul3A_412 = arith.constant 13 : i32
      %mul3A_413 = arith.muli %scan3A_85, %mul3A_412 : i32
      %add3A_414 = arith.constant 11 : i32
      %add3A_415 = arith.addi %mul3A_413, %add3A_414 : i32
      %add3A_416 = arith.constant 8 : i32
      %add3A_417 = arith.addi %add3A_415, %add3A_416 : i32
      %ge3A_418 = arith.constant 13 : i32
      %ge3A_419 = arith.cmpi sge, %add3A_417, %ge3A_418 : i32
      %convert_element_type3A_420 = arith.extui %ge3A_419 : i1 to i32
      %cond3A_421 = arith.constant 0 : i32
      %cond3A_422 = arith.cmpi ne, %convert_element_type3A_420, %cond3A_421 : i32
      scf.if %cond3A_422 {
        %add3A_472 = arith.constant 8 : i32
        %add3A_473 = arith.addi %add3A_415, %add3A_472 : i32
        %sub3A = arith.constant 13 : i32
        %sub3A_474 = arith.subi %add3A_473, %sub3A : i32
        %mul3A_475 = arith.constant 128 : i32
        %mul3A_476 = arith.muli %sub3A_474, %mul3A_475 : i32
        %dma_wait3A_477 = tpu.memref_slice %arg7[%mul3A_476] : memref<10000xi32, #tpu.memory_space<vmem>> -> memref<128xi32, #tpu.memory_space<vmem>>
        %dma_wait3A_478 = arith.constant 0 : i32
        %dma_wait3A_479 = arith.constant 0 : i32
        %dma_wait3A_480 = tpu.memref_slice %arg22[%dma_wait3A_478, %dma_wait3A_479] : memref<10112x16xf32, #tpu.memory_space<vmem_shared>> -> memref<10112x16xf32, #tpu.memory_space<vmem_shared>>
        tpu.wait_indirect_dma semaphore(%arg42 : memref<!tpu.dma_semaphore, #tpu.memory_space<semaphore_mem>>) src(%arg14 : memref<128x16xf32, #tpu.memory_space<vmem>>) dst(%dma_wait3A_480 : memref<10112x16xf32, #tpu.memory_space<vmem_shared>>)
      } else {
      }
      %add3A_423 = arith.constant 8 : i32
      %add3A_424 = arith.addi %add3A_415, %add3A_423 : i32
      %lt3A_425 = arith.constant 78 : i32
      %lt3A_426 = arith.cmpi slt, %add3A_424, %lt3A_425 : i32
      %convert_element_type3A_427 = arith.extui %lt3A_426 : i1 to i32
      %cond3A_428 = arith.constant 0 : i32
      %cond3A_429 = arith.cmpi ne, %convert_element_type3A_427, %cond3A_428 : i32
      scf.if %cond3A_429 {
        %add3A_472 = arith.constant 8 : i32
        %add3A_473 = arith.addi %add3A_415, %add3A_472 : i32
        %mul3A_474 = arith.constant 128 : i32
        %mul3A_475 = arith.muli %add3A_473, %mul3A_474 : i32
        %dma_start3A_476 = tpu.memref_slice %arg6[%mul3A_475] : memref<10000xi32, #tpu.memory_space<vmem>> -> memref<128xi32, #tpu.memory_space<vmem>>
        %dma_start3A_477 = arith.constant 0 : i32
        %dma_start3A_478 = arith.constant 0 : i32
        %dma_start3A_479 = tpu.memref_slice %arg2[%dma_start3A_477, %dma_start3A_478] : memref<10000x16xf32, #tpu.memory_space<hbm>> -> memref<10000x16xf32, #tpu.memory_space<hbm>>
        tpu.enqueue_indirect_dma source(%dma_start3A_479 : memref<10000x16xf32, #tpu.memory_space<hbm>>) target(%arg14 : memref<128x16xf32, #tpu.memory_space<vmem>>) offsets(%dma_start3A_476 : memref<128xi32, #tpu.memory_space<vmem>>) semaphore(%arg29 : memref<!tpu.dma_semaphore, #tpu.memory_space<semaphore_mem>>)
      } else {
      }
      %mul3A_430 = arith.constant 128 : i32
      %mul3A_431 = arith.muli %add3A_415, %mul3A_430 : i32
      %dma_wait3A_432 = tpu.memref_slice %arg6[%mul3A_431] : memref<10000xi32, #tpu.memory_space<vmem>> -> memref<128xi32, #tpu.memory_space<vmem>>
      %dma_wait3A_433 = arith.constant 0 : i32
      %dma_wait3A_434 = arith.constant 0 : i32
      %dma_wait3A_435 = tpu.memref_slice %arg2[%dma_wait3A_433, %dma_wait3A_434] : memref<10000x16xf32, #tpu.memory_space<hbm>> -> memref<10000x16xf32, #tpu.memory_space<hbm>>
      tpu.wait_indirect_dma semaphore(%arg34 : memref<!tpu.dma_semaphore, #tpu.memory_space<semaphore_mem>>) src(%dma_wait3A_435 : memref<10000x16xf32, #tpu.memory_space<hbm>>) dst(%arg19 : memref<128x16xf32, #tpu.memory_space<vmem>>)
      %mul3A_436 = arith.constant 128 : i32
      %mul3A_437 = arith.muli %add3A_415, %mul3A_436 : i32
      %dma_start3A_438 = tpu.memref_slice %arg7[%mul3A_437] : memref<10000xi32, #tpu.memory_space<vmem>> -> memref<128xi32, #tpu.memory_space<vmem>>
      %dma_start3A_439 = arith.constant 0 : i32
      %dma_start3A_440 = arith.constant 0 : i32
      %dma_start3A_441 = tpu.memref_slice %arg22[%dma_start3A_439, %dma_start3A_440] : memref<10112x16xf32, #tpu.memory_space<vmem_shared>> -> memref<10112x16xf32, #tpu.memory_space<vmem_shared>>
      tpu.enqueue_indirect_dma source(%arg19 : memref<128x16xf32, #tpu.memory_space<vmem>>) target(%dma_start3A_441 : memref<10112x16xf32, #tpu.memory_space<vmem_shared>>) offsets(%dma_start3A_438 : memref<128xi32, #tpu.memory_space<vmem>>) semaphore(%arg47 : memref<!tpu.dma_semaphore, #tpu.memory_space<semaphore_mem>>) {add = true}
      %mul3A_442 = arith.constant 13 : i32
      %mul3A_443 = arith.muli %scan3A_85, %mul3A_442 : i32
      %add3A_444 = arith.constant 12 : i32
      %add3A_445 = arith.addi %mul3A_443, %add3A_444 : i32
      %add3A_446 = arith.constant 8 : i32
      %add3A_447 = arith.addi %add3A_445, %add3A_446 : i32
      %ge3A_448 = arith.constant 13 : i32
      %ge3A_449 = arith.cmpi sge, %add3A_447, %ge3A_448 : i32
      %convert_element_type3A_450 = arith.extui %ge3A_449 : i1 to i32
      %cond3A_451 = arith.constant 0 : i32
      %cond3A_452 = arith.cmpi ne, %convert_element_type3A_450, %cond3A_451 : i32
      scf.if %cond3A_452 {
        %add3A_472 = arith.constant 8 : i32
        %add3A_473 = arith.addi %add3A_445, %add3A_472 : i32
        %sub3A = arith.constant 13 : i32
        %sub3A_474 = arith.subi %add3A_473, %sub3A : i32
        %mul3A_475 = arith.constant 128 : i32
        %mul3A_476 = arith.muli %sub3A_474, %mul3A_475 : i32
        %dma_wait3A_477 = tpu.memref_slice %arg7[%mul3A_476] : memref<10000xi32, #tpu.memory_space<vmem>> -> memref<128xi32, #tpu.memory_space<vmem>>
        %dma_wait3A_478 = arith.constant 0 : i32
        %dma_wait3A_479 = arith.constant 0 : i32
        %dma_wait3A_480 = tpu.memref_slice %arg22[%dma_wait3A_478, %dma_wait3A_479] : memref<10112x16xf32, #tpu.memory_space<vmem_shared>> -> memref<10112x16xf32, #tpu.memory_space<vmem_shared>>
        tpu.wait_indirect_dma semaphore(%arg43 : memref<!tpu.dma_semaphore, #tpu.memory_space<semaphore_mem>>) src(%arg15 : memref<128x16xf32, #tpu.memory_space<vmem>>) dst(%dma_wait3A_480 : memref<10112x16xf32, #tpu.memory_space<vmem_shared>>)
      } else {
      }
      %add3A_453 = arith.constant 8 : i32
      %add3A_454 = arith.addi %add3A_445, %add3A_453 : i32
      %lt3A_455 = arith.constant 78 : i32
      %lt3A_456 = arith.cmpi slt, %add3A_454, %lt3A_455 : i32
      %convert_element_type3A_457 = arith.extui %lt3A_456 : i1 to i32
      %cond3A_458 = arith.constant 0 : i32
      %cond3A_459 = arith.cmpi ne, %convert_element_type3A_457, %cond3A_458 : i32
      scf.if %cond3A_459 {
        %add3A_472 = arith.constant 8 : i32
        %add3A_473 = arith.addi %add3A_445, %add3A_472 : i32
        %mul3A_474 = arith.constant 128 : i32
        %mul3A_475 = arith.muli %add3A_473, %mul3A_474 : i32
        %dma_start3A_476 = tpu.memref_slice %arg6[%mul3A_475] : memref<10000xi32, #tpu.memory_space<vmem>> -> memref<128xi32, #tpu.memory_space<vmem>>
        %dma_start3A_477 = arith.constant 0 : i32
        %dma_start3A_478 = arith.constant 0 : i32
        %dma_start3A_479 = tpu.memref_slice %arg2[%dma_start3A_477, %dma_start3A_478] : memref<10000x16xf32, #tpu.memory_space<hbm>> -> memref<10000x16xf32, #tpu.memory_space<hbm>>
        tpu.enqueue_indirect_dma source(%dma_start3A_479 : memref<10000x16xf32, #tpu.memory_space<hbm>>) target(%arg15 : memref<128x16xf32, #tpu.memory_space<vmem>>) offsets(%dma_start3A_476 : memref<128xi32, #tpu.memory_space<vmem>>) semaphore(%arg30 : memref<!tpu.dma_semaphore, #tpu.memory_space<semaphore_mem>>)
      } else {
      }
      %mul3A_460 = arith.constant 128 : i32
      %mul3A_461 = arith.muli %add3A_445, %mul3A_460 : i32
      %dma_wait3A_462 = tpu.memref_slice %arg6[%mul3A_461] : memref<10000xi32, #tpu.memory_space<vmem>> -> memref<128xi32, #tpu.memory_space<vmem>>
      %dma_wait3A_463 = arith.constant 0 : i32
      %dma_wait3A_464 = arith.constant 0 : i32
      %dma_wait3A_465 = tpu.memref_slice %arg2[%dma_wait3A_463, %dma_wait3A_464] : memref<10000x16xf32, #tpu.memory_space<hbm>> -> memref<10000x16xf32, #tpu.memory_space<hbm>>
      tpu.wait_indirect_dma semaphore(%arg35 : memref<!tpu.dma_semaphore, #tpu.memory_space<semaphore_mem>>) src(%dma_wait3A_465 : memref<10000x16xf32, #tpu.memory_space<hbm>>) dst(%arg20 : memref<128x16xf32, #tpu.memory_space<vmem>>)
      %mul3A_466 = arith.constant 128 : i32
      %mul3A_467 = arith.muli %add3A_445, %mul3A_466 : i32
      %dma_start3A_468 = tpu.memref_slice %arg7[%mul3A_467] : memref<10000xi32, #tpu.memory_space<vmem>> -> memref<128xi32, #tpu.memory_space<vmem>>
      %dma_start3A_469 = arith.constant 0 : i32
      %dma_start3A_470 = arith.constant 0 : i32
      %dma_start3A_471 = tpu.memref_slice %arg22[%dma_start3A_469, %dma_start3A_470] : memref<10112x16xf32, #tpu.memory_space<vmem_shared>> -> memref<10112x16xf32, #tpu.memory_space<vmem_shared>>
      tpu.enqueue_indirect_dma source(%arg20 : memref<128x16xf32, #tpu.memory_space<vmem>>) target(%dma_start3A_471 : memref<10112x16xf32, #tpu.memory_space<vmem_shared>>) offsets(%dma_start3A_468 : memref<128xi32, #tpu.memory_space<vmem>>) semaphore(%arg48 : memref<!tpu.dma_semaphore, #tpu.memory_space<semaphore_mem>>) {add = true}
    }
    %scan3A_49 = arith.constant 6 : i32
    %dma_start3A_50 = arith.constant 9984 : i32
    %dma_start3A_51 = tpu.memref_slice %arg6[%dma_start3A_50] : memref<10000xi32, #tpu.memory_space<vmem>> -> memref<16xi32, #tpu.memory_space<vmem>>
    %dma_start3A_52 = arith.constant 0 : i32
    %dma_start3A_53 = arith.constant 0 : i32
    %dma_start3A_54 = tpu.memref_slice %arg2[%dma_start3A_52, %dma_start3A_53] : memref<10000x16xf32, #tpu.memory_space<hbm>> -> memref<10000x16xf32, #tpu.memory_space<hbm>>
    tpu.enqueue_indirect_dma source(%dma_start3A_54 : memref<10000x16xf32, #tpu.memory_space<hbm>>) target(%arg21 : memref<16x16xf32, #tpu.memory_space<vmem>>) offsets(%dma_start3A_51 : memref<16xi32, #tpu.memory_space<vmem>>) semaphore(%arg30 : memref<!tpu.dma_semaphore, #tpu.memory_space<semaphore_mem>>)
    %dma_wait3A = arith.constant 9344 : i32
    %dma_wait3A_55 = tpu.memref_slice %arg7[%dma_wait3A] : memref<10000xi32, #tpu.memory_space<vmem>> -> memref<128xi32, #tpu.memory_space<vmem>>
    %dma_wait3A_56 = arith.constant 0 : i32
    %dma_wait3A_57 = arith.constant 0 : i32
    %dma_wait3A_58 = tpu.memref_slice %arg22[%dma_wait3A_56, %dma_wait3A_57] : memref<10112x16xf32, #tpu.memory_space<vmem_shared>> -> memref<10112x16xf32, #tpu.memory_space<vmem_shared>>
    tpu.wait_indirect_dma semaphore(%arg44 : memref<!tpu.dma_semaphore, #tpu.memory_space<semaphore_mem>>) src(%arg16 : memref<128x16xf32, #tpu.memory_space<vmem>>) dst(%dma_wait3A_58 : memref<10112x16xf32, #tpu.memory_space<vmem_shared>>)
    %dma_wait3A_59 = arith.constant 9472 : i32
    %dma_wait3A_60 = tpu.memref_slice %arg7[%dma_wait3A_59] : memref<10000xi32, #tpu.memory_space<vmem>> -> memref<128xi32, #tpu.memory_space<vmem>>
    %dma_wait3A_61 = arith.constant 0 : i32
    %dma_wait3A_62 = arith.constant 0 : i32
    %dma_wait3A_63 = tpu.memref_slice %arg22[%dma_wait3A_61, %dma_wait3A_62] : memref<10112x16xf32, #tpu.memory_space<vmem_shared>> -> memref<10112x16xf32, #tpu.memory_space<vmem_shared>>
    tpu.wait_indirect_dma semaphore(%arg45 : memref<!tpu.dma_semaphore, #tpu.memory_space<semaphore_mem>>) src(%arg17 : memref<128x16xf32, #tpu.memory_space<vmem>>) dst(%dma_wait3A_63 : memref<10112x16xf32, #tpu.memory_space<vmem_shared>>)
    %dma_wait3A_64 = arith.constant 9600 : i32
    %dma_wait3A_65 = tpu.memref_slice %arg7[%dma_wait3A_64] : memref<10000xi32, #tpu.memory_space<vmem>> -> memref<128xi32, #tpu.memory_space<vmem>>
    %dma_wait3A_66 = arith.constant 0 : i32
    %dma_wait3A_67 = arith.constant 0 : i32
    %dma_wait3A_68 = tpu.memref_slice %arg22[%dma_wait3A_66, %dma_wait3A_67] : memref<10112x16xf32, #tpu.memory_space<vmem_shared>> -> memref<10112x16xf32, #tpu.memory_space<vmem_shared>>
    tpu.wait_indirect_dma semaphore(%arg46 : memref<!tpu.dma_semaphore, #tpu.memory_space<semaphore_mem>>) src(%arg18 : memref<128x16xf32, #tpu.memory_space<vmem>>) dst(%dma_wait3A_68 : memref<10112x16xf32, #tpu.memory_space<vmem_shared>>)
    %dma_wait3A_69 = arith.constant 9728 : i32
    %dma_wait3A_70 = tpu.memref_slice %arg7[%dma_wait3A_69] : memref<10000xi32, #tpu.memory_space<vmem>> -> memref<128xi32, #tpu.memory_space<vmem>>
    %dma_wait3A_71 = arith.constant 0 : i32
    %dma_wait3A_72 = arith.constant 0 : i32
    %dma_wait3A_73 = tpu.memref_slice %arg22[%dma_wait3A_71, %dma_wait3A_72] : memref<10112x16xf32, #tpu.memory_space<vmem_shared>> -> memref<10112x16xf32, #tpu.memory_space<vmem_shared>>
    tpu.wait_indirect_dma semaphore(%arg47 : memref<!tpu.dma_semaphore, #tpu.memory_space<semaphore_mem>>) src(%arg19 : memref<128x16xf32, #tpu.memory_space<vmem>>) dst(%dma_wait3A_73 : memref<10112x16xf32, #tpu.memory_space<vmem_shared>>)
    %dma_wait3A_74 = arith.constant 9856 : i32
    %dma_wait3A_75 = tpu.memref_slice %arg7[%dma_wait3A_74] : memref<10000xi32, #tpu.memory_space<vmem>> -> memref<128xi32, #tpu.memory_space<vmem>>
    %dma_wait3A_76 = arith.constant 0 : i32
    %dma_wait3A_77 = arith.constant 0 : i32
    %dma_wait3A_78 = tpu.memref_slice %arg22[%dma_wait3A_76, %dma_wait3A_77] : memref<10112x16xf32, #tpu.memory_space<vmem_shared>> -> memref<10112x16xf32, #tpu.memory_space<vmem_shared>>
    tpu.wait_indirect_dma semaphore(%arg48 : memref<!tpu.dma_semaphore, #tpu.memory_space<semaphore_mem>>) src(%arg20 : memref<128x16xf32, #tpu.memory_space<vmem>>) dst(%dma_wait3A_78 : memref<10112x16xf32, #tpu.memory_space<vmem_shared>>)
    %dma_wait3A_79 = arith.constant 9984 : i32
    %dma_wait3A_80 = tpu.memref_slice %arg6[%dma_wait3A_79] : memref<10000xi32, #tpu.memory_space<vmem>> -> memref<16xi32, #tpu.memory_space<vmem>>
    %dma_wait3A_81 = arith.constant 0 : i32
    %dma_wait3A_82 = arith.constant 0 : i32
    %dma_wait3A_83 = tpu.memref_slice %arg2[%dma_wait3A_81, %dma_wait3A_82] : memref<10000x16xf32, #tpu.memory_space<hbm>> -> memref<10000x16xf32, #tpu.memory_space<hbm>>
    tpu.wait_indirect_dma semaphore(%arg30 : memref<!tpu.dma_semaphore, #tpu.memory_space<semaphore_mem>>) src(%dma_wait3A_83 : memref<10000x16xf32, #tpu.memory_space<hbm>>) dst(%arg21 : memref<16x16xf32, #tpu.memory_space<vmem>>)
    "tpu.region"() ({
      %run_scoped3A_85 = tpu.sem_alloc : memref<!tpu.dma_semaphore, #tpu.memory_space<semaphore_mem>>
      %dma_start3A_86 = arith.constant 9984 : i32
      %dma_start3A_87 = tpu.memref_slice %arg7[%dma_start3A_86] : memref<10000xi32, #tpu.memory_space<vmem>> -> memref<16xi32, #tpu.memory_space<vmem>>
      %dma_start3A_88 = arith.constant 0 : i32
      %dma_start3A_89 = arith.constant 0 : i32
      %dma_start3A_90 = tpu.memref_slice %arg22[%dma_start3A_88, %dma_start3A_89] : memref<10112x16xf32, #tpu.memory_space<vmem_shared>> -> memref<10112x16xf32, #tpu.memory_space<vmem_shared>>
      tpu.enqueue_indirect_dma source(%arg21 : memref<16x16xf32, #tpu.memory_space<vmem>>) target(%dma_start3A_90 : memref<10112x16xf32, #tpu.memory_space<vmem_shared>>) offsets(%dma_start3A_87 : memref<16xi32, #tpu.memory_space<vmem>>) semaphore(%run_scoped3A_85 : memref<!tpu.dma_semaphore, #tpu.memory_space<semaphore_mem>>) {add = true}
      %dma_wait3A_91 = arith.constant 9984 : i32
      %dma_wait3A_92 = tpu.memref_slice %arg7[%dma_wait3A_91] : memref<10000xi32, #tpu.memory_space<vmem>> -> memref<16xi32, #tpu.memory_space<vmem>>
      %dma_wait3A_93 = arith.constant 0 : i32
      %dma_wait3A_94 = arith.constant 0 : i32
      %dma_wait3A_95 = tpu.memref_slice %arg22[%dma_wait3A_93, %dma_wait3A_94] : memref<10112x16xf32, #tpu.memory_space<vmem_shared>> -> memref<10112x16xf32, #tpu.memory_space<vmem_shared>>
      tpu.wait_indirect_dma semaphore(%run_scoped3A_85 : memref<!tpu.dma_semaphore, #tpu.memory_space<semaphore_mem>>) src(%arg21 : memref<16x16xf32, #tpu.memory_space<vmem>>) dst(%dma_wait3A_95 : memref<10112x16xf32, #tpu.memory_space<vmem_shared>>)
      tpu.yield
    }) : () -> ()
    %barrier3A_84 = arith.constant 0 : index
    tpu.barrier barrier_id(%barrier3A_84)
    "tpu.region"() ({
      %run_scoped3A_85 = tpu.sem_alloc : memref<!tpu.dma_semaphore, #tpu.memory_space<semaphore_mem>>
      %dma_start3A_86 = arith.constant 0 : i32
      %dma_start3A_87 = arith.constant 0 : i32
      %dma_start3A_88 = tpu.memref_slice %arg5[%arg0, %dma_start3A_86, %dma_start3A_87] : memref<2x10112x16xf32, #tpu.memory_space<hbm>> -> memref<1x10112x16xf32, #tpu.memory_space<hbm>>
      %dma_start3A_89 = tpu.memref_squeeze %dma_start3A_88 : memref<1x10112x16xf32, #tpu.memory_space<hbm>> -> memref<10112x16xf32, #tpu.memory_space<hbm>>
      %dma_start3A_90 = arith.constant 0 : i32
      %dma_start3A_91 = tpu.memref_slice %dma_start3A_89[%mul3A_2, %dma_start3A_90] : memref<10112x16xf32, #tpu.memory_space<hbm>> -> memref<632x16xf32, #tpu.memory_space<hbm>>
      %dma_start3A_92 = arith.constant 0 : i32
      %dma_start3A_93 = tpu.memref_slice %arg22[%mul3A_2, %dma_start3A_92] : memref<10112x16xf32, #tpu.memory_space<vmem_shared>> -> memref<632x16xf32, #tpu.memory_space<vmem_shared>>
      tpu.enqueue_dma source(%dma_start3A_93 : memref<632x16xf32, #tpu.memory_space<vmem_shared>>) target(%dma_start3A_91 : memref<632x16xf32, #tpu.memory_space<hbm>>) target_semaphore(%run_scoped3A_85 : memref<!tpu.dma_semaphore, #tpu.memory_space<semaphore_mem>>)
      %dma_wait3A_94 = arith.constant 0 : i32
      %dma_wait3A_95 = arith.constant 0 : i32
      %dma_wait3A_96 = tpu.memref_slice %arg5[%arg0, %dma_wait3A_94, %dma_wait3A_95] : memref<2x10112x16xf32, #tpu.memory_space<hbm>> -> memref<1x10112x16xf32, #tpu.memory_space<hbm>>
      %dma_wait3A_97 = tpu.memref_squeeze %dma_wait3A_96 : memref<1x10112x16xf32, #tpu.memory_space<hbm>> -> memref<10112x16xf32, #tpu.memory_space<hbm>>
      %dma_wait3A_98 = arith.constant 0 : i32
      %dma_wait3A_99 = tpu.memref_slice %dma_wait3A_97[%mul3A_2, %dma_wait3A_98] : memref<10112x16xf32, #tpu.memory_space<hbm>> -> memref<632x16xf32, #tpu.memory_space<hbm>>
      %dma_wait3A_100 = arith.constant 0 : i32
      %dma_wait3A_101 = tpu.memref_slice %arg22[%mul3A_2, %dma_wait3A_100] : memref<10112x16xf32, #tpu.memory_space<vmem_shared>> -> memref<632x16xf32, #tpu.memory_space<vmem_shared>>
      tpu.wait_dma2 semaphore(%run_scoped3A_85 : memref<!tpu.dma_semaphore, #tpu.memory_space<semaphore_mem>>) src(%dma_wait3A_101 : memref<632x16xf32, #tpu.memory_space<vmem_shared>>) dst(%dma_wait3A_99 : memref<632x16xf32, #tpu.memory_space<hbm>>)
      tpu.yield
    }) : () -> ()
    return
  }
}

module attributes {stable_mosaic.version = 14 : i64} {
  func.func @_mm_body(%arg0: memref<10000x128xf32, #tpu.memory_space<vmem>>, %arg1: memref<128x16xf32, #tpu.memory_space<vmem>>, %arg2: memref<10000x16xf32, #tpu.memory_space<vmem>>) attributes {dimension_semantics = [], scalar_prefetch = 0 : i64, scratch_operands = 0 : i64, tpu.core_type = #tpu.core_type<tc>} {
    %get3A = arith.constant 0 : index
    %get3A_0 = arith.constant 0 : index
    %get3A_1 = vector.load %arg0[%get3A, %get3A_0] : memref<10000x128xf32, #tpu.memory_space<vmem>>, vector<10000x128xf32>
    %get3A_2 = arith.constant 0 : index
    %get3A_3 = arith.constant 0 : index
    %get3A_4 = vector.load %arg1[%get3A_2, %get3A_3] : memref<128x16xf32, #tpu.memory_space<vmem>>, vector<128x16xf32>
    %dot_general3A = arith.constant dense<0.000000e+00> : vector<10000x16xf32>
    %dot_general3A_5 = tpu.matmul %get3A_1, %get3A_4, %dot_general3A {dimension_numbers = #tpu.dot_dimension_numbers<[1], [0], [0], [1], [0, 0, 1, 1], [], []>, transpose_lhs_hint = false} : vector<10000x128xf32>, vector<128x16xf32>, vector<10000x16xf32> -> vector<10000x16xf32>
    %swap3A = arith.constant 0 : index
    %swap3A_6 = arith.constant 0 : index
    %swap3A_7 = vector.load %arg2[%swap3A, %swap3A_6] : memref<10000x16xf32, #tpu.memory_space<vmem>>, vector<10000x16xf32>
    tpu.vector_store %arg2[%swap3A, %swap3A_6], %dot_general3A_5 {strides = array<i32>} : memref<10000x16xf32, #tpu.memory_space<vmem>>, vector<10000x16xf32>,
    return
  }
}

module attributes {stable_mosaic.version = 14 : i64} {
  func.func @_layer0_body(%arg0: memref<10000x16xf32, #tpu.memory_space<vmem>>, %arg1: memref<2x10112x16xf32, #tpu.memory_space<vmem>>, %arg2: memref<16x16xf32, #tpu.memory_space<vmem>>, %arg3: memref<13x16xf32, #tpu.memory_space<vmem>>, %arg4: memref<1x3xf32, #tpu.memory_space<vmem>>, %arg5: memref<10000x16xf32, #tpu.memory_space<vmem>>) attributes {dimension_semantics = [], scalar_prefetch = 0 : i64, scratch_operands = 0 : i64, tpu.core_type = #tpu.core_type<tc>} {
    %get3A = arith.constant 0 : index
    %get3A_0 = arith.constant 0 : index
    %get3A_1 = arith.constant 0 : index
    %get3A_2 = vector.load %arg1[%get3A, %get3A_0, %get3A_1] : memref<2x10112x16xf32, #tpu.memory_space<vmem>>, vector<1x10000x16xf32>
    %get3A_3 = vector.shape_cast %get3A_2 : vector<1x10000x16xf32> to vector<10000x16xf32>
    %get3A_4 = arith.constant 1 : index
    %get3A_5 = arith.constant 0 : index
    %get3A_6 = arith.constant 0 : index
    %get3A_7 = vector.load %arg1[%get3A_4, %get3A_5, %get3A_6] : memref<2x10112x16xf32, #tpu.memory_space<vmem>>, vector<1x10000x16xf32>
    %get3A_8 = vector.shape_cast %get3A_7 : vector<1x10000x16xf32> to vector<10000x16xf32>
    %add3A = arith.addf %get3A_3, %get3A_8 : vector<10000x16xf32>
    %get3A_9 = arith.constant 0 : index
    %get3A_10 = arith.constant 0 : index
    %get3A_11 = vector.load %arg4[%get3A_9, %get3A_10] : memref<1x3xf32, #tpu.memory_space<vmem>>, vector<1x1xf32>
    %get3A_12 = vector.extract %get3A_11[0, 0] : f32 from vector<1x1xf32>
    %add3A_13 = arith.constant 1.000000e+00 : f32
    %add3A_14 = arith.addf %add3A_13, %get3A_12 : f32
    %get3A_15 = arith.constant 0 : index
    %get3A_16 = arith.constant 0 : index
    %get3A_17 = vector.load %arg0[%get3A_15, %get3A_16] : memref<10000x16xf32, #tpu.memory_space<vmem>>, vector<10000x16xf32>
    %mul3A = vector.broadcast %add3A_14 : f32 to vector<10000x16xf32>
    %mul3A_18 = arith.mulf %mul3A, %get3A_17 : vector<10000x16xf32>
    %add3A_19 = arith.addf %mul3A_18, %add3A : vector<10000x16xf32>
    %get3A_20 = arith.constant 0 : index
    %get3A_21 = arith.constant 0 : index
    %get3A_22 = vector.load %arg3[%get3A_20, %get3A_21] : memref<13x16xf32, #tpu.memory_space<vmem>>, vector<1x16xf32>
    %add3A_23 = vector.broadcast %get3A_22 : vector<1x16xf32> to vector<10000x16xf32>
    %add3A_24 = arith.addf %add3A_19, %add3A_23 : vector<10000x16xf32>
    %max3A = arith.constant 0.000000e+00 : f32
    %max3A_25 = vector.broadcast %max3A : f32 to vector<10000x16xf32>
    %max3A_26 = arith.maximumf %add3A_24, %max3A_25 : vector<10000x16xf32>
    %get3A_27 = arith.constant 0 : index
    %get3A_28 = arith.constant 0 : index
    %get3A_29 = vector.load %arg2[%get3A_27, %get3A_28] : memref<16x16xf32, #tpu.memory_space<vmem>>, vector<16x16xf32>
    %dot_general3A = arith.constant dense<0.000000e+00> : vector<10000x16xf32>
    %dot_general3A_30 = tpu.matmul %max3A_26, %get3A_29, %dot_general3A {dimension_numbers = #tpu.dot_dimension_numbers<[1], [0], [0], [1], [0, 0, 1, 1], [], []>, transpose_lhs_hint = false} : vector<10000x16xf32>, vector<16x16xf32>, vector<10000x16xf32> -> vector<10000x16xf32>
    %get3A_31 = arith.constant 1 : index
    %get3A_32 = arith.constant 0 : index
    %get3A_33 = vector.load %arg3[%get3A_31, %get3A_32] : memref<13x16xf32, #tpu.memory_space<vmem>>, vector<1x16xf32>
    %add3A_34 = vector.broadcast %get3A_33 : vector<1x16xf32> to vector<10000x16xf32>
    %add3A_35 = arith.addf %dot_general3A_30, %add3A_34 : vector<10000x16xf32>
    %max3A_36 = arith.constant 0.000000e+00 : f32
    %max3A_37 = vector.broadcast %max3A_36 : f32 to vector<10000x16xf32>
    %max3A_38 = arith.maximumf %add3A_35, %max3A_37 : vector<10000x16xf32>
    %get3A_39 = arith.constant 2 : index
    %get3A_40 = arith.constant 0 : index
    %get3A_41 = vector.load %arg3[%get3A_39, %get3A_40] : memref<13x16xf32, #tpu.memory_space<vmem>>, vector<1x16xf32>
    %get3A_42 = arith.constant 3 : index
    %get3A_43 = arith.constant 0 : index
    %get3A_44 = vector.load %arg3[%get3A_42, %get3A_43] : memref<13x16xf32, #tpu.memory_space<vmem>>, vector<1x16xf32>
    %reduce_sum3A = arith.constant dense<0.000000e+00> : vector<16xf32>
    %reduce_sum3A_45 = vector.multi_reduction <add>, %max3A_38, %reduce_sum3A [0] : vector<10000x16xf32> to vector<16xf32>
    %div3A = arith.constant 1.000000e+04 : f32
    %div3A_46 = vector.broadcast %div3A : f32 to vector<16xf32>
    %div3A_47 = arith.divf %reduce_sum3A_45, %div3A_46 : vector<16xf32>
    %jit3A = arith.constant 0 : i32
    %reduce_sum3A_48 = arith.constant dense<0.000000e+00> : vector<16xf32>
    %reduce_sum3A_49 = vector.multi_reduction <add>, %max3A_38, %reduce_sum3A_48 [0] : vector<10000x16xf32> to vector<16xf32>
    %broadcast_in_dim3A = vector.shape_cast %reduce_sum3A_49 : vector<16xf32> to vector<1x16xf32>
    %div3A_50 = arith.constant 1.000000e+04 : f32
    %div3A_51 = vector.broadcast %div3A_50 : f32 to vector<1x16xf32>
    %div3A_52 = arith.divf %broadcast_in_dim3A, %div3A_51 : vector<1x16xf32>
    %sub3A = vector.broadcast %div3A_52 : vector<1x16xf32> to vector<10000x16xf32>
    %sub3A_53 = arith.subf %max3A_38, %sub3A : vector<10000x16xf32>
    %square3A = arith.mulf %sub3A_53, %sub3A_53 : vector<10000x16xf32>
    %convert_element_type3A = arith.sitofp %jit3A : i32 to f32
    %sub3A_54 = arith.constant 1.000000e+04 : f32
    %sub3A_55 = arith.subf %sub3A_54, %convert_element_type3A : f32
    %reduce_sum3A_56 = arith.constant dense<0.000000e+00> : vector<16xf32>
    %reduce_sum3A_57 = vector.multi_reduction <add>, %square3A, %reduce_sum3A_56 [0] : vector<10000x16xf32> to vector<16xf32>
    %div3A_58 = vector.broadcast %sub3A_55 : f32 to vector<16xf32>
    %div3A_59 = arith.divf %reduce_sum3A_57, %div3A_58 : vector<16xf32>
    %gt3A = arith.constant 0.000000e+00 : f32
    %gt3A_60 = arith.cmpf ogt, %sub3A_55, %gt3A : f32
    %jit3A_61 = arith.constant 0x7FC00000 : f32
    %broadcast_in_dim3A_62 = vector.broadcast %jit3A_61 : f32 to vector<16xf32>
    %select_n3A = arith.select %gt3A_60, %div3A_59, %broadcast_in_dim3A_62 : vector<16xf32>
    %broadcast_in_dim3A_63 = vector.shape_cast %div3A_47 : vector<16xf32> to vector<1x16xf32>
    %sub3A_64 = vector.broadcast %broadcast_in_dim3A_63 : vector<1x16xf32> to vector<10000x16xf32>
    %sub3A_65 = arith.subf %max3A_38, %sub3A_64 : vector<10000x16xf32>
    %add3A_66 = arith.constant 9.99999974E-6 : f32
    %add3A_67 = vector.broadcast %add3A_66 : f32 to vector<16xf32>
    %add3A_68 = arith.addf %select_n3A, %add3A_67 : vector<16xf32>
    %rsqrt3A = math.rsqrt %add3A_68 : vector<16xf32>
    %broadcast_in_dim3A_69 = vector.shape_cast %rsqrt3A : vector<16xf32> to vector<1x16xf32>
    %mul3A_70 = vector.broadcast %broadcast_in_dim3A_69 : vector<1x16xf32> to vector<10000x16xf32>
    %mul3A_71 = arith.mulf %sub3A_65, %mul3A_70 : vector<10000x16xf32>
    %mul3A_72 = vector.broadcast %get3A_41 : vector<1x16xf32> to vector<10000x16xf32>
    %mul3A_73 = arith.mulf %mul3A_71, %mul3A_72 : vector<10000x16xf32>
    %add3A_74 = vector.broadcast %get3A_44 : vector<1x16xf32> to vector<10000x16xf32>
    %add3A_75 = arith.addf %mul3A_73, %add3A_74 : vector<10000x16xf32>
    %swap3A = arith.constant 0 : index
    %swap3A_76 = arith.constant 0 : index
    %swap3A_77 = vector.load %arg5[%swap3A, %swap3A_76] : memref<10000x16xf32, #tpu.memory_space<vmem>>, vector<10000x16xf32>
    tpu.vector_store %arg5[%swap3A, %swap3A_76], %add3A_75 {strides = array<i32>} : memref<10000x16xf32, #tpu.memory_space<vmem>>, vector<10000x16xf32>,
    return
  }
}

module attributes {stable_mosaic.version = 14 : i64} {
  func.func @_layer_body(%arg0: memref<10000x16xf32, #tpu.memory_space<vmem>>, %arg1: memref<2x10112x16xf32, #tpu.memory_space<vmem>>, %arg2: memref<16x16xf32, #tpu.memory_space<vmem>>, %arg3: memref<16x16xf32, #tpu.memory_space<vmem>>, %arg4: memref<13x16xf32, #tpu.memory_space<vmem>>, %arg5: memref<1x3xf32, #tpu.memory_space<vmem>>, %arg6: memref<10000x16xf32, #tpu.memory_space<vmem>>) attributes {dimension_semantics = [], scalar_prefetch = 0 : i64, scratch_operands = 0 : i64, tpu.core_type = #tpu.core_type<tc>} {
    %get3A = arith.constant 0 : index
    %get3A_0 = arith.constant 0 : index
    %get3A_1 = arith.constant 0 : index
    %get3A_2 = vector.load %arg1[%get3A, %get3A_0, %get3A_1] : memref<2x10112x16xf32, #tpu.memory_space<vmem>>, vector<1x10000x16xf32>
    %get3A_3 = vector.shape_cast %get3A_2 : vector<1x10000x16xf32> to vector<10000x16xf32>
    %get3A_4 = arith.constant 1 : index
    %get3A_5 = arith.constant 0 : index
    %get3A_6 = arith.constant 0 : index
    %get3A_7 = vector.load %arg1[%get3A_4, %get3A_5, %get3A_6] : memref<2x10112x16xf32, #tpu.memory_space<vmem>>, vector<1x10000x16xf32>
    %get3A_8 = vector.shape_cast %get3A_7 : vector<1x10000x16xf32> to vector<10000x16xf32>
    %add3A = arith.addf %get3A_3, %get3A_8 : vector<10000x16xf32>
    %get3A_9 = arith.constant 0 : index
    %get3A_10 = arith.constant 1 : index
    %get3A_11 = vector.load %arg5[%get3A_9, %get3A_10] : memref<1x3xf32, #tpu.memory_space<vmem>>, vector<1x1xf32>
    %get3A_12 = vector.extract %get3A_11[0, 0] : f32 from vector<1x1xf32>
    %add3A_13 = arith.constant 1.000000e+00 : f32
    %add3A_14 = arith.addf %add3A_13, %get3A_12 : f32
    %get3A_15 = arith.constant 0 : index
    %get3A_16 = arith.constant 0 : index
    %get3A_17 = vector.load %arg0[%get3A_15, %get3A_16] : memref<10000x16xf32, #tpu.memory_space<vmem>>, vector<10000x16xf32>
    %mul3A = vector.broadcast %add3A_14 : f32 to vector<10000x16xf32>
    %mul3A_18 = arith.mulf %mul3A, %get3A_17 : vector<10000x16xf32>
    %add3A_19 = arith.addf %mul3A_18, %add3A : vector<10000x16xf32>
    %get3A_20 = arith.constant 0 : index
    %get3A_21 = arith.constant 0 : index
    %get3A_22 = vector.load %arg2[%get3A_20, %get3A_21] : memref<16x16xf32, #tpu.memory_space<vmem>>, vector<16x16xf32>
    %dot_general3A = arith.constant dense<0.000000e+00> : vector<10000x16xf32>
    %dot_general3A_23 = tpu.matmul %add3A_19, %get3A_22, %dot_general3A {dimension_numbers = #tpu.dot_dimension_numbers<[1], [0], [0], [1], [0, 0, 1, 1], [], []>, transpose_lhs_hint = false} : vector<10000x16xf32>, vector<16x16xf32>, vector<10000x16xf32> -> vector<10000x16xf32>
    %get3A_24 = arith.constant 4 : index
    %get3A_25 = arith.constant 0 : index
    %get3A_26 = vector.load %arg4[%get3A_24, %get3A_25] : memref<13x16xf32, #tpu.memory_space<vmem>>, vector<1x16xf32>
    %add3A_27 = vector.broadcast %get3A_26 : vector<1x16xf32> to vector<10000x16xf32>
    %add3A_28 = arith.addf %dot_general3A_23, %add3A_27 : vector<10000x16xf32>
    %max3A = arith.constant 0.000000e+00 : f32
    %max3A_29 = vector.broadcast %max3A : f32 to vector<10000x16xf32>
    %max3A_30 = arith.maximumf %add3A_28, %max3A_29 : vector<10000x16xf32>
    %get3A_31 = arith.constant 0 : index
    %get3A_32 = arith.constant 0 : index
    %get3A_33 = vector.load %arg3[%get3A_31, %get3A_32] : memref<16x16xf32, #tpu.memory_space<vmem>>, vector<16x16xf32>
    %dot_general3A_34 = arith.constant dense<0.000000e+00> : vector<10000x16xf32>
    %dot_general3A_35 = tpu.matmul %max3A_30, %get3A_33, %dot_general3A_34 {dimension_numbers = #tpu.dot_dimension_numbers<[1], [0], [0], [1], [0, 0, 1, 1], [], []>, transpose_lhs_hint = false} : vector<10000x16xf32>, vector<16x16xf32>, vector<10000x16xf32> -> vector<10000x16xf32>
    %get3A_36 = arith.constant 5 : index
    %get3A_37 = arith.constant 0 : index
    %get3A_38 = vector.load %arg4[%get3A_36, %get3A_37] : memref<13x16xf32, #tpu.memory_space<vmem>>, vector<1x16xf32>
    %add3A_39 = vector.broadcast %get3A_38 : vector<1x16xf32> to vector<10000x16xf32>
    %add3A_40 = arith.addf %dot_general3A_35, %add3A_39 : vector<10000x16xf32>
    %max3A_41 = arith.constant 0.000000e+00 : f32
    %max3A_42 = vector.broadcast %max3A_41 : f32 to vector<10000x16xf32>
    %max3A_43 = arith.maximumf %add3A_40, %max3A_42 : vector<10000x16xf32>
    %get3A_44 = arith.constant 6 : index
    %get3A_45 = arith.constant 0 : index
    %get3A_46 = vector.load %arg4[%get3A_44, %get3A_45] : memref<13x16xf32, #tpu.memory_space<vmem>>, vector<1x16xf32>
    %get3A_47 = arith.constant 7 : index
    %get3A_48 = arith.constant 0 : index
    %get3A_49 = vector.load %arg4[%get3A_47, %get3A_48] : memref<13x16xf32, #tpu.memory_space<vmem>>, vector<1x16xf32>
    %reduce_sum3A = arith.constant dense<0.000000e+00> : vector<16xf32>
    %reduce_sum3A_50 = vector.multi_reduction <add>, %max3A_43, %reduce_sum3A [0] : vector<10000x16xf32> to vector<16xf32>
    %div3A = arith.constant 1.000000e+04 : f32
    %div3A_51 = vector.broadcast %div3A : f32 to vector<16xf32>
    %div3A_52 = arith.divf %reduce_sum3A_50, %div3A_51 : vector<16xf32>
    %jit3A = arith.constant 0 : i32
    %reduce_sum3A_53 = arith.constant dense<0.000000e+00> : vector<16xf32>
    %reduce_sum3A_54 = vector.multi_reduction <add>, %max3A_43, %reduce_sum3A_53 [0] : vector<10000x16xf32> to vector<16xf32>
    %broadcast_in_dim3A = vector.shape_cast %reduce_sum3A_54 : vector<16xf32> to vector<1x16xf32>
    %div3A_55 = arith.constant 1.000000e+04 : f32
    %div3A_56 = vector.broadcast %div3A_55 : f32 to vector<1x16xf32>
    %div3A_57 = arith.divf %broadcast_in_dim3A, %div3A_56 : vector<1x16xf32>
    %sub3A = vector.broadcast %div3A_57 : vector<1x16xf32> to vector<10000x16xf32>
    %sub3A_58 = arith.subf %max3A_43, %sub3A : vector<10000x16xf32>
    %square3A = arith.mulf %sub3A_58, %sub3A_58 : vector<10000x16xf32>
    %convert_element_type3A = arith.sitofp %jit3A : i32 to f32
    %sub3A_59 = arith.constant 1.000000e+04 : f32
    %sub3A_60 = arith.subf %sub3A_59, %convert_element_type3A : f32
    %reduce_sum3A_61 = arith.constant dense<0.000000e+00> : vector<16xf32>
    %reduce_sum3A_62 = vector.multi_reduction <add>, %square3A, %reduce_sum3A_61 [0] : vector<10000x16xf32> to vector<16xf32>
    %div3A_63 = vector.broadcast %sub3A_60 : f32 to vector<16xf32>
    %div3A_64 = arith.divf %reduce_sum3A_62, %div3A_63 : vector<16xf32>
    %gt3A = arith.constant 0.000000e+00 : f32
    %gt3A_65 = arith.cmpf ogt, %sub3A_60, %gt3A : f32
    %jit3A_66 = arith.constant 0x7FC00000 : f32
    %broadcast_in_dim3A_67 = vector.broadcast %jit3A_66 : f32 to vector<16xf32>
    %select_n3A = arith.select %gt3A_65, %div3A_64, %broadcast_in_dim3A_67 : vector<16xf32>
    %broadcast_in_dim3A_68 = vector.shape_cast %div3A_52 : vector<16xf32> to vector<1x16xf32>
    %sub3A_69 = vector.broadcast %broadcast_in_dim3A_68 : vector<1x16xf32> to vector<10000x16xf32>
    %sub3A_70 = arith.subf %max3A_43, %sub3A_69 : vector<10000x16xf32>
    %add3A_71 = arith.constant 9.99999974E-6 : f32
    %add3A_72 = vector.broadcast %add3A_71 : f32 to vector<16xf32>
    %add3A_73 = arith.addf %select_n3A, %add3A_72 : vector<16xf32>
    %rsqrt3A = math.rsqrt %add3A_73 : vector<16xf32>
    %broadcast_in_dim3A_74 = vector.shape_cast %rsqrt3A : vector<16xf32> to vector<1x16xf32>
    %mul3A_75 = vector.broadcast %broadcast_in_dim3A_74 : vector<1x16xf32> to vector<10000x16xf32>
    %mul3A_76 = arith.mulf %sub3A_70, %mul3A_75 : vector<10000x16xf32>
    %mul3A_77 = vector.broadcast %get3A_46 : vector<1x16xf32> to vector<10000x16xf32>
    %mul3A_78 = arith.mulf %mul3A_76, %mul3A_77 : vector<10000x16xf32>
    %add3A_79 = vector.broadcast %get3A_49 : vector<1x16xf32> to vector<10000x16xf32>
    %add3A_80 = arith.addf %mul3A_78, %add3A_79 : vector<10000x16xf32>
    %swap3A = arith.constant 0 : index
    %swap3A_81 = arith.constant 0 : index
    %swap3A_82 = vector.load %arg6[%swap3A, %swap3A_81] : memref<10000x16xf32, #tpu.memory_space<vmem>>, vector<10000x16xf32>
    tpu.vector_store %arg6[%swap3A, %swap3A_81], %add3A_80 {strides = array<i32>} : memref<10000x16xf32, #tpu.memory_space<vmem>>, vector<10000x16xf32>,
    return
  }
}

module attributes {stable_mosaic.version = 14 : i64} {
  func.func @_layer2_head_body(%arg0: memref<10000x16xf32, #tpu.memory_space<vmem>>, %arg1: memref<2x10112x16xf32, #tpu.memory_space<vmem>>, %arg2: memref<16x16xf32, #tpu.memory_space<vmem>>, %arg3: memref<16x16xf32, #tpu.memory_space<vmem>>, %arg4: memref<16x16xf32, #tpu.memory_space<vmem>>, %arg5: memref<16x18xf32, #tpu.memory_space<vmem>>, %arg6: memref<1x18xf32, #tpu.memory_space<vmem>>, %arg7: memref<13x16xf32, #tpu.memory_space<vmem>>, %arg8: memref<1x3xf32, #tpu.memory_space<vmem>>, %arg9: memref<10000x18xf32, #tpu.memory_space<vmem>>) attributes {dimension_semantics = [], scalar_prefetch = 0 : i64, scratch_operands = 0 : i64, tpu.core_type = #tpu.core_type<tc>} {
    %get3A = arith.constant 0 : index
    %get3A_0 = arith.constant 0 : index
    %get3A_1 = arith.constant 0 : index
    %get3A_2 = vector.load %arg1[%get3A, %get3A_0, %get3A_1] : memref<2x10112x16xf32, #tpu.memory_space<vmem>>, vector<1x10000x16xf32>
    %get3A_3 = vector.shape_cast %get3A_2 : vector<1x10000x16xf32> to vector<10000x16xf32>
    %get3A_4 = arith.constant 1 : index
    %get3A_5 = arith.constant 0 : index
    %get3A_6 = arith.constant 0 : index
    %get3A_7 = vector.load %arg1[%get3A_4, %get3A_5, %get3A_6] : memref<2x10112x16xf32, #tpu.memory_space<vmem>>, vector<1x10000x16xf32>
    %get3A_8 = vector.shape_cast %get3A_7 : vector<1x10000x16xf32> to vector<10000x16xf32>
    %add3A = arith.addf %get3A_3, %get3A_8 : vector<10000x16xf32>
    %get3A_9 = arith.constant 0 : index
    %get3A_10 = arith.constant 2 : index
    %get3A_11 = vector.load %arg8[%get3A_9, %get3A_10] : memref<1x3xf32, #tpu.memory_space<vmem>>, vector<1x1xf32>
    %get3A_12 = vector.extract %get3A_11[0, 0] : f32 from vector<1x1xf32>
    %add3A_13 = arith.constant 1.000000e+00 : f32
    %add3A_14 = arith.addf %add3A_13, %get3A_12 : f32
    %get3A_15 = arith.constant 0 : index
    %get3A_16 = arith.constant 0 : index
    %get3A_17 = vector.load %arg0[%get3A_15, %get3A_16] : memref<10000x16xf32, #tpu.memory_space<vmem>>, vector<10000x16xf32>
    %mul3A = vector.broadcast %add3A_14 : f32 to vector<10000x16xf32>
    %mul3A_18 = arith.mulf %mul3A, %get3A_17 : vector<10000x16xf32>
    %add3A_19 = arith.addf %mul3A_18, %add3A : vector<10000x16xf32>
    %get3A_20 = arith.constant 0 : index
    %get3A_21 = arith.constant 0 : index
    %get3A_22 = vector.load %arg2[%get3A_20, %get3A_21] : memref<16x16xf32, #tpu.memory_space<vmem>>, vector<16x16xf32>
    %dot_general3A = arith.constant dense<0.000000e+00> : vector<10000x16xf32>
    %dot_general3A_23 = tpu.matmul %add3A_19, %get3A_22, %dot_general3A {dimension_numbers = #tpu.dot_dimension_numbers<[1], [0], [0], [1], [0, 0, 1, 1], [], []>, transpose_lhs_hint = false} : vector<10000x16xf32>, vector<16x16xf32>, vector<10000x16xf32> -> vector<10000x16xf32>
    %get3A_24 = arith.constant 8 : index
    %get3A_25 = arith.constant 0 : index
    %get3A_26 = vector.load %arg7[%get3A_24, %get3A_25] : memref<13x16xf32, #tpu.memory_space<vmem>>, vector<1x16xf32>
    %add3A_27 = vector.broadcast %get3A_26 : vector<1x16xf32> to vector<10000x16xf32>
    %add3A_28 = arith.addf %dot_general3A_23, %add3A_27 : vector<10000x16xf32>
    %max3A = arith.constant 0.000000e+00 : f32
    %max3A_29 = vector.broadcast %max3A : f32 to vector<10000x16xf32>
    %max3A_30 = arith.maximumf %add3A_28, %max3A_29 : vector<10000x16xf32>
    %get3A_31 = arith.constant 0 : index
    %get3A_32 = arith.constant 0 : index
    %get3A_33 = vector.load %arg3[%get3A_31, %get3A_32] : memref<16x16xf32, #tpu.memory_space<vmem>>, vector<16x16xf32>
    %dot_general3A_34 = arith.constant dense<0.000000e+00> : vector<10000x16xf32>
    %dot_general3A_35 = tpu.matmul %max3A_30, %get3A_33, %dot_general3A_34 {dimension_numbers = #tpu.dot_dimension_numbers<[1], [0], [0], [1], [0, 0, 1, 1], [], []>, transpose_lhs_hint = false} : vector<10000x16xf32>, vector<16x16xf32>, vector<10000x16xf32> -> vector<10000x16xf32>
    %get3A_36 = arith.constant 9 : index
    %get3A_37 = arith.constant 0 : index
    %get3A_38 = vector.load %arg7[%get3A_36, %get3A_37] : memref<13x16xf32, #tpu.memory_space<vmem>>, vector<1x16xf32>
    %add3A_39 = vector.broadcast %get3A_38 : vector<1x16xf32> to vector<10000x16xf32>
    %add3A_40 = arith.addf %dot_general3A_35, %add3A_39 : vector<10000x16xf32>
    %max3A_41 = arith.constant 0.000000e+00 : f32
    %max3A_42 = vector.broadcast %max3A_41 : f32 to vector<10000x16xf32>
    %max3A_43 = arith.maximumf %add3A_40, %max3A_42 : vector<10000x16xf32>
    %get3A_44 = arith.constant 10 : index
    %get3A_45 = arith.constant 0 : index
    %get3A_46 = vector.load %arg7[%get3A_44, %get3A_45] : memref<13x16xf32, #tpu.memory_space<vmem>>, vector<1x16xf32>
    %get3A_47 = arith.constant 11 : index
    %get3A_48 = arith.constant 0 : index
    %get3A_49 = vector.load %arg7[%get3A_47, %get3A_48] : memref<13x16xf32, #tpu.memory_space<vmem>>, vector<1x16xf32>
    %reduce_sum3A = arith.constant dense<0.000000e+00> : vector<16xf32>
    %reduce_sum3A_50 = vector.multi_reduction <add>, %max3A_43, %reduce_sum3A [0] : vector<10000x16xf32> to vector<16xf32>
    %div3A = arith.constant 1.000000e+04 : f32
    %div3A_51 = vector.broadcast %div3A : f32 to vector<16xf32>
    %div3A_52 = arith.divf %reduce_sum3A_50, %div3A_51 : vector<16xf32>
    %jit3A = arith.constant 0 : i32
    %reduce_sum3A_53 = arith.constant dense<0.000000e+00> : vector<16xf32>
    %reduce_sum3A_54 = vector.multi_reduction <add>, %max3A_43, %reduce_sum3A_53 [0] : vector<10000x16xf32> to vector<16xf32>
    %broadcast_in_dim3A = vector.shape_cast %reduce_sum3A_54 : vector<16xf32> to vector<1x16xf32>
    %div3A_55 = arith.constant 1.000000e+04 : f32
    %div3A_56 = vector.broadcast %div3A_55 : f32 to vector<1x16xf32>
    %div3A_57 = arith.divf %broadcast_in_dim3A, %div3A_56 : vector<1x16xf32>
    %sub3A = vector.broadcast %div3A_57 : vector<1x16xf32> to vector<10000x16xf32>
    %sub3A_58 = arith.subf %max3A_43, %sub3A : vector<10000x16xf32>
    %square3A = arith.mulf %sub3A_58, %sub3A_58 : vector<10000x16xf32>
    %convert_element_type3A = arith.sitofp %jit3A : i32 to f32
    %sub3A_59 = arith.constant 1.000000e+04 : f32
    %sub3A_60 = arith.subf %sub3A_59, %convert_element_type3A : f32
    %reduce_sum3A_61 = arith.constant dense<0.000000e+00> : vector<16xf32>
    %reduce_sum3A_62 = vector.multi_reduction <add>, %square3A, %reduce_sum3A_61 [0] : vector<10000x16xf32> to vector<16xf32>
    %div3A_63 = vector.broadcast %sub3A_60 : f32 to vector<16xf32>
    %div3A_64 = arith.divf %reduce_sum3A_62, %div3A_63 : vector<16xf32>
    %gt3A = arith.constant 0.000000e+00 : f32
    %gt3A_65 = arith.cmpf ogt, %sub3A_60, %gt3A : f32
    %jit3A_66 = arith.constant 0x7FC00000 : f32
    %broadcast_in_dim3A_67 = vector.broadcast %jit3A_66 : f32 to vector<16xf32>
    %select_n3A = arith.select %gt3A_65, %div3A_64, %broadcast_in_dim3A_67 : vector<16xf32>
    %broadcast_in_dim3A_68 = vector.shape_cast %div3A_52 : vector<16xf32> to vector<1x16xf32>
    %sub3A_69 = vector.broadcast %broadcast_in_dim3A_68 : vector<1x16xf32> to vector<10000x16xf32>
    %sub3A_70 = arith.subf %max3A_43, %sub3A_69 : vector<10000x16xf32>
    %add3A_71 = arith.constant 9.99999974E-6 : f32
    %add3A_72 = vector.broadcast %add3A_71 : f32 to vector<16xf32>
    %add3A_73 = arith.addf %select_n3A, %add3A_72 : vector<16xf32>
    %rsqrt3A = math.rsqrt %add3A_73 : vector<16xf32>
    %broadcast_in_dim3A_74 = vector.shape_cast %rsqrt3A : vector<16xf32> to vector<1x16xf32>
    %mul3A_75 = vector.broadcast %broadcast_in_dim3A_74 : vector<1x16xf32> to vector<10000x16xf32>
    %mul3A_76 = arith.mulf %sub3A_70, %mul3A_75 : vector<10000x16xf32>
    %mul3A_77 = vector.broadcast %get3A_46 : vector<1x16xf32> to vector<10000x16xf32>
    %mul3A_78 = arith.mulf %mul3A_76, %mul3A_77 : vector<10000x16xf32>
    %add3A_79 = vector.broadcast %get3A_49 : vector<1x16xf32> to vector<10000x16xf32>
    %add3A_80 = arith.addf %mul3A_78, %add3A_79 : vector<10000x16xf32>
    %get3A_81 = arith.constant 0 : index
    %get3A_82 = arith.constant 0 : index
    %get3A_83 = vector.load %arg4[%get3A_81, %get3A_82] : memref<16x16xf32, #tpu.memory_space<vmem>>, vector<16x16xf32>
    %dot_general3A_84 = arith.constant dense<0.000000e+00> : vector<10000x16xf32>
    %dot_general3A_85 = tpu.matmul %add3A_80, %get3A_83, %dot_general3A_84 {dimension_numbers = #tpu.dot_dimension_numbers<[1], [0], [0], [1], [0, 0, 1, 1], [], []>, transpose_lhs_hint = false} : vector<10000x16xf32>, vector<16x16xf32>, vector<10000x16xf32> -> vector<10000x16xf32>
    %get3A_86 = arith.constant 12 : index
    %get3A_87 = arith.constant 0 : index
    %get3A_88 = vector.load %arg7[%get3A_86, %get3A_87] : memref<13x16xf32, #tpu.memory_space<vmem>>, vector<1x16xf32>
    %add3A_89 = vector.broadcast %get3A_88 : vector<1x16xf32> to vector<10000x16xf32>
    %add3A_90 = arith.addf %dot_general3A_85, %add3A_89 : vector<10000x16xf32>
    %max3A_91 = arith.constant 0.000000e+00 : f32
    %max3A_92 = vector.broadcast %max3A_91 : f32 to vector<10000x16xf32>
    %max3A_93 = arith.maximumf %add3A_90, %max3A_92 : vector<10000x16xf32>
    %get3A_94 = arith.constant 0 : index
    %get3A_95 = arith.constant 0 : index
    %get3A_96 = vector.load %arg5[%get3A_94, %get3A_95] : memref<16x18xf32, #tpu.memory_space<vmem>>, vector<16x18xf32>
    %dot_general3A_97 = arith.constant dense<0.000000e+00> : vector<10000x18xf32>
    %dot_general3A_98 = tpu.matmul %max3A_93, %get3A_96, %dot_general3A_97 {dimension_numbers = #tpu.dot_dimension_numbers<[1], [0], [0], [1], [0, 0, 1, 1], [], []>, transpose_lhs_hint = false} : vector<10000x16xf32>, vector<16x18xf32>, vector<10000x18xf32> -> vector<10000x18xf32>
    %get3A_99 = arith.constant 0 : index
    %get3A_100 = arith.constant 0 : index
    %get3A_101 = vector.load %arg6[%get3A_99, %get3A_100] : memref<1x18xf32, #tpu.memory_space<vmem>>, vector<1x18xf32>
    %add3A_102 = vector.broadcast %get3A_101 : vector<1x18xf32> to vector<10000x18xf32>
    %add3A_103 = arith.addf %dot_general3A_98, %add3A_102 : vector<10000x18xf32>
    %reduce_max3A = arith.constant dense<0xFF800000> : vector<10000xf32>
    %reduce_max3A_104 = vector.multi_reduction <maximumf>, %add3A_103, %reduce_max3A [1] : vector<10000x18xf32> to vector<10000xf32>
    %broadcast_in_dim3A_105 = vector.shape_cast %reduce_max3A_104 : vector<10000xf32> to vector<10000x1xf32>
    %sub3A_106 = vector.broadcast %broadcast_in_dim3A_105 : vector<10000x1xf32> to vector<10000x18xf32>
    %sub3A_107 = arith.subf %add3A_103, %sub3A_106 : vector<10000x18xf32>
    %exp3A = math.exp %sub3A_107 : vector<10000x18xf32>
    %sub3A_108 = vector.broadcast %broadcast_in_dim3A_105 : vector<10000x1xf32> to vector<10000x18xf32>
    %sub3A_109 = arith.subf %add3A_103, %sub3A_108 : vector<10000x18xf32>
    %reduce_sum3A_110 = arith.constant dense<0.000000e+00> : vector<10000xf32>
    %reduce_sum3A_111 = vector.multi_reduction <add>, %exp3A, %reduce_sum3A_110 [1] : vector<10000x18xf32> to vector<10000xf32>
    %broadcast_in_dim3A_112 = vector.shape_cast %reduce_sum3A_111 : vector<10000xf32> to vector<10000x1xf32>
    %log3A = math.log %broadcast_in_dim3A_112 : vector<10000x1xf32>
    %sub3A_113 = vector.broadcast %log3A : vector<10000x1xf32> to vector<10000x18xf32>
    %sub3A_114 = arith.subf %sub3A_109, %sub3A_113 : vector<10000x18xf32>
    %swap3A = arith.constant 0 : index
    %swap3A_115 = arith.constant 0 : index
    %swap3A_116 = vector.load %arg9[%swap3A, %swap3A_115] : memref<10000x18xf32, #tpu.memory_space<vmem>>, vector<10000x18xf32>
    tpu.vector_store %arg9[%swap3A, %swap3A_115], %sub3A_114 {strides = array<i32>} : memref<10000x18xf32, #tpu.memory_space<vmem>>, vector<10000x18xf32>,
    return
  }
}

</mosaic_0001>

<sc_bundles>
// kernel: kernel.12.cloned.1.call-start
scs
__scs_entry_jumppad:
0x0: {  	(pc) =	sbr.rel $0x88, $3  }
0x1: {  	(tag) =	ssettag $0x0;
	lr =	simm.s32 $0x1  }
0x2: {  	[smem:$0x3F86] =	sst lr;
	_ =	strace $0xD0000000  }
0x3: {  	_ = 	snop  }
0x4: {  	_ = 	snop  }
0x5: {  	_ = 	snop  }
0x6: {  	_ = 	snop  }
0x7: {  	_ = 	snop  }
__scs_overlays_trampoline_lowered:
0x8: {  	[smem:$0x3F95] =	sst s0  }
0x9: {  	[smem:$0x3F96] =	sst s1  }
0xa: {  	[smem:$0x3F97] =	sst s2  }
0xb: {  	[smem:$0x3F98] =	sst s3  }
0xc: {  	[smem:$0x3F99] =	sst s4  }
0xd: {  	[smem:$0x3F9A] =	sst s5  }
0xe: {  	[smem:$0x3F9B] =	sst s6  }
0xf: {  	[smem:$0x3F9C] =	sst s7  }
0x10: {  	[smem:$0x3F9D] =	sst s8  }
0x11: {  	[smem:$0x3F9E] =	sst s9;
	s0 =	simm.s32 @!p0 $0x0  }
0x12: {  	s1 =	sld [smem:$0x3F84];
	s0 =	simm.s32 @p0 $0x1  }
0x13: {  	[smem:$0x3F9F] =	sst s0;
	s0 =	simm.s32 @!p1 $0x0  }
0x14: {  	s2 =	sld [smem:$0x3F83];
	s0 =	simm.s32 @p1 $0x1  }
0x15: {  	[smem:$0x3FA0] =	sst s0;
	s0 =	simm.s32 @!p2 $0x0  }
0x16: {  	s3 =	sld [smem:$0x3FDB];
	s0 =	simm.s32 @p2 $0x1  }
0x17: {  	s4 =	simm.s32 $0x1BF5;
	[smem:$0x3FA2] =	sst s0  }
0x18: {  	s0 =	sld [smem:$0x3F85];
	_ =	swait.ge [sflag:s4], $0x0  }
0x19: {  	s7 =	sld [smem:$0x3F86]  }
0x1a: {  	s8 =	sadd.s32 $0xFFFFE003, lr  }
0x1b: {  	s9 =	sadd.s32 $0xFFFFFEF7, lr;
	s5 =	simm.s32 $0xFFFFFFFF;
	p2 =	slt.u32 s8, $0xFFFFF086  }
0x1c: {  	p1 =	slt.u32 s9, $0xF7A;
	s5 =	simm.s32 @!p2 $0x0  }
0x1d: {  	s5 =	simm.s32 @p1 $0x1;
	p0 =	seq.s32 s7, s2  }
0x1e: {  	s7 =	smul.u32 @!p0 $0xF7A, s2;
	p2 =	seq.s32 @!p0 s5, $0x0  }
0x1f: {  	s9 =	smul.u32 $0xF7A, s1;
	s8 =	simm.s32 @!p0 $0x1BF5;
	p2 =	por !p2, p0  }
0x20: {  	[sflag:s8] =	ssyncset.s32 @!p0 $0xFFFFF086;
	s6 =	sadd.s32 @!p0 s3, s7;
	s7 =	simm.s32 @!p0 $0x108  }
0x21: {  	s3 =	sadd.s32 s3, s9;
	s6 =	sadd.s32 @!p0 $0x88, s6;
	s7 =	simm.s32 @p2 $0x1082  }
0x22: {  	[simem:s7], [sflag:s8] =	dma.local @!p0 [hbm:s6], $0xF7A  }
0x23: {  	s9 =	sor.u32 $0xD0000000, s2;
	s6 =	simm.s32 $0x108;
	_ =	swait.ge @!p0 [sflag:s8], $0x0  }
0x24: {  	s3 =	sadd.s32 $0x88, s3;
	s6 =	simm.s32 @!p1 $0x1082;
	[sflag:s4] =	ssyncset.s32 $0xFFFFF086  }
0x25: {  	[simem:s6], [sflag:s4] =	dma.local [hbm:s3], $0xF7A  }
0x26: {  	[smem:$0x3F86] =	sst s1;
	(tag) =	ssettag s2;
	_ =	strace s9  }
0x27: {  	s1 =	sld [smem:$0x3F96]  }
0x28: {  	s2 =	sld [smem:$0x3F97]  }
0x29: {  	s4 =	sld [smem:$0x3F99]  }
0x2a: {  	p0 =	seq.s32 s5, $0x0;
	s5 =	sld [smem:$0x3F9A]  }
0x2b: {  	s6 =	sld [smem:$0x3F9B]  }
0x2c: {  	s7 =	sld [smem:$0x3F9C]  }
0x2d: {  	s3 =	simm.s32 $0x108;
	s8 =	sld [smem:$0x3F9D]  }
0x2e: {  	s3 =	simm.s32 @!p0 $0x1082;
	s9 =	sld [smem:$0x3F9E]  }
0x2f: {  	lr =	sadd.s32 s0, s3;
	s0 =	sld [smem:$0x3F95]  }
0x30: {  	s3 =	sld [smem:$0x3F98]  }
0x31: {  	[smem:$0x3FA1] =	sst s10  }
0x32: {  	s10 =	sld [smem:$0x3F9F];
	_ =	sdelay $0x3  }
0x33: {  	p0 =	seq.s32 s10, $0x1;
	s10 =	sld [smem:$0x3FA1];
	_ =	sdelay $0x3  }
0x34: {  	[smem:$0x3FA1] =	sst s10  }
0x35: {  	s10 =	sld [smem:$0x3FA0];
	_ =	sdelay $0x3  }
0x36: {  	p1 =	seq.s32 s10, $0x1;
	s10 =	sld [smem:$0x3FA1];
	_ =	sdelay $0x3  }
0x37: {  	[smem:$0x3FA1] =	sst s10  }
0x38: {  	s10 =	sld [smem:$0x3FA2]  }
0x39: {  	_ = 	snop;
	(pc) =	sbr.ind lr, $3  }
0x3a: {  	_ = 	snop  }
0x3b: {  	_ = 	snop  }
0x3c: {  	p2 =	seq.s32 s10, $0x1;
	s10 =	sld [smem:$0x3FA1]  }
0x3d: {  	_ =	shalt  }
0x3e: {  	_ =	shalt  }
0x3f: {  	_ =	shalt  }
0x40: {  	_ =	shalt  }
0x41: {  	_ =	shalt  }
0x42: {  	_ =	shalt  }
0x43: {  	_ =	shalt  }
0x44: {  	_ =	shalt  }
0x45: {  	_ =	shalt  }
0x46: {  	_ =	shalt  }
0x47: {  	_ =	shalt  }
0x48: {  	_ =	shalt  }
0x49: {  	_ =	shalt  }
0x4a: {  	_ =	shalt  }
0x4b: {  	_ =	shalt  }
0x4c: {  	_ =	shalt  }
0x4d: {  	_ =	shalt  }
0x4e: {  	_ =	shalt  }
0x4f: {  	_ =	shalt  }
0x50: {  	_ =	shalt  }
0x51: {  	_ =	shalt  }
0x52: {  	_ =	shalt  }
0x53: {  	_ =	shalt  }
0x54: {  	_ =	shalt  }
0x55: {  	_ =	shalt  }
0x56: {  	_ =	shalt  }
0x57: {  	_ =	shalt  }
0x58: {  	_ =	shalt  }
0x59: {  	_ =	shalt  }
0x5a: {  	_ =	shalt  }
0x5b: {  	_ =	shalt  }
0x5c: {  	_ =	shalt  }
0x5d: {  	_ =	shalt  }
0x5e: {  	_ =	shalt  }
0x5f: {  	_ =	shalt  }
0x60: {  	_ =	shalt  }
0x61: {  	_ =	shalt  }
0x62: {  	_ =	shalt  }
0x63: {  	_ =	shalt  }
0x64: {  	_ =	shalt  }
0x65: {  	_ =	shalt  }
0x66: {  	_ =	shalt  }
0x67: {  	_ =	shalt  }
0x68: {  	_ =	shalt  }
0x69: {  	_ =	shalt  }
0x6a: {  	_ =	shalt  }
0x6b: {  	_ =	shalt  }
0x6c: {  	_ =	shalt  }
0x6d: {  	_ =	shalt  }
0x6e: {  	_ =	shalt  }
0x6f: {  	_ =	shalt  }
0x70: {  	_ =	shalt  }
0x71: {  	_ =	shalt  }
0x72: {  	_ =	shalt  }
0x73: {  	_ =	shalt  }
0x74: {  	_ =	shalt  }
0x75: {  	_ =	shalt  }
0x76: {  	_ =	shalt  }
0x77: {  	_ =	shalt  }
0x78: {  	_ =	shalt  }
0x79: {  	_ =	shalt  }
0x7a: {  	_ =	shalt  }
0x7b: {  	_ =	shalt  }
0x7c: {  	_ =	shalt  }
0x7d: {  	_ =	shalt  }
0x7e: {  	_ =	shalt  }
0x7f: {  	_ =	shalt  }
0x80: {  	_ =	shalt  }
0x81: {  	_ =	shalt  }
0x82: {  	_ =	shalt  }
0x83: {  	_ =	shalt  }
0x84: {  	_ =	shalt  }
0x85: {  	_ =	shalt  }
0x86: {  	_ =	shalt  }
0x87: {  	_ =	shalt  }
.Lfunc_end0:
.L_simem_size_0:
called_computation.1_lowered:
.L_overlay_start_0:
0x88: {  	s2 =	sld [smem:$0x3FD9]  }
0x89: {  	s3 =	sld [smem:$0x3FFE];
	_ =	sdelay $0x1  }
0x8a: {  	s1 =	srdreg.scid  }
0x8b: {  	s0 =	sand.u32 $0x1, s1  }
0x8c: {  	s17 =	sshll.u32 s0, $0xA;
	s2 =	sadd.s32 s3, s2  }
0x8d: {  	s2 =	sadd.s32 s2, s17  }
0x8e: {  	[smem:$0x3FAD] =	sst s2  }
0x8f: {  	_ = 	snop  }
0x90: {  	s2 =	sld [smem:$0x3FD0];
	(tm) =	ssettm $0x1  }
0x91: {  	s18 =	sld [smem:$0x3FFB];
	_ =	sdelay $0x3  }
0x92: {  	_ =	strace s18  }
0x93: {  	s3 =	sld [smem:$0x3FFC];
	_ =	sdelay $0x3  }
0x94: {  	_ =	strace s3  }
0x95: {  	s3 =	sld [smem:$0x3FFD];
	_ =	sdelay $0x3  }
0x96: {  	_ =	strace s3  }
0x97: {  	_ =	strace $0x8FFFFFFF  }
0x98: {  	s19 =	sld [smem:$0x3FDB];
	_ =	sdelay $0x1  }
0x99: {  	s4 =	simm.s32 $_scs_section_size  }
0x9a: {  	s5 =	simm.s32 $_size__tile_overlayer_lowered;
	s6 =	simm.s32 $_tile_overlayer_lowered  }
0x9b: {  	s22 =	simm.s32 $0x1BFF;
	s21 =	sshll.u32 s6, $0x1;
	s3 =	sadd.s32 s4, s19  }
0x9c: {  	s7 =	simm.s32 $0x0;
	s20 =	sshll.u32 s5, $0x1;
	s5 =	sadd.s32 s21, s3  }
0x9d: {  	[timem:s7], [sflag:s22] =	dma.local [hbm:s5], s20  }
0x9e: {  	_ =	swait.ge [sflag:s22], s20  }
0x9f: {  	s4 =	ssub.s32 $0x0, s20;
	[sflag:s22] =	ssyncset.done $0x0  }
0xa0: {  	[sflag:s22] =	ssyncadd.s32 s4;
	_ =	sdelay $0x1  }
0xa1: {  	s23 =	simm.s32 $0x1B8B  }
0xa2: {  	_ =	swait.ge [sflag:s23], $0x1  }
0xa3: {  	[sflag:s23] =	ssyncset.done $0x0  }
0xa4: {  	s25 =	simm.s32 $0x1B8E;
	s24 =	sld [smem:$0x3FFE];
	[sflag:s23] =	ssyncadd.s32 $0xFFFFFFFF  }
0xa5: {  	s26 =	simm.s32 $execute0_lowered;
	[smem:$0x3FD2] =	sst s25  }
0xa6: {  	s5 =	sshll.u32 s26, $0x1;
	_ =	strace $0x80000049;
	[dreg:$0x1] =	wrdreg $0xFFFFFFFF  }
0xa7: {  	s28 =	simm.s32 $_size_execute0_lowered;
	s3 =	sadd.s32 s3, s5;
	[dreg:$0x0] =	wrdreg $0x0  }
0xa8: {  	s5 =	sshll.u32 s28, $0x1;
	[dreg:$0x2] =	wrdreg s3  }
0xa9: {  	[dreg:$0x3] =	wrdreg s5  }
0xaa: {  	[dreg:$0x4] =	wrdreg $0xC0  }
0xab: {  	_ =	task [dreg:s7], $0x5FFFF  }
0xac: {  	[dreg:$0x1] =	wrdreg $0xFFFFFFFF  }
0xad: {  	[dreg:$0x0] =	wrdreg $0x60  }
0xae: {  	[dreg:$0x2] =	wrdreg s24  }
0xaf: {  	[dreg:$0x3] =	wrdreg s2  }
0xb0: {  	[dreg:$0x4] =	wrdreg $0xB7200  }
0xb1: {  	[dreg:$0x5] =	wrdreg $0x9  }
0xb2: {  	_ =	task.clear_ibuf [dreg:s7], $0x6FFFF;
	_ =	strace $0x90000049  }
0xb3: {  	s29 =	simm.s32 $0x9;
	_ =	strace $0x8000004B  }
0xb4: {  	_ =	swait.ge [sflag:s29], $0x1  }
0xb5: {  	[sflag:s29] =	ssyncadd.s32 $0xFFFFFFFF  }
0xb6: {  	_ =	strace $0x9000004B  }
0xb7: {  	_ =	sfence  }
0xb8: {  	s30 =	sld [smem:$0x0];
	_ =	sdelay $0x2  }
0xb9: {  	s31 =	sshll.u32 s1, $0xD;
	s1 =	sshrl.u32 s1, $0x2  }
0xba: {  	s3 =	sand.u32 $0x4000, s31;
	s1 =	sadd.s32 s1, s30  }
0xbb: {  	s0 =	sor.u32 s3, s0;
	s1 =	sshll.u32 s1, $0x11  }
0xbc: {  	s0 =	sor.u32 s1, s0  }
0xbd: {  	s0 =	sadd.s32 $0x8F2B, s0  }
0xbe: {  	[sflag:s0] =	ssyncadd.remote.s32 $0x1  }
0xbf: {  	_ =	sfence.sel $0xFFFF  }
0xc0: {  	[dreg:$0x0] =	wrdreg $0xFFFFFFFF;
	(pc) =	sbr.abs _section_cstart, $3  }
0xc1: {  	[dreg:$0x1] =	wrdreg $0xFFFFFFFF  }
0xc2: {  	_ =	task.clear_ibuf [dreg:s7], $0x2FFFF;
	_ =	strace $0x9FFFFFFF  }
0xc3: {  	(tm) =	ssettm $0x7FFFFFFF  }
tec
execute0_lowered:
.L_overlay_start_1:
0x0: {  	(tag) =	ssettag $0x1  }
0x1: {  	s0 =	rddreg [dreg:$0x0]  }
0x2: {  	s1 =	srdreg.scid;
	s3 =	rddreg [dreg:$0x1]  }
0x3: {  	s2 =	rddreg [dreg:$0x2];
	s9 =	stileid.u32;
	s5 =	simm.s32 $0x0  }
0x4: {  	s13 =	simm.s32 $0x80;
	s30 =	simm.s32 $0x9620;
	s31 =	simm.s32 $0xA620  }
0x5: {  	s16 =	simm.s32 $0xAE20;
	s28 =	simm.s32 $0x9;
	s29 =	simm.s32 $0x12  }
0x6: {  	s1 =	sand.u32 $0x1, s1;
	[smem:$0x7FF] =	sst s5;
	s7 =	smul.u32 $0x2780, s9  }
0x7: {  	s25 =	sshll.u32 s9, $0x6;
	s5 =	simm.s32 $0xB;
	s4 =	sshll.u32 s1, $0x4  }
0x8: {  	_ =	strace $0x8000004A;
	s23 =	smul.u32 $0x4F00, s1;
	[dreg:$0x4] =	wrdreg s30  }
0x9: {  	s1 =	ssub.s32 $0x2, s1;
	[dreg:$0x5] =	wrdreg s31;
	s4 =	sor.u32 s9, s4  }
0xa: {  	s8 =	sshrl.u32 s1, $0x1;
	s24 =	sshrl.u32 s7, $0x3;
	s7 =	sadd.s32 s7, s2  }
0xb: {  	s9 =	simm.s32 $0x1B;
	s4 =	smul.u32 $0x2710, s4;
	s3 =	sadd.s32 s3, s24  }
0xc: {  	s1 =	ssub.s32 s1, s8;
	s8 =	simm.s32 $0xD;
	[dreg:$0x6] =	wrdreg s3  }
0xd: {  	s3 =	sor.u32 $0x1C1B, s25;
	s1 =	smax.u32 s1, $0x1;
	s6 =	sshrl.u32 s4, $0x3  }
0xe: {  	s4 =	sadd.s32 $0x17200, s0;
	[dreg:$0xa] =	wrdreg s1;
	s6 =	sadd.s32 s6, s0  }
0xf: {  	[dreg:$0x7] =	wrdreg s3;
	s0 =	sadd.s32 s23, s0;
	s26 =	sadd.s32 $0x3800, s6  }
0x10: {  	s6 =	sadd.s32 $0xD440, s6;
	s0 =	sadd.s32 $0x1C200, s0;
	[dreg:$0x8] =	wrdreg s26  }
0x11: {  	s25 =	simm.s32 $0x9E20;
	[dreg:$0x9] =	wrdreg s6;
	s0 =	sadd.s32 s24, s0  }
0x12: {  	s1 =	simm.s32 $0x0;
	s6 =	sshrl.u32 s7, $0x3;
	[dreg:$0xc] =	wrdreg s0  }
0x13: {  	s23 =	simm.s32 $0x8E20;
	s7 =	simm.s32 $0x14;
	[dreg:$0xb] =	wrdreg s6  }
.LBB2_1:
0x14: {  	[dreg:$0xd] =	wrdreg s1  }
0x15: {  	s0 =	rddreg [dreg:$0x6]  }
0x16: {  	[spmem:s6], [sflag:s3] =	dma.local [hbm:s0], $0x4F0  }
0x17: {  	_ =	swait.ge [sflag:s9], $0x4F0  }
0x18: {  	[sflag:s9] =	ssyncset.done $0x0  }
0x19: {  	s19 =	simm.s32 $0x0;
	s20 =	rddreg [dreg:$0x8];
	[sflag:s9] =	ssyncadd.s32 $0xFFFFFB10  }
0x1a: {  	[tilespmem:s19], [sflag:$0x1B] =	stream.linear.gather [hbm4b:s20+s19], $0x2710, $0x38;
	[tilespmem:$0xDEA0] =	vst v63  }
0x1b: {  	_ =	swait.ge [sflag:s9], $0x2710  }
0x1c: {  	[sflag:s9] =	ssyncset.done $0x0  }
0x1d: {  	s22 =	simm.s32 $0x2710;
	s21 =	rddreg [dreg:$0x9];
	[sflag:s9] =	ssyncadd.s32 $0xFFFFD8F0  }
0x1e: {  	[tilespmem:s22], [sflag:$0x1B] =	stream.linear.gather [hbm4b:s21+s19], $0x2710, $0x38;
	[tilespmem:$0xDEA0] =	vst v63  }
0x1f: {  	_ =	swait.ge [sflag:s9], $0x2710  }
0x20: {  	[sflag:s9] =	ssyncset.done $0x0  }
0x21: {  	[sflag:s9] =	ssyncadd.s32 $0xFFFFD8F0  }
0x22: {  	s24 =	simm.s32 $0x4E20;
	[bflag:$0x0] =	sbarrier.arrive $0xFFFF  }
0x23: {  	[tilespmem:s24], [sflag:$0x1] =	stream.indirect.gather [hbm4b:s4+s13], $0x10, s19, s13, $0xb8;
	[tilespmem:$0xDEA0] =	vst v63  }
0x24: {  	s6 =	simm.s32 $0x5620  }
0x25: {  	[tilespmem:s6], [sflag:$0x2] =	stream.indirect.gather [hbm4b:s4+s13], $0x10, s13, s13, $0xb8;
	[tilespmem:$0xDEA0] =	vst v63  }
0x26: {  	s26 =	simm.s32 $0x100;
	s9 =	simm.s32 $0x5E20  }
0x27: {  	[tilespmem:s9], [sflag:$0x3] =	stream.indirect.gather [hbm4b:s4+s13], $0x10, s26, s13, $0xb8;
	[tilespmem:$0xDEA0] =	vst v63  }
0x28: {  	s30 =	simm.s32 $0x180;
	s10 =	simm.s32 $0x6620  }
0x29: {  	[tilespmem:s10], [sflag:$0x4] =	stream.indirect.gather [hbm4b:s4+s13], $0x10, s30, s13, $0xb8;
	[tilespmem:$0xDEA0] =	vst v63  }
0x2a: {  	s31 =	simm.s32 $0x200;
	s11 =	simm.s32 $0x6E20  }
0x2b: {  	[tilespmem:s11], [sflag:$0x5] =	stream.indirect.gather [hbm4b:s4+s13], $0x10, s31, s13, $0xb8;
	[tilespmem:$0xDEA0] =	vst v63  }
0x2c: {  	s1 =	simm.s32 $0x280;
	s12 =	simm.s32 $0x7620  }
0x2d: {  	[tilespmem:s12], [sflag:$0x6] =	stream.indirect.gather [hbm4b:s4+s13], $0x10, s1, s13, $0xb8;
	[tilespmem:$0xDEA0] =	vst v63  }
0x2e: {  	s14 =	simm.s32 $0x300;
	p0 =	por $0x1, $0x1;
	s12 =	simm.s32 $0x7E20  }
0x2f: {  	[tilespmem:s12], [sflag:$0x7] =	stream.indirect.gather [hbm4b:s4+s13], $0x10, s14, s13, $0xb8;
	[tilespmem:$0xDEA0] =	vst v63  }
0x30: {  	s15 =	simm.s32 $0x380;
	s17 =	simm.s32 $0x8620;
	s0 =	simm.s32 @!p0 $0x16  }
0x31: {  	[tilespmem:s17], [sflag:$0x8] =	stream.indirect.gather [hbm4b:s4+s13], $0x10, s15, s13, $0xb8;
	[tilespmem:$0xDEA0] =	vst v63  }
0x32: {  	_ =	swait.ge @!p0 [sflag:s0], $0x800  }
0x33: {  	s18 =	simm.s32 $0x400;
	[sflag:s0] =	ssyncset.done @!p0 $0x0  }
0x34: {  	s14 =	simm.s32 $0x8E20;
	s15 =	simm.s32 $0x1;
	[sflag:s0] =	ssyncadd.s32 @!p0 $0xFFFFF800  }
0x35: {  	[tilespmem:s14], [sflag:$0x9] =	stream.indirect.gather [hbm4b:s4+s13], $0x10, s18, s13, $0xb8;
	[tilespmem:$0xDEA0] =	vst v63  }
0x36: {  	_ =	swait.ge [sflag:s15], $0x800  }
0x37: {  	[sflag:s15] =	ssyncset.done $0x0  }
0x38: {  	s19 =	simm.s32 $0x2710;
	s1 =	simm.s32 @!p0 $0x17;
	[sflag:s15] =	ssyncadd.s32 $0xFFFFF800  }
0x39: {  	[spmem:s2] =	stream.indirect.scatter.add.f32 [tilespmem:s24], [sflag:$0xE], $0x10, s19, s13, $0xb8;
	[tilespmem:$0xDEA0] =	vst v63  }
0x3a: {  	_ =	swait.ge @!p0 [sflag:s1], $0x800  }
0x3b: {  	s21 =	simm.s32 $0x480;
	[sflag:s1] =	ssyncset.done @!p0 $0x0  }
0x3c: {  	s22 =	simm.s32 $0x2;
	s20 =	rddreg [dreg:$0x4];
	[sflag:s1] =	ssyncadd.s32 @!p0 $0xFFFFF800  }
0x3d: {  	[tilespmem:s20], [sflag:$0xA] =	stream.indirect.gather [hbm4b:s4+s13], $0x10, s21, s13, $0xb8;
	[tilespmem:$0xDEA0] =	vst v63  }
0x3e: {  	_ =	swait.ge [sflag:s22], $0x800  }
0x3f: {  	[sflag:s22] =	ssyncset.done $0x0  }
0x40: {  	s24 =	simm.s32 $0x2790;
	s1 =	simm.s32 @!p0 $0x18;
	[sflag:s22] =	ssyncadd.s32 $0xFFFFF800  }
0x41: {  	[spmem:s2] =	stream.indirect.scatter.add.f32 [tilespmem:s6], [sflag:$0xF], $0x10, s24, s13, $0xb8;
	[tilespmem:$0xDEA0] =	vst v63  }
0x42: {  	_ =	swait.ge @!p0 [sflag:s1], $0x800  }
0x43: {  	s26 =	simm.s32 $0x500;
	[sflag:s1] =	ssyncset.done @!p0 $0x0  }
0x44: {  	s30 =	simm.s32 $0x3;
	s15 =	simm.s32 $0x9E20;
	[sflag:s1] =	ssyncadd.s32 @!p0 $0xFFFFF800  }
0x45: {  	[tilespmem:s15], [sflag:$0xB] =	stream.indirect.gather [hbm4b:s4+s13], $0x10, s26, s13, $0xb8;
	[tilespmem:$0xDEA0] =	vst v63  }
0x46: {  	_ =	swait.ge [sflag:s30], $0x800  }
0x47: {  	[sflag:s30] =	ssyncset.done $0x0  }
0x48: {  	s31 =	simm.s32 $0x2810;
	s1 =	simm.s32 @!p0 $0x19;
	[sflag:s30] =	ssyncadd.s32 $0xFFFFF800  }
0x49: {  	[spmem:s2] =	stream.indirect.scatter.add.f32 [tilespmem:s9], [sflag:$0x10], $0x10, s31, s13, $0xb8;
	[tilespmem:$0xDEA0] =	vst v63  }
0x4a: {  	_ =	swait.ge @!p0 [sflag:s1], $0x800  }
0x4b: {  	s6 =	simm.s32 $0x580;
	[sflag:s1] =	ssyncset.done @!p0 $0x0  }
0x4c: {  	s9 =	simm.s32 $0x4;
	s3 =	rddreg [dreg:$0x5];
	[sflag:s1] =	ssyncadd.s32 @!p0 $0xFFFFF800  }
0x4d: {  	[tilespmem:s3], [sflag:$0xC] =	stream.indirect.gather [hbm4b:s4+s13], $0x10, s6, s13, $0xb8;
	[tilespmem:$0xDEA0] =	vst v63  }
0x4e: {  	_ =	swait.ge [sflag:s9], $0x800  }
0x4f: {  	[sflag:s9] =	ssyncset.done $0x0  }
0x50: {  	s17 =	simm.s32 $0x2890;
	s1 =	simm.s32 @!p0 $0x1A;
	[sflag:s9] =	ssyncadd.s32 $0xFFFFF800  }
0x51: {  	[spmem:s2] =	stream.indirect.scatter.add.f32 [tilespmem:s10], [sflag:$0x11], $0x10, s17, s13, $0xb8;
	[tilespmem:$0xDEA0] =	vst v63  }
0x52: {  	_ =	swait.ge @!p0 [sflag:s1], $0x800  }
0x53: {  	[sflag:s1] =	ssyncset.done @!p0 $0x0  }
0x54: {  	s18 =	simm.s32 $0x600;
	s19 =	simm.s32 $0x5;
	[sflag:s1] =	ssyncadd.s32 @!p0 $0xFFFFF800  }
0x55: {  	[tilespmem:s16], [sflag:$0xD] =	stream.indirect.gather [hbm4b:s4+s13], $0x10, s18, s13, $0xb8;
	[tilespmem:$0xDEA0] =	vst v63  }
0x56: {  	_ =	swait.ge [sflag:s19], $0x800  }
0x57: {  	[sflag:s19] =	ssyncset.done $0x0  }
0x58: {  	s20 =	simm.s32 $0x2910;
	s21 =	simm.s32 $0xE;
	[sflag:s19] =	ssyncadd.s32 $0xFFFFF800  }
0x59: {  	[spmem:s2] =	stream.indirect.scatter.add.f32 [tilespmem:s11], [sflag:$0x12], $0x10, s20, s13, $0xb8;
	[tilespmem:$0xDEA0] =	vst v63  }
0x5a: {  	_ =	swait.ge [sflag:s21], $0x800  }
0x5b: {  	p0 =	por $0x0, $0x0;
	[sflag:s21] =	ssyncset.done $0x0  }
0x5c: {  	s0 =	simm.s32 @p0 $0x6;
	[sflag:s21] =	ssyncadd.s32 $0xFFFFF800  }
0x5d: {  	_ =	swait.ge @p0 [sflag:s0], $0x800  }
0x5e: {  	s6 =	simm.s32 @p0 $0xF;
	s1 =	simm.s32 @p0 $0x80;
	[sflag:s0] =	ssyncset.done @p0 $0x0  }
0x5f: {  	s3 =	simm.s32 @p0 $0x7620;
	[sflag:s0] =	ssyncadd.s32 @p0 $0xFFFFF800;
	s0 =	simm.s32 @p0 $0x2990  }
0x60: {  	[spmem:s2] =	stream.indirect.scatter.add.f32 @p0 [tilespmem:s3], [sflag:$0x13], $0x10, s0, s1, $0xb8;
	[tilespmem:$0xDEA0] =	vst v63  }
0x61: {  	_ =	swait.ge @p0 [sflag:s6], $0x800  }
0x62: {  	s9 =	simm.s32 @!p0 $0x4E20;
	s0 =	simm.s32 @!p0 $0x680;
	[sflag:s6] =	ssyncset.done @p0 $0x0  }
0x63: {  	s3 =	simm.s32 @!p0 $0x80;
	[sflag:s6] =	ssyncadd.s32 @p0 $0xFFFFF800;
	s6 =	simm.s32 @!p0 $0x6  }
0x64: {  	[tilespmem:s9], [sflag:$0x1] =	stream.indirect.gather @!p0 [hbm4b:s4+s3], $0x10, s0, s3, $0xb8;
	[tilespmem:$0xDEA0] =	vst v63  }
0x65: {  	_ =	swait.ge @!p0 [sflag:s6], $0x800  }
0x66: {  	s10 =	simm.s32 @!p0 $0xF;
	[sflag:s6] =	ssyncset.done @!p0 $0x0  }
0x67: {  	s9 =	simm.s32 @!p0 $0x2990;
	s0 =	simm.s32 @!p0 $0x7620;
	[sflag:s6] =	ssyncadd.s32 @!p0 $0xFFFFF800  }
0x68: {  	[spmem:s2] =	stream.indirect.scatter.add.f32 @!p0 [tilespmem:s0], [sflag:$0x13], $0x10, s9, s3, $0xb8;
	[tilespmem:$0xDEA0] =	vst v63  }
0x69: {  	_ =	swait.ge @!p0 [sflag:s10], $0x800  }
0x6a: {  	s22 =	simm.s32 $0x7;
	[sflag:s10] =	ssyncset.done @!p0 $0x0  }
0x6b: {  	s6 =	simm.s32 @!p0 $0x700;
	s9 =	simm.s32 @!p0 $0x5620;
	[sflag:s10] =	ssyncadd.s32 @!p0 $0xFFFFF800  }
0x6c: {  	[tilespmem:s9], [sflag:$0x2] =	stream.indirect.gather @!p0 [hbm4b:s4+s3], $0x10, s6, s3, $0xb8;
	[tilespmem:$0xDEA0] =	vst v63  }
0x6d: {  	_ =	swait.ge [sflag:s22], $0x800  }
0x6e: {  	[sflag:s22] =	ssyncset.done $0x0  }
0x6f: {  	s24 =	simm.s32 $0x2A10;
	s26 =	simm.s32 $0x10;
	[sflag:s22] =	ssyncadd.s32 $0xFFFFF800  }
0x70: {  	[spmem:s2] =	stream.indirect.scatter.add.f32 [tilespmem:s12], [sflag:$0x14], $0x10, s24, s13, $0xb8;
	[tilespmem:$0xDEA0] =	vst v63  }
0x71: {  	_ =	swait.ge [sflag:s26], $0x800  }
0x72: {  	[sflag:s26] =	ssyncset.done $0x0  }
0x73: {  	s6 =	simm.s32 @p0 $0x8;
	[sflag:s26] =	ssyncadd.s32 $0xFFFFF800  }
0x74: {  	_ =	swait.ge @p0 [sflag:s6], $0x800  }
0x75: {  	s10 =	simm.s32 @p0 $0x8620;
	[sflag:s6] =	ssyncset.done @p0 $0x0  }
0x76: {  	s9 =	simm.s32 @p0 $0x2A90;
	[sflag:s6] =	ssyncadd.s32 @p0 $0xFFFFF800;
	s6 =	simm.s32 @p0 $0x11  }
0x77: {  	[spmem:s2] =	stream.indirect.scatter.add.f32 @p0 [tilespmem:s10], [sflag:$0x15], $0x10, s9, s1, $0xb8;
	[tilespmem:$0xDEA0] =	vst v63  }
0x78: {  	_ =	swait.ge @p0 [sflag:s6], $0x800  }
0x79: {  	s11 =	simm.s32 @!p0 $0x8;
	[sflag:s6] =	ssyncset.done @p0 $0x0  }
0x7a: {  	s9 =	simm.s32 @!p0 $0x780;
	s10 =	simm.s32 @!p0 $0x5E20;
	[sflag:s6] =	ssyncadd.s32 @p0 $0xFFFFF800  }
0x7b: {  	[tilespmem:s10], [sflag:$0x3] =	stream.indirect.gather @!p0 [hbm4b:s4+s3], $0x10, s9, s3, $0xb8;
	[tilespmem:$0xDEA0] =	vst v63  }
0x7c: {  	_ =	swait.ge @!p0 [sflag:s11], $0x800  }
0x7d: {  	s6 =	simm.s32 @!p0 $0x8620;
	[sflag:s11] =	ssyncset.done @!p0 $0x0  }
0x7e: {  	s9 =	simm.s32 @!p0 $0x2A90;
	s10 =	simm.s32 @!p0 $0x11;
	[sflag:s11] =	ssyncadd.s32 @!p0 $0xFFFFF800  }
0x7f: {  	[spmem:s2] =	stream.indirect.scatter.add.f32 @!p0 [tilespmem:s6], [sflag:$0x15], $0x10, s9, s3, $0xb8;
	[tilespmem:$0xDEA0] =	vst v63  }
0x80: {  	_ =	swait.ge @!p0 [sflag:s10], $0x800  }
0x81: {  	[sflag:s10] =	ssyncset.done @!p0 $0x0  }
0x82: {  	s9 =	simm.s32 @!p0 $0x800;
	[sflag:s10] =	ssyncadd.s32 @!p0 $0xFFFFF800;
	s10 =	simm.s32 @!p0 $0x6620  }
0x83: {  	[tilespmem:s10], [sflag:$0x4] =	stream.indirect.gather @!p0 [hbm4b:s4+s3], $0x10, s9, s3, $0xb8;
	[tilespmem:$0xDEA0] =	vst v63  }
0x84: {  	_ =	swait.ge [sflag:s28], $0x800  }
0x85: {  	[sflag:s28] =	ssyncset.done $0x0  }
0x86: {  	s30 =	simm.s32 $0x2B10;
	[sflag:s28] =	ssyncadd.s32 $0xFFFFF800  }
0x87: {  	[spmem:s2] =	stream.indirect.scatter.add.f32 [tilespmem:s14], [sflag:$0x16], $0x10, s30, s13, $0xb8;
	[tilespmem:$0xDEA0] =	vst v63  }
0x88: {  	_ =	swait.ge [sflag:s29], $0x800  }
0x89: {  	[sflag:s29] =	ssyncset.done $0x0  }
0x8a: {  	s9 =	simm.s32 @p0 $0xA;
	[sflag:s29] =	ssyncadd.s32 $0xFFFFF800  }
0x8b: {  	_ =	swait.ge @p0 [sflag:s9], $0x800  }
0x8c: {  	[sflag:s9] =	ssyncset.done @p0 $0x0  }
0x8d: {  	s10 =	simm.s32 @p0 $0x2B90;
	[sflag:s9] =	ssyncadd.s32 @p0 $0xFFFFF800;
	s9 =	simm.s32 @p0 $0x9620  }
0x8e: {  	[spmem:s2] =	stream.indirect.scatter.add.f32 @p0 [tilespmem:s9], [sflag:$0x17], $0x10, s10, s1, $0xb8;
	[tilespmem:$0xDEA0] =	vst v63  }
0x8f: {  	s9 =	simm.s32 @p0 $0x13  }
0x90: {  	_ =	swait.ge @p0 [sflag:s9], $0x800  }
0x91: {  	[sflag:s9] =	ssyncset.done @p0 $0x0  }
0x92: {  	s10 =	simm.s32 @!p0 $0x880;
	[sflag:s9] =	ssyncadd.s32 @p0 $0xFFFFF800;
	s9 =	simm.s32 @!p0 $0x6E20  }
0x93: {  	[tilespmem:s9], [sflag:$0x5] =	stream.indirect.gather @!p0 [hbm4b:s4+s3], $0x10, s10, s3, $0xb8;
	[tilespmem:$0xDEA0] =	vst v63  }
0x94: {  	s9 =	simm.s32 @!p0 $0xA  }
0x95: {  	_ =	swait.ge @!p0 [sflag:s9], $0x800  }
0x96: {  	[sflag:s9] =	ssyncset.done @!p0 $0x0  }
0x97: {  	s10 =	simm.s32 @!p0 $0x2B90;
	[sflag:s9] =	ssyncadd.s32 @!p0 $0xFFFFF800;
	s9 =	simm.s32 @!p0 $0x9620  }
0x98: {  	[spmem:s2] =	stream.indirect.scatter.add.f32 @!p0 [tilespmem:s9], [sflag:$0x17], $0x10, s10, s3, $0xb8;
	[tilespmem:$0xDEA0] =	vst v63  }
0x99: {  	s9 =	simm.s32 @!p0 $0x13  }
0x9a: {  	_ =	swait.ge @!p0 [sflag:s9], $0x800  }
0x9b: {  	[sflag:s9] =	ssyncset.done @!p0 $0x0  }
0x9c: {  	[sflag:s9] =	ssyncadd.s32 @!p0 $0xFFFFF800;
	s9 =	simm.s32 @!p0 $0x900  }
0x9d: {  	[tilespmem:s0], [sflag:$0x6] =	stream.indirect.gather @!p0 [hbm4b:s4+s3], $0x10, s9, s3, $0xb8;
	[tilespmem:$0xDEA0] =	vst v63  }
0x9e: {  	_ =	swait.ge [sflag:s5], $0x800  }
0x9f: {  	[sflag:s5] =	ssyncset.done $0x0  }
0xa0: {  	s31 =	simm.s32 $0x2C10;
	[sflag:s5] =	ssyncadd.s32 $0xFFFFF800  }
0xa1: {  	[spmem:s2] =	stream.indirect.scatter.add.f32 [tilespmem:s15], [sflag:$0x18], $0x10, s31, s13, $0xb8;
	[tilespmem:$0xDEA0] =	vst v63  }
0xa2: {  	_ =	swait.ge [sflag:s7], $0x800  }
0xa3: {  	[sflag:s7] =	ssyncset.done $0x0  }
0xa4: {  	s0 =	simm.s32 @p0 $0xC;
	[sflag:s7] =	ssyncadd.s32 $0xFFFFF800  }
0xa5: {  	_ =	swait.ge @p0 [sflag:s0], $0x800  }
0xa6: {  	[sflag:s0] =	ssyncset.done @p0 $0x0  }
0xa7: {  	s9 =	simm.s32 @p0 $0x2C90;
	[sflag:s0] =	ssyncadd.s32 @p0 $0xFFFFF800;
	s0 =	simm.s32 @p0 $0xA620  }
0xa8: {  	[spmem:s2] =	stream.indirect.scatter.add.f32 @p0 [tilespmem:s0], [sflag:$0x19], $0x10, s9, s1, $0xb8;
	[tilespmem:$0xDEA0] =	vst v63  }
0xa9: {  	s0 =	simm.s32 @p0 $0x15  }
0xaa: {  	_ =	swait.ge @p0 [sflag:s0], $0x800  }
0xab: {  	[sflag:s0] =	ssyncset.done @p0 $0x0  }
0xac: {  	s1 =	simm.s32 @!p0 $0x980;
	[sflag:s0] =	ssyncadd.s32 @p0 $0xFFFFF800;
	s0 =	simm.s32 @!p0 $0x7E20  }
0xad: {  	[tilespmem:s0], [sflag:$0x7] =	stream.indirect.gather @!p0 [hbm4b:s4+s3], $0x10, s1, s3, $0xb8;
	[tilespmem:$0xDEA0] =	vst v63  }
0xae: {  	s0 =	simm.s32 @!p0 $0xC  }
0xaf: {  	_ =	swait.ge @!p0 [sflag:s0], $0x800  }
0xb0: {  	[sflag:s0] =	ssyncset.done @!p0 $0x0  }
0xb1: {  	s1 =	simm.s32 @!p0 $0x2C90;
	[sflag:s0] =	ssyncadd.s32 @!p0 $0xFFFFF800;
	s0 =	simm.s32 @!p0 $0xA620  }
0xb2: {  	[spmem:s2] =	stream.indirect.scatter.add.f32 @!p0 [tilespmem:s0], [sflag:$0x19], $0x10, s1, s3, $0xb8;
	[tilespmem:$0xDEA0] =	vst v63  }
0xb3: {  	s0 =	simm.s32 @!p0 $0x15  }
0xb4: {  	_ =	swait.ge @!p0 [sflag:s0], $0x800  }
0xb5: {  	p1 =	por $0x0, $0x0;
	[sflag:s0] =	ssyncset.done @!p0 $0x0  }
0xb6: {  	s9 =	simm.s32 $0x1A00;
	[sflag:s0] =	ssyncadd.s32 @!p0 $0xFFFFF800;
	s0 =	simm.s32 @!p0 $0xA00  }
0xb7: {  	[tilespmem:s6], [sflag:$0x8] =	stream.indirect.gather @!p0 [hbm4b:s4+s3], $0x10, s0, s3, $0xb8;
	[tilespmem:$0xDEA0] =	vst v63  }
0xb8: {  	s3 =	simm.s32 $0x3400;
	s0 =	simm.s32 $0x2D10;
	_ =	swait.ge [sflag:s8], $0x800  }
.LBB2_2:
0xb9: {  	[sflag:s8] =	ssyncset.done $0x0  }
0xba: {  	s1 =	simm.s32 @!p1 $0x16;
	s12 =	simm.s32 $0xAE20;
	[sflag:s8] =	ssyncadd.s32 $0xFFFFF800  }
0xbb: {  	[spmem:s2] =	stream.indirect.scatter.add.f32 [tilespmem:s12], [sflag:$0x1A], $0x10, s0, s13, $0xb8;
	[tilespmem:$0xDEA0] =	vst v63  }
0xbc: {  	_ =	swait.ge @!p1 [sflag:s1], $0x800  }
0xbd: {  	s6 =	sshra.s32 s9, $0x2;
	[sflag:s1] =	ssyncset.done @!p1 $0x0  }
0xbe: {  	s10 =	simm.s32 $0x1;
	s14 =	sadd.s32 $0x400, s6;
	[sflag:s1] =	ssyncadd.s32 @!p1 $0xFFFFF800  }
0xbf: {  	[tilespmem:s23], [sflag:$0x9] =	stream.indirect.gather [hbm4b:s4+s13], $0x10, s14, s13, $0xb8;
	[tilespmem:$0xDEA0] =	vst v63  }
0xc0: {  	_ =	swait.ge [sflag:s10], $0x800  }
0xc1: {  	s16 =	simm.s32 $0x4E20;
	[sflag:s10] =	ssyncset.done $0x0  }
0xc2: {  	s15 =	sadd.s32 $0x2710, s6;
	s1 =	simm.s32 @!p1 $0x17;
	[sflag:s10] =	ssyncadd.s32 $0xFFFFF800  }
0xc3: {  	[spmem:s2] =	stream.indirect.scatter.add.f32 [tilespmem:s16], [sflag:$0xE], $0x10, s15, s13, $0xb8;
	[tilespmem:$0xDEA0] =	vst v63  }
0xc4: {  	_ =	swait.ge @!p1 [sflag:s1], $0x800  }
0xc5: {  	s19 =	simm.s32 $0x2;
	[sflag:s1] =	ssyncset.done @!p1 $0x0  }
0xc6: {  	s18 =	sadd.s32 $0x480, s6;
	s17 =	rddreg [dreg:$0x4];
	[sflag:s1] =	ssyncadd.s32 @!p1 $0xFFFFF800  }
0xc7: {  	[tilespmem:s17], [sflag:$0xA] =	stream.indirect.gather [hbm4b:s4+s13], $0x10, s18, s13, $0xb8;
	[tilespmem:$0xDEA0] =	vst v63  }
0xc8: {  	_ =	swait.ge [sflag:s19], $0x800  }
0xc9: {  	s21 =	simm.s32 $0x5620;
	[sflag:s19] =	ssyncset.done $0x0  }
0xca: {  	s20 =	sadd.s32 $0x2790, s6;
	s1 =	simm.s32 @!p1 $0x18;
	[sflag:s19] =	ssyncadd.s32 $0xFFFFF800  }
0xcb: {  	[spmem:s2] =	stream.indirect.scatter.add.f32 [tilespmem:s21], [sflag:$0xF], $0x10, s20, s13, $0xb8;
	[tilespmem:$0xDEA0] =	vst v63  }
0xcc: {  	_ =	swait.ge @!p1 [sflag:s1], $0x800  }
0xcd: {  	[sflag:s1] =	ssyncset.done @!p1 $0x0  }
0xce: {  	s24 =	simm.s32 $0x3;
	s22 =	sadd.s32 $0x500, s6;
	[sflag:s1] =	ssyncadd.s32 @!p1 $0xFFFFF800  }
0xcf: {  	[tilespmem:s25], [sflag:$0xB] =	stream.indirect.gather [hbm4b:s4+s13], $0x10, s22, s13, $0xb8;
	[tilespmem:$0xDEA0] =	vst v63  }
0xd0: {  	_ =	swait.ge [sflag:s24], $0x800  }
0xd1: {  	s30 =	simm.s32 $0x5E20;
	[sflag:s24] =	ssyncset.done $0x0  }
0xd2: {  	s26 =	sadd.s32 $0x2810, s6;
	s1 =	simm.s32 @!p1 $0x19;
	[sflag:s24] =	ssyncadd.s32 $0xFFFFF800  }
0xd3: {  	[spmem:s2] =	stream.indirect.scatter.add.f32 [tilespmem:s30], [sflag:$0x10], $0x10, s26, s13, $0xb8;
	[tilespmem:$0xDEA0] =	vst v63  }
0xd4: {  	_ =	swait.ge @!p1 [sflag:s1], $0x800  }
0xd5: {  	s14 =	simm.s32 $0x4;
	[sflag:s1] =	ssyncset.done @!p1 $0x0  }
0xd6: {  	s10 =	sadd.s32 $0x580, s6;
	s31 =	rddreg [dreg:$0x5];
	[sflag:s1] =	ssyncadd.s32 @!p1 $0xFFFFF800  }
0xd7: {  	[tilespmem:s31], [sflag:$0xC] =	stream.indirect.gather [hbm4b:s4+s13], $0x10, s10, s13, $0xb8;
	[tilespmem:$0xDEA0] =	vst v63  }
0xd8: {  	_ =	swait.ge [sflag:s14], $0x800  }
0xd9: {  	s15 =	sadd.s32 $0x2890, s6;
	[sflag:s14] =	ssyncset.done $0x0  }
0xda: {  	s16 =	simm.s32 $0x6620;
	s1 =	simm.s32 @!p1 $0x1A;
	[sflag:s14] =	ssyncadd.s32 $0xFFFFF800  }
0xdb: {  	[spmem:s2] =	stream.indirect.scatter.add.f32 [tilespmem:s16], [sflag:$0x11], $0x10, s15, s13, $0xb8;
	[tilespmem:$0xDEA0] =	vst v63  }
0xdc: {  	_ =	swait.ge @!p1 [sflag:s1], $0x800  }
0xdd: {  	[sflag:s1] =	ssyncset.done @!p1 $0x0  }
0xde: {  	s17 =	sadd.s32 $0x600, s6;
	s18 =	simm.s32 $0x5;
	[sflag:s1] =	ssyncadd.s32 @!p1 $0xFFFFF800  }
0xdf: {  	[tilespmem:s12], [sflag:$0xD] =	stream.indirect.gather [hbm4b:s4+s13], $0x10, s17, s13, $0xb8;
	[tilespmem:$0xDEA0] =	vst v63  }
0xe0: {  	_ =	swait.ge [sflag:s18], $0x800  }
0xe1: {  	s19 =	sadd.s32 $0x2910, s6;
	[sflag:s18] =	ssyncset.done $0x0  }
0xe2: {  	s20 =	simm.s32 $0x6E20;
	s21 =	simm.s32 $0xE;
	[sflag:s18] =	ssyncadd.s32 $0xFFFFF800  }
0xe3: {  	[spmem:s2] =	stream.indirect.scatter.add.f32 [tilespmem:s20], [sflag:$0x12], $0x10, s19, s13, $0xb8;
	[tilespmem:$0xDEA0] =	vst v63  }
0xe4: {  	_ =	swait.ge [sflag:s21], $0x800  }
0xe5: {  	p1 =	seq.s32 s9, $0x8200;
	[sflag:s21] =	ssyncset.done $0x0  }
0xe6: {  	s0 =	simm.s32 @p1 $0x6;
	[sflag:s21] =	ssyncadd.s32 $0xFFFFF800  }
0xe7: {  	s14 =	sshra.s32 @!p1 s9, $0x2;
	s9 =	sshra.s32 @p1 s9, $0x2;
	_ =	swait.ge @p1 [sflag:s0], $0x800  }
0xe8: {  	s1 =	simm.s32 @p1 $0xF;
	s24 =	simm.s32 @p1 $0x80;
	[sflag:s0] =	ssyncset.done @p1 $0x0  }
0xe9: {  	s10 =	simm.s32 @p1 $0x7620;
	[sflag:s0] =	ssyncadd.s32 @p1 $0xFFFFF800;
	s0 =	sadd.s32 @p1 $0x2990, s9  }
0xea: {  	[spmem:s2] =	stream.indirect.scatter.add.f32 @p1 [tilespmem:s10], [sflag:$0x13], $0x10, s0, s24, $0xb8;
	[tilespmem:$0xDEA0] =	vst v63  }
0xeb: {  	_ =	swait.ge @p1 [sflag:s1], $0x800  }
0xec: {  	s17 =	sadd.s32 @!p1 $0x680, s14;
	s18 =	simm.s32 @!p1 $0x6;
	[sflag:s1] =	ssyncset.done @p1 $0x0  }
0xed: {  	s10 =	simm.s32 @!p1 $0x80;
	s0 =	simm.s32 @!p1 $0x4E20;
	[sflag:s1] =	ssyncadd.s32 @p1 $0xFFFFF800  }
0xee: {  	[tilespmem:s0], [sflag:$0x1] =	stream.indirect.gather @!p1 [hbm4b:s4+s10], $0x10, s17, s10, $0xb8;
	[tilespmem:$0xDEA0] =	vst v63  }
0xef: {  	_ =	swait.ge @!p1 [sflag:s18], $0x800  }
0xf0: {  	s22 =	simm.s32 @!p1 $0xF;
	[sflag:s18] =	ssyncset.done @!p1 $0x0  }
0xf1: {  	s15 =	sadd.s32 @!p1 $0x2990, s14;
	s21 =	simm.s32 @!p1 $0x7620;
	[sflag:s18] =	ssyncadd.s32 @!p1 $0xFFFFF800  }
0xf2: {  	[spmem:s2] =	stream.indirect.scatter.add.f32 @!p1 [tilespmem:s21], [sflag:$0x13], $0x10, s15, s10, $0xb8;
	[tilespmem:$0xDEA0] =	vst v63  }
0xf3: {  	s16 =	sadd.s32 @p1 $0x2A90, s9;
	s20 =	sadd.s32 @!p1 $0x700, s14;
	_ =	swait.ge @!p1 [sflag:s22], $0x800  }
0xf4: {  	s19 =	sadd.s32 @p1 $0x2C90, s9;
	s18 =	sadd.s32 @p1 $0x2B90, s9;
	[sflag:s22] =	ssyncset.done @!p1 $0x0  }
0xf5: {  	s9 =	simm.s32 @!p1 $0x5620;
	[sflag:s22] =	ssyncadd.s32 @!p1 $0xFFFFF800;
	s22 =	simm.s32 $0x7  }
0xf6: {  	[tilespmem:s9], [sflag:$0x2] =	stream.indirect.gather @!p1 [hbm4b:s4+s10], $0x10, s20, s10, $0xb8;
	[tilespmem:$0xDEA0] =	vst v63  }
0xf7: {  	s11 =	smov.u32 s3;
	_ =	swait.ge [sflag:s22], $0x800  }
0xf8: {  	s9 =	smov.u32 s11;
	[sflag:s22] =	ssyncset.done $0x0  }
0xf9: {  	s11 =	sadd.s32 $0x2A10, s6;
	[sflag:s22] =	ssyncadd.s32 $0xFFFFF800;
	s22 =	simm.s32 $0x7E20  }
0xfa: {  	[spmem:s2] =	stream.indirect.scatter.add.f32 [tilespmem:s22], [sflag:$0x14], $0x10, s11, s13, $0xb8;
	[tilespmem:$0xDEA0] =	vst v63  }
0xfb: {  	s22 =	simm.s32 $0x10  }
0xfc: {  	_ =	swait.ge [sflag:s22], $0x800  }
0xfd: {  	[sflag:s22] =	ssyncset.done $0x0  }
0xfe: {  	s11 =	simm.s32 @p1 $0x8;
	[sflag:s22] =	ssyncadd.s32 $0xFFFFF800  }
0xff: {  	_ =	swait.ge @p1 [sflag:s11], $0x800  }
0x100: {  	[sflag:s11] =	ssyncset.done @p1 $0x0  }
0x101: {  	s20 =	simm.s32 @p1 $0x8620;
	s22 =	simm.s32 @p1 $0x11;
	[sflag:s11] =	ssyncadd.s32 @p1 $0xFFFFF800  }
0x102: {  	[spmem:s2] =	stream.indirect.scatter.add.f32 @p1 [tilespmem:s20], [sflag:$0x15], $0x10, s16, s24, $0xb8;
	[tilespmem:$0xDEA0] =	vst v63  }
0x103: {  	_ =	swait.ge @p1 [sflag:s22], $0x800  }
0x104: {  	s12 =	sadd.s32 @!p1 $0x780, s14;
	[sflag:s22] =	ssyncset.done @p1 $0x0  }
0x105: {  	s11 =	simm.s32 @!p1 $0x5E20;
	s16 =	simm.s32 @!p1 $0x8;
	[sflag:s22] =	ssyncadd.s32 @p1 $0xFFFFF800  }
0x106: {  	[tilespmem:s11], [sflag:$0x3] =	stream.indirect.gather @!p1 [hbm4b:s4+s10], $0x10, s12, s10, $0xb8;
	[tilespmem:$0xDEA0] =	vst v63  }
0x107: {  	_ =	swait.ge @!p1 [sflag:s16], $0x800  }
0x108: {  	s31 =	sadd.s32 @!p1 $0x2A90, s14;
	[sflag:s16] =	ssyncset.done @!p1 $0x0  }
0x109: {  	s11 =	simm.s32 @!p1 $0x8620;
	s12 =	simm.s32 @!p1 $0x11;
	[sflag:s16] =	ssyncadd.s32 @!p1 $0xFFFFF800  }
0x10a: {  	[spmem:s2] =	stream.indirect.scatter.add.f32 @!p1 [tilespmem:s11], [sflag:$0x15], $0x10, s31, s10, $0xb8;
	[tilespmem:$0xDEA0] =	vst v63  }
0x10b: {  	_ =	swait.ge @!p1 [sflag:s12], $0x800  }
0x10c: {  	[sflag:s12] =	ssyncset.done @!p1 $0x0  }
0x10d: {  	s0 =	sadd.s32 @!p1 $0x800, s14;
	s16 =	simm.s32 @!p1 $0x6620;
	[sflag:s12] =	ssyncadd.s32 @!p1 $0xFFFFF800  }
0x10e: {  	[tilespmem:s16], [sflag:$0x4] =	stream.indirect.gather @!p1 [hbm4b:s4+s10], $0x10, s0, s10, $0xb8;
	[tilespmem:$0xDEA0] =	vst v63  }
0x10f: {  	_ =	swait.ge [sflag:s28], $0x800  }
0x110: {  	[sflag:s28] =	ssyncset.done $0x0  }
0x111: {  	s22 =	sadd.s32 $0x2B10, s6;
	[sflag:s28] =	ssyncadd.s32 $0xFFFFF800  }
0x112: {  	[spmem:s2] =	stream.indirect.scatter.add.f32 [tilespmem:s23], [sflag:$0x16], $0x10, s22, s13, $0xb8;
	[tilespmem:$0xDEA0] =	vst v63  }
0x113: {  	_ =	swait.ge [sflag:s29], $0x800  }
0x114: {  	[sflag:s29] =	ssyncset.done $0x0  }
0x115: {  	s0 =	simm.s32 @p1 $0xA;
	[sflag:s29] =	ssyncadd.s32 $0xFFFFF800  }
0x116: {  	_ =	swait.ge @p1 [sflag:s0], $0x800  }
0x117: {  	[sflag:s0] =	ssyncset.done @p1 $0x0  }
0x118: {  	s12 =	simm.s32 @p1 $0x9620;
	s16 =	simm.s32 @p1 $0x13;
	[sflag:s0] =	ssyncadd.s32 @p1 $0xFFFFF800  }
0x119: {  	[spmem:s2] =	stream.indirect.scatter.add.f32 @p1 [tilespmem:s12], [sflag:$0x17], $0x10, s18, s24, $0xb8;
	[tilespmem:$0xDEA0] =	vst v63  }
0x11a: {  	_ =	swait.ge @p1 [sflag:s16], $0x800  }
0x11b: {  	s1 =	sadd.s32 @!p1 $0x880, s14;
	[sflag:s16] =	ssyncset.done @p1 $0x0  }
0x11c: {  	s0 =	simm.s32 @!p1 $0x6E20;
	s12 =	simm.s32 @!p1 $0xA;
	[sflag:s16] =	ssyncadd.s32 @p1 $0xFFFFF800  }
0x11d: {  	[tilespmem:s0], [sflag:$0x5] =	stream.indirect.gather @!p1 [hbm4b:s4+s10], $0x10, s1, s10, $0xb8;
	[tilespmem:$0xDEA0] =	vst v63  }
0x11e: {  	_ =	swait.ge @!p1 [sflag:s12], $0x800  }
0x11f: {  	s30 =	sadd.s32 @!p1 $0x2B90, s14;
	[sflag:s12] =	ssyncset.done @!p1 $0x0  }
0x120: {  	s0 =	simm.s32 @!p1 $0x9620;
	s1 =	simm.s32 @!p1 $0x13;
	[sflag:s12] =	ssyncadd.s32 @!p1 $0xFFFFF800  }
0x121: {  	[spmem:s2] =	stream.indirect.scatter.add.f32 @!p1 [tilespmem:s0], [sflag:$0x17], $0x10, s30, s10, $0xb8;
	[tilespmem:$0xDEA0] =	vst v63  }
0x122: {  	_ =	swait.ge @!p1 [sflag:s1], $0x800  }
0x123: {  	[sflag:s1] =	ssyncset.done @!p1 $0x0  }
0x124: {  	s26 =	sadd.s32 @!p1 $0x900, s14;
	[sflag:s1] =	ssyncadd.s32 @!p1 $0xFFFFF800  }
0x125: {  	[tilespmem:s21], [sflag:$0x6] =	stream.indirect.gather @!p1 [hbm4b:s4+s10], $0x10, s26, s10, $0xb8;
	[tilespmem:$0xDEA0] =	vst v63  }
0x126: {  	_ =	swait.ge [sflag:s5], $0x800  }
0x127: {  	[sflag:s5] =	ssyncset.done $0x0  }
0x128: {  	s31 =	sadd.s32 $0x2C10, s6;
	[sflag:s5] =	ssyncadd.s32 $0xFFFFF800  }
0x129: {  	[spmem:s2] =	stream.indirect.scatter.add.f32 [tilespmem:s25], [sflag:$0x18], $0x10, s31, s13, $0xb8;
	[tilespmem:$0xDEA0] =	vst v63  }
0x12a: {  	_ =	swait.ge [sflag:s7], $0x800  }
0x12b: {  	[sflag:s7] =	ssyncset.done $0x0  }
0x12c: {  	s0 =	simm.s32 @p1 $0xC;
	[sflag:s7] =	ssyncadd.s32 $0xFFFFF800  }
0x12d: {  	_ =	swait.ge @p1 [sflag:s0], $0x800  }
0x12e: {  	[sflag:s0] =	ssyncset.done @p1 $0x0  }
0x12f: {  	s1 =	simm.s32 @p1 $0xA620;
	[sflag:s0] =	ssyncadd.s32 @p1 $0xFFFFF800;
	s0 =	simm.s32 @p1 $0x15  }
0x130: {  	[spmem:s2] =	stream.indirect.scatter.add.f32 @p1 [tilespmem:s1], [sflag:$0x19], $0x10, s19, s24, $0xb8;
	[tilespmem:$0xDEA0] =	vst v63  }
0x131: {  	_ =	swait.ge @p1 [sflag:s0], $0x800  }
0x132: {  	s17 =	sadd.s32 @!p1 $0x980, s14;
	[sflag:s0] =	ssyncset.done @p1 $0x0  }
0x133: {  	s1 =	simm.s32 @!p1 $0x7E20;
	[sflag:s0] =	ssyncadd.s32 @p1 $0xFFFFF800;
	s0 =	simm.s32 @!p1 $0xC  }
0x134: {  	[tilespmem:s1], [sflag:$0x7] =	stream.indirect.gather @!p1 [hbm4b:s4+s10], $0x10, s17, s10, $0xb8;
	[tilespmem:$0xDEA0] =	vst v63  }
0x135: {  	s3 =	sadd.s32 $0x1A00, s3;
	_ =	swait.ge @!p1 [sflag:s0], $0x800  }
0x136: {  	p0 =	sne.s32 s3, $0x9C00;
	s15 =	sadd.s32 @!p1 $0x2C90, s14;
	[sflag:s0] =	ssyncset.done @!p1 $0x0  }
0x137: {  	s1 =	simm.s32 @!p1 $0xA620;
	[sflag:s0] =	ssyncadd.s32 @!p1 $0xFFFFF800;
	s0 =	simm.s32 @!p1 $0x15  }
0x138: {  	[spmem:s2] =	stream.indirect.scatter.add.f32 @!p1 [tilespmem:s1], [sflag:$0x19], $0x10, s15, s10, $0xb8;
	[tilespmem:$0xDEA0] =	vst v63  }
.Ltmp0:
0x139: {  	_ =	swait.ge @!p1 [sflag:s0], $0x800;
	(pc) =	sbr.rel @p0 .LBB2_2-.Ltmp0, $4  }
0x13a: {  	[sflag:s0] =	ssyncset.done @!p1 $0x0  }
0x13b: {  	s14 =	sadd.s32 @!p1 $0xA00, s14;
	[sflag:s0] =	ssyncadd.s32 @!p1 $0xFFFFF800  }
0x13c: {  	[tilespmem:s11], [sflag:$0x8] =	stream.indirect.gather @!p1 [hbm4b:s4+s10], $0x10, s14, s10, $0xb8;
	[tilespmem:$0xDEA0] =	vst v63  }
0x13d: {  	s0 =	sadd.s32 $0x2D10, s6;
	p1 =	seq.s32 s9, $0x0;
	_ =	swait.ge [sflag:s8], $0x800  }
0x13e: {  	[sflag:s8] =	ssyncset.done $0x0  }
0x13f: {  	s1 =	simm.s32 @!p1 $0x16;
	s18 =	simm.s32 $0xAE20;
	[sflag:s8] =	ssyncadd.s32 $0xFFFFF800  }
0x140: {  	[spmem:s2] =	stream.indirect.scatter.add.f32 [tilespmem:s18], [sflag:$0x1A], $0x10, s0, s13, $0xb8;
	[tilespmem:$0xDEA0] =	vst v63  }
0x141: {  	_ =	swait.ge @!p1 [sflag:s1], $0x800  }
0x142: {  	s3 =	sshra.s32 s9, $0x2;
	s16 =	simm.s32 $0x8E20;
	[sflag:s1] =	ssyncset.done @!p1 $0x0  }
0x143: {  	s6 =	simm.s32 $0x1;
	s11 =	sadd.s32 $0x400, s3;
	[sflag:s1] =	ssyncadd.s32 @!p1 $0xFFFFF800  }
0x144: {  	[tilespmem:s16], [sflag:$0x9] =	stream.indirect.gather [hbm4b:s4+s13], $0x10, s11, s13, $0xb8;
	[tilespmem:$0xDEA0] =	vst v63  }
0x145: {  	_ =	swait.ge [sflag:s6], $0x800  }
0x146: {  	s14 =	simm.s32 $0x4E20;
	[sflag:s6] =	ssyncset.done $0x0  }
0x147: {  	s12 =	sadd.s32 $0x2710, s3;
	s1 =	simm.s32 @!p1 $0x17;
	[sflag:s6] =	ssyncadd.s32 $0xFFFFF800  }
0x148: {  	[spmem:s2] =	stream.indirect.scatter.add.f32 [tilespmem:s14], [sflag:$0xE], $0x10, s12, s13, $0xb8;
	[tilespmem:$0xDEA0] =	vst v63  }
0x149: {  	_ =	swait.ge @!p1 [sflag:s1], $0x800  }
0x14a: {  	s19 =	simm.s32 $0x2;
	[sflag:s1] =	ssyncset.done @!p1 $0x0  }
0x14b: {  	s17 =	sadd.s32 $0x480, s3;
	s15 =	rddreg [dreg:$0x4];
	[sflag:s1] =	ssyncadd.s32 @!p1 $0xFFFFF800  }
0x14c: {  	[tilespmem:s15], [sflag:$0xA] =	stream.indirect.gather [hbm4b:s4+s13], $0x10, s17, s13, $0xb8;
	[tilespmem:$0xDEA0] =	vst v63  }
0x14d: {  	_ =	swait.ge [sflag:s19], $0x800  }
0x14e: {  	s21 =	simm.s32 $0x5620;
	[sflag:s19] =	ssyncset.done $0x0  }
0x14f: {  	s20 =	sadd.s32 $0x2790, s3;
	s1 =	simm.s32 @!p1 $0x18;
	[sflag:s19] =	ssyncadd.s32 $0xFFFFF800  }
0x150: {  	[spmem:s2] =	stream.indirect.scatter.add.f32 [tilespmem:s21], [sflag:$0xF], $0x10, s20, s13, $0xb8;
	[tilespmem:$0xDEA0] =	vst v63  }
0x151: {  	_ =	swait.ge @!p1 [sflag:s1], $0x800  }
0x152: {  	s24 =	simm.s32 $0x3;
	[sflag:s1] =	ssyncset.done @!p1 $0x0  }
0x153: {  	s22 =	sadd.s32 $0x500, s3;
	s17 =	simm.s32 $0x9E20;
	[sflag:s1] =	ssyncadd.s32 @!p1 $0xFFFFF800  }
0x154: {  	[tilespmem:s17], [sflag:$0xB] =	stream.indirect.gather [hbm4b:s4+s13], $0x10, s22, s13, $0xb8;
	[tilespmem:$0xDEA0] =	vst v63  }
0x155: {  	_ =	swait.ge [sflag:s24], $0x800  }
0x156: {  	s30 =	simm.s32 $0x5E20;
	[sflag:s24] =	ssyncset.done $0x0  }
0x157: {  	s26 =	sadd.s32 $0x2810, s3;
	s1 =	simm.s32 @!p1 $0x19;
	[sflag:s24] =	ssyncadd.s32 $0xFFFFF800  }
0x158: {  	[spmem:s2] =	stream.indirect.scatter.add.f32 [tilespmem:s30], [sflag:$0x10], $0x10, s26, s13, $0xb8;
	[tilespmem:$0xDEA0] =	vst v63  }
0x159: {  	_ =	swait.ge @!p1 [sflag:s1], $0x800  }
0x15a: {  	s10 =	simm.s32 $0x4;
	[sflag:s1] =	ssyncset.done @!p1 $0x0  }
0x15b: {  	s6 =	sadd.s32 $0x580, s3;
	s31 =	rddreg [dreg:$0x5];
	[sflag:s1] =	ssyncadd.s32 @!p1 $0xFFFFF800  }
0x15c: {  	[tilespmem:s31], [sflag:$0xC] =	stream.indirect.gather [hbm4b:s4+s13], $0x10, s6, s13, $0xb8;
	[tilespmem:$0xDEA0] =	vst v63  }
0x15d: {  	_ =	swait.ge [sflag:s10], $0x800  }
0x15e: {  	s11 =	sadd.s32 $0x2890, s3;
	[sflag:s10] =	ssyncset.done $0x0  }
0x15f: {  	s12 =	simm.s32 $0x6620;
	s1 =	simm.s32 @!p1 $0x1A;
	[sflag:s10] =	ssyncadd.s32 $0xFFFFF800  }
0x160: {  	[spmem:s2] =	stream.indirect.scatter.add.f32 [tilespmem:s12], [sflag:$0x11], $0x10, s11, s13, $0xb8;
	[tilespmem:$0xDEA0] =	vst v63  }
0x161: {  	_ =	swait.ge @!p1 [sflag:s1], $0x800  }
0x162: {  	[sflag:s1] =	ssyncset.done @!p1 $0x0  }
0x163: {  	s14 =	sadd.s32 $0x600, s3;
	s15 =	simm.s32 $0x5;
	[sflag:s1] =	ssyncadd.s32 @!p1 $0xFFFFF800  }
0x164: {  	[tilespmem:s18], [sflag:$0xD] =	stream.indirect.gather [hbm4b:s4+s13], $0x10, s14, s13, $0xb8;
	[tilespmem:$0xDEA0] =	vst v63  }
0x165: {  	_ =	swait.ge [sflag:s15], $0x800  }
0x166: {  	s19 =	sadd.s32 $0x2910, s3;
	[sflag:s15] =	ssyncset.done $0x0  }
0x167: {  	s20 =	simm.s32 $0x6E20;
	s21 =	simm.s32 $0xE;
	[sflag:s15] =	ssyncadd.s32 $0xFFFFF800  }
0x168: {  	[spmem:s2] =	stream.indirect.scatter.add.f32 [tilespmem:s20], [sflag:$0x12], $0x10, s19, s13, $0xb8;
	[tilespmem:$0xDEA0] =	vst v63  }
0x169: {  	_ =	swait.ge [sflag:s21], $0x800  }
0x16a: {  	p0 =	seq.s32 s9, $0x8200;
	[sflag:s21] =	ssyncset.done $0x0  }
0x16b: {  	s0 =	simm.s32 @p0 $0x6;
	[sflag:s21] =	ssyncadd.s32 $0xFFFFF800  }
0x16c: {  	s6 =	simm.s32 @p0 $0x7620;
	_ =	swait.ge @p0 [sflag:s0], $0x800  }
0x16d: {  	s10 =	simm.s32 @p0 $0x80;
	s1 =	sshra.s32 @p0 s9, $0x2;
	[sflag:s0] =	ssyncset.done @p0 $0x0  }
0x16e: {  	s11 =	simm.s32 @p0 $0xF;
	[sflag:s0] =	ssyncadd.s32 @p0 $0xFFFFF800;
	s0 =	sadd.s32 @p0 $0x2990, s1  }
0x16f: {  	[spmem:s2] =	stream.indirect.scatter.add.f32 @p0 [tilespmem:s6], [sflag:$0x13], $0x10, s0, s10, $0xb8;
	[tilespmem:$0xDEA0] =	vst v63  }
0x170: {  	s12 =	simm.s32 @!p0 $0x4E20;
	_ =	swait.ge @p0 [sflag:s11], $0x800  }
0x171: {  	s6 =	sshra.s32 @!p0 s9, $0x2;
	s9 =	simm.s32 @!p0 $0x80;
	[sflag:s11] =	ssyncset.done @p0 $0x0  }
0x172: {  	s0 =	sadd.s32 @!p0 $0x680, s6;
	[sflag:s11] =	ssyncadd.s32 @p0 $0xFFFFF800;
	s11 =	simm.s32 @!p0 $0x6  }
0x173: {  	[tilespmem:s12], [sflag:$0x1] =	stream.indirect.gather @!p0 [hbm4b:s4+s9], $0x10, s0, s9, $0xb8;
	[tilespmem:$0xDEA0] =	vst v63  }
0x174: {  	_ =	swait.ge @!p0 [sflag:s11], $0x800  }
0x175: {  	s14 =	simm.s32 @!p0 $0xF;
	[sflag:s11] =	ssyncset.done @!p0 $0x0  }
0x176: {  	s12 =	sadd.s32 @!p0 $0x2990, s6;
	s0 =	simm.s32 @!p0 $0x7620;
	[sflag:s11] =	ssyncadd.s32 @!p0 $0xFFFFF800  }
0x177: {  	[spmem:s2] =	stream.indirect.scatter.add.f32 @!p0 [tilespmem:s0], [sflag:$0x13], $0x10, s12, s9, $0xb8;
	[tilespmem:$0xDEA0] =	vst v63  }
0x178: {  	_ =	swait.ge @!p0 [sflag:s14], $0x800  }
0x179: {  	s22 =	simm.s32 $0x7;
	[sflag:s14] =	ssyncset.done @!p0 $0x0  }
0x17a: {  	s11 =	sadd.s32 @!p0 $0x700, s6;
	s12 =	simm.s32 @!p0 $0x5620;
	[sflag:s14] =	ssyncadd.s32 @!p0 $0xFFFFF800  }
0x17b: {  	[tilespmem:s12], [sflag:$0x2] =	stream.indirect.gather @!p0 [hbm4b:s4+s9], $0x10, s11, s9, $0xb8;
	[tilespmem:$0xDEA0] =	vst v63  }
0x17c: {  	_ =	swait.ge [sflag:s22], $0x800  }
0x17d: {  	s24 =	sadd.s32 $0x2A10, s3;
	[sflag:s22] =	ssyncset.done $0x0  }
0x17e: {  	s26 =	simm.s32 $0x7E20;
	s19 =	simm.s32 $0x10;
	[sflag:s22] =	ssyncadd.s32 $0xFFFFF800  }
0x17f: {  	[spmem:s2] =	stream.indirect.scatter.add.f32 [tilespmem:s26], [sflag:$0x14], $0x10, s24, s13, $0xb8;
	[tilespmem:$0xDEA0] =	vst v63  }
0x180: {  	_ =	swait.ge [sflag:s19], $0x800  }
0x181: {  	[sflag:s19] =	ssyncset.done $0x0  }
0x182: {  	s11 =	simm.s32 @p0 $0x8;
	[sflag:s19] =	ssyncadd.s32 $0xFFFFF800  }
0x183: {  	_ =	swait.ge @p0 [sflag:s11], $0x800  }
0x184: {  	s14 =	simm.s32 @p0 $0x8620;
	[sflag:s11] =	ssyncset.done @p0 $0x0  }
0x185: {  	s12 =	sadd.s32 @p0 $0x2A90, s1;
	[sflag:s11] =	ssyncadd.s32 @p0 $0xFFFFF800;
	s11 =	simm.s32 @p0 $0x11  }
0x186: {  	[spmem:s2] =	stream.indirect.scatter.add.f32 @p0 [tilespmem:s14], [sflag:$0x15], $0x10, s12, s10, $0xb8;
	[tilespmem:$0xDEA0] =	vst v63  }
0x187: {  	_ =	swait.ge @p0 [sflag:s11], $0x800  }
0x188: {  	s15 =	simm.s32 @!p0 $0x8;
	[sflag:s11] =	ssyncset.done @p0 $0x0  }
0x189: {  	s12 =	sadd.s32 @!p0 $0x780, s6;
	s14 =	simm.s32 @!p0 $0x5E20;
	[sflag:s11] =	ssyncadd.s32 @p0 $0xFFFFF800  }
0x18a: {  	[tilespmem:s14], [sflag:$0x3] =	stream.indirect.gather @!p0 [hbm4b:s4+s9], $0x10, s12, s9, $0xb8;
	[tilespmem:$0xDEA0] =	vst v63  }
0x18b: {  	_ =	swait.ge @!p0 [sflag:s15], $0x800  }
0x18c: {  	s11 =	simm.s32 @!p0 $0x8620;
	[sflag:s15] =	ssyncset.done @!p0 $0x0  }
0x18d: {  	s12 =	sadd.s32 @!p0 $0x2A90, s6;
	s14 =	simm.s32 @!p0 $0x11;
	[sflag:s15] =	ssyncadd.s32 @!p0 $0xFFFFF800  }
0x18e: {  	[spmem:s2] =	stream.indirect.scatter.add.f32 @!p0 [tilespmem:s11], [sflag:$0x15], $0x10, s12, s9, $0xb8;
	[tilespmem:$0xDEA0] =	vst v63  }
0x18f: {  	_ =	swait.ge @!p0 [sflag:s14], $0x800  }
0x190: {  	[sflag:s14] =	ssyncset.done @!p0 $0x0  }
0x191: {  	s12 =	sadd.s32 @!p0 $0x800, s6;
	[sflag:s14] =	ssyncadd.s32 @!p0 $0xFFFFF800;
	s14 =	simm.s32 @!p0 $0x6620  }
0x192: {  	[tilespmem:s14], [sflag:$0x4] =	stream.indirect.gather @!p0 [hbm4b:s4+s9], $0x10, s12, s9, $0xb8;
	[tilespmem:$0xDEA0] =	vst v63  }
0x193: {  	_ =	swait.ge [sflag:s28], $0x800  }
0x194: {  	[sflag:s28] =	ssyncset.done $0x0  }
0x195: {  	s30 =	sadd.s32 $0x2B10, s3;
	[sflag:s28] =	ssyncadd.s32 $0xFFFFF800  }
0x196: {  	[spmem:s2] =	stream.indirect.scatter.add.f32 [tilespmem:s16], [sflag:$0x16], $0x10, s30, s13, $0xb8;
	[tilespmem:$0xDEA0] =	vst v63  }
0x197: {  	_ =	swait.ge [sflag:s29], $0x800  }
0x198: {  	[sflag:s29] =	ssyncset.done $0x0  }
0x199: {  	s12 =	simm.s32 @p0 $0xA;
	[sflag:s29] =	ssyncadd.s32 $0xFFFFF800  }
0x19a: {  	_ =	swait.ge @p0 [sflag:s12], $0x800  }
0x19b: {  	[sflag:s12] =	ssyncset.done @p0 $0x0  }
0x19c: {  	s14 =	sadd.s32 @p0 $0x2B90, s1;
	[sflag:s12] =	ssyncadd.s32 @p0 $0xFFFFF800;
	s12 =	simm.s32 @p0 $0x9620  }
0x19d: {  	[spmem:s2] =	stream.indirect.scatter.add.f32 @p0 [tilespmem:s12], [sflag:$0x17], $0x10, s14, s10, $0xb8;
	[tilespmem:$0xDEA0] =	vst v63  }
0x19e: {  	s12 =	simm.s32 @p0 $0x13  }
0x19f: {  	_ =	swait.ge @p0 [sflag:s12], $0x800  }
0x1a0: {  	[sflag:s12] =	ssyncset.done @p0 $0x0  }
0x1a1: {  	s14 =	sadd.s32 @!p0 $0x880, s6;
	[sflag:s12] =	ssyncadd.s32 @p0 $0xFFFFF800;
	s12 =	simm.s32 @!p0 $0x6E20  }
0x1a2: {  	[tilespmem:s12], [sflag:$0x5] =	stream.indirect.gather @!p0 [hbm4b:s4+s9], $0x10, s14, s9, $0xb8;
	[tilespmem:$0xDEA0] =	vst v63  }
0x1a3: {  	s12 =	simm.s32 @!p0 $0xA  }
0x1a4: {  	_ =	swait.ge @!p0 [sflag:s12], $0x800  }
0x1a5: {  	[sflag:s12] =	ssyncset.done @!p0 $0x0  }
0x1a6: {  	s14 =	sadd.s32 @!p0 $0x2B90, s6;
	[sflag:s12] =	ssyncadd.s32 @!p0 $0xFFFFF800;
	s12 =	simm.s32 @!p0 $0x9620  }
0x1a7: {  	[spmem:s2] =	stream.indirect.scatter.add.f32 @!p0 [tilespmem:s12], [sflag:$0x17], $0x10, s14, s9, $0xb8;
	[tilespmem:$0xDEA0] =	vst v63  }
0x1a8: {  	s12 =	simm.s32 @!p0 $0x13  }
0x1a9: {  	_ =	swait.ge @!p0 [sflag:s12], $0x800  }
0x1aa: {  	[sflag:s12] =	ssyncset.done @!p0 $0x0  }
0x1ab: {  	[sflag:s12] =	ssyncadd.s32 @!p0 $0xFFFFF800;
	s12 =	sadd.s32 @!p0 $0x900, s6  }
0x1ac: {  	[tilespmem:s0], [sflag:$0x6] =	stream.indirect.gather @!p0 [hbm4b:s4+s9], $0x10, s12, s9, $0xb8;
	[tilespmem:$0xDEA0] =	vst v63  }
0x1ad: {  	_ =	swait.ge [sflag:s5], $0x800  }
0x1ae: {  	[sflag:s5] =	ssyncset.done $0x0  }
0x1af: {  	s31 =	sadd.s32 $0x2C10, s3;
	[sflag:s5] =	ssyncadd.s32 $0xFFFFF800  }
0x1b0: {  	[spmem:s2] =	stream.indirect.scatter.add.f32 [tilespmem:s17], [sflag:$0x18], $0x10, s31, s13, $0xb8;
	[tilespmem:$0xDEA0] =	vst v63  }
0x1b1: {  	_ =	swait.ge [sflag:s7], $0x800  }
0x1b2: {  	[sflag:s7] =	ssyncset.done $0x0  }
0x1b3: {  	s0 =	simm.s32 @p0 $0xC;
	[sflag:s7] =	ssyncadd.s32 $0xFFFFF800  }
0x1b4: {  	_ =	swait.ge @p0 [sflag:s0], $0x800  }
0x1b5: {  	[sflag:s0] =	ssyncset.done @p0 $0x0  }
0x1b6: {  	s1 =	sadd.s32 @p0 $0x2C90, s1;
	[sflag:s0] =	ssyncadd.s32 @p0 $0xFFFFF800;
	s0 =	simm.s32 @p0 $0xA620  }
0x1b7: {  	[spmem:s2] =	stream.indirect.scatter.add.f32 @p0 [tilespmem:s0], [sflag:$0x19], $0x10, s1, s10, $0xb8;
	[tilespmem:$0xDEA0] =	vst v63  }
0x1b8: {  	s0 =	simm.s32 @p0 $0x15  }
0x1b9: {  	_ =	swait.ge @p0 [sflag:s0], $0x800  }
0x1ba: {  	[sflag:s0] =	ssyncset.done @p0 $0x0  }
0x1bb: {  	s1 =	sadd.s32 @!p0 $0x980, s6;
	[sflag:s0] =	ssyncadd.s32 @p0 $0xFFFFF800;
	s0 =	simm.s32 @!p0 $0x7E20  }
0x1bc: {  	[tilespmem:s0], [sflag:$0x7] =	stream.indirect.gather @!p0 [hbm4b:s4+s9], $0x10, s1, s9, $0xb8;
	[tilespmem:$0xDEA0] =	vst v63  }
0x1bd: {  	s0 =	simm.s32 @!p0 $0xC  }
0x1be: {  	_ =	swait.ge @!p0 [sflag:s0], $0x800  }
0x1bf: {  	[sflag:s0] =	ssyncset.done @!p0 $0x0  }
0x1c0: {  	s1 =	sadd.s32 @!p0 $0x2C90, s6;
	[sflag:s0] =	ssyncadd.s32 @!p0 $0xFFFFF800;
	s0 =	simm.s32 @!p0 $0xA620  }
0x1c1: {  	[spmem:s2] =	stream.indirect.scatter.add.f32 @!p0 [tilespmem:s0], [sflag:$0x19], $0x10, s1, s9, $0xb8;
	[tilespmem:$0xDEA0] =	vst v63  }
0x1c2: {  	s0 =	simm.s32 @!p0 $0x15  }
0x1c3: {  	_ =	swait.ge @!p0 [sflag:s0], $0x800  }
0x1c4: {  	[sflag:s0] =	ssyncset.done @!p0 $0x0  }
0x1c5: {  	[sflag:s0] =	ssyncadd.s32 @!p0 $0xFFFFF800;
	s0 =	sadd.s32 @!p0 $0xA00, s6  }
0x1c6: {  	[tilespmem:s11], [sflag:$0x8] =	stream.indirect.gather @!p0 [hbm4b:s4+s9], $0x10, s0, s9, $0xb8;
	[tilespmem:$0xDEA0] =	vst v63  }
0x1c7: {  	_ =	swait.ge [sflag:s8], $0x800  }
0x1c8: {  	[sflag:s8] =	ssyncset.done $0x0  }
0x1c9: {  	s11 =	sadd.s32 $0x2D10, s3;
	[sflag:s8] =	ssyncadd.s32 $0xFFFFF800  }
0x1ca: {  	[spmem:s2] =	stream.indirect.scatter.add.f32 [tilespmem:s18], [sflag:$0x1A], $0x10, s11, s13, $0xb8;
	[tilespmem:$0xDEA0] =	vst v63  }
0x1cb: {  	s15 =	simm.s32 $0x16;
	s14 =	simm.s32 $0xB620;
	s12 =	simm.s32 $0x2700  }
0x1cc: {  	[tilespmem:s14], [sflag:$0x8] =	stream.indirect.gather [hbm4b:s4+s19], $0x10, s12, s19, $0xb8;
	[tilespmem:$0xDEA0] =	vst v63  }
0x1cd: {  	_ =	swait.ge [sflag:s15], $0x800  }
0x1ce: {  	[sflag:s15] =	ssyncset.done $0x0  }
0x1cf: {  	s17 =	simm.s32 $0x17;
	[sflag:s15] =	ssyncadd.s32 $0xFFFFF800  }
0x1d0: {  	_ =	swait.ge [sflag:s17], $0x800  }
0x1d1: {  	[sflag:s17] =	ssyncset.done $0x0  }
0x1d2: {  	s18 =	simm.s32 $0x18;
	[sflag:s17] =	ssyncadd.s32 $0xFFFFF800  }
0x1d3: {  	_ =	swait.ge [sflag:s18], $0x800  }
0x1d4: {  	[sflag:s18] =	ssyncset.done $0x0  }
0x1d5: {  	s20 =	simm.s32 $0x19;
	[sflag:s18] =	ssyncadd.s32 $0xFFFFF800  }
0x1d6: {  	_ =	swait.ge [sflag:s20], $0x800  }
0x1d7: {  	[sflag:s20] =	ssyncset.done $0x0  }
0x1d8: {  	s21 =	simm.s32 $0x1A;
	[sflag:s20] =	ssyncadd.s32 $0xFFFFF800  }
0x1d9: {  	_ =	swait.ge [sflag:s21], $0x800  }
0x1da: {  	[sflag:s21] =	ssyncset.done $0x0  }
0x1db: {  	s22 =	simm.s32 $0x8;
	[sflag:s21] =	ssyncadd.s32 $0xFFFFF800  }
0x1dc: {  	_ =	swait.ge [sflag:s22], $0x100  }
0x1dd: {  	[sflag:s22] =	ssyncset.done $0x0  }
0x1de: {  	s24 =	simm.s32 $0x4E10;
	s9 =	simm.s32 $0x1B;
	[sflag:s22] =	ssyncadd.s32 $0xFFFFFF00  }
0x1df: {  	[spmem:s2] =	stream.indirect.scatter.add.f32 [tilespmem:s14], [sflag:$0x1B], $0x10, s24, s19, $0xb8;
	[tilespmem:$0xDEA0] =	vst v63  }
0x1e0: {  	_ =	swait.ge [sflag:s9], $0x100  }
0x1e1: {  	[sflag:s9] =	ssyncset.done $0x0  }
0x1e2: {  	[sflag:s9] =	ssyncadd.s32 $0xFFFFFF00  }
0x1e3: {  	[bflag:$0x0] =	sbarrier.arrive $0xFFFF  }
0x1e4: {  	s3 =	rddreg [dreg:$0x7]  }
0x1e5: {  	s6 =	rddreg [dreg:$0xb]  }
0x1e6: {  	s26 =	rddreg [dreg:$0xc]  }
0x1e7: {  	[hbm:s26], [sflag:s3] =	dma.local [spmem:s6], $0x4F0  }
0x1e8: {  	_ =	swait.ge [sflag:s9], $0x4F0  }
0x1e9: {  	s30 =	rddreg [dreg:$0xd]  }
0x1ea: {  	s31 =	rddreg [dreg:$0xa];
	s1 =	sadd.s32 $0x1, s30  }
0x1eb: {  	p0 =	sne.s32 s1, s31  }
.Ltmp1:
0x1ec: {  	_ = 	snop;
	(pc) =	sbr.rel @p0 .LBB2_1-.Ltmp1, $3  }
0x1ed: {  	_ =	sdelay $0x1  }
0x1ee: {  	[sflag:s9] =	ssyncset.done $0x0  }
0x1ef: {  	s16 =	simm.s32 $0xAE20;
	[sflag:s9] =	ssyncadd.s32 $0xFFFFFB10  }
0x1f0: {  	_ =	sfence.sel $0x180000  }
0x1f1: {  	[bflag:$0x0] =	sbarrier.arrive $0xFFFF  }
0x1f2: {  	_ =	strace $0x9000004A  }
0x1f3: {  	s0 =	stileid.u32;
	[bflag:$0x2] =	sbarrier.arrive $0xFFFF  }
0x1f4: {  	p0 =	sne.s32 s0, $0x0;
	s0 =	rddreg [dreg:$0x3]  }
0x1f5: {  	s0 =	sadd.s32 @!p0 $0x100000, s0  }
0x1f6: {  	[sflag:s0] =	ssyncadd.tile.s32 @!p0 $0x1;
	_ =	shalt  }
.Lfunc_end2:
_tile_overlayer_lowered:
.L_overlay_start_2:
0x1f7: {  	(tag) =	ssettag $0x2  }
0x1f8: {  	s0 =	rddreg [dreg:$0x0];
	s2 =	stileid.u32  }
0x1f9: {  	s1 =	rddreg [dreg:$0x1];
	p0 =	sne.s32 s2, $0x0  }
0x1fa: {  	s3 =	rddreg [dreg:$0x2];
	[bflag:$0x3] =	sbarrier.arrive $0xFFFF;
	s2 =	simm.s32 @!p0 $0x1C1B  }
0x1fb: {  	[timem:s3], [sflag:s2] =	dma.local @!p0 [hbm:s0], s1  }
0x1fc: {  	s0 =	simm.s32 @!p0 $0x1B  }
0x1fd: {  	_ =	swait.ge @!p0 [sflag:s0], s1  }
0x1fe: {  	s1 =	ssub.s32 @!p0 $0x0, s1;
	[sflag:s0] =	ssyncset.done @!p0 $0x0  }
0x1ff: {  	[sflag:s0] =	ssyncadd.s32 @!p0 s1  }
0x200: {  	[bflag:$0x3] =	sbarrier.arrive $0xFFFF  }
0x201: {  	_ =	shalt  }

// kernel: kernel.15.cloned.1.call-start
scs
__scs_entry_jumppad:
0x0: {  	(pc) =	sbr.rel $0x88, $3  }
0x1: {  	(tag) =	ssettag $0x0;
	lr =	simm.s32 $0x1  }
0x2: {  	[smem:$0x3F86] =	sst lr;
	_ =	strace $0xD0000000  }
0x3: {  	_ = 	snop  }
0x4: {  	_ = 	snop  }
0x5: {  	_ = 	snop  }
0x6: {  	_ = 	snop  }
0x7: {  	_ = 	snop  }
__scs_overlays_trampoline_lowered:
0x8: {  	[smem:$0x3F95] =	sst s0  }
0x9: {  	[smem:$0x3F96] =	sst s1  }
0xa: {  	[smem:$0x3F97] =	sst s2  }
0xb: {  	[smem:$0x3F98] =	sst s3  }
0xc: {  	[smem:$0x3F99] =	sst s4  }
0xd: {  	[smem:$0x3F9A] =	sst s5  }
0xe: {  	[smem:$0x3F9B] =	sst s6  }
0xf: {  	[smem:$0x3F9C] =	sst s7  }
0x10: {  	[smem:$0x3F9D] =	sst s8  }
0x11: {  	[smem:$0x3F9E] =	sst s9;
	s0 =	simm.s32 @!p0 $0x0  }
0x12: {  	s1 =	sld [smem:$0x3F84];
	s0 =	simm.s32 @p0 $0x1  }
0x13: {  	[smem:$0x3F9F] =	sst s0;
	s0 =	simm.s32 @!p1 $0x0  }
0x14: {  	s2 =	sld [smem:$0x3F83];
	s0 =	simm.s32 @p1 $0x1  }
0x15: {  	[smem:$0x3FA0] =	sst s0;
	s0 =	simm.s32 @!p2 $0x0  }
0x16: {  	s3 =	sld [smem:$0x3FDB];
	s0 =	simm.s32 @p2 $0x1  }
0x17: {  	s4 =	simm.s32 $0x1BF5;
	[smem:$0x3FA2] =	sst s0  }
0x18: {  	s0 =	sld [smem:$0x3F85];
	_ =	swait.ge [sflag:s4], $0x0  }
0x19: {  	s7 =	sld [smem:$0x3F86]  }
0x1a: {  	s8 =	sadd.s32 $0xFFFFE003, lr  }
0x1b: {  	s9 =	sadd.s32 $0xFFFFFEF7, lr;
	s5 =	simm.s32 $0xFFFFFFFF;
	p2 =	slt.u32 s8, $0xFFFFF086  }
0x1c: {  	p1 =	slt.u32 s9, $0xF7A;
	s5 =	simm.s32 @!p2 $0x0  }
0x1d: {  	s5 =	simm.s32 @p1 $0x1;
	p0 =	seq.s32 s7, s2  }
0x1e: {  	s7 =	smul.u32 @!p0 $0xF7A, s2;
	p2 =	seq.s32 @!p0 s5, $0x0  }
0x1f: {  	s9 =	smul.u32 $0xF7A, s1;
	s8 =	simm.s32 @!p0 $0x1BF5;
	p2 =	por !p2, p0  }
0x20: {  	[sflag:s8] =	ssyncset.s32 @!p0 $0xFFFFF086;
	s6 =	sadd.s32 @!p0 s3, s7;
	s7 =	simm.s32 @!p0 $0x108  }
0x21: {  	s3 =	sadd.s32 s3, s9;
	s6 =	sadd.s32 @!p0 $0x88, s6;
	s7 =	simm.s32 @p2 $0x1082  }
0x22: {  	[simem:s7], [sflag:s8] =	dma.local @!p0 [hbm:s6], $0xF7A  }
0x23: {  	s9 =	sor.u32 $0xD0000000, s2;
	s6 =	simm.s32 $0x108;
	_ =	swait.ge @!p0 [sflag:s8], $0x0  }
0x24: {  	s3 =	sadd.s32 $0x88, s3;
	s6 =	simm.s32 @!p1 $0x1082;
	[sflag:s4] =	ssyncset.s32 $0xFFFFF086  }
0x25: {  	[simem:s6], [sflag:s4] =	dma.local [hbm:s3], $0xF7A  }
0x26: {  	[smem:$0x3F86] =	sst s1;
	(tag) =	ssettag s2;
	_ =	strace s9  }
0x27: {  	s1 =	sld [smem:$0x3F96]  }
0x28: {  	s2 =	sld [smem:$0x3F97]  }
0x29: {  	s4 =	sld [smem:$0x3F99]  }
0x2a: {  	p0 =	seq.s32 s5, $0x0;
	s5 =	sld [smem:$0x3F9A]  }
0x2b: {  	s6 =	sld [smem:$0x3F9B]  }
0x2c: {  	s7 =	sld [smem:$0x3F9C]  }
0x2d: {  	s3 =	simm.s32 $0x108;
	s8 =	sld [smem:$0x3F9D]  }
0x2e: {  	s3 =	simm.s32 @!p0 $0x1082;
	s9 =	sld [smem:$0x3F9E]  }
0x2f: {  	lr =	sadd.s32 s0, s3;
	s0 =	sld [smem:$0x3F95]  }
0x30: {  	s3 =	sld [smem:$0x3F98]  }
0x31: {  	[smem:$0x3FA1] =	sst s10  }
0x32: {  	s10 =	sld [smem:$0x3F9F];
	_ =	sdelay $0x3  }
0x33: {  	p0 =	seq.s32 s10, $0x1;
	s10 =	sld [smem:$0x3FA1];
	_ =	sdelay $0x3  }
0x34: {  	[smem:$0x3FA1] =	sst s10  }
0x35: {  	s10 =	sld [smem:$0x3FA0];
	_ =	sdelay $0x3  }
0x36: {  	p1 =	seq.s32 s10, $0x1;
	s10 =	sld [smem:$0x3FA1];
	_ =	sdelay $0x3  }
0x37: {  	[smem:$0x3FA1] =	sst s10  }
0x38: {  	s10 =	sld [smem:$0x3FA2]  }
0x39: {  	_ = 	snop;
	(pc) =	sbr.ind lr, $3  }
0x3a: {  	_ = 	snop  }
0x3b: {  	_ = 	snop  }
0x3c: {  	p2 =	seq.s32 s10, $0x1;
	s10 =	sld [smem:$0x3FA1]  }
0x3d: {  	_ =	shalt  }
0x3e: {  	_ =	shalt  }
0x3f: {  	_ =	shalt  }
0x40: {  	_ =	shalt  }
0x41: {  	_ =	shalt  }
0x42: {  	_ =	shalt  }
0x43: {  	_ =	shalt  }
0x44: {  	_ =	shalt  }
0x45: {  	_ =	shalt  }
0x46: {  	_ =	shalt  }
0x47: {  	_ =	shalt  }
0x48: {  	_ =	shalt  }
0x49: {  	_ =	shalt  }
0x4a: {  	_ =	shalt  }
0x4b: {  	_ =	shalt  }
0x4c: {  	_ =	shalt  }
0x4d: {  	_ =	shalt  }
0x4e: {  	_ =	shalt  }
0x4f: {  	_ =	shalt  }
0x50: {  	_ =	shalt  }
0x51: {  	_ =	shalt  }
0x52: {  	_ =	shalt  }
0x53: {  	_ =	shalt  }
0x54: {  	_ =	shalt  }
0x55: {  	_ =	shalt  }
0x56: {  	_ =	shalt  }
0x57: {  	_ =	shalt  }
0x58: {  	_ =	shalt  }
0x59: {  	_ =	shalt  }
0x5a: {  	_ =	shalt  }
0x5b: {  	_ =	shalt  }
0x5c: {  	_ =	shalt  }
0x5d: {  	_ =	shalt  }
0x5e: {  	_ =	shalt  }
0x5f: {  	_ =	shalt  }
0x60: {  	_ =	shalt  }
0x61: {  	_ =	shalt  }
0x62: {  	_ =	shalt  }
0x63: {  	_ =	shalt  }
0x64: {  	_ =	shalt  }
0x65: {  	_ =	shalt  }
0x66: {  	_ =	shalt  }
0x67: {  	_ =	shalt  }
0x68: {  	_ =	shalt  }
0x69: {  	_ =	shalt  }
0x6a: {  	_ =	shalt  }
0x6b: {  	_ =	shalt  }
0x6c: {  	_ =	shalt  }
0x6d: {  	_ =	shalt  }
0x6e: {  	_ =	shalt  }
0x6f: {  	_ =	shalt  }
0x70: {  	_ =	shalt  }
0x71: {  	_ =	shalt  }
0x72: {  	_ =	shalt  }
0x73: {  	_ =	shalt  }
0x74: {  	_ =	shalt  }
0x75: {  	_ =	shalt  }
0x76: {  	_ =	shalt  }
0x77: {  	_ =	shalt  }
0x78: {  	_ =	shalt  }
0x79: {  	_ =	shalt  }
0x7a: {  	_ =	shalt  }
0x7b: {  	_ =	shalt  }
0x7c: {  	_ =	shalt  }
0x7d: {  	_ =	shalt  }
0x7e: {  	_ =	shalt  }
0x7f: {  	_ =	shalt  }
0x80: {  	_ =	shalt  }
0x81: {  	_ =	shalt  }
0x82: {  	_ =	shalt  }
0x83: {  	_ =	shalt  }
0x84: {  	_ =	shalt  }
0x85: {  	_ =	shalt  }
0x86: {  	_ =	shalt  }
0x87: {  	_ =	shalt  }
.Lfunc_end0:
.L_simem_size_0:
called_computation.2_lowered:
.L_overlay_start_0:
0x88: {  	s2 =	sld [smem:$0x3FD9]  }
0x89: {  	s3 =	sld [smem:$0x3FFE];
	_ =	sdelay $0x1  }
0x8a: {  	s1 =	srdreg.scid  }
0x8b: {  	s0 =	sand.u32 $0x1, s1  }
0x8c: {  	s17 =	sshll.u32 s0, $0xA;
	s2 =	sadd.s32 s3, s2  }
0x8d: {  	s2 =	sadd.s32 s2, s17  }
0x8e: {  	[smem:$0x3FAD] =	sst s2  }
0x8f: {  	_ = 	snop  }
0x90: {  	s2 =	sld [smem:$0x3FD0];
	(tm) =	ssettm $0x1  }
0x91: {  	s18 =	sld [smem:$0x3FFB];
	_ =	sdelay $0x3  }
0x92: {  	_ =	strace s18  }
0x93: {  	s3 =	sld [smem:$0x3FFC];
	_ =	sdelay $0x3  }
0x94: {  	_ =	strace s3  }
0x95: {  	s3 =	sld [smem:$0x3FFD];
	_ =	sdelay $0x3  }
0x96: {  	_ =	strace s3  }
0x97: {  	_ =	strace $0x8FFFFFFF  }
0x98: {  	s19 =	sld [smem:$0x3FDB];
	_ =	sdelay $0x1  }
0x99: {  	s4 =	simm.s32 $_scs_section_size  }
0x9a: {  	s5 =	simm.s32 $_size__tile_overlayer_lowered;
	s6 =	simm.s32 $_tile_overlayer_lowered  }
0x9b: {  	s22 =	simm.s32 $0x1BFF;
	s21 =	sshll.u32 s6, $0x1;
	s3 =	sadd.s32 s4, s19  }
0x9c: {  	s7 =	simm.s32 $0x0;
	s20 =	sshll.u32 s5, $0x1;
	s5 =	sadd.s32 s21, s3  }
0x9d: {  	[timem:s7], [sflag:s22] =	dma.local [hbm:s5], s20  }
0x9e: {  	_ =	swait.ge [sflag:s22], s20  }
0x9f: {  	s4 =	ssub.s32 $0x0, s20;
	[sflag:s22] =	ssyncset.done $0x0  }
0xa0: {  	[sflag:s22] =	ssyncadd.s32 s4;
	_ =	sdelay $0x1  }
0xa1: {  	s23 =	simm.s32 $0x1B8B  }
0xa2: {  	_ =	swait.ge [sflag:s23], $0x1  }
0xa3: {  	[sflag:s23] =	ssyncset.done $0x0  }
0xa4: {  	s25 =	simm.s32 $0x1B8E;
	s24 =	sld [smem:$0x3FFE];
	[sflag:s23] =	ssyncadd.s32 $0xFFFFFFFF  }
0xa5: {  	s26 =	simm.s32 $execute0_lowered;
	[smem:$0x3FD2] =	sst s25  }
0xa6: {  	s5 =	sshll.u32 s26, $0x1;
	_ =	strace $0x8000004C;
	[dreg:$0x1] =	wrdreg $0xFFFFFFFF  }
0xa7: {  	s28 =	simm.s32 $_size_execute0_lowered;
	s3 =	sadd.s32 s3, s5;
	[dreg:$0x0] =	wrdreg $0x0  }
0xa8: {  	s5 =	sshll.u32 s28, $0x1;
	[dreg:$0x2] =	wrdreg s3  }
0xa9: {  	[dreg:$0x3] =	wrdreg s5  }
0xaa: {  	[dreg:$0x4] =	wrdreg $0xC0  }
0xab: {  	_ =	task [dreg:s7], $0x5FFFF  }
0xac: {  	[dreg:$0x1] =	wrdreg $0xFFFFFFFF  }
0xad: {  	[dreg:$0x0] =	wrdreg $0x60  }
0xae: {  	[dreg:$0x2] =	wrdreg s24  }
0xaf: {  	[dreg:$0x3] =	wrdreg s2  }
0xb0: {  	[dreg:$0x4] =	wrdreg $0xB7200  }
0xb1: {  	[dreg:$0x5] =	wrdreg $0x9  }
0xb2: {  	_ =	task.clear_ibuf [dreg:s7], $0x6FFFF;
	_ =	strace $0x9000004C  }
0xb3: {  	s29 =	simm.s32 $0x9;
	_ =	strace $0x8000004E  }
0xb4: {  	_ =	swait.ge [sflag:s29], $0x1  }
0xb5: {  	[sflag:s29] =	ssyncadd.s32 $0xFFFFFFFF  }
0xb6: {  	_ =	strace $0x9000004E  }
0xb7: {  	_ =	sfence  }
0xb8: {  	s30 =	sld [smem:$0x0];
	_ =	sdelay $0x2  }
0xb9: {  	s31 =	sshll.u32 s1, $0xD;
	s1 =	sshrl.u32 s1, $0x2  }
0xba: {  	s3 =	sand.u32 $0x4000, s31;
	s1 =	sadd.s32 s1, s30  }
0xbb: {  	s0 =	sor.u32 s3, s0;
	s1 =	sshll.u32 s1, $0x11  }
0xbc: {  	s0 =	sor.u32 s1, s0  }
0xbd: {  	s0 =	sadd.s32 $0x8F2B, s0  }
0xbe: {  	[sflag:s0] =	ssyncadd.remote.s32 $0x1  }
0xbf: {  	_ =	sfence.sel $0xFFFF  }
0xc0: {  	[dreg:$0x0] =	wrdreg $0xFFFFFFFF;
	(pc) =	sbr.abs _section_cstart, $3  }
0xc1: {  	[dreg:$0x1] =	wrdreg $0xFFFFFFFF  }
0xc2: {  	_ =	task.clear_ibuf [dreg:s7], $0x2FFFF;
	_ =	strace $0x9FFFFFFF  }
0xc3: {  	(tm) =	ssettm $0x7FFFFFFF  }
tec
execute0_lowered:
.L_overlay_start_1:
0x0: {  	(tag) =	ssettag $0x1  }
0x1: {  	s0 =	rddreg [dreg:$0x0]  }
0x2: {  	s1 =	srdreg.scid;
	s3 =	rddreg [dreg:$0x1]  }
0x3: {  	s2 =	rddreg [dreg:$0x2];
	s9 =	stileid.u32;
	s5 =	simm.s32 $0x0  }
0x4: {  	s13 =	simm.s32 $0x80;
	s30 =	simm.s32 $0x9620;
	s31 =	simm.s32 $0xA620  }
0x5: {  	s16 =	simm.s32 $0xAE20;
	s28 =	simm.s32 $0x9;
	s29 =	simm.s32 $0x12  }
0x6: {  	s1 =	sand.u32 $0x1, s1;
	[smem:$0x7FF] =	sst s5;
	s7 =	smul.u32 $0x2780, s9  }
0x7: {  	s25 =	sshll.u32 s9, $0x6;
	s5 =	simm.s32 $0xB;
	s4 =	sshll.u32 s1, $0x4  }
0x8: {  	_ =	strace $0x8000004D;
	s23 =	smul.u32 $0x4F00, s1;
	[dreg:$0x4] =	wrdreg s30  }
0x9: {  	s1 =	ssub.s32 $0x2, s1;
	[dreg:$0x5] =	wrdreg s31;
	s4 =	sor.u32 s9, s4  }
0xa: {  	s8 =	sshrl.u32 s1, $0x1;
	s24 =	sshrl.u32 s7, $0x3;
	s7 =	sadd.s32 s7, s2  }
0xb: {  	s9 =	simm.s32 $0x1B;
	s4 =	smul.u32 $0x2710, s4;
	s3 =	sadd.s32 s3, s24  }
0xc: {  	s1 =	ssub.s32 s1, s8;
	s8 =	simm.s32 $0xD;
	[dreg:$0x6] =	wrdreg s3  }
0xd: {  	s3 =	sor.u32 $0x1C1B, s25;
	s1 =	smax.u32 s1, $0x1;
	s6 =	sshrl.u32 s4, $0x3  }
0xe: {  	s4 =	sadd.s32 $0x17200, s0;
	[dreg:$0xa] =	wrdreg s1;
	s6 =	sadd.s32 s6, s0  }
0xf: {  	[dreg:$0x7] =	wrdreg s3;
	s0 =	sadd.s32 s23, s0;
	s26 =	sadd.s32 $0x3800, s6  }
0x10: {  	s6 =	sadd.s32 $0xD440, s6;
	s0 =	sadd.s32 $0x1C200, s0;
	[dreg:$0x8] =	wrdreg s26  }
0x11: {  	s25 =	simm.s32 $0x9E20;
	[dreg:$0x9] =	wrdreg s6;
	s0 =	sadd.s32 s24, s0  }
0x12: {  	s1 =	simm.s32 $0x0;
	s6 =	sshrl.u32 s7, $0x3;
	[dreg:$0xc] =	wrdreg s0  }
0x13: {  	s23 =	simm.s32 $0x8E20;
	s7 =	simm.s32 $0x14;
	[dreg:$0xb] =	wrdreg s6  }
.LBB2_1:
0x14: {  	[dreg:$0xd] =	wrdreg s1  }
0x15: {  	s0 =	rddreg [dreg:$0x6]  }
0x16: {  	[spmem:s6], [sflag:s3] =	dma.local [hbm:s0], $0x4F0  }
0x17: {  	_ =	swait.ge [sflag:s9], $0x4F0  }
0x18: {  	[sflag:s9] =	ssyncset.done $0x0  }
0x19: {  	s19 =	simm.s32 $0x0;
	s20 =	rddreg [dreg:$0x8];
	[sflag:s9] =	ssyncadd.s32 $0xFFFFFB10  }
0x1a: {  	[tilespmem:s19], [sflag:$0x1B] =	stream.linear.gather [hbm4b:s20+s19], $0x2710, $0x38;
	[tilespmem:$0xDEA0] =	vst v63  }
0x1b: {  	_ =	swait.ge [sflag:s9], $0x2710  }
0x1c: {  	[sflag:s9] =	ssyncset.done $0x0  }
0x1d: {  	s22 =	simm.s32 $0x2710;
	s21 =	rddreg [dreg:$0x9];
	[sflag:s9] =	ssyncadd.s32 $0xFFFFD8F0  }
0x1e: {  	[tilespmem:s22], [sflag:$0x1B] =	stream.linear.gather [hbm4b:s21+s19], $0x2710, $0x38;
	[tilespmem:$0xDEA0] =	vst v63  }
0x1f: {  	_ =	swait.ge [sflag:s9], $0x2710  }
0x20: {  	[sflag:s9] =	ssyncset.done $0x0  }
0x21: {  	[sflag:s9] =	ssyncadd.s32 $0xFFFFD8F0  }
0x22: {  	s24 =	simm.s32 $0x4E20;
	[bflag:$0x0] =	sbarrier.arrive $0xFFFF  }
0x23: {  	[tilespmem:s24], [sflag:$0x1] =	stream.indirect.gather [hbm4b:s4+s13], $0x10, s19, s13, $0xb8;
	[tilespmem:$0xDEA0] =	vst v63  }
0x24: {  	s6 =	simm.s32 $0x5620  }
0x25: {  	[tilespmem:s6], [sflag:$0x2] =	stream.indirect.gather [hbm4b:s4+s13], $0x10, s13, s13, $0xb8;
	[tilespmem:$0xDEA0] =	vst v63  }
0x26: {  	s26 =	simm.s32 $0x100;
	s9 =	simm.s32 $0x5E20  }
0x27: {  	[tilespmem:s9], [sflag:$0x3] =	stream.indirect.gather [hbm4b:s4+s13], $0x10, s26, s13, $0xb8;
	[tilespmem:$0xDEA0] =	vst v63  }
0x28: {  	s30 =	simm.s32 $0x180;
	s10 =	simm.s32 $0x6620  }
0x29: {  	[tilespmem:s10], [sflag:$0x4] =	stream.indirect.gather [hbm4b:s4+s13], $0x10, s30, s13, $0xb8;
	[tilespmem:$0xDEA0] =	vst v63  }
0x2a: {  	s31 =	simm.s32 $0x200;
	s11 =	simm.s32 $0x6E20  }
0x2b: {  	[tilespmem:s11], [sflag:$0x5] =	stream.indirect.gather [hbm4b:s4+s13], $0x10, s31, s13, $0xb8;
	[tilespmem:$0xDEA0] =	vst v63  }
0x2c: {  	s1 =	simm.s32 $0x280;
	s12 =	simm.s32 $0x7620  }
0x2d: {  	[tilespmem:s12], [sflag:$0x6] =	stream.indirect.gather [hbm4b:s4+s13], $0x10, s1, s13, $0xb8;
	[tilespmem:$0xDEA0] =	vst v63  }
0x2e: {  	s14 =	simm.s32 $0x300;
	p0 =	por $0x1, $0x1;
	s12 =	simm.s32 $0x7E20  }
0x2f: {  	[tilespmem:s12], [sflag:$0x7] =	stream.indirect.gather [hbm4b:s4+s13], $0x10, s14, s13, $0xb8;
	[tilespmem:$0xDEA0] =	vst v63  }
0x30: {  	s15 =	simm.s32 $0x380;
	s17 =	simm.s32 $0x8620;
	s0 =	simm.s32 @!p0 $0x16  }
0x31: {  	[tilespmem:s17], [sflag:$0x8] =	stream.indirect.gather [hbm4b:s4+s13], $0x10, s15, s13, $0xb8;
	[tilespmem:$0xDEA0] =	vst v63  }
0x32: {  	_ =	swait.ge @!p0 [sflag:s0], $0x800  }
0x33: {  	s18 =	simm.s32 $0x400;
	[sflag:s0] =	ssyncset.done @!p0 $0x0  }
0x34: {  	s14 =	simm.s32 $0x8E20;
	s15 =	simm.s32 $0x1;
	[sflag:s0] =	ssyncadd.s32 @!p0 $0xFFFFF800  }
0x35: {  	[tilespmem:s14], [sflag:$0x9] =	stream.indirect.gather [hbm4b:s4+s13], $0x10, s18, s13, $0xb8;
	[tilespmem:$0xDEA0] =	vst v63  }
0x36: {  	_ =	swait.ge [sflag:s15], $0x800  }
0x37: {  	[sflag:s15] =	ssyncset.done $0x0  }
0x38: {  	s19 =	simm.s32 $0x2710;
	s1 =	simm.s32 @!p0 $0x17;
	[sflag:s15] =	ssyncadd.s32 $0xFFFFF800  }
0x39: {  	[spmem:s2] =	stream.indirect.scatter.add.f32 [tilespmem:s24], [sflag:$0xE], $0x10, s19, s13, $0xb8;
	[tilespmem:$0xDEA0] =	vst v63  }
0x3a: {  	_ =	swait.ge @!p0 [sflag:s1], $0x800  }
0x3b: {  	s21 =	simm.s32 $0x480;
	[sflag:s1] =	ssyncset.done @!p0 $0x0  }
0x3c: {  	s22 =	simm.s32 $0x2;
	s20 =	rddreg [dreg:$0x4];
	[sflag:s1] =	ssyncadd.s32 @!p0 $0xFFFFF800  }
0x3d: {  	[tilespmem:s20], [sflag:$0xA] =	stream.indirect.gather [hbm4b:s4+s13], $0x10, s21, s13, $0xb8;
	[tilespmem:$0xDEA0] =	vst v63  }
0x3e: {  	_ =	swait.ge [sflag:s22], $0x800  }
0x3f: {  	[sflag:s22] =	ssyncset.done $0x0  }
0x40: {  	s24 =	simm.s32 $0x2790;
	s1 =	simm.s32 @!p0 $0x18;
	[sflag:s22] =	ssyncadd.s32 $0xFFFFF800  }
0x41: {  	[spmem:s2] =	stream.indirect.scatter.add.f32 [tilespmem:s6], [sflag:$0xF], $0x10, s24, s13, $0xb8;
	[tilespmem:$0xDEA0] =	vst v63  }
0x42: {  	_ =	swait.ge @!p0 [sflag:s1], $0x800  }
0x43: {  	s26 =	simm.s32 $0x500;
	[sflag:s1] =	ssyncset.done @!p0 $0x0  }
0x44: {  	s30 =	simm.s32 $0x3;
	s15 =	simm.s32 $0x9E20;
	[sflag:s1] =	ssyncadd.s32 @!p0 $0xFFFFF800  }
0x45: {  	[tilespmem:s15], [sflag:$0xB] =	stream.indirect.gather [hbm4b:s4+s13], $0x10, s26, s13, $0xb8;
	[tilespmem:$0xDEA0] =	vst v63  }
0x46: {  	_ =	swait.ge [sflag:s30], $0x800  }
0x47: {  	[sflag:s30] =	ssyncset.done $0x0  }
0x48: {  	s31 =	simm.s32 $0x2810;
	s1 =	simm.s32 @!p0 $0x19;
	[sflag:s30] =	ssyncadd.s32 $0xFFFFF800  }
0x49: {  	[spmem:s2] =	stream.indirect.scatter.add.f32 [tilespmem:s9], [sflag:$0x10], $0x10, s31, s13, $0xb8;
	[tilespmem:$0xDEA0] =	vst v63  }
0x4a: {  	_ =	swait.ge @!p0 [sflag:s1], $0x800  }
0x4b: {  	s6 =	simm.s32 $0x580;
	[sflag:s1] =	ssyncset.done @!p0 $0x0  }
0x4c: {  	s9 =	simm.s32 $0x4;
	s3 =	rddreg [dreg:$0x5];
	[sflag:s1] =	ssyncadd.s32 @!p0 $0xFFFFF800  }
0x4d: {  	[tilespmem:s3], [sflag:$0xC] =	stream.indirect.gather [hbm4b:s4+s13], $0x10, s6, s13, $0xb8;
	[tilespmem:$0xDEA0] =	vst v63  }
0x4e: {  	_ =	swait.ge [sflag:s9], $0x800  }
0x4f: {  	[sflag:s9] =	ssyncset.done $0x0  }
0x50: {  	s17 =	simm.s32 $0x2890;
	s1 =	simm.s32 @!p0 $0x1A;
	[sflag:s9] =	ssyncadd.s32 $0xFFFFF800  }
0x51: {  	[spmem:s2] =	stream.indirect.scatter.add.f32 [tilespmem:s10], [sflag:$0x11], $0x10, s17, s13, $0xb8;
	[tilespmem:$0xDEA0] =	vst v63  }
0x52: {  	_ =	swait.ge @!p0 [sflag:s1], $0x800  }
0x53: {  	[sflag:s1] =	ssyncset.done @!p0 $0x0  }
0x54: {  	s18 =	simm.s32 $0x600;
	s19 =	simm.s32 $0x5;
	[sflag:s1] =	ssyncadd.s32 @!p0 $0xFFFFF800  }
0x55: {  	[tilespmem:s16], [sflag:$0xD] =	stream.indirect.gather [hbm4b:s4+s13], $0x10, s18, s13, $0xb8;
	[tilespmem:$0xDEA0] =	vst v63  }
0x56: {  	_ =	swait.ge [sflag:s19], $0x800  }
0x57: {  	[sflag:s19] =	ssyncset.done $0x0  }
0x58: {  	s20 =	simm.s32 $0x2910;
	s21 =	simm.s32 $0xE;
	[sflag:s19] =	ssyncadd.s32 $0xFFFFF800  }
0x59: {  	[spmem:s2] =	stream.indirect.scatter.add.f32 [tilespmem:s11], [sflag:$0x12], $0x10, s20, s13, $0xb8;
	[tilespmem:$0xDEA0] =	vst v63  }
0x5a: {  	_ =	swait.ge [sflag:s21], $0x800  }
0x5b: {  	p0 =	por $0x0, $0x0;
	[sflag:s21] =	ssyncset.done $0x0  }
0x5c: {  	s0 =	simm.s32 @p0 $0x6;
	[sflag:s21] =	ssyncadd.s32 $0xFFFFF800  }
0x5d: {  	_ =	swait.ge @p0 [sflag:s0], $0x800  }
0x5e: {  	s6 =	simm.s32 @p0 $0xF;
	s1 =	simm.s32 @p0 $0x80;
	[sflag:s0] =	ssyncset.done @p0 $0x0  }
0x5f: {  	s3 =	simm.s32 @p0 $0x7620;
	[sflag:s0] =	ssyncadd.s32 @p0 $0xFFFFF800;
	s0 =	simm.s32 @p0 $0x2990  }
0x60: {  	[spmem:s2] =	stream.indirect.scatter.add.f32 @p0 [tilespmem:s3], [sflag:$0x13], $0x10, s0, s1, $0xb8;
	[tilespmem:$0xDEA0] =	vst v63  }
0x61: {  	_ =	swait.ge @p0 [sflag:s6], $0x800  }
0x62: {  	s9 =	simm.s32 @!p0 $0x4E20;
	s0 =	simm.s32 @!p0 $0x680;
	[sflag:s6] =	ssyncset.done @p0 $0x0  }
0x63: {  	s3 =	simm.s32 @!p0 $0x80;
	[sflag:s6] =	ssyncadd.s32 @p0 $0xFFFFF800;
	s6 =	simm.s32 @!p0 $0x6  }
0x64: {  	[tilespmem:s9], [sflag:$0x1] =	stream.indirect.gather @!p0 [hbm4b:s4+s3], $0x10, s0, s3, $0xb8;
	[tilespmem:$0xDEA0] =	vst v63  }
0x65: {  	_ =	swait.ge @!p0 [sflag:s6], $0x800  }
0x66: {  	s10 =	simm.s32 @!p0 $0xF;
	[sflag:s6] =	ssyncset.done @!p0 $0x0  }
0x67: {  	s9 =	simm.s32 @!p0 $0x2990;
	s0 =	simm.s32 @!p0 $0x7620;
	[sflag:s6] =	ssyncadd.s32 @!p0 $0xFFFFF800  }
0x68: {  	[spmem:s2] =	stream.indirect.scatter.add.f32 @!p0 [tilespmem:s0], [sflag:$0x13], $0x10, s9, s3, $0xb8;
	[tilespmem:$0xDEA0] =	vst v63  }
0x69: {  	_ =	swait.ge @!p0 [sflag:s10], $0x800  }
0x6a: {  	s22 =	simm.s32 $0x7;
	[sflag:s10] =	ssyncset.done @!p0 $0x0  }
0x6b: {  	s6 =	simm.s32 @!p0 $0x700;
	s9 =	simm.s32 @!p0 $0x5620;
	[sflag:s10] =	ssyncadd.s32 @!p0 $0xFFFFF800  }
0x6c: {  	[tilespmem:s9], [sflag:$0x2] =	stream.indirect.gather @!p0 [hbm4b:s4+s3], $0x10, s6, s3, $0xb8;
	[tilespmem:$0xDEA0] =	vst v63  }
0x6d: {  	_ =	swait.ge [sflag:s22], $0x800  }
0x6e: {  	[sflag:s22] =	ssyncset.done $0x0  }
0x6f: {  	s24 =	simm.s32 $0x2A10;
	s26 =	simm.s32 $0x10;
	[sflag:s22] =	ssyncadd.s32 $0xFFFFF800  }
0x70: {  	[spmem:s2] =	stream.indirect.scatter.add.f32 [tilespmem:s12], [sflag:$0x14], $0x10, s24, s13, $0xb8;
	[tilespmem:$0xDEA0] =	vst v63  }
0x71: {  	_ =	swait.ge [sflag:s26], $0x800  }
0x72: {  	[sflag:s26] =	ssyncset.done $0x0  }
0x73: {  	s6 =	simm.s32 @p0 $0x8;
	[sflag:s26] =	ssyncadd.s32 $0xFFFFF800  }
0x74: {  	_ =	swait.ge @p0 [sflag:s6], $0x800  }
0x75: {  	s10 =	simm.s32 @p0 $0x8620;
	[sflag:s6] =	ssyncset.done @p0 $0x0  }
0x76: {  	s9 =	simm.s32 @p0 $0x2A90;
	[sflag:s6] =	ssyncadd.s32 @p0 $0xFFFFF800;
	s6 =	simm.s32 @p0 $0x11  }
0x77: {  	[spmem:s2] =	stream.indirect.scatter.add.f32 @p0 [tilespmem:s10], [sflag:$0x15], $0x10, s9, s1, $0xb8;
	[tilespmem:$0xDEA0] =	vst v63  }
0x78: {  	_ =	swait.ge @p0 [sflag:s6], $0x800  }
0x79: {  	s11 =	simm.s32 @!p0 $0x8;
	[sflag:s6] =	ssyncset.done @p0 $0x0  }
0x7a: {  	s9 =	simm.s32 @!p0 $0x780;
	s10 =	simm.s32 @!p0 $0x5E20;
	[sflag:s6] =	ssyncadd.s32 @p0 $0xFFFFF800  }
0x7b: {  	[tilespmem:s10], [sflag:$0x3] =	stream.indirect.gather @!p0 [hbm4b:s4+s3], $0x10, s9, s3, $0xb8;
	[tilespmem:$0xDEA0] =	vst v63  }
0x7c: {  	_ =	swait.ge @!p0 [sflag:s11], $0x800  }
0x7d: {  	s6 =	simm.s32 @!p0 $0x8620;
	[sflag:s11] =	ssyncset.done @!p0 $0x0  }
0x7e: {  	s9 =	simm.s32 @!p0 $0x2A90;
	s10 =	simm.s32 @!p0 $0x11;
	[sflag:s11] =	ssyncadd.s32 @!p0 $0xFFFFF800  }
0x7f: {  	[spmem:s2] =	stream.indirect.scatter.add.f32 @!p0 [tilespmem:s6], [sflag:$0x15], $0x10, s9, s3, $0xb8;
	[tilespmem:$0xDEA0] =	vst v63  }
0x80: {  	_ =	swait.ge @!p0 [sflag:s10], $0x800  }
0x81: {  	[sflag:s10] =	ssyncset.done @!p0 $0x0  }
0x82: {  	s9 =	simm.s32 @!p0 $0x800;
	[sflag:s10] =	ssyncadd.s32 @!p0 $0xFFFFF800;
	s10 =	simm.s32 @!p0 $0x6620  }
0x83: {  	[tilespmem:s10], [sflag:$0x4] =	stream.indirect.gather @!p0 [hbm4b:s4+s3], $0x10, s9, s3, $0xb8;
	[tilespmem:$0xDEA0] =	vst v63  }
0x84: {  	_ =	swait.ge [sflag:s28], $0x800  }
0x85: {  	[sflag:s28] =	ssyncset.done $0x0  }
0x86: {  	s30 =	simm.s32 $0x2B10;
	[sflag:s28] =	ssyncadd.s32 $0xFFFFF800  }
0x87: {  	[spmem:s2] =	stream.indirect.scatter.add.f32 [tilespmem:s14], [sflag:$0x16], $0x10, s30, s13, $0xb8;
	[tilespmem:$0xDEA0] =	vst v63  }
0x88: {  	_ =	swait.ge [sflag:s29], $0x800  }
0x89: {  	[sflag:s29] =	ssyncset.done $0x0  }
0x8a: {  	s9 =	simm.s32 @p0 $0xA;
	[sflag:s29] =	ssyncadd.s32 $0xFFFFF800  }
0x8b: {  	_ =	swait.ge @p0 [sflag:s9], $0x800  }
0x8c: {  	[sflag:s9] =	ssyncset.done @p0 $0x0  }
0x8d: {  	s10 =	simm.s32 @p0 $0x2B90;
	[sflag:s9] =	ssyncadd.s32 @p0 $0xFFFFF800;
	s9 =	simm.s32 @p0 $0x9620  }
0x8e: {  	[spmem:s2] =	stream.indirect.scatter.add.f32 @p0 [tilespmem:s9], [sflag:$0x17], $0x10, s10, s1, $0xb8;
	[tilespmem:$0xDEA0] =	vst v63  }
0x8f: {  	s9 =	simm.s32 @p0 $0x13  }
0x90: {  	_ =	swait.ge @p0 [sflag:s9], $0x800  }
0x91: {  	[sflag:s9] =	ssyncset.done @p0 $0x0  }
0x92: {  	s10 =	simm.s32 @!p0 $0x880;
	[sflag:s9] =	ssyncadd.s32 @p0 $0xFFFFF800;
	s9 =	simm.s32 @!p0 $0x6E20  }
0x93: {  	[tilespmem:s9], [sflag:$0x5] =	stream.indirect.gather @!p0 [hbm4b:s4+s3], $0x10, s10, s3, $0xb8;
	[tilespmem:$0xDEA0] =	vst v63  }
0x94: {  	s9 =	simm.s32 @!p0 $0xA  }
0x95: {  	_ =	swait.ge @!p0 [sflag:s9], $0x800  }
0x96: {  	[sflag:s9] =	ssyncset.done @!p0 $0x0  }
0x97: {  	s10 =	simm.s32 @!p0 $0x2B90;
	[sflag:s9] =	ssyncadd.s32 @!p0 $0xFFFFF800;
	s9 =	simm.s32 @!p0 $0x9620  }
0x98: {  	[spmem:s2] =	stream.indirect.scatter.add.f32 @!p0 [tilespmem:s9], [sflag:$0x17], $0x10, s10, s3, $0xb8;
	[tilespmem:$0xDEA0] =	vst v63  }
0x99: {  	s9 =	simm.s32 @!p0 $0x13  }
0x9a: {  	_ =	swait.ge @!p0 [sflag:s9], $0x800  }
0x9b: {  	[sflag:s9] =	ssyncset.done @!p0 $0x0  }
0x9c: {  	[sflag:s9] =	ssyncadd.s32 @!p0 $0xFFFFF800;
	s9 =	simm.s32 @!p0 $0x900  }
0x9d: {  	[tilespmem:s0], [sflag:$0x6] =	stream.indirect.gather @!p0 [hbm4b:s4+s3], $0x10, s9, s3, $0xb8;
	[tilespmem:$0xDEA0] =	vst v63  }
0x9e: {  	_ =	swait.ge [sflag:s5], $0x800  }
0x9f: {  	[sflag:s5] =	ssyncset.done $0x0  }
0xa0: {  	s31 =	simm.s32 $0x2C10;
	[sflag:s5] =	ssyncadd.s32 $0xFFFFF800  }
0xa1: {  	[spmem:s2] =	stream.indirect.scatter.add.f32 [tilespmem:s15], [sflag:$0x18], $0x10, s31, s13, $0xb8;
	[tilespmem:$0xDEA0] =	vst v63  }
0xa2: {  	_ =	swait.ge [sflag:s7], $0x800  }
0xa3: {  	[sflag:s7] =	ssyncset.done $0x0  }
0xa4: {  	s0 =	simm.s32 @p0 $0xC;
	[sflag:s7] =	ssyncadd.s32 $0xFFFFF800  }
0xa5: {  	_ =	swait.ge @p0 [sflag:s0], $0x800  }
0xa6: {  	[sflag:s0] =	ssyncset.done @p0 $0x0  }
0xa7: {  	s9 =	simm.s32 @p0 $0x2C90;
	[sflag:s0] =	ssyncadd.s32 @p0 $0xFFFFF800;
	s0 =	simm.s32 @p0 $0xA620  }
0xa8: {  	[spmem:s2] =	stream.indirect.scatter.add.f32 @p0 [tilespmem:s0], [sflag:$0x19], $0x10, s9, s1, $0xb8;
	[tilespmem:$0xDEA0] =	vst v63  }
0xa9: {  	s0 =	simm.s32 @p0 $0x15  }
0xaa: {  	_ =	swait.ge @p0 [sflag:s0], $0x800  }
0xab: {  	[sflag:s0] =	ssyncset.done @p0 $0x0  }
0xac: {  	s1 =	simm.s32 @!p0 $0x980;
	[sflag:s0] =	ssyncadd.s32 @p0 $0xFFFFF800;
	s0 =	simm.s32 @!p0 $0x7E20  }
0xad: {  	[tilespmem:s0], [sflag:$0x7] =	stream.indirect.gather @!p0 [hbm4b:s4+s3], $0x10, s1, s3, $0xb8;
	[tilespmem:$0xDEA0] =	vst v63  }
0xae: {  	s0 =	simm.s32 @!p0 $0xC  }
0xaf: {  	_ =	swait.ge @!p0 [sflag:s0], $0x800  }
0xb0: {  	[sflag:s0] =	ssyncset.done @!p0 $0x0  }
0xb1: {  	s1 =	simm.s32 @!p0 $0x2C90;
	[sflag:s0] =	ssyncadd.s32 @!p0 $0xFFFFF800;
	s0 =	simm.s32 @!p0 $0xA620  }
0xb2: {  	[spmem:s2] =	stream.indirect.scatter.add.f32 @!p0 [tilespmem:s0], [sflag:$0x19], $0x10, s1, s3, $0xb8;
	[tilespmem:$0xDEA0] =	vst v63  }
0xb3: {  	s0 =	simm.s32 @!p0 $0x15  }
0xb4: {  	_ =	swait.ge @!p0 [sflag:s0], $0x800  }
0xb5: {  	p1 =	por $0x0, $0x0;
	[sflag:s0] =	ssyncset.done @!p0 $0x0  }
0xb6: {  	s9 =	simm.s32 $0x1A00;
	[sflag:s0] =	ssyncadd.s32 @!p0 $0xFFFFF800;
	s0 =	simm.s32 @!p0 $0xA00  }
0xb7: {  	[tilespmem:s6], [sflag:$0x8] =	stream.indirect.gather @!p0 [hbm4b:s4+s3], $0x10, s0, s3, $0xb8;
	[tilespmem:$0xDEA0] =	vst v63  }
0xb8: {  	s3 =	simm.s32 $0x3400;
	s0 =	simm.s32 $0x2D10;
	_ =	swait.ge [sflag:s8], $0x800  }
.LBB2_2:
0xb9: {  	[sflag:s8] =	ssyncset.done $0x0  }
0xba: {  	s1 =	simm.s32 @!p1 $0x16;
	s12 =	simm.s32 $0xAE20;
	[sflag:s8] =	ssyncadd.s32 $0xFFFFF800  }
0xbb: {  	[spmem:s2] =	stream.indirect.scatter.add.f32 [tilespmem:s12], [sflag:$0x1A], $0x10, s0, s13, $0xb8;
	[tilespmem:$0xDEA0] =	vst v63  }
0xbc: {  	_ =	swait.ge @!p1 [sflag:s1], $0x800  }
0xbd: {  	s6 =	sshra.s32 s9, $0x2;
	[sflag:s1] =	ssyncset.done @!p1 $0x0  }
0xbe: {  	s10 =	simm.s32 $0x1;
	s14 =	sadd.s32 $0x400, s6;
	[sflag:s1] =	ssyncadd.s32 @!p1 $0xFFFFF800  }
0xbf: {  	[tilespmem:s23], [sflag:$0x9] =	stream.indirect.gather [hbm4b:s4+s13], $0x10, s14, s13, $0xb8;
	[tilespmem:$0xDEA0] =	vst v63  }
0xc0: {  	_ =	swait.ge [sflag:s10], $0x800  }
0xc1: {  	s16 =	simm.s32 $0x4E20;
	[sflag:s10] =	ssyncset.done $0x0  }
0xc2: {  	s15 =	sadd.s32 $0x2710, s6;
	s1 =	simm.s32 @!p1 $0x17;
	[sflag:s10] =	ssyncadd.s32 $0xFFFFF800  }
0xc3: {  	[spmem:s2] =	stream.indirect.scatter.add.f32 [tilespmem:s16], [sflag:$0xE], $0x10, s15, s13, $0xb8;
	[tilespmem:$0xDEA0] =	vst v63  }
0xc4: {  	_ =	swait.ge @!p1 [sflag:s1], $0x800  }
0xc5: {  	s19 =	simm.s32 $0x2;
	[sflag:s1] =	ssyncset.done @!p1 $0x0  }
0xc6: {  	s18 =	sadd.s32 $0x480, s6;
	s17 =	rddreg [dreg:$0x4];
	[sflag:s1] =	ssyncadd.s32 @!p1 $0xFFFFF800  }
0xc7: {  	[tilespmem:s17], [sflag:$0xA] =	stream.indirect.gather [hbm4b:s4+s13], $0x10, s18, s13, $0xb8;
	[tilespmem:$0xDEA0] =	vst v63  }
0xc8: {  	_ =	swait.ge [sflag:s19], $0x800  }
0xc9: {  	s21 =	simm.s32 $0x5620;
	[sflag:s19] =	ssyncset.done $0x0  }
0xca: {  	s20 =	sadd.s32 $0x2790, s6;
	s1 =	simm.s32 @!p1 $0x18;
	[sflag:s19] =	ssyncadd.s32 $0xFFFFF800  }
0xcb: {  	[spmem:s2] =	stream.indirect.scatter.add.f32 [tilespmem:s21], [sflag:$0xF], $0x10, s20, s13, $0xb8;
	[tilespmem:$0xDEA0] =	vst v63  }
0xcc: {  	_ =	swait.ge @!p1 [sflag:s1], $0x800  }
0xcd: {  	[sflag:s1] =	ssyncset.done @!p1 $0x0  }
0xce: {  	s24 =	simm.s32 $0x3;
	s22 =	sadd.s32 $0x500, s6;
	[sflag:s1] =	ssyncadd.s32 @!p1 $0xFFFFF800  }
0xcf: {  	[tilespmem:s25], [sflag:$0xB] =	stream.indirect.gather [hbm4b:s4+s13], $0x10, s22, s13, $0xb8;
	[tilespmem:$0xDEA0] =	vst v63  }
0xd0: {  	_ =	swait.ge [sflag:s24], $0x800  }
0xd1: {  	s30 =	simm.s32 $0x5E20;
	[sflag:s24] =	ssyncset.done $0x0  }
0xd2: {  	s26 =	sadd.s32 $0x2810, s6;
	s1 =	simm.s32 @!p1 $0x19;
	[sflag:s24] =	ssyncadd.s32 $0xFFFFF800  }
0xd3: {  	[spmem:s2] =	stream.indirect.scatter.add.f32 [tilespmem:s30], [sflag:$0x10], $0x10, s26, s13, $0xb8;
	[tilespmem:$0xDEA0] =	vst v63  }
0xd4: {  	_ =	swait.ge @!p1 [sflag:s1], $0x800  }
0xd5: {  	s14 =	simm.s32 $0x4;
	[sflag:s1] =	ssyncset.done @!p1 $0x0  }
0xd6: {  	s10 =	sadd.s32 $0x580, s6;
	s31 =	rddreg [dreg:$0x5];
	[sflag:s1] =	ssyncadd.s32 @!p1 $0xFFFFF800  }
0xd7: {  	[tilespmem:s31], [sflag:$0xC] =	stream.indirect.gather [hbm4b:s4+s13], $0x10, s10, s13, $0xb8;
	[tilespmem:$0xDEA0] =	vst v63  }
0xd8: {  	_ =	swait.ge [sflag:s14], $0x800  }
0xd9: {  	s15 =	sadd.s32 $0x2890, s6;
	[sflag:s14] =	ssyncset.done $0x0  }
0xda: {  	s16 =	simm.s32 $0x6620;
	s1 =	simm.s32 @!p1 $0x1A;
	[sflag:s14] =	ssyncadd.s32 $0xFFFFF800  }
0xdb: {  	[spmem:s2] =	stream.indirect.scatter.add.f32 [tilespmem:s16], [sflag:$0x11], $0x10, s15, s13, $0xb8;
	[tilespmem:$0xDEA0] =	vst v63  }
0xdc: {  	_ =	swait.ge @!p1 [sflag:s1], $0x800  }
0xdd: {  	[sflag:s1] =	ssyncset.done @!p1 $0x0  }
0xde: {  	s17 =	sadd.s32 $0x600, s6;
	s18 =	simm.s32 $0x5;
	[sflag:s1] =	ssyncadd.s32 @!p1 $0xFFFFF800  }
0xdf: {  	[tilespmem:s12], [sflag:$0xD] =	stream.indirect.gather [hbm4b:s4+s13], $0x10, s17, s13, $0xb8;
	[tilespmem:$0xDEA0] =	vst v63  }
0xe0: {  	_ =	swait.ge [sflag:s18], $0x800  }
0xe1: {  	s19 =	sadd.s32 $0x2910, s6;
	[sflag:s18] =	ssyncset.done $0x0  }
0xe2: {  	s20 =	simm.s32 $0x6E20;
	s21 =	simm.s32 $0xE;
	[sflag:s18] =	ssyncadd.s32 $0xFFFFF800  }
0xe3: {  	[spmem:s2] =	stream.indirect.scatter.add.f32 [tilespmem:s20], [sflag:$0x12], $0x10, s19, s13, $0xb8;
	[tilespmem:$0xDEA0] =	vst v63  }
0xe4: {  	_ =	swait.ge [sflag:s21], $0x800  }
0xe5: {  	p1 =	seq.s32 s9, $0x8200;
	[sflag:s21] =	ssyncset.done $0x0  }
0xe6: {  	s0 =	simm.s32 @p1 $0x6;
	[sflag:s21] =	ssyncadd.s32 $0xFFFFF800  }
0xe7: {  	s14 =	sshra.s32 @!p1 s9, $0x2;
	s9 =	sshra.s32 @p1 s9, $0x2;
	_ =	swait.ge @p1 [sflag:s0], $0x800  }
0xe8: {  	s1 =	simm.s32 @p1 $0xF;
	s24 =	simm.s32 @p1 $0x80;
	[sflag:s0] =	ssyncset.done @p1 $0x0  }
0xe9: {  	s10 =	simm.s32 @p1 $0x7620;
	[sflag:s0] =	ssyncadd.s32 @p1 $0xFFFFF800;
	s0 =	sadd.s32 @p1 $0x2990, s9  }
0xea: {  	[spmem:s2] =	stream.indirect.scatter.add.f32 @p1 [tilespmem:s10], [sflag:$0x13], $0x10, s0, s24, $0xb8;
	[tilespmem:$0xDEA0] =	vst v63  }
0xeb: {  	_ =	swait.ge @p1 [sflag:s1], $0x800  }
0xec: {  	s17 =	sadd.s32 @!p1 $0x680, s14;
	s18 =	simm.s32 @!p1 $0x6;
	[sflag:s1] =	ssyncset.done @p1 $0x0  }
0xed: {  	s10 =	simm.s32 @!p1 $0x80;
	s0 =	simm.s32 @!p1 $0x4E20;
	[sflag:s1] =	ssyncadd.s32 @p1 $0xFFFFF800  }
0xee: {  	[tilespmem:s0], [sflag:$0x1] =	stream.indirect.gather @!p1 [hbm4b:s4+s10], $0x10, s17, s10, $0xb8;
	[tilespmem:$0xDEA0] =	vst v63  }
0xef: {  	_ =	swait.ge @!p1 [sflag:s18], $0x800  }
0xf0: {  	s22 =	simm.s32 @!p1 $0xF;
	[sflag:s18] =	ssyncset.done @!p1 $0x0  }
0xf1: {  	s15 =	sadd.s32 @!p1 $0x2990, s14;
	s21 =	simm.s32 @!p1 $0x7620;
	[sflag:s18] =	ssyncadd.s32 @!p1 $0xFFFFF800  }
0xf2: {  	[spmem:s2] =	stream.indirect.scatter.add.f32 @!p1 [tilespmem:s21], [sflag:$0x13], $0x10, s15, s10, $0xb8;
	[tilespmem:$0xDEA0] =	vst v63  }
0xf3: {  	s16 =	sadd.s32 @p1 $0x2A90, s9;
	s20 =	sadd.s32 @!p1 $0x700, s14;
	_ =	swait.ge @!p1 [sflag:s22], $0x800  }
0xf4: {  	s19 =	sadd.s32 @p1 $0x2C90, s9;
	s18 =	sadd.s32 @p1 $0x2B90, s9;
	[sflag:s22] =	ssyncset.done @!p1 $0x0  }
0xf5: {  	s9 =	simm.s32 @!p1 $0x5620;
	[sflag:s22] =	ssyncadd.s32 @!p1 $0xFFFFF800;
	s22 =	simm.s32 $0x7  }
0xf6: {  	[tilespmem:s9], [sflag:$0x2] =	stream.indirect.gather @!p1 [hbm4b:s4+s10], $0x10, s20, s10, $0xb8;
	[tilespmem:$0xDEA0] =	vst v63  }
0xf7: {  	s11 =	smov.u32 s3;
	_ =	swait.ge [sflag:s22], $0x800  }
0xf8: {  	s9 =	smov.u32 s11;
	[sflag:s22] =	ssyncset.done $0x0  }
0xf9: {  	s11 =	sadd.s32 $0x2A10, s6;
	[sflag:s22] =	ssyncadd.s32 $0xFFFFF800;
	s22 =	simm.s32 $0x7E20  }
0xfa: {  	[spmem:s2] =	stream.indirect.scatter.add.f32 [tilespmem:s22], [sflag:$0x14], $0x10, s11, s13, $0xb8;
	[tilespmem:$0xDEA0] =	vst v63  }
0xfb: {  	s22 =	simm.s32 $0x10  }
0xfc: {  	_ =	swait.ge [sflag:s22], $0x800  }
0xfd: {  	[sflag:s22] =	ssyncset.done $0x0  }
0xfe: {  	s11 =	simm.s32 @p1 $0x8;
	[sflag:s22] =	ssyncadd.s32 $0xFFFFF800  }
0xff: {  	_ =	swait.ge @p1 [sflag:s11], $0x800  }
0x100: {  	[sflag:s11] =	ssyncset.done @p1 $0x0  }
0x101: {  	s20 =	simm.s32 @p1 $0x8620;
	s22 =	simm.s32 @p1 $0x11;
	[sflag:s11] =	ssyncadd.s32 @p1 $0xFFFFF800  }
0x102: {  	[spmem:s2] =	stream.indirect.scatter.add.f32 @p1 [tilespmem:s20], [sflag:$0x15], $0x10, s16, s24, $0xb8;
	[tilespmem:$0xDEA0] =	vst v63  }
0x103: {  	_ =	swait.ge @p1 [sflag:s22], $0x800  }
0x104: {  	s12 =	sadd.s32 @!p1 $0x780, s14;
	[sflag:s22] =	ssyncset.done @p1 $0x0  }
0x105: {  	s11 =	simm.s32 @!p1 $0x5E20;
	s16 =	simm.s32 @!p1 $0x8;
	[sflag:s22] =	ssyncadd.s32 @p1 $0xFFFFF800  }
0x106: {  	[tilespmem:s11], [sflag:$0x3] =	stream.indirect.gather @!p1 [hbm4b:s4+s10], $0x10, s12, s10, $0xb8;
	[tilespmem:$0xDEA0] =	vst v63  }
0x107: {  	_ =	swait.ge @!p1 [sflag:s16], $0x800  }
0x108: {  	s31 =	sadd.s32 @!p1 $0x2A90, s14;
	[sflag:s16] =	ssyncset.done @!p1 $0x0  }
0x109: {  	s11 =	simm.s32 @!p1 $0x8620;
	s12 =	simm.s32 @!p1 $0x11;
	[sflag:s16] =	ssyncadd.s32 @!p1 $0xFFFFF800  }
0x10a: {  	[spmem:s2] =	stream.indirect.scatter.add.f32 @!p1 [tilespmem:s11], [sflag:$0x15], $0x10, s31, s10, $0xb8;
	[tilespmem:$0xDEA0] =	vst v63  }
0x10b: {  	_ =	swait.ge @!p1 [sflag:s12], $0x800  }
0x10c: {  	[sflag:s12] =	ssyncset.done @!p1 $0x0  }
0x10d: {  	s0 =	sadd.s32 @!p1 $0x800, s14;
	s16 =	simm.s32 @!p1 $0x6620;
	[sflag:s12] =	ssyncadd.s32 @!p1 $0xFFFFF800  }
0x10e: {  	[tilespmem:s16], [sflag:$0x4] =	stream.indirect.gather @!p1 [hbm4b:s4+s10], $0x10, s0, s10, $0xb8;
	[tilespmem:$0xDEA0] =	vst v63  }
0x10f: {  	_ =	swait.ge [sflag:s28], $0x800  }
0x110: {  	[sflag:s28] =	ssyncset.done $0x0  }
0x111: {  	s22 =	sadd.s32 $0x2B10, s6;
	[sflag:s28] =	ssyncadd.s32 $0xFFFFF800  }
0x112: {  	[spmem:s2] =	stream.indirect.scatter.add.f32 [tilespmem:s23], [sflag:$0x16], $0x10, s22, s13, $0xb8;
	[tilespmem:$0xDEA0] =	vst v63  }
0x113: {  	_ =	swait.ge [sflag:s29], $0x800  }
0x114: {  	[sflag:s29] =	ssyncset.done $0x0  }
0x115: {  	s0 =	simm.s32 @p1 $0xA;
	[sflag:s29] =	ssyncadd.s32 $0xFFFFF800  }
0x116: {  	_ =	swait.ge @p1 [sflag:s0], $0x800  }
0x117: {  	[sflag:s0] =	ssyncset.done @p1 $0x0  }
0x118: {  	s12 =	simm.s32 @p1 $0x9620;
	s16 =	simm.s32 @p1 $0x13;
	[sflag:s0] =	ssyncadd.s32 @p1 $0xFFFFF800  }
0x119: {  	[spmem:s2] =	stream.indirect.scatter.add.f32 @p1 [tilespmem:s12], [sflag:$0x17], $0x10, s18, s24, $0xb8;
	[tilespmem:$0xDEA0] =	vst v63  }
0x11a: {  	_ =	swait.ge @p1 [sflag:s16], $0x800  }
0x11b: {  	s1 =	sadd.s32 @!p1 $0x880, s14;
	[sflag:s16] =	ssyncset.done @p1 $0x0  }
0x11c: {  	s0 =	simm.s32 @!p1 $0x6E20;
	s12 =	simm.s32 @!p1 $0xA;
	[sflag:s16] =	ssyncadd.s32 @p1 $0xFFFFF800  }
0x11d: {  	[tilespmem:s0], [sflag:$0x5] =	stream.indirect.gather @!p1 [hbm4b:s4+s10], $0x10, s1, s10, $0xb8;
	[tilespmem:$0xDEA0] =	vst v63  }
0x11e: {  	_ =	swait.ge @!p1 [sflag:s12], $0x800  }
0x11f: {  	s30 =	sadd.s32 @!p1 $0x2B90, s14;
	[sflag:s12] =	ssyncset.done @!p1 $0x0  }
0x120: {  	s0 =	simm.s32 @!p1 $0x9620;
	s1 =	simm.s32 @!p1 $0x13;
	[sflag:s12] =	ssyncadd.s32 @!p1 $0xFFFFF800  }
0x121: {  	[spmem:s2] =	stream.indirect.scatter.add.f32 @!p1 [tilespmem:s0], [sflag:$0x17], $0x10, s30, s10, $0xb8;
	[tilespmem:$0xDEA0] =	vst v63  }
0x122: {  	_ =	swait.ge @!p1 [sflag:s1], $0x800  }
0x123: {  	[sflag:s1] =	ssyncset.done @!p1 $0x0  }
0x124: {  	s26 =	sadd.s32 @!p1 $0x900, s14;
	[sflag:s1] =	ssyncadd.s32 @!p1 $0xFFFFF800  }
0x125: {  	[tilespmem:s21], [sflag:$0x6] =	stream.indirect.gather @!p1 [hbm4b:s4+s10], $0x10, s26, s10, $0xb8;
	[tilespmem:$0xDEA0] =	vst v63  }
0x126: {  	_ =	swait.ge [sflag:s5], $0x800  }
0x127: {  	[sflag:s5] =	ssyncset.done $0x0  }
0x128: {  	s31 =	sadd.s32 $0x2C10, s6;
	[sflag:s5] =	ssyncadd.s32 $0xFFFFF800  }
0x129: {  	[spmem:s2] =	stream.indirect.scatter.add.f32 [tilespmem:s25], [sflag:$0x18], $0x10, s31, s13, $0xb8;
	[tilespmem:$0xDEA0] =	vst v63  }
0x12a: {  	_ =	swait.ge [sflag:s7], $0x800  }
0x12b: {  	[sflag:s7] =	ssyncset.done $0x0  }
0x12c: {  	s0 =	simm.s32 @p1 $0xC;
	[sflag:s7] =	ssyncadd.s32 $0xFFFFF800  }
0x12d: {  	_ =	swait.ge @p1 [sflag:s0], $0x800  }
0x12e: {  	[sflag:s0] =	ssyncset.done @p1 $0x0  }
0x12f: {  	s1 =	simm.s32 @p1 $0xA620;
	[sflag:s0] =	ssyncadd.s32 @p1 $0xFFFFF800;
	s0 =	simm.s32 @p1 $0x15  }
0x130: {  	[spmem:s2] =	stream.indirect.scatter.add.f32 @p1 [tilespmem:s1], [sflag:$0x19], $0x10, s19, s24, $0xb8;
	[tilespmem:$0xDEA0] =	vst v63  }
0x131: {  	_ =	swait.ge @p1 [sflag:s0], $0x800  }
0x132: {  	s17 =	sadd.s32 @!p1 $0x980, s14;
	[sflag:s0] =	ssyncset.done @p1 $0x0  }
0x133: {  	s1 =	simm.s32 @!p1 $0x7E20;
	[sflag:s0] =	ssyncadd.s32 @p1 $0xFFFFF800;
	s0 =	simm.s32 @!p1 $0xC  }
0x134: {  	[tilespmem:s1], [sflag:$0x7] =	stream.indirect.gather @!p1 [hbm4b:s4+s10], $0x10, s17, s10, $0xb8;
	[tilespmem:$0xDEA0] =	vst v63  }
0x135: {  	s3 =	sadd.s32 $0x1A00, s3;
	_ =	swait.ge @!p1 [sflag:s0], $0x800  }
0x136: {  	p0 =	sne.s32 s3, $0x9C00;
	s15 =	sadd.s32 @!p1 $0x2C90, s14;
	[sflag:s0] =	ssyncset.done @!p1 $0x0  }
0x137: {  	s1 =	simm.s32 @!p1 $0xA620;
	[sflag:s0] =	ssyncadd.s32 @!p1 $0xFFFFF800;
	s0 =	simm.s32 @!p1 $0x15  }
0x138: {  	[spmem:s2] =	stream.indirect.scatter.add.f32 @!p1 [tilespmem:s1], [sflag:$0x19], $0x10, s15, s10, $0xb8;
	[tilespmem:$0xDEA0] =	vst v63  }
.Ltmp0:
0x139: {  	_ =	swait.ge @!p1 [sflag:s0], $0x800;
	(pc) =	sbr.rel @p0 .LBB2_2-.Ltmp0, $4  }
0x13a: {  	[sflag:s0] =	ssyncset.done @!p1 $0x0  }
0x13b: {  	s14 =	sadd.s32 @!p1 $0xA00, s14;
	[sflag:s0] =	ssyncadd.s32 @!p1 $0xFFFFF800  }
0x13c: {  	[tilespmem:s11], [sflag:$0x8] =	stream.indirect.gather @!p1 [hbm4b:s4+s10], $0x10, s14, s10, $0xb8;
	[tilespmem:$0xDEA0] =	vst v63  }
0x13d: {  	s0 =	sadd.s32 $0x2D10, s6;
	p1 =	seq.s32 s9, $0x0;
	_ =	swait.ge [sflag:s8], $0x800  }
0x13e: {  	[sflag:s8] =	ssyncset.done $0x0  }
0x13f: {  	s1 =	simm.s32 @!p1 $0x16;
	s18 =	simm.s32 $0xAE20;
	[sflag:s8] =	ssyncadd.s32 $0xFFFFF800  }
0x140: {  	[spmem:s2] =	stream.indirect.scatter.add.f32 [tilespmem:s18], [sflag:$0x1A], $0x10, s0, s13, $0xb8;
	[tilespmem:$0xDEA0] =	vst v63  }
0x141: {  	_ =	swait.ge @!p1 [sflag:s1], $0x800  }
0x142: {  	s3 =	sshra.s32 s9, $0x2;
	s16 =	simm.s32 $0x8E20;
	[sflag:s1] =	ssyncset.done @!p1 $0x0  }
0x143: {  	s6 =	simm.s32 $0x1;
	s11 =	sadd.s32 $0x400, s3;
	[sflag:s1] =	ssyncadd.s32 @!p1 $0xFFFFF800  }
0x144: {  	[tilespmem:s16], [sflag:$0x9] =	stream.indirect.gather [hbm4b:s4+s13], $0x10, s11, s13, $0xb8;
	[tilespmem:$0xDEA0] =	vst v63  }
0x145: {  	_ =	swait.ge [sflag:s6], $0x800  }
0x146: {  	s14 =	simm.s32 $0x4E20;
	[sflag:s6] =	ssyncset.done $0x0  }
0x147: {  	s12 =	sadd.s32 $0x2710, s3;
	s1 =	simm.s32 @!p1 $0x17;
	[sflag:s6] =	ssyncadd.s32 $0xFFFFF800  }
0x148: {  	[spmem:s2] =	stream.indirect.scatter.add.f32 [tilespmem:s14], [sflag:$0xE], $0x10, s12, s13, $0xb8;
	[tilespmem:$0xDEA0] =	vst v63  }
0x149: {  	_ =	swait.ge @!p1 [sflag:s1], $0x800  }
0x14a: {  	s19 =	simm.s32 $0x2;
	[sflag:s1] =	ssyncset.done @!p1 $0x0  }
0x14b: {  	s17 =	sadd.s32 $0x480, s3;
	s15 =	rddreg [dreg:$0x4];
	[sflag:s1] =	ssyncadd.s32 @!p1 $0xFFFFF800  }
0x14c: {  	[tilespmem:s15], [sflag:$0xA] =	stream.indirect.gather [hbm4b:s4+s13], $0x10, s17, s13, $0xb8;
	[tilespmem:$0xDEA0] =	vst v63  }
0x14d: {  	_ =	swait.ge [sflag:s19], $0x800  }
0x14e: {  	s21 =	simm.s32 $0x5620;
	[sflag:s19] =	ssyncset.done $0x0  }
0x14f: {  	s20 =	sadd.s32 $0x2790, s3;
	s1 =	simm.s32 @!p1 $0x18;
	[sflag:s19] =	ssyncadd.s32 $0xFFFFF800  }
0x150: {  	[spmem:s2] =	stream.indirect.scatter.add.f32 [tilespmem:s21], [sflag:$0xF], $0x10, s20, s13, $0xb8;
	[tilespmem:$0xDEA0] =	vst v63  }
0x151: {  	_ =	swait.ge @!p1 [sflag:s1], $0x800  }
0x152: {  	s24 =	simm.s32 $0x3;
	[sflag:s1] =	ssyncset.done @!p1 $0x0  }
0x153: {  	s22 =	sadd.s32 $0x500, s3;
	s17 =	simm.s32 $0x9E20;
	[sflag:s1] =	ssyncadd.s32 @!p1 $0xFFFFF800  }
0x154: {  	[tilespmem:s17], [sflag:$0xB] =	stream.indirect.gather [hbm4b:s4+s13], $0x10, s22, s13, $0xb8;
	[tilespmem:$0xDEA0] =	vst v63  }
0x155: {  	_ =	swait.ge [sflag:s24], $0x800  }
0x156: {  	s30 =	simm.s32 $0x5E20;
	[sflag:s24] =	ssyncset.done $0x0  }
0x157: {  	s26 =	sadd.s32 $0x2810, s3;
	s1 =	simm.s32 @!p1 $0x19;
	[sflag:s24] =	ssyncadd.s32 $0xFFFFF800  }
0x158: {  	[spmem:s2] =	stream.indirect.scatter.add.f32 [tilespmem:s30], [sflag:$0x10], $0x10, s26, s13, $0xb8;
	[tilespmem:$0xDEA0] =	vst v63  }
0x159: {  	_ =	swait.ge @!p1 [sflag:s1], $0x800  }
0x15a: {  	s10 =	simm.s32 $0x4;
	[sflag:s1] =	ssyncset.done @!p1 $0x0  }
0x15b: {  	s6 =	sadd.s32 $0x580, s3;
	s31 =	rddreg [dreg:$0x5];
	[sflag:s1] =	ssyncadd.s32 @!p1 $0xFFFFF800  }
0x15c: {  	[tilespmem:s31], [sflag:$0xC] =	stream.indirect.gather [hbm4b:s4+s13], $0x10, s6, s13, $0xb8;
	[tilespmem:$0xDEA0] =	vst v63  }
0x15d: {  	_ =	swait.ge [sflag:s10], $0x800  }
0x15e: {  	s11 =	sadd.s32 $0x2890, s3;
	[sflag:s10] =	ssyncset.done $0x0  }
0x15f: {  	s12 =	simm.s32 $0x6620;
	s1 =	simm.s32 @!p1 $0x1A;
	[sflag:s10] =	ssyncadd.s32 $0xFFFFF800  }
0x160: {  	[spmem:s2] =	stream.indirect.scatter.add.f32 [tilespmem:s12], [sflag:$0x11], $0x10, s11, s13, $0xb8;
	[tilespmem:$0xDEA0] =	vst v63  }
0x161: {  	_ =	swait.ge @!p1 [sflag:s1], $0x800  }
0x162: {  	[sflag:s1] =	ssyncset.done @!p1 $0x0  }
0x163: {  	s14 =	sadd.s32 $0x600, s3;
	s15 =	simm.s32 $0x5;
	[sflag:s1] =	ssyncadd.s32 @!p1 $0xFFFFF800  }
0x164: {  	[tilespmem:s18], [sflag:$0xD] =	stream.indirect.gather [hbm4b:s4+s13], $0x10, s14, s13, $0xb8;
	[tilespmem:$0xDEA0] =	vst v63  }
0x165: {  	_ =	swait.ge [sflag:s15], $0x800  }
0x166: {  	s19 =	sadd.s32 $0x2910, s3;
	[sflag:s15] =	ssyncset.done $0x0  }
0x167: {  	s20 =	simm.s32 $0x6E20;
	s21 =	simm.s32 $0xE;
	[sflag:s15] =	ssyncadd.s32 $0xFFFFF800  }
0x168: {  	[spmem:s2] =	stream.indirect.scatter.add.f32 [tilespmem:s20], [sflag:$0x12], $0x10, s19, s13, $0xb8;
	[tilespmem:$0xDEA0] =	vst v63  }
0x169: {  	_ =	swait.ge [sflag:s21], $0x800  }
0x16a: {  	p0 =	seq.s32 s9, $0x8200;
	[sflag:s21] =	ssyncset.done $0x0  }
0x16b: {  	s0 =	simm.s32 @p0 $0x6;
	[sflag:s21] =	ssyncadd.s32 $0xFFFFF800  }
0x16c: {  	s6 =	simm.s32 @p0 $0x7620;
	_ =	swait.ge @p0 [sflag:s0], $0x800  }
0x16d: {  	s10 =	simm.s32 @p0 $0x80;
	s1 =	sshra.s32 @p0 s9, $0x2;
	[sflag:s0] =	ssyncset.done @p0 $0x0  }
0x16e: {  	s11 =	simm.s32 @p0 $0xF;
	[sflag:s0] =	ssyncadd.s32 @p0 $0xFFFFF800;
	s0 =	sadd.s32 @p0 $0x2990, s1  }
0x16f: {  	[spmem:s2] =	stream.indirect.scatter.add.f32 @p0 [tilespmem:s6], [sflag:$0x13], $0x10, s0, s10, $0xb8;
	[tilespmem:$0xDEA0] =	vst v63  }
0x170: {  	s12 =	simm.s32 @!p0 $0x4E20;
	_ =	swait.ge @p0 [sflag:s11], $0x800  }
0x171: {  	s6 =	sshra.s32 @!p0 s9, $0x2;
	s9 =	simm.s32 @!p0 $0x80;
	[sflag:s11] =	ssyncset.done @p0 $0x0  }
0x172: {  	s0 =	sadd.s32 @!p0 $0x680, s6;
	[sflag:s11] =	ssyncadd.s32 @p0 $0xFFFFF800;
	s11 =	simm.s32 @!p0 $0x6  }
0x173: {  	[tilespmem:s12], [sflag:$0x1] =	stream.indirect.gather @!p0 [hbm4b:s4+s9], $0x10, s0, s9, $0xb8;
	[tilespmem:$0xDEA0] =	vst v63  }
0x174: {  	_ =	swait.ge @!p0 [sflag:s11], $0x800  }
0x175: {  	s14 =	simm.s32 @!p0 $0xF;
	[sflag:s11] =	ssyncset.done @!p0 $0x0  }
0x176: {  	s12 =	sadd.s32 @!p0 $0x2990, s6;
	s0 =	simm.s32 @!p0 $0x7620;
	[sflag:s11] =	ssyncadd.s32 @!p0 $0xFFFFF800  }
0x177: {  	[spmem:s2] =	stream.indirect.scatter.add.f32 @!p0 [tilespmem:s0], [sflag:$0x13], $0x10, s12, s9, $0xb8;
	[tilespmem:$0xDEA0] =	vst v63  }
0x178: {  	_ =	swait.ge @!p0 [sflag:s14], $0x800  }
0x179: {  	s22 =	simm.s32 $0x7;
	[sflag:s14] =	ssyncset.done @!p0 $0x0  }
0x17a: {  	s11 =	sadd.s32 @!p0 $0x700, s6;
	s12 =	simm.s32 @!p0 $0x5620;
	[sflag:s14] =	ssyncadd.s32 @!p0 $0xFFFFF800  }
0x17b: {  	[tilespmem:s12], [sflag:$0x2] =	stream.indirect.gather @!p0 [hbm4b:s4+s9], $0x10, s11, s9, $0xb8;
	[tilespmem:$0xDEA0] =	vst v63  }
0x17c: {  	_ =	swait.ge [sflag:s22], $0x800  }
0x17d: {  	s24 =	sadd.s32 $0x2A10, s3;
	[sflag:s22] =	ssyncset.done $0x0  }
0x17e: {  	s26 =	simm.s32 $0x7E20;
	s19 =	simm.s32 $0x10;
	[sflag:s22] =	ssyncadd.s32 $0xFFFFF800  }
0x17f: {  	[spmem:s2] =	stream.indirect.scatter.add.f32 [tilespmem:s26], [sflag:$0x14], $0x10, s24, s13, $0xb8;
	[tilespmem:$0xDEA0] =	vst v63  }
0x180: {  	_ =	swait.ge [sflag:s19], $0x800  }
0x181: {  	[sflag:s19] =	ssyncset.done $0x0  }
0x182: {  	s11 =	simm.s32 @p0 $0x8;
	[sflag:s19] =	ssyncadd.s32 $0xFFFFF800  }
0x183: {  	_ =	swait.ge @p0 [sflag:s11], $0x800  }
0x184: {  	s14 =	simm.s32 @p0 $0x8620;
	[sflag:s11] =	ssyncset.done @p0 $0x0  }
0x185: {  	s12 =	sadd.s32 @p0 $0x2A90, s1;
	[sflag:s11] =	ssyncadd.s32 @p0 $0xFFFFF800;
	s11 =	simm.s32 @p0 $0x11  }
0x186: {  	[spmem:s2] =	stream.indirect.scatter.add.f32 @p0 [tilespmem:s14], [sflag:$0x15], $0x10, s12, s10, $0xb8;
	[tilespmem:$0xDEA0] =	vst v63  }
0x187: {  	_ =	swait.ge @p0 [sflag:s11], $0x800  }
0x188: {  	s15 =	simm.s32 @!p0 $0x8;
	[sflag:s11] =	ssyncset.done @p0 $0x0  }
0x189: {  	s12 =	sadd.s32 @!p0 $0x780, s6;
	s14 =	simm.s32 @!p0 $0x5E20;
	[sflag:s11] =	ssyncadd.s32 @p0 $0xFFFFF800  }
0x18a: {  	[tilespmem:s14], [sflag:$0x3] =	stream.indirect.gather @!p0 [hbm4b:s4+s9], $0x10, s12, s9, $0xb8;
	[tilespmem:$0xDEA0] =	vst v63  }
0x18b: {  	_ =	swait.ge @!p0 [sflag:s15], $0x800  }
0x18c: {  	s11 =	simm.s32 @!p0 $0x8620;
	[sflag:s15] =	ssyncset.done @!p0 $0x0  }
0x18d: {  	s12 =	sadd.s32 @!p0 $0x2A90, s6;
	s14 =	simm.s32 @!p0 $0x11;
	[sflag:s15] =	ssyncadd.s32 @!p0 $0xFFFFF800  }
0x18e: {  	[spmem:s2] =	stream.indirect.scatter.add.f32 @!p0 [tilespmem:s11], [sflag:$0x15], $0x10, s12, s9, $0xb8;
	[tilespmem:$0xDEA0] =	vst v63  }
0x18f: {  	_ =	swait.ge @!p0 [sflag:s14], $0x800  }
0x190: {  	[sflag:s14] =	ssyncset.done @!p0 $0x0  }
0x191: {  	s12 =	sadd.s32 @!p0 $0x800, s6;
	[sflag:s14] =	ssyncadd.s32 @!p0 $0xFFFFF800;
	s14 =	simm.s32 @!p0 $0x6620  }
0x192: {  	[tilespmem:s14], [sflag:$0x4] =	stream.indirect.gather @!p0 [hbm4b:s4+s9], $0x10, s12, s9, $0xb8;
	[tilespmem:$0xDEA0] =	vst v63  }
0x193: {  	_ =	swait.ge [sflag:s28], $0x800  }
0x194: {  	[sflag:s28] =	ssyncset.done $0x0  }
0x195: {  	s30 =	sadd.s32 $0x2B10, s3;
	[sflag:s28] =	ssyncadd.s32 $0xFFFFF800  }
0x196: {  	[spmem:s2] =	stream.indirect.scatter.add.f32 [tilespmem:s16], [sflag:$0x16], $0x10, s30, s13, $0xb8;
	[tilespmem:$0xDEA0] =	vst v63  }
0x197: {  	_ =	swait.ge [sflag:s29], $0x800  }
0x198: {  	[sflag:s29] =	ssyncset.done $0x0  }
0x199: {  	s12 =	simm.s32 @p0 $0xA;
	[sflag:s29] =	ssyncadd.s32 $0xFFFFF800  }
0x19a: {  	_ =	swait.ge @p0 [sflag:s12], $0x800  }
0x19b: {  	[sflag:s12] =	ssyncset.done @p0 $0x0  }
0x19c: {  	s14 =	sadd.s32 @p0 $0x2B90, s1;
	[sflag:s12] =	ssyncadd.s32 @p0 $0xFFFFF800;
	s12 =	simm.s32 @p0 $0x9620  }
0x19d: {  	[spmem:s2] =	stream.indirect.scatter.add.f32 @p0 [tilespmem:s12], [sflag:$0x17], $0x10, s14, s10, $0xb8;
	[tilespmem:$0xDEA0] =	vst v63  }
0x19e: {  	s12 =	simm.s32 @p0 $0x13  }
0x19f: {  	_ =	swait.ge @p0 [sflag:s12], $0x800  }
0x1a0: {  	[sflag:s12] =	ssyncset.done @p0 $0x0  }
0x1a1: {  	s14 =	sadd.s32 @!p0 $0x880, s6;
	[sflag:s12] =	ssyncadd.s32 @p0 $0xFFFFF800;
	s12 =	simm.s32 @!p0 $0x6E20  }
0x1a2: {  	[tilespmem:s12], [sflag:$0x5] =	stream.indirect.gather @!p0 [hbm4b:s4+s9], $0x10, s14, s9, $0xb8;
	[tilespmem:$0xDEA0] =	vst v63  }
0x1a3: {  	s12 =	simm.s32 @!p0 $0xA  }
0x1a4: {  	_ =	swait.ge @!p0 [sflag:s12], $0x800  }
0x1a5: {  	[sflag:s12] =	ssyncset.done @!p0 $0x0  }
0x1a6: {  	s14 =	sadd.s32 @!p0 $0x2B90, s6;
	[sflag:s12] =	ssyncadd.s32 @!p0 $0xFFFFF800;
	s12 =	simm.s32 @!p0 $0x9620  }
0x1a7: {  	[spmem:s2] =	stream.indirect.scatter.add.f32 @!p0 [tilespmem:s12], [sflag:$0x17], $0x10, s14, s9, $0xb8;
	[tilespmem:$0xDEA0] =	vst v63  }
0x1a8: {  	s12 =	simm.s32 @!p0 $0x13  }
0x1a9: {  	_ =	swait.ge @!p0 [sflag:s12], $0x800  }
0x1aa: {  	[sflag:s12] =	ssyncset.done @!p0 $0x0  }
0x1ab: {  	[sflag:s12] =	ssyncadd.s32 @!p0 $0xFFFFF800;
	s12 =	sadd.s32 @!p0 $0x900, s6  }
0x1ac: {  	[tilespmem:s0], [sflag:$0x6] =	stream.indirect.gather @!p0 [hbm4b:s4+s9], $0x10, s12, s9, $0xb8;
	[tilespmem:$0xDEA0] =	vst v63  }
0x1ad: {  	_ =	swait.ge [sflag:s5], $0x800  }
0x1ae: {  	[sflag:s5] =	ssyncset.done $0x0  }
0x1af: {  	s31 =	sadd.s32 $0x2C10, s3;
	[sflag:s5] =	ssyncadd.s32 $0xFFFFF800  }
0x1b0: {  	[spmem:s2] =	stream.indirect.scatter.add.f32 [tilespmem:s17], [sflag:$0x18], $0x10, s31, s13, $0xb8;
	[tilespmem:$0xDEA0] =	vst v63  }
0x1b1: {  	_ =	swait.ge [sflag:s7], $0x800  }
0x1b2: {  	[sflag:s7] =	ssyncset.done $0x0  }
0x1b3: {  	s0 =	simm.s32 @p0 $0xC;
	[sflag:s7] =	ssyncadd.s32 $0xFFFFF800  }
0x1b4: {  	_ =	swait.ge @p0 [sflag:s0], $0x800  }
0x1b5: {  	[sflag:s0] =	ssyncset.done @p0 $0x0  }
0x1b6: {  	s1 =	sadd.s32 @p0 $0x2C90, s1;
	[sflag:s0] =	ssyncadd.s32 @p0 $0xFFFFF800;
	s0 =	simm.s32 @p0 $0xA620  }
0x1b7: {  	[spmem:s2] =	stream.indirect.scatter.add.f32 @p0 [tilespmem:s0], [sflag:$0x19], $0x10, s1, s10, $0xb8;
	[tilespmem:$0xDEA0] =	vst v63  }
0x1b8: {  	s0 =	simm.s32 @p0 $0x15  }
0x1b9: {  	_ =	swait.ge @p0 [sflag:s0], $0x800  }
0x1ba: {  	[sflag:s0] =	ssyncset.done @p0 $0x0  }
0x1bb: {  	s1 =	sadd.s32 @!p0 $0x980, s6;
	[sflag:s0] =	ssyncadd.s32 @p0 $0xFFFFF800;
	s0 =	simm.s32 @!p0 $0x7E20  }
0x1bc: {  	[tilespmem:s0], [sflag:$0x7] =	stream.indirect.gather @!p0 [hbm4b:s4+s9], $0x10, s1, s9, $0xb8;
	[tilespmem:$0xDEA0] =	vst v63  }
0x1bd: {  	s0 =	simm.s32 @!p0 $0xC  }
0x1be: {  	_ =	swait.ge @!p0 [sflag:s0], $0x800  }
0x1bf: {  	[sflag:s0] =	ssyncset.done @!p0 $0x0  }
0x1c0: {  	s1 =	sadd.s32 @!p0 $0x2C90, s6;
	[sflag:s0] =	ssyncadd.s32 @!p0 $0xFFFFF800;
	s0 =	simm.s32 @!p0 $0xA620  }
0x1c1: {  	[spmem:s2] =	stream.indirect.scatter.add.f32 @!p0 [tilespmem:s0], [sflag:$0x19], $0x10, s1, s9, $0xb8;
	[tilespmem:$0xDEA0] =	vst v63  }
0x1c2: {  	s0 =	simm.s32 @!p0 $0x15  }
0x1c3: {  	_ =	swait.ge @!p0 [sflag:s0], $0x800  }
0x1c4: {  	[sflag:s0] =	ssyncset.done @!p0 $0x0  }
0x1c5: {  	[sflag:s0] =	ssyncadd.s32 @!p0 $0xFFFFF800;
	s0 =	sadd.s32 @!p0 $0xA00, s6  }
0x1c6: {  	[tilespmem:s11], [sflag:$0x8] =	stream.indirect.gather @!p0 [hbm4b:s4+s9], $0x10, s0, s9, $0xb8;
	[tilespmem:$0xDEA0] =	vst v63  }
0x1c7: {  	_ =	swait.ge [sflag:s8], $0x800  }
0x1c8: {  	[sflag:s8] =	ssyncset.done $0x0  }
0x1c9: {  	s11 =	sadd.s32 $0x2D10, s3;
	[sflag:s8] =	ssyncadd.s32 $0xFFFFF800  }
0x1ca: {  	[spmem:s2] =	stream.indirect.scatter.add.f32 [tilespmem:s18], [sflag:$0x1A], $0x10, s11, s13, $0xb8;
	[tilespmem:$0xDEA0] =	vst v63  }
0x1cb: {  	s15 =	simm.s32 $0x16;
	s14 =	simm.s32 $0xB620;
	s12 =	simm.s32 $0x2700  }
0x1cc: {  	[tilespmem:s14], [sflag:$0x8] =	stream.indirect.gather [hbm4b:s4+s19], $0x10, s12, s19, $0xb8;
	[tilespmem:$0xDEA0] =	vst v63  }
0x1cd: {  	_ =	swait.ge [sflag:s15], $0x800  }
0x1ce: {  	[sflag:s15] =	ssyncset.done $0x0  }
0x1cf: {  	s17 =	simm.s32 $0x17;
	[sflag:s15] =	ssyncadd.s32 $0xFFFFF800  }
0x1d0: {  	_ =	swait.ge [sflag:s17], $0x800  }
0x1d1: {  	[sflag:s17] =	ssyncset.done $0x0  }
0x1d2: {  	s18 =	simm.s32 $0x18;
	[sflag:s17] =	ssyncadd.s32 $0xFFFFF800  }
0x1d3: {  	_ =	swait.ge [sflag:s18], $0x800  }
0x1d4: {  	[sflag:s18] =	ssyncset.done $0x0  }
0x1d5: {  	s20 =	simm.s32 $0x19;
	[sflag:s18] =	ssyncadd.s32 $0xFFFFF800  }
0x1d6: {  	_ =	swait.ge [sflag:s20], $0x800  }
0x1d7: {  	[sflag:s20] =	ssyncset.done $0x0  }
0x1d8: {  	s21 =	simm.s32 $0x1A;
	[sflag:s20] =	ssyncadd.s32 $0xFFFFF800  }
0x1d9: {  	_ =	swait.ge [sflag:s21], $0x800  }
0x1da: {  	[sflag:s21] =	ssyncset.done $0x0  }
0x1db: {  	s22 =	simm.s32 $0x8;
	[sflag:s21] =	ssyncadd.s32 $0xFFFFF800  }
0x1dc: {  	_ =	swait.ge [sflag:s22], $0x100  }
0x1dd: {  	[sflag:s22] =	ssyncset.done $0x0  }
0x1de: {  	s24 =	simm.s32 $0x4E10;
	s9 =	simm.s32 $0x1B;
	[sflag:s22] =	ssyncadd.s32 $0xFFFFFF00  }
0x1df: {  	[spmem:s2] =	stream.indirect.scatter.add.f32 [tilespmem:s14], [sflag:$0x1B], $0x10, s24, s19, $0xb8;
	[tilespmem:$0xDEA0] =	vst v63  }
0x1e0: {  	_ =	swait.ge [sflag:s9], $0x100  }
0x1e1: {  	[sflag:s9] =	ssyncset.done $0x0  }
0x1e2: {  	[sflag:s9] =	ssyncadd.s32 $0xFFFFFF00  }
0x1e3: {  	[bflag:$0x0] =	sbarrier.arrive $0xFFFF  }
0x1e4: {  	s3 =	rddreg [dreg:$0x7]  }
0x1e5: {  	s6 =	rddreg [dreg:$0xb]  }
0x1e6: {  	s26 =	rddreg [dreg:$0xc]  }
0x1e7: {  	[hbm:s26], [sflag:s3] =	dma.local [spmem:s6], $0x4F0  }
0x1e8: {  	_ =	swait.ge [sflag:s9], $0x4F0  }
0x1e9: {  	s30 =	rddreg [dreg:$0xd]  }
0x1ea: {  	s31 =	rddreg [dreg:$0xa];
	s1 =	sadd.s32 $0x1, s30  }
0x1eb: {  	p0 =	sne.s32 s1, s31  }
.Ltmp1:
0x1ec: {  	_ = 	snop;
	(pc) =	sbr.rel @p0 .LBB2_1-.Ltmp1, $3  }
0x1ed: {  	_ =	sdelay $0x1  }
0x1ee: {  	[sflag:s9] =	ssyncset.done $0x0  }
0x1ef: {  	s16 =	simm.s32 $0xAE20;
	[sflag:s9] =	ssyncadd.s32 $0xFFFFFB10  }
0x1f0: {  	_ =	sfence.sel $0x180000  }
0x1f1: {  	[bflag:$0x0] =	sbarrier.arrive $0xFFFF  }
0x1f2: {  	_ =	strace $0x9000004D  }
0x1f3: {  	s0 =	stileid.u32;
	[bflag:$0x2] =	sbarrier.arrive $0xFFFF  }
0x1f4: {  	p0 =	sne.s32 s0, $0x0;
	s0 =	rddreg [dreg:$0x3]  }
0x1f5: {  	s0 =	sadd.s32 @!p0 $0x100000, s0  }
0x1f6: {  	[sflag:s0] =	ssyncadd.tile.s32 @!p0 $0x1;
	_ =	shalt  }
.Lfunc_end2:
_tile_overlayer_lowered:
.L_overlay_start_2:
0x1f7: {  	(tag) =	ssettag $0x2  }
0x1f8: {  	s0 =	rddreg [dreg:$0x0];
	s2 =	stileid.u32  }
0x1f9: {  	s1 =	rddreg [dreg:$0x1];
	p0 =	sne.s32 s2, $0x0  }
0x1fa: {  	s3 =	rddreg [dreg:$0x2];
	[bflag:$0x3] =	sbarrier.arrive $0xFFFF;
	s2 =	simm.s32 @!p0 $0x1C1B  }
0x1fb: {  	[timem:s3], [sflag:s2] =	dma.local @!p0 [hbm:s0], s1  }
0x1fc: {  	s0 =	simm.s32 @!p0 $0x1B  }
0x1fd: {  	_ =	swait.ge @!p0 [sflag:s0], s1  }
0x1fe: {  	s1 =	ssub.s32 @!p0 $0x0, s1;
	[sflag:s0] =	ssyncset.done @!p0 $0x0  }
0x1ff: {  	[sflag:s0] =	ssyncadd.s32 @!p0 s1  }
0x200: {  	[bflag:$0x3] =	sbarrier.arrive $0xFFFF  }
0x201: {  	_ =	shalt  }

// kernel: kernel.9.cloned.1.call-start
scs
__scs_entry_jumppad:
0x0: {  	(pc) =	sbr.rel $0x88, $3  }
0x1: {  	(tag) =	ssettag $0x0;
	lr =	simm.s32 $0x1  }
0x2: {  	[smem:$0x3F86] =	sst lr;
	_ =	strace $0xD0000000  }
0x3: {  	_ = 	snop  }
0x4: {  	_ = 	snop  }
0x5: {  	_ = 	snop  }
0x6: {  	_ = 	snop  }
0x7: {  	_ = 	snop  }
__scs_overlays_trampoline_lowered:
0x8: {  	[smem:$0x3F95] =	sst s0  }
0x9: {  	[smem:$0x3F96] =	sst s1  }
0xa: {  	[smem:$0x3F97] =	sst s2  }
0xb: {  	[smem:$0x3F98] =	sst s3  }
0xc: {  	[smem:$0x3F99] =	sst s4  }
0xd: {  	[smem:$0x3F9A] =	sst s5  }
0xe: {  	[smem:$0x3F9B] =	sst s6  }
0xf: {  	[smem:$0x3F9C] =	sst s7  }
0x10: {  	[smem:$0x3F9D] =	sst s8  }
0x11: {  	[smem:$0x3F9E] =	sst s9;
	s0 =	simm.s32 @!p0 $0x0  }
0x12: {  	s1 =	sld [smem:$0x3F84];
	s0 =	simm.s32 @p0 $0x1  }
0x13: {  	[smem:$0x3F9F] =	sst s0;
	s0 =	simm.s32 @!p1 $0x0  }
0x14: {  	s2 =	sld [smem:$0x3F83];
	s0 =	simm.s32 @p1 $0x1  }
0x15: {  	[smem:$0x3FA0] =	sst s0;
	s0 =	simm.s32 @!p2 $0x0  }
0x16: {  	s3 =	sld [smem:$0x3FDB];
	s0 =	simm.s32 @p2 $0x1  }
0x17: {  	s4 =	simm.s32 $0x1BF5;
	[smem:$0x3FA2] =	sst s0  }
0x18: {  	s0 =	sld [smem:$0x3F85];
	_ =	swait.ge [sflag:s4], $0x0  }
0x19: {  	s7 =	sld [smem:$0x3F86]  }
0x1a: {  	s8 =	sadd.s32 $0xFFFFE003, lr  }
0x1b: {  	s9 =	sadd.s32 $0xFFFFFEF7, lr;
	s5 =	simm.s32 $0xFFFFFFFF;
	p2 =	slt.u32 s8, $0xFFFFF086  }
0x1c: {  	p1 =	slt.u32 s9, $0xF7A;
	s5 =	simm.s32 @!p2 $0x0  }
0x1d: {  	s5 =	simm.s32 @p1 $0x1;
	p0 =	seq.s32 s7, s2  }
0x1e: {  	s7 =	smul.u32 @!p0 $0xF7A, s2;
	p2 =	seq.s32 @!p0 s5, $0x0  }
0x1f: {  	s9 =	smul.u32 $0xF7A, s1;
	s8 =	simm.s32 @!p0 $0x1BF5;
	p2 =	por !p2, p0  }
0x20: {  	[sflag:s8] =	ssyncset.s32 @!p0 $0xFFFFF086;
	s6 =	sadd.s32 @!p0 s3, s7;
	s7 =	simm.s32 @!p0 $0x108  }
0x21: {  	s3 =	sadd.s32 s3, s9;
	s6 =	sadd.s32 @!p0 $0x88, s6;
	s7 =	simm.s32 @p2 $0x1082  }
0x22: {  	[simem:s7], [sflag:s8] =	dma.local @!p0 [hbm:s6], $0xF7A  }
0x23: {  	s9 =	sor.u32 $0xD0000000, s2;
	s6 =	simm.s32 $0x108;
	_ =	swait.ge @!p0 [sflag:s8], $0x0  }
0x24: {  	s3 =	sadd.s32 $0x88, s3;
	s6 =	simm.s32 @!p1 $0x1082;
	[sflag:s4] =	ssyncset.s32 $0xFFFFF086  }
0x25: {  	[simem:s6], [sflag:s4] =	dma.local [hbm:s3], $0xF7A  }
0x26: {  	[smem:$0x3F86] =	sst s1;
	(tag) =	ssettag s2;
	_ =	strace s9  }
0x27: {  	s1 =	sld [smem:$0x3F96]  }
0x28: {  	s2 =	sld [smem:$0x3F97]  }
0x29: {  	s4 =	sld [smem:$0x3F99]  }
0x2a: {  	p0 =	seq.s32 s5, $0x0;
	s5 =	sld [smem:$0x3F9A]  }
0x2b: {  	s6 =	sld [smem:$0x3F9B]  }
0x2c: {  	s7 =	sld [smem:$0x3F9C]  }
0x2d: {  	s3 =	simm.s32 $0x108;
	s8 =	sld [smem:$0x3F9D]  }
0x2e: {  	s3 =	simm.s32 @!p0 $0x1082;
	s9 =	sld [smem:$0x3F9E]  }
0x2f: {  	lr =	sadd.s32 s0, s3;
	s0 =	sld [smem:$0x3F95]  }
0x30: {  	s3 =	sld [smem:$0x3F98]  }
0x31: {  	[smem:$0x3FA1] =	sst s10  }
0x32: {  	s10 =	sld [smem:$0x3F9F];
	_ =	sdelay $0x3  }
0x33: {  	p0 =	seq.s32 s10, $0x1;
	s10 =	sld [smem:$0x3FA1];
	_ =	sdelay $0x3  }
0x34: {  	[smem:$0x3FA1] =	sst s10  }
0x35: {  	s10 =	sld [smem:$0x3FA0];
	_ =	sdelay $0x3  }
0x36: {  	p1 =	seq.s32 s10, $0x1;
	s10 =	sld [smem:$0x3FA1];
	_ =	sdelay $0x3  }
0x37: {  	[smem:$0x3FA1] =	sst s10  }
0x38: {  	s10 =	sld [smem:$0x3FA2]  }
0x39: {  	_ = 	snop;
	(pc) =	sbr.ind lr, $3  }
0x3a: {  	_ = 	snop  }
0x3b: {  	_ = 	snop  }
0x3c: {  	p2 =	seq.s32 s10, $0x1;
	s10 =	sld [smem:$0x3FA1]  }
0x3d: {  	_ =	shalt  }
0x3e: {  	_ =	shalt  }
0x3f: {  	_ =	shalt  }
0x40: {  	_ =	shalt  }
0x41: {  	_ =	shalt  }
0x42: {  	_ =	shalt  }
0x43: {  	_ =	shalt  }
0x44: {  	_ =	shalt  }
0x45: {  	_ =	shalt  }
0x46: {  	_ =	shalt  }
0x47: {  	_ =	shalt  }
0x48: {  	_ =	shalt  }
0x49: {  	_ =	shalt  }
0x4a: {  	_ =	shalt  }
0x4b: {  	_ =	shalt  }
0x4c: {  	_ =	shalt  }
0x4d: {  	_ =	shalt  }
0x4e: {  	_ =	shalt  }
0x4f: {  	_ =	shalt  }
0x50: {  	_ =	shalt  }
0x51: {  	_ =	shalt  }
0x52: {  	_ =	shalt  }
0x53: {  	_ =	shalt  }
0x54: {  	_ =	shalt  }
0x55: {  	_ =	shalt  }
0x56: {  	_ =	shalt  }
0x57: {  	_ =	shalt  }
0x58: {  	_ =	shalt  }
0x59: {  	_ =	shalt  }
0x5a: {  	_ =	shalt  }
0x5b: {  	_ =	shalt  }
0x5c: {  	_ =	shalt  }
0x5d: {  	_ =	shalt  }
0x5e: {  	_ =	shalt  }
0x5f: {  	_ =	shalt  }
0x60: {  	_ =	shalt  }
0x61: {  	_ =	shalt  }
0x62: {  	_ =	shalt  }
0x63: {  	_ =	shalt  }
0x64: {  	_ =	shalt  }
0x65: {  	_ =	shalt  }
0x66: {  	_ =	shalt  }
0x67: {  	_ =	shalt  }
0x68: {  	_ =	shalt  }
0x69: {  	_ =	shalt  }
0x6a: {  	_ =	shalt  }
0x6b: {  	_ =	shalt  }
0x6c: {  	_ =	shalt  }
0x6d: {  	_ =	shalt  }
0x6e: {  	_ =	shalt  }
0x6f: {  	_ =	shalt  }
0x70: {  	_ =	shalt  }
0x71: {  	_ =	shalt  }
0x72: {  	_ =	shalt  }
0x73: {  	_ =	shalt  }
0x74: {  	_ =	shalt  }
0x75: {  	_ =	shalt  }
0x76: {  	_ =	shalt  }
0x77: {  	_ =	shalt  }
0x78: {  	_ =	shalt  }
0x79: {  	_ =	shalt  }
0x7a: {  	_ =	shalt  }
0x7b: {  	_ =	shalt  }
0x7c: {  	_ =	shalt  }
0x7d: {  	_ =	shalt  }
0x7e: {  	_ =	shalt  }
0x7f: {  	_ =	shalt  }
0x80: {  	_ =	shalt  }
0x81: {  	_ =	shalt  }
0x82: {  	_ =	shalt  }
0x83: {  	_ =	shalt  }
0x84: {  	_ =	shalt  }
0x85: {  	_ =	shalt  }
0x86: {  	_ =	shalt  }
0x87: {  	_ =	shalt  }
.Lfunc_end0:
.L_simem_size_0:
called_computation_lowered:
.L_overlay_start_0:
0x88: {  	s2 =	sld [smem:$0x3FD9]  }
0x89: {  	s3 =	sld [smem:$0x3FFE];
	_ =	sdelay $0x1  }
0x8a: {  	s1 =	srdreg.scid  }
0x8b: {  	s0 =	sand.u32 $0x1, s1  }
0x8c: {  	s17 =	sshll.u32 s0, $0xA;
	s2 =	sadd.s32 s3, s2  }
0x8d: {  	s2 =	sadd.s32 s2, s17  }
0x8e: {  	[smem:$0x3FAD] =	sst s2  }
0x8f: {  	_ = 	snop  }
0x90: {  	s2 =	sld [smem:$0x3FD0];
	(tm) =	ssettm $0x1  }
0x91: {  	s18 =	sld [smem:$0x3FFB];
	_ =	sdelay $0x3  }
0x92: {  	_ =	strace s18  }
0x93: {  	s3 =	sld [smem:$0x3FFC];
	_ =	sdelay $0x3  }
0x94: {  	_ =	strace s3  }
0x95: {  	s3 =	sld [smem:$0x3FFD];
	_ =	sdelay $0x3  }
0x96: {  	_ =	strace s3  }
0x97: {  	_ =	strace $0x8FFFFFFF  }
0x98: {  	s19 =	sld [smem:$0x3FDB];
	_ =	sdelay $0x1  }
0x99: {  	s4 =	simm.s32 $_scs_section_size  }
0x9a: {  	s5 =	simm.s32 $_size__tile_overlayer_lowered;
	s6 =	simm.s32 $_tile_overlayer_lowered  }
0x9b: {  	s22 =	simm.s32 $0x1BFF;
	s21 =	sshll.u32 s6, $0x1;
	s3 =	sadd.s32 s4, s19  }
0x9c: {  	s7 =	simm.s32 $0x0;
	s20 =	sshll.u32 s5, $0x1;
	s5 =	sadd.s32 s21, s3  }
0x9d: {  	[timem:s7], [sflag:s22] =	dma.local [hbm:s5], s20  }
0x9e: {  	_ =	swait.ge [sflag:s22], s20  }
0x9f: {  	s4 =	ssub.s32 $0x0, s20;
	[sflag:s22] =	ssyncset.done $0x0  }
0xa0: {  	[sflag:s22] =	ssyncadd.s32 s4;
	_ =	sdelay $0x1  }
0xa1: {  	s23 =	simm.s32 $0x1B8B  }
0xa2: {  	_ =	swait.ge [sflag:s23], $0x1  }
0xa3: {  	[sflag:s23] =	ssyncset.done $0x0  }
0xa4: {  	s25 =	simm.s32 $0x1B8E;
	s24 =	sld [smem:$0x3FFE];
	[sflag:s23] =	ssyncadd.s32 $0xFFFFFFFF  }
0xa5: {  	s26 =	simm.s32 $execute0_lowered;
	[smem:$0x3FD2] =	sst s25  }
0xa6: {  	s5 =	sshll.u32 s26, $0x1;
	_ =	strace $0x80000046;
	[dreg:$0x1] =	wrdreg $0xFFFFFFFF  }
0xa7: {  	s28 =	simm.s32 $_size_execute0_lowered;
	s3 =	sadd.s32 s3, s5;
	[dreg:$0x0] =	wrdreg $0x0  }
0xa8: {  	s5 =	sshll.u32 s28, $0x1;
	[dreg:$0x2] =	wrdreg s3  }
0xa9: {  	[dreg:$0x3] =	wrdreg s5  }
0xaa: {  	[dreg:$0x4] =	wrdreg $0xC0  }
0xab: {  	_ =	task [dreg:s7], $0x5FFFF  }
0xac: {  	[dreg:$0x1] =	wrdreg $0xFFFFFFFF  }
0xad: {  	[dreg:$0x0] =	wrdreg $0x60  }
0xae: {  	[dreg:$0x2] =	wrdreg s24  }
0xaf: {  	[dreg:$0x3] =	wrdreg s2  }
0xb0: {  	[dreg:$0x4] =	wrdreg $0xB7200  }
0xb1: {  	[dreg:$0x5] =	wrdreg $0x9  }
0xb2: {  	_ =	task.clear_ibuf [dreg:s7], $0x6FFFF;
	_ =	strace $0x90000046  }
0xb3: {  	s29 =	simm.s32 $0x9;
	_ =	strace $0x80000048  }
0xb4: {  	_ =	swait.ge [sflag:s29], $0x1  }
0xb5: {  	[sflag:s29] =	ssyncadd.s32 $0xFFFFFFFF  }
0xb6: {  	_ =	strace $0x90000048  }
0xb7: {  	_ =	sfence  }
0xb8: {  	s30 =	sld [smem:$0x0];
	_ =	sdelay $0x2  }
0xb9: {  	s31 =	sshll.u32 s1, $0xD;
	s1 =	sshrl.u32 s1, $0x2  }
0xba: {  	s3 =	sand.u32 $0x4000, s31;
	s1 =	sadd.s32 s1, s30  }
0xbb: {  	s0 =	sor.u32 s3, s0;
	s1 =	sshll.u32 s1, $0x11  }
0xbc: {  	s0 =	sor.u32 s1, s0  }
0xbd: {  	s0 =	sadd.s32 $0x8F2B, s0  }
0xbe: {  	[sflag:s0] =	ssyncadd.remote.s32 $0x1  }
0xbf: {  	_ =	sfence.sel $0xFFFF  }
0xc0: {  	[dreg:$0x0] =	wrdreg $0xFFFFFFFF;
	(pc) =	sbr.abs _section_cstart, $3  }
0xc1: {  	[dreg:$0x1] =	wrdreg $0xFFFFFFFF  }
0xc2: {  	_ =	task.clear_ibuf [dreg:s7], $0x2FFFF;
	_ =	strace $0x9FFFFFFF  }
0xc3: {  	(tm) =	ssettm $0x7FFFFFFF  }
tec
execute0_lowered:
.L_overlay_start_1:
0x0: {  	(tag) =	ssettag $0x1  }
0x1: {  	s0 =	rddreg [dreg:$0x0]  }
0x2: {  	s1 =	srdreg.scid;
	s3 =	rddreg [dreg:$0x1]  }
0x3: {  	s2 =	rddreg [dreg:$0x2];
	s9 =	stileid.u32;
	s5 =	simm.s32 $0x0  }
0x4: {  	s13 =	simm.s32 $0x80;
	s30 =	simm.s32 $0x9620;
	s31 =	simm.s32 $0xA620  }
0x5: {  	s16 =	simm.s32 $0xAE20;
	s28 =	simm.s32 $0x9;
	s29 =	simm.s32 $0x12  }
0x6: {  	s1 =	sand.u32 $0x1, s1;
	[smem:$0x7FF] =	sst s5;
	s7 =	smul.u32 $0x2780, s9  }
0x7: {  	s25 =	sshll.u32 s9, $0x6;
	s5 =	simm.s32 $0xB;
	s4 =	sshll.u32 s1, $0x4  }
0x8: {  	_ =	strace $0x80000047;
	s23 =	smul.u32 $0x4F00, s1;
	[dreg:$0x4] =	wrdreg s30  }
0x9: {  	s1 =	ssub.s32 $0x2, s1;
	[dreg:$0x5] =	wrdreg s31;
	s4 =	sor.u32 s9, s4  }
0xa: {  	s8 =	sshrl.u32 s1, $0x1;
	s24 =	sshrl.u32 s7, $0x3;
	s7 =	sadd.s32 s7, s2  }
0xb: {  	s9 =	simm.s32 $0x1B;
	s4 =	smul.u32 $0x2710, s4;
	s3 =	sadd.s32 s3, s24  }
0xc: {  	s1 =	ssub.s32 s1, s8;
	s8 =	simm.s32 $0xD;
	[dreg:$0x6] =	wrdreg s3  }
0xd: {  	s3 =	sor.u32 $0x1C1B, s25;
	s1 =	smax.u32 s1, $0x1;
	s6 =	sshrl.u32 s4, $0x3  }
0xe: {  	s4 =	sadd.s32 $0x17200, s0;
	[dreg:$0xa] =	wrdreg s1;
	s6 =	sadd.s32 s6, s0  }
0xf: {  	[dreg:$0x7] =	wrdreg s3;
	s0 =	sadd.s32 s23, s0;
	s26 =	sadd.s32 $0x3800, s6  }
0x10: {  	s6 =	sadd.s32 $0xD440, s6;
	s0 =	sadd.s32 $0x1C200, s0;
	[dreg:$0x8] =	wrdreg s26  }
0x11: {  	s25 =	simm.s32 $0x9E20;
	[dreg:$0x9] =	wrdreg s6;
	s0 =	sadd.s32 s24, s0  }
0x12: {  	s1 =	simm.s32 $0x0;
	s6 =	sshrl.u32 s7, $0x3;
	[dreg:$0xc] =	wrdreg s0  }
0x13: {  	s23 =	simm.s32 $0x8E20;
	s7 =	simm.s32 $0x14;
	[dreg:$0xb] =	wrdreg s6  }
.LBB2_1:
0x14: {  	[dreg:$0xd] =	wrdreg s1  }
0x15: {  	s0 =	rddreg [dreg:$0x6]  }
0x16: {  	[spmem:s6], [sflag:s3] =	dma.local [hbm:s0], $0x4F0  }
0x17: {  	_ =	swait.ge [sflag:s9], $0x4F0  }
0x18: {  	[sflag:s9] =	ssyncset.done $0x0  }
0x19: {  	s19 =	simm.s32 $0x0;
	s20 =	rddreg [dreg:$0x8];
	[sflag:s9] =	ssyncadd.s32 $0xFFFFFB10  }
0x1a: {  	[tilespmem:s19], [sflag:$0x1B] =	stream.linear.gather [hbm4b:s20+s19], $0x2710, $0x38;
	[tilespmem:$0xDEA0] =	vst v63  }
0x1b: {  	_ =	swait.ge [sflag:s9], $0x2710  }
0x1c: {  	[sflag:s9] =	ssyncset.done $0x0  }
0x1d: {  	s22 =	simm.s32 $0x2710;
	s21 =	rddreg [dreg:$0x9];
	[sflag:s9] =	ssyncadd.s32 $0xFFFFD8F0  }
0x1e: {  	[tilespmem:s22], [sflag:$0x1B] =	stream.linear.gather [hbm4b:s21+s19], $0x2710, $0x38;
	[tilespmem:$0xDEA0] =	vst v63  }
0x1f: {  	_ =	swait.ge [sflag:s9], $0x2710  }
0x20: {  	[sflag:s9] =	ssyncset.done $0x0  }
0x21: {  	[sflag:s9] =	ssyncadd.s32 $0xFFFFD8F0  }
0x22: {  	s24 =	simm.s32 $0x4E20;
	[bflag:$0x0] =	sbarrier.arrive $0xFFFF  }
0x23: {  	[tilespmem:s24], [sflag:$0x1] =	stream.indirect.gather [hbm4b:s4+s13], $0x10, s19, s13, $0xb8;
	[tilespmem:$0xDEA0] =	vst v63  }
0x24: {  	s6 =	simm.s32 $0x5620  }
0x25: {  	[tilespmem:s6], [sflag:$0x2] =	stream.indirect.gather [hbm4b:s4+s13], $0x10, s13, s13, $0xb8;
	[tilespmem:$0xDEA0] =	vst v63  }
0x26: {  	s26 =	simm.s32 $0x100;
	s9 =	simm.s32 $0x5E20  }
0x27: {  	[tilespmem:s9], [sflag:$0x3] =	stream.indirect.gather [hbm4b:s4+s13], $0x10, s26, s13, $0xb8;
	[tilespmem:$0xDEA0] =	vst v63  }
0x28: {  	s30 =	simm.s32 $0x180;
	s10 =	simm.s32 $0x6620  }
0x29: {  	[tilespmem:s10], [sflag:$0x4] =	stream.indirect.gather [hbm4b:s4+s13], $0x10, s30, s13, $0xb8;
	[tilespmem:$0xDEA0] =	vst v63  }
0x2a: {  	s31 =	simm.s32 $0x200;
	s11 =	simm.s32 $0x6E20  }
0x2b: {  	[tilespmem:s11], [sflag:$0x5] =	stream.indirect.gather [hbm4b:s4+s13], $0x10, s31, s13, $0xb8;
	[tilespmem:$0xDEA0] =	vst v63  }
0x2c: {  	s1 =	simm.s32 $0x280;
	s12 =	simm.s32 $0x7620  }
0x2d: {  	[tilespmem:s12], [sflag:$0x6] =	stream.indirect.gather [hbm4b:s4+s13], $0x10, s1, s13, $0xb8;
	[tilespmem:$0xDEA0] =	vst v63  }
0x2e: {  	s14 =	simm.s32 $0x300;
	p0 =	por $0x1, $0x1;
	s12 =	simm.s32 $0x7E20  }
0x2f: {  	[tilespmem:s12], [sflag:$0x7] =	stream.indirect.gather [hbm4b:s4+s13], $0x10, s14, s13, $0xb8;
	[tilespmem:$0xDEA0] =	vst v63  }
0x30: {  	s15 =	simm.s32 $0x380;
	s17 =	simm.s32 $0x8620;
	s0 =	simm.s32 @!p0 $0x16  }
0x31: {  	[tilespmem:s17], [sflag:$0x8] =	stream.indirect.gather [hbm4b:s4+s13], $0x10, s15, s13, $0xb8;
	[tilespmem:$0xDEA0] =	vst v63  }
0x32: {  	_ =	swait.ge @!p0 [sflag:s0], $0x800  }
0x33: {  	s18 =	simm.s32 $0x400;
	[sflag:s0] =	ssyncset.done @!p0 $0x0  }
0x34: {  	s14 =	simm.s32 $0x8E20;
	s15 =	simm.s32 $0x1;
	[sflag:s0] =	ssyncadd.s32 @!p0 $0xFFFFF800  }
0x35: {  	[tilespmem:s14], [sflag:$0x9] =	stream.indirect.gather [hbm4b:s4+s13], $0x10, s18, s13, $0xb8;
	[tilespmem:$0xDEA0] =	vst v63  }
0x36: {  	_ =	swait.ge [sflag:s15], $0x800  }
0x37: {  	[sflag:s15] =	ssyncset.done $0x0  }
0x38: {  	s19 =	simm.s32 $0x2710;
	s1 =	simm.s32 @!p0 $0x17;
	[sflag:s15] =	ssyncadd.s32 $0xFFFFF800  }
0x39: {  	[spmem:s2] =	stream.indirect.scatter.add.f32 [tilespmem:s24], [sflag:$0xE], $0x10, s19, s13, $0xb8;
	[tilespmem:$0xDEA0] =	vst v63  }
0x3a: {  	_ =	swait.ge @!p0 [sflag:s1], $0x800  }
0x3b: {  	s21 =	simm.s32 $0x480;
	[sflag:s1] =	ssyncset.done @!p0 $0x0  }
0x3c: {  	s22 =	simm.s32 $0x2;
	s20 =	rddreg [dreg:$0x4];
	[sflag:s1] =	ssyncadd.s32 @!p0 $0xFFFFF800  }
0x3d: {  	[tilespmem:s20], [sflag:$0xA] =	stream.indirect.gather [hbm4b:s4+s13], $0x10, s21, s13, $0xb8;
	[tilespmem:$0xDEA0] =	vst v63  }
0x3e: {  	_ =	swait.ge [sflag:s22], $0x800  }
0x3f: {  	[sflag:s22] =	ssyncset.done $0x0  }
0x40: {  	s24 =	simm.s32 $0x2790;
	s1 =	simm.s32 @!p0 $0x18;
	[sflag:s22] =	ssyncadd.s32 $0xFFFFF800  }
0x41: {  	[spmem:s2] =	stream.indirect.scatter.add.f32 [tilespmem:s6], [sflag:$0xF], $0x10, s24, s13, $0xb8;
	[tilespmem:$0xDEA0] =	vst v63  }
0x42: {  	_ =	swait.ge @!p0 [sflag:s1], $0x800  }
0x43: {  	s26 =	simm.s32 $0x500;
	[sflag:s1] =	ssyncset.done @!p0 $0x0  }
0x44: {  	s30 =	simm.s32 $0x3;
	s15 =	simm.s32 $0x9E20;
	[sflag:s1] =	ssyncadd.s32 @!p0 $0xFFFFF800  }
0x45: {  	[tilespmem:s15], [sflag:$0xB] =	stream.indirect.gather [hbm4b:s4+s13], $0x10, s26, s13, $0xb8;
	[tilespmem:$0xDEA0] =	vst v63  }
0x46: {  	_ =	swait.ge [sflag:s30], $0x800  }
0x47: {  	[sflag:s30] =	ssyncset.done $0x0  }
0x48: {  	s31 =	simm.s32 $0x2810;
	s1 =	simm.s32 @!p0 $0x19;
	[sflag:s30] =	ssyncadd.s32 $0xFFFFF800  }
0x49: {  	[spmem:s2] =	stream.indirect.scatter.add.f32 [tilespmem:s9], [sflag:$0x10], $0x10, s31, s13, $0xb8;
	[tilespmem:$0xDEA0] =	vst v63  }
0x4a: {  	_ =	swait.ge @!p0 [sflag:s1], $0x800  }
0x4b: {  	s6 =	simm.s32 $0x580;
	[sflag:s1] =	ssyncset.done @!p0 $0x0  }
0x4c: {  	s9 =	simm.s32 $0x4;
	s3 =	rddreg [dreg:$0x5];
	[sflag:s1] =	ssyncadd.s32 @!p0 $0xFFFFF800  }
0x4d: {  	[tilespmem:s3], [sflag:$0xC] =	stream.indirect.gather [hbm4b:s4+s13], $0x10, s6, s13, $0xb8;
	[tilespmem:$0xDEA0] =	vst v63  }
0x4e: {  	_ =	swait.ge [sflag:s9], $0x800  }
0x4f: {  	[sflag:s9] =	ssyncset.done $0x0  }
0x50: {  	s17 =	simm.s32 $0x2890;
	s1 =	simm.s32 @!p0 $0x1A;
	[sflag:s9] =	ssyncadd.s32 $0xFFFFF800  }
0x51: {  	[spmem:s2] =	stream.indirect.scatter.add.f32 [tilespmem:s10], [sflag:$0x11], $0x10, s17, s13, $0xb8;
	[tilespmem:$0xDEA0] =	vst v63  }
0x52: {  	_ =	swait.ge @!p0 [sflag:s1], $0x800  }
0x53: {  	[sflag:s1] =	ssyncset.done @!p0 $0x0  }
0x54: {  	s18 =	simm.s32 $0x600;
	s19 =	simm.s32 $0x5;
	[sflag:s1] =	ssyncadd.s32 @!p0 $0xFFFFF800  }
0x55: {  	[tilespmem:s16], [sflag:$0xD] =	stream.indirect.gather [hbm4b:s4+s13], $0x10, s18, s13, $0xb8;
	[tilespmem:$0xDEA0] =	vst v63  }
0x56: {  	_ =	swait.ge [sflag:s19], $0x800  }
0x57: {  	[sflag:s19] =	ssyncset.done $0x0  }
0x58: {  	s20 =	simm.s32 $0x2910;
	s21 =	simm.s32 $0xE;
	[sflag:s19] =	ssyncadd.s32 $0xFFFFF800  }
0x59: {  	[spmem:s2] =	stream.indirect.scatter.add.f32 [tilespmem:s11], [sflag:$0x12], $0x10, s20, s13, $0xb8;
	[tilespmem:$0xDEA0] =	vst v63  }
0x5a: {  	_ =	swait.ge [sflag:s21], $0x800  }
0x5b: {  	p0 =	por $0x0, $0x0;
	[sflag:s21] =	ssyncset.done $0x0  }
0x5c: {  	s0 =	simm.s32 @p0 $0x6;
	[sflag:s21] =	ssyncadd.s32 $0xFFFFF800  }
0x5d: {  	_ =	swait.ge @p0 [sflag:s0], $0x800  }
0x5e: {  	s6 =	simm.s32 @p0 $0xF;
	s1 =	simm.s32 @p0 $0x80;
	[sflag:s0] =	ssyncset.done @p0 $0x0  }
0x5f: {  	s3 =	simm.s32 @p0 $0x7620;
	[sflag:s0] =	ssyncadd.s32 @p0 $0xFFFFF800;
	s0 =	simm.s32 @p0 $0x2990  }
0x60: {  	[spmem:s2] =	stream.indirect.scatter.add.f32 @p0 [tilespmem:s3], [sflag:$0x13], $0x10, s0, s1, $0xb8;
	[tilespmem:$0xDEA0] =	vst v63  }
0x61: {  	_ =	swait.ge @p0 [sflag:s6], $0x800  }
0x62: {  	s9 =	simm.s32 @!p0 $0x4E20;
	s0 =	simm.s32 @!p0 $0x680;
	[sflag:s6] =	ssyncset.done @p0 $0x0  }
0x63: {  	s3 =	simm.s32 @!p0 $0x80;
	[sflag:s6] =	ssyncadd.s32 @p0 $0xFFFFF800;
	s6 =	simm.s32 @!p0 $0x6  }
0x64: {  	[tilespmem:s9], [sflag:$0x1] =	stream.indirect.gather @!p0 [hbm4b:s4+s3], $0x10, s0, s3, $0xb8;
	[tilespmem:$0xDEA0] =	vst v63  }
0x65: {  	_ =	swait.ge @!p0 [sflag:s6], $0x800  }
0x66: {  	s10 =	simm.s32 @!p0 $0xF;
	[sflag:s6] =	ssyncset.done @!p0 $0x0  }
0x67: {  	s9 =	simm.s32 @!p0 $0x2990;
	s0 =	simm.s32 @!p0 $0x7620;
	[sflag:s6] =	ssyncadd.s32 @!p0 $0xFFFFF800  }
0x68: {  	[spmem:s2] =	stream.indirect.scatter.add.f32 @!p0 [tilespmem:s0], [sflag:$0x13], $0x10, s9, s3, $0xb8;
	[tilespmem:$0xDEA0] =	vst v63  }
0x69: {  	_ =	swait.ge @!p0 [sflag:s10], $0x800  }
0x6a: {  	s22 =	simm.s32 $0x7;
	[sflag:s10] =	ssyncset.done @!p0 $0x0  }
0x6b: {  	s6 =	simm.s32 @!p0 $0x700;
	s9 =	simm.s32 @!p0 $0x5620;
	[sflag:s10] =	ssyncadd.s32 @!p0 $0xFFFFF800  }
0x6c: {  	[tilespmem:s9], [sflag:$0x2] =	stream.indirect.gather @!p0 [hbm4b:s4+s3], $0x10, s6, s3, $0xb8;
	[tilespmem:$0xDEA0] =	vst v63  }
0x6d: {  	_ =	swait.ge [sflag:s22], $0x800  }
0x6e: {  	[sflag:s22] =	ssyncset.done $0x0  }
0x6f: {  	s24 =	simm.s32 $0x2A10;
	s26 =	simm.s32 $0x10;
	[sflag:s22] =	ssyncadd.s32 $0xFFFFF800  }
0x70: {  	[spmem:s2] =	stream.indirect.scatter.add.f32 [tilespmem:s12], [sflag:$0x14], $0x10, s24, s13, $0xb8;
	[tilespmem:$0xDEA0] =	vst v63  }
0x71: {  	_ =	swait.ge [sflag:s26], $0x800  }
0x72: {  	[sflag:s26] =	ssyncset.done $0x0  }
0x73: {  	s6 =	simm.s32 @p0 $0x8;
	[sflag:s26] =	ssyncadd.s32 $0xFFFFF800  }
0x74: {  	_ =	swait.ge @p0 [sflag:s6], $0x800  }
0x75: {  	s10 =	simm.s32 @p0 $0x8620;
	[sflag:s6] =	ssyncset.done @p0 $0x0  }
0x76: {  	s9 =	simm.s32 @p0 $0x2A90;
	[sflag:s6] =	ssyncadd.s32 @p0 $0xFFFFF800;
	s6 =	simm.s32 @p0 $0x11  }
0x77: {  	[spmem:s2] =	stream.indirect.scatter.add.f32 @p0 [tilespmem:s10], [sflag:$0x15], $0x10, s9, s1, $0xb8;
	[tilespmem:$0xDEA0] =	vst v63  }
0x78: {  	_ =	swait.ge @p0 [sflag:s6], $0x800  }
0x79: {  	s11 =	simm.s32 @!p0 $0x8;
	[sflag:s6] =	ssyncset.done @p0 $0x0  }
0x7a: {  	s9 =	simm.s32 @!p0 $0x780;
	s10 =	simm.s32 @!p0 $0x5E20;
	[sflag:s6] =	ssyncadd.s32 @p0 $0xFFFFF800  }
0x7b: {  	[tilespmem:s10], [sflag:$0x3] =	stream.indirect.gather @!p0 [hbm4b:s4+s3], $0x10, s9, s3, $0xb8;
	[tilespmem:$0xDEA0] =	vst v63  }
0x7c: {  	_ =	swait.ge @!p0 [sflag:s11], $0x800  }
0x7d: {  	s6 =	simm.s32 @!p0 $0x8620;
	[sflag:s11] =	ssyncset.done @!p0 $0x0  }
0x7e: {  	s9 =	simm.s32 @!p0 $0x2A90;
	s10 =	simm.s32 @!p0 $0x11;
	[sflag:s11] =	ssyncadd.s32 @!p0 $0xFFFFF800  }
0x7f: {  	[spmem:s2] =	stream.indirect.scatter.add.f32 @!p0 [tilespmem:s6], [sflag:$0x15], $0x10, s9, s3, $0xb8;
	[tilespmem:$0xDEA0] =	vst v63  }
0x80: {  	_ =	swait.ge @!p0 [sflag:s10], $0x800  }
0x81: {  	[sflag:s10] =	ssyncset.done @!p0 $0x0  }
0x82: {  	s9 =	simm.s32 @!p0 $0x800;
	[sflag:s10] =	ssyncadd.s32 @!p0 $0xFFFFF800;
	s10 =	simm.s32 @!p0 $0x6620  }
0x83: {  	[tilespmem:s10], [sflag:$0x4] =	stream.indirect.gather @!p0 [hbm4b:s4+s3], $0x10, s9, s3, $0xb8;
	[tilespmem:$0xDEA0] =	vst v63  }
0x84: {  	_ =	swait.ge [sflag:s28], $0x800  }
0x85: {  	[sflag:s28] =	ssyncset.done $0x0  }
0x86: {  	s30 =	simm.s32 $0x2B10;
	[sflag:s28] =	ssyncadd.s32 $0xFFFFF800  }
0x87: {  	[spmem:s2] =	stream.indirect.scatter.add.f32 [tilespmem:s14], [sflag:$0x16], $0x10, s30, s13, $0xb8;
	[tilespmem:$0xDEA0] =	vst v63  }
0x88: {  	_ =	swait.ge [sflag:s29], $0x800  }
0x89: {  	[sflag:s29] =	ssyncset.done $0x0  }
0x8a: {  	s9 =	simm.s32 @p0 $0xA;
	[sflag:s29] =	ssyncadd.s32 $0xFFFFF800  }
0x8b: {  	_ =	swait.ge @p0 [sflag:s9], $0x800  }
0x8c: {  	[sflag:s9] =	ssyncset.done @p0 $0x0  }
0x8d: {  	s10 =	simm.s32 @p0 $0x2B90;
	[sflag:s9] =	ssyncadd.s32 @p0 $0xFFFFF800;
	s9 =	simm.s32 @p0 $0x9620  }
0x8e: {  	[spmem:s2] =	stream.indirect.scatter.add.f32 @p0 [tilespmem:s9], [sflag:$0x17], $0x10, s10, s1, $0xb8;
	[tilespmem:$0xDEA0] =	vst v63  }
0x8f: {  	s9 =	simm.s32 @p0 $0x13  }
0x90: {  	_ =	swait.ge @p0 [sflag:s9], $0x800  }
0x91: {  	[sflag:s9] =	ssyncset.done @p0 $0x0  }
0x92: {  	s10 =	simm.s32 @!p0 $0x880;
	[sflag:s9] =	ssyncadd.s32 @p0 $0xFFFFF800;
	s9 =	simm.s32 @!p0 $0x6E20  }
0x93: {  	[tilespmem:s9], [sflag:$0x5] =	stream.indirect.gather @!p0 [hbm4b:s4+s3], $0x10, s10, s3, $0xb8;
	[tilespmem:$0xDEA0] =	vst v63  }
0x94: {  	s9 =	simm.s32 @!p0 $0xA  }
0x95: {  	_ =	swait.ge @!p0 [sflag:s9], $0x800  }
0x96: {  	[sflag:s9] =	ssyncset.done @!p0 $0x0  }
0x97: {  	s10 =	simm.s32 @!p0 $0x2B90;
	[sflag:s9] =	ssyncadd.s32 @!p0 $0xFFFFF800;
	s9 =	simm.s32 @!p0 $0x9620  }
0x98: {  	[spmem:s2] =	stream.indirect.scatter.add.f32 @!p0 [tilespmem:s9], [sflag:$0x17], $0x10, s10, s3, $0xb8;
	[tilespmem:$0xDEA0] =	vst v63  }
0x99: {  	s9 =	simm.s32 @!p0 $0x13  }
0x9a: {  	_ =	swait.ge @!p0 [sflag:s9], $0x800  }
0x9b: {  	[sflag:s9] =	ssyncset.done @!p0 $0x0  }
0x9c: {  	[sflag:s9] =	ssyncadd.s32 @!p0 $0xFFFFF800;
	s9 =	simm.s32 @!p0 $0x900  }
0x9d: {  	[tilespmem:s0], [sflag:$0x6] =	stream.indirect.gather @!p0 [hbm4b:s4+s3], $0x10, s9, s3, $0xb8;
	[tilespmem:$0xDEA0] =	vst v63  }
0x9e: {  	_ =	swait.ge [sflag:s5], $0x800  }
0x9f: {  	[sflag:s5] =	ssyncset.done $0x0  }
0xa0: {  	s31 =	simm.s32 $0x2C10;
	[sflag:s5] =	ssyncadd.s32 $0xFFFFF800  }
0xa1: {  	[spmem:s2] =	stream.indirect.scatter.add.f32 [tilespmem:s15], [sflag:$0x18], $0x10, s31, s13, $0xb8;
	[tilespmem:$0xDEA0] =	vst v63  }
0xa2: {  	_ =	swait.ge [sflag:s7], $0x800  }
0xa3: {  	[sflag:s7] =	ssyncset.done $0x0  }
0xa4: {  	s0 =	simm.s32 @p0 $0xC;
	[sflag:s7] =	ssyncadd.s32 $0xFFFFF800  }
0xa5: {  	_ =	swait.ge @p0 [sflag:s0], $0x800  }
0xa6: {  	[sflag:s0] =	ssyncset.done @p0 $0x0  }
0xa7: {  	s9 =	simm.s32 @p0 $0x2C90;
	[sflag:s0] =	ssyncadd.s32 @p0 $0xFFFFF800;
	s0 =	simm.s32 @p0 $0xA620  }
0xa8: {  	[spmem:s2] =	stream.indirect.scatter.add.f32 @p0 [tilespmem:s0], [sflag:$0x19], $0x10, s9, s1, $0xb8;
	[tilespmem:$0xDEA0] =	vst v63  }
0xa9: {  	s0 =	simm.s32 @p0 $0x15  }
0xaa: {  	_ =	swait.ge @p0 [sflag:s0], $0x800  }
0xab: {  	[sflag:s0] =	ssyncset.done @p0 $0x0  }
0xac: {  	s1 =	simm.s32 @!p0 $0x980;
	[sflag:s0] =	ssyncadd.s32 @p0 $0xFFFFF800;
	s0 =	simm.s32 @!p0 $0x7E20  }
0xad: {  	[tilespmem:s0], [sflag:$0x7] =	stream.indirect.gather @!p0 [hbm4b:s4+s3], $0x10, s1, s3, $0xb8;
	[tilespmem:$0xDEA0] =	vst v63  }
0xae: {  	s0 =	simm.s32 @!p0 $0xC  }
0xaf: {  	_ =	swait.ge @!p0 [sflag:s0], $0x800  }
0xb0: {  	[sflag:s0] =	ssyncset.done @!p0 $0x0  }
0xb1: {  	s1 =	simm.s32 @!p0 $0x2C90;
	[sflag:s0] =	ssyncadd.s32 @!p0 $0xFFFFF800;
	s0 =	simm.s32 @!p0 $0xA620  }
0xb2: {  	[spmem:s2] =	stream.indirect.scatter.add.f32 @!p0 [tilespmem:s0], [sflag:$0x19], $0x10, s1, s3, $0xb8;
	[tilespmem:$0xDEA0] =	vst v63  }
0xb3: {  	s0 =	simm.s32 @!p0 $0x15  }
0xb4: {  	_ =	swait.ge @!p0 [sflag:s0], $0x800  }
0xb5: {  	p1 =	por $0x0, $0x0;
	[sflag:s0] =	ssyncset.done @!p0 $0x0  }
0xb6: {  	s9 =	simm.s32 $0x1A00;
	[sflag:s0] =	ssyncadd.s32 @!p0 $0xFFFFF800;
	s0 =	simm.s32 @!p0 $0xA00  }
0xb7: {  	[tilespmem:s6], [sflag:$0x8] =	stream.indirect.gather @!p0 [hbm4b:s4+s3], $0x10, s0, s3, $0xb8;
	[tilespmem:$0xDEA0] =	vst v63  }
0xb8: {  	s3 =	simm.s32 $0x3400;
	s0 =	simm.s32 $0x2D10;
	_ =	swait.ge [sflag:s8], $0x800  }
.LBB2_2:
0xb9: {  	[sflag:s8] =	ssyncset.done $0x0  }
0xba: {  	s1 =	simm.s32 @!p1 $0x16;
	s12 =	simm.s32 $0xAE20;
	[sflag:s8] =	ssyncadd.s32 $0xFFFFF800  }
0xbb: {  	[spmem:s2] =	stream.indirect.scatter.add.f32 [tilespmem:s12], [sflag:$0x1A], $0x10, s0, s13, $0xb8;
	[tilespmem:$0xDEA0] =	vst v63  }
0xbc: {  	_ =	swait.ge @!p1 [sflag:s1], $0x800  }
0xbd: {  	s6 =	sshra.s32 s9, $0x2;
	[sflag:s1] =	ssyncset.done @!p1 $0x0  }
0xbe: {  	s10 =	simm.s32 $0x1;
	s14 =	sadd.s32 $0x400, s6;
	[sflag:s1] =	ssyncadd.s32 @!p1 $0xFFFFF800  }
0xbf: {  	[tilespmem:s23], [sflag:$0x9] =	stream.indirect.gather [hbm4b:s4+s13], $0x10, s14, s13, $0xb8;
	[tilespmem:$0xDEA0] =	vst v63  }
0xc0: {  	_ =	swait.ge [sflag:s10], $0x800  }
0xc1: {  	s16 =	simm.s32 $0x4E20;
	[sflag:s10] =	ssyncset.done $0x0  }
0xc2: {  	s15 =	sadd.s32 $0x2710, s6;
	s1 =	simm.s32 @!p1 $0x17;
	[sflag:s10] =	ssyncadd.s32 $0xFFFFF800  }
0xc3: {  	[spmem:s2] =	stream.indirect.scatter.add.f32 [tilespmem:s16], [sflag:$0xE], $0x10, s15, s13, $0xb8;
	[tilespmem:$0xDEA0] =	vst v63  }
0xc4: {  	_ =	swait.ge @!p1 [sflag:s1], $0x800  }
0xc5: {  	s19 =	simm.s32 $0x2;
	[sflag:s1] =	ssyncset.done @!p1 $0x0  }
0xc6: {  	s18 =	sadd.s32 $0x480, s6;
	s17 =	rddreg [dreg:$0x4];
	[sflag:s1] =	ssyncadd.s32 @!p1 $0xFFFFF800  }
0xc7: {  	[tilespmem:s17], [sflag:$0xA] =	stream.indirect.gather [hbm4b:s4+s13], $0x10, s18, s13, $0xb8;
	[tilespmem:$0xDEA0] =	vst v63  }
0xc8: {  	_ =	swait.ge [sflag:s19], $0x800  }
0xc9: {  	s21 =	simm.s32 $0x5620;
	[sflag:s19] =	ssyncset.done $0x0  }
0xca: {  	s20 =	sadd.s32 $0x2790, s6;
	s1 =	simm.s32 @!p1 $0x18;
	[sflag:s19] =	ssyncadd.s32 $0xFFFFF800  }
0xcb: {  	[spmem:s2] =	stream.indirect.scatter.add.f32 [tilespmem:s21], [sflag:$0xF], $0x10, s20, s13, $0xb8;
	[tilespmem:$0xDEA0] =	vst v63  }
0xcc: {  	_ =	swait.ge @!p1 [sflag:s1], $0x800  }
0xcd: {  	[sflag:s1] =	ssyncset.done @!p1 $0x0  }
0xce: {  	s24 =	simm.s32 $0x3;
	s22 =	sadd.s32 $0x500, s6;
	[sflag:s1] =	ssyncadd.s32 @!p1 $0xFFFFF800  }
0xcf: {  	[tilespmem:s25], [sflag:$0xB] =	stream.indirect.gather [hbm4b:s4+s13], $0x10, s22, s13, $0xb8;
	[tilespmem:$0xDEA0] =	vst v63  }
0xd0: {  	_ =	swait.ge [sflag:s24], $0x800  }
0xd1: {  	s30 =	simm.s32 $0x5E20;
	[sflag:s24] =	ssyncset.done $0x0  }
0xd2: {  	s26 =	sadd.s32 $0x2810, s6;
	s1 =	simm.s32 @!p1 $0x19;
	[sflag:s24] =	ssyncadd.s32 $0xFFFFF800  }
0xd3: {  	[spmem:s2] =	stream.indirect.scatter.add.f32 [tilespmem:s30], [sflag:$0x10], $0x10, s26, s13, $0xb8;
	[tilespmem:$0xDEA0] =	vst v63  }
0xd4: {  	_ =	swait.ge @!p1 [sflag:s1], $0x800  }
0xd5: {  	s14 =	simm.s32 $0x4;
	[sflag:s1] =	ssyncset.done @!p1 $0x0  }
0xd6: {  	s10 =	sadd.s32 $0x580, s6;
	s31 =	rddreg [dreg:$0x5];
	[sflag:s1] =	ssyncadd.s32 @!p1 $0xFFFFF800  }
0xd7: {  	[tilespmem:s31], [sflag:$0xC] =	stream.indirect.gather [hbm4b:s4+s13], $0x10, s10, s13, $0xb8;
	[tilespmem:$0xDEA0] =	vst v63  }
0xd8: {  	_ =	swait.ge [sflag:s14], $0x800  }
0xd9: {  	s15 =	sadd.s32 $0x2890, s6;
	[sflag:s14] =	ssyncset.done $0x0  }
0xda: {  	s16 =	simm.s32 $0x6620;
	s1 =	simm.s32 @!p1 $0x1A;
	[sflag:s14] =	ssyncadd.s32 $0xFFFFF800  }
0xdb: {  	[spmem:s2] =	stream.indirect.scatter.add.f32 [tilespmem:s16], [sflag:$0x11], $0x10, s15, s13, $0xb8;
	[tilespmem:$0xDEA0] =	vst v63  }
0xdc: {  	_ =	swait.ge @!p1 [sflag:s1], $0x800  }
0xdd: {  	[sflag:s1] =	ssyncset.done @!p1 $0x0  }
0xde: {  	s17 =	sadd.s32 $0x600, s6;
	s18 =	simm.s32 $0x5;
	[sflag:s1] =	ssyncadd.s32 @!p1 $0xFFFFF800  }
0xdf: {  	[tilespmem:s12], [sflag:$0xD] =	stream.indirect.gather [hbm4b:s4+s13], $0x10, s17, s13, $0xb8;
	[tilespmem:$0xDEA0] =	vst v63  }
0xe0: {  	_ =	swait.ge [sflag:s18], $0x800  }
0xe1: {  	s19 =	sadd.s32 $0x2910, s6;
	[sflag:s18] =	ssyncset.done $0x0  }
0xe2: {  	s20 =	simm.s32 $0x6E20;
	s21 =	simm.s32 $0xE;
	[sflag:s18] =	ssyncadd.s32 $0xFFFFF800  }
0xe3: {  	[spmem:s2] =	stream.indirect.scatter.add.f32 [tilespmem:s20], [sflag:$0x12], $0x10, s19, s13, $0xb8;
	[tilespmem:$0xDEA0] =	vst v63  }
0xe4: {  	_ =	swait.ge [sflag:s21], $0x800  }
0xe5: {  	p1 =	seq.s32 s9, $0x8200;
	[sflag:s21] =	ssyncset.done $0x0  }
0xe6: {  	s0 =	simm.s32 @p1 $0x6;
	[sflag:s21] =	ssyncadd.s32 $0xFFFFF800  }
0xe7: {  	s14 =	sshra.s32 @!p1 s9, $0x2;
	s9 =	sshra.s32 @p1 s9, $0x2;
	_ =	swait.ge @p1 [sflag:s0], $0x800  }
0xe8: {  	s1 =	simm.s32 @p1 $0xF;
	s24 =	simm.s32 @p1 $0x80;
	[sflag:s0] =	ssyncset.done @p1 $0x0  }
0xe9: {  	s10 =	simm.s32 @p1 $0x7620;
	[sflag:s0] =	ssyncadd.s32 @p1 $0xFFFFF800;
	s0 =	sadd.s32 @p1 $0x2990, s9  }
0xea: {  	[spmem:s2] =	stream.indirect.scatter.add.f32 @p1 [tilespmem:s10], [sflag:$0x13], $0x10, s0, s24, $0xb8;
	[tilespmem:$0xDEA0] =	vst v63  }
0xeb: {  	_ =	swait.ge @p1 [sflag:s1], $0x800  }
0xec: {  	s17 =	sadd.s32 @!p1 $0x680, s14;
	s18 =	simm.s32 @!p1 $0x6;
	[sflag:s1] =	ssyncset.done @p1 $0x0  }
0xed: {  	s10 =	simm.s32 @!p1 $0x80;
	s0 =	simm.s32 @!p1 $0x4E20;
	[sflag:s1] =	ssyncadd.s32 @p1 $0xFFFFF800  }
0xee: {  	[tilespmem:s0], [sflag:$0x1] =	stream.indirect.gather @!p1 [hbm4b:s4+s10], $0x10, s17, s10, $0xb8;
	[tilespmem:$0xDEA0] =	vst v63  }
0xef: {  	_ =	swait.ge @!p1 [sflag:s18], $0x800  }
0xf0: {  	s22 =	simm.s32 @!p1 $0xF;
	[sflag:s18] =	ssyncset.done @!p1 $0x0  }
0xf1: {  	s15 =	sadd.s32 @!p1 $0x2990, s14;
	s21 =	simm.s32 @!p1 $0x7620;
	[sflag:s18] =	ssyncadd.s32 @!p1 $0xFFFFF800  }
0xf2: {  	[spmem:s2] =	stream.indirect.scatter.add.f32 @!p1 [tilespmem:s21], [sflag:$0x13], $0x10, s15, s10, $0xb8;
	[tilespmem:$0xDEA0] =	vst v63  }
0xf3: {  	s16 =	sadd.s32 @p1 $0x2A90, s9;
	s20 =	sadd.s32 @!p1 $0x700, s14;
	_ =	swait.ge @!p1 [sflag:s22], $0x800  }
0xf4: {  	s19 =	sadd.s32 @p1 $0x2C90, s9;
	s18 =	sadd.s32 @p1 $0x2B90, s9;
	[sflag:s22] =	ssyncset.done @!p1 $0x0  }
0xf5: {  	s9 =	simm.s32 @!p1 $0x5620;
	[sflag:s22] =	ssyncadd.s32 @!p1 $0xFFFFF800;
	s22 =	simm.s32 $0x7  }
0xf6: {  	[tilespmem:s9], [sflag:$0x2] =	stream.indirect.gather @!p1 [hbm4b:s4+s10], $0x10, s20, s10, $0xb8;
	[tilespmem:$0xDEA0] =	vst v63  }
0xf7: {  	s11 =	smov.u32 s3;
	_ =	swait.ge [sflag:s22], $0x800  }
0xf8: {  	s9 =	smov.u32 s11;
	[sflag:s22] =	ssyncset.done $0x0  }
0xf9: {  	s11 =	sadd.s32 $0x2A10, s6;
	[sflag:s22] =	ssyncadd.s32 $0xFFFFF800;
	s22 =	simm.s32 $0x7E20  }
0xfa: {  	[spmem:s2] =	stream.indirect.scatter.add.f32 [tilespmem:s22], [sflag:$0x14], $0x10, s11, s13, $0xb8;
	[tilespmem:$0xDEA0] =	vst v63  }
0xfb: {  	s22 =	simm.s32 $0x10  }
0xfc: {  	_ =	swait.ge [sflag:s22], $0x800  }
0xfd: {  	[sflag:s22] =	ssyncset.done $0x0  }
0xfe: {  	s11 =	simm.s32 @p1 $0x8;
	[sflag:s22] =	ssyncadd.s32 $0xFFFFF800  }
0xff: {  	_ =	swait.ge @p1 [sflag:s11], $0x800  }
0x100: {  	[sflag:s11] =	ssyncset.done @p1 $0x0  }
0x101: {  	s20 =	simm.s32 @p1 $0x8620;
	s22 =	simm.s32 @p1 $0x11;
	[sflag:s11] =	ssyncadd.s32 @p1 $0xFFFFF800  }
0x102: {  	[spmem:s2] =	stream.indirect.scatter.add.f32 @p1 [tilespmem:s20], [sflag:$0x15], $0x10, s16, s24, $0xb8;
	[tilespmem:$0xDEA0] =	vst v63  }
0x103: {  	_ =	swait.ge @p1 [sflag:s22], $0x800  }
0x104: {  	s12 =	sadd.s32 @!p1 $0x780, s14;
	[sflag:s22] =	ssyncset.done @p1 $0x0  }
0x105: {  	s11 =	simm.s32 @!p1 $0x5E20;
	s16 =	simm.s32 @!p1 $0x8;
	[sflag:s22] =	ssyncadd.s32 @p1 $0xFFFFF800  }
0x106: {  	[tilespmem:s11], [sflag:$0x3] =	stream.indirect.gather @!p1 [hbm4b:s4+s10], $0x10, s12, s10, $0xb8;
	[tilespmem:$0xDEA0] =	vst v63  }
0x107: {  	_ =	swait.ge @!p1 [sflag:s16], $0x800  }
0x108: {  	s31 =	sadd.s32 @!p1 $0x2A90, s14;
	[sflag:s16] =	ssyncset.done @!p1 $0x0  }
0x109: {  	s11 =	simm.s32 @!p1 $0x8620;
	s12 =	simm.s32 @!p1 $0x11;
	[sflag:s16] =	ssyncadd.s32 @!p1 $0xFFFFF800  }
0x10a: {  	[spmem:s2] =	stream.indirect.scatter.add.f32 @!p1 [tilespmem:s11], [sflag:$0x15], $0x10, s31, s10, $0xb8;
	[tilespmem:$0xDEA0] =	vst v63  }
0x10b: {  	_ =	swait.ge @!p1 [sflag:s12], $0x800  }
0x10c: {  	[sflag:s12] =	ssyncset.done @!p1 $0x0  }
0x10d: {  	s0 =	sadd.s32 @!p1 $0x800, s14;
	s16 =	simm.s32 @!p1 $0x6620;
	[sflag:s12] =	ssyncadd.s32 @!p1 $0xFFFFF800  }
0x10e: {  	[tilespmem:s16], [sflag:$0x4] =	stream.indirect.gather @!p1 [hbm4b:s4+s10], $0x10, s0, s10, $0xb8;
	[tilespmem:$0xDEA0] =	vst v63  }
0x10f: {  	_ =	swait.ge [sflag:s28], $0x800  }
0x110: {  	[sflag:s28] =	ssyncset.done $0x0  }
0x111: {  	s22 =	sadd.s32 $0x2B10, s6;
	[sflag:s28] =	ssyncadd.s32 $0xFFFFF800  }
0x112: {  	[spmem:s2] =	stream.indirect.scatter.add.f32 [tilespmem:s23], [sflag:$0x16], $0x10, s22, s13, $0xb8;
	[tilespmem:$0xDEA0] =	vst v63  }
0x113: {  	_ =	swait.ge [sflag:s29], $0x800  }
0x114: {  	[sflag:s29] =	ssyncset.done $0x0  }
0x115: {  	s0 =	simm.s32 @p1 $0xA;
	[sflag:s29] =	ssyncadd.s32 $0xFFFFF800  }
0x116: {  	_ =	swait.ge @p1 [sflag:s0], $0x800  }
0x117: {  	[sflag:s0] =	ssyncset.done @p1 $0x0  }
0x118: {  	s12 =	simm.s32 @p1 $0x9620;
	s16 =	simm.s32 @p1 $0x13;
	[sflag:s0] =	ssyncadd.s32 @p1 $0xFFFFF800  }
0x119: {  	[spmem:s2] =	stream.indirect.scatter.add.f32 @p1 [tilespmem:s12], [sflag:$0x17], $0x10, s18, s24, $0xb8;
	[tilespmem:$0xDEA0] =	vst v63  }
0x11a: {  	_ =	swait.ge @p1 [sflag:s16], $0x800  }
0x11b: {  	s1 =	sadd.s32 @!p1 $0x880, s14;
	[sflag:s16] =	ssyncset.done @p1 $0x0  }
0x11c: {  	s0 =	simm.s32 @!p1 $0x6E20;
	s12 =	simm.s32 @!p1 $0xA;
	[sflag:s16] =	ssyncadd.s32 @p1 $0xFFFFF800  }
0x11d: {  	[tilespmem:s0], [sflag:$0x5] =	stream.indirect.gather @!p1 [hbm4b:s4+s10], $0x10, s1, s10, $0xb8;
	[tilespmem:$0xDEA0] =	vst v63  }
0x11e: {  	_ =	swait.ge @!p1 [sflag:s12], $0x800  }
0x11f: {  	s30 =	sadd.s32 @!p1 $0x2B90, s14;
	[sflag:s12] =	ssyncset.done @!p1 $0x0  }
0x120: {  	s0 =	simm.s32 @!p1 $0x9620;
	s1 =	simm.s32 @!p1 $0x13;
	[sflag:s12] =	ssyncadd.s32 @!p1 $0xFFFFF800  }
0x121: {  	[spmem:s2] =	stream.indirect.scatter.add.f32 @!p1 [tilespmem:s0], [sflag:$0x17], $0x10, s30, s10, $0xb8;
	[tilespmem:$0xDEA0] =	vst v63  }
0x122: {  	_ =	swait.ge @!p1 [sflag:s1], $0x800  }
0x123: {  	[sflag:s1] =	ssyncset.done @!p1 $0x0  }
0x124: {  	s26 =	sadd.s32 @!p1 $0x900, s14;
	[sflag:s1] =	ssyncadd.s32 @!p1 $0xFFFFF800  }
0x125: {  	[tilespmem:s21], [sflag:$0x6] =	stream.indirect.gather @!p1 [hbm4b:s4+s10], $0x10, s26, s10, $0xb8;
	[tilespmem:$0xDEA0] =	vst v63  }
0x126: {  	_ =	swait.ge [sflag:s5], $0x800  }
0x127: {  	[sflag:s5] =	ssyncset.done $0x0  }
0x128: {  	s31 =	sadd.s32 $0x2C10, s6;
	[sflag:s5] =	ssyncadd.s32 $0xFFFFF800  }
0x129: {  	[spmem:s2] =	stream.indirect.scatter.add.f32 [tilespmem:s25], [sflag:$0x18], $0x10, s31, s13, $0xb8;
	[tilespmem:$0xDEA0] =	vst v63  }
0x12a: {  	_ =	swait.ge [sflag:s7], $0x800  }
0x12b: {  	[sflag:s7] =	ssyncset.done $0x0  }
0x12c: {  	s0 =	simm.s32 @p1 $0xC;
	[sflag:s7] =	ssyncadd.s32 $0xFFFFF800  }
0x12d: {  	_ =	swait.ge @p1 [sflag:s0], $0x800  }
0x12e: {  	[sflag:s0] =	ssyncset.done @p1 $0x0  }
0x12f: {  	s1 =	simm.s32 @p1 $0xA620;
	[sflag:s0] =	ssyncadd.s32 @p1 $0xFFFFF800;
	s0 =	simm.s32 @p1 $0x15  }
0x130: {  	[spmem:s2] =	stream.indirect.scatter.add.f32 @p1 [tilespmem:s1], [sflag:$0x19], $0x10, s19, s24, $0xb8;
	[tilespmem:$0xDEA0] =	vst v63  }
0x131: {  	_ =	swait.ge @p1 [sflag:s0], $0x800  }
0x132: {  	s17 =	sadd.s32 @!p1 $0x980, s14;
	[sflag:s0] =	ssyncset.done @p1 $0x0  }
0x133: {  	s1 =	simm.s32 @!p1 $0x7E20;
	[sflag:s0] =	ssyncadd.s32 @p1 $0xFFFFF800;
	s0 =	simm.s32 @!p1 $0xC  }
0x134: {  	[tilespmem:s1], [sflag:$0x7] =	stream.indirect.gather @!p1 [hbm4b:s4+s10], $0x10, s17, s10, $0xb8;
	[tilespmem:$0xDEA0] =	vst v63  }
0x135: {  	s3 =	sadd.s32 $0x1A00, s3;
	_ =	swait.ge @!p1 [sflag:s0], $0x800  }
0x136: {  	p0 =	sne.s32 s3, $0x9C00;
	s15 =	sadd.s32 @!p1 $0x2C90, s14;
	[sflag:s0] =	ssyncset.done @!p1 $0x0  }
0x137: {  	s1 =	simm.s32 @!p1 $0xA620;
	[sflag:s0] =	ssyncadd.s32 @!p1 $0xFFFFF800;
	s0 =	simm.s32 @!p1 $0x15  }
0x138: {  	[spmem:s2] =	stream.indirect.scatter.add.f32 @!p1 [tilespmem:s1], [sflag:$0x19], $0x10, s15, s10, $0xb8;
	[tilespmem:$0xDEA0] =	vst v63  }
.Ltmp0:
0x139: {  	_ =	swait.ge @!p1 [sflag:s0], $0x800;
	(pc) =	sbr.rel @p0 .LBB2_2-.Ltmp0, $4  }
0x13a: {  	[sflag:s0] =	ssyncset.done @!p1 $0x0  }
0x13b: {  	s14 =	sadd.s32 @!p1 $0xA00, s14;
	[sflag:s0] =	ssyncadd.s32 @!p1 $0xFFFFF800  }
0x13c: {  	[tilespmem:s11], [sflag:$0x8] =	stream.indirect.gather @!p1 [hbm4b:s4+s10], $0x10, s14, s10, $0xb8;
	[tilespmem:$0xDEA0] =	vst v63  }
0x13d: {  	s0 =	sadd.s32 $0x2D10, s6;
	p1 =	seq.s32 s9, $0x0;
	_ =	swait.ge [sflag:s8], $0x800  }
0x13e: {  	[sflag:s8] =	ssyncset.done $0x0  }
0x13f: {  	s1 =	simm.s32 @!p1 $0x16;
	s18 =	simm.s32 $0xAE20;
	[sflag:s8] =	ssyncadd.s32 $0xFFFFF800  }
0x140: {  	[spmem:s2] =	stream.indirect.scatter.add.f32 [tilespmem:s18], [sflag:$0x1A], $0x10, s0, s13, $0xb8;
	[tilespmem:$0xDEA0] =	vst v63  }
0x141: {  	_ =	swait.ge @!p1 [sflag:s1], $0x800  }
0x142: {  	s3 =	sshra.s32 s9, $0x2;
	s16 =	simm.s32 $0x8E20;
	[sflag:s1] =	ssyncset.done @!p1 $0x0  }
0x143: {  	s6 =	simm.s32 $0x1;
	s11 =	sadd.s32 $0x400, s3;
	[sflag:s1] =	ssyncadd.s32 @!p1 $0xFFFFF800  }
0x144: {  	[tilespmem:s16], [sflag:$0x9] =	stream.indirect.gather [hbm4b:s4+s13], $0x10, s11, s13, $0xb8;
	[tilespmem:$0xDEA0] =	vst v63  }
0x145: {  	_ =	swait.ge [sflag:s6], $0x800  }
0x146: {  	s14 =	simm.s32 $0x4E20;
	[sflag:s6] =	ssyncset.done $0x0  }
0x147: {  	s12 =	sadd.s32 $0x2710, s3;
	s1 =	simm.s32 @!p1 $0x17;
	[sflag:s6] =	ssyncadd.s32 $0xFFFFF800  }
0x148: {  	[spmem:s2] =	stream.indirect.scatter.add.f32 [tilespmem:s14], [sflag:$0xE], $0x10, s12, s13, $0xb8;
	[tilespmem:$0xDEA0] =	vst v63  }
0x149: {  	_ =	swait.ge @!p1 [sflag:s1], $0x800  }
0x14a: {  	s19 =	simm.s32 $0x2;
	[sflag:s1] =	ssyncset.done @!p1 $0x0  }
0x14b: {  	s17 =	sadd.s32 $0x480, s3;
	s15 =	rddreg [dreg:$0x4];
	[sflag:s1] =	ssyncadd.s32 @!p1 $0xFFFFF800  }
0x14c: {  	[tilespmem:s15], [sflag:$0xA] =	stream.indirect.gather [hbm4b:s4+s13], $0x10, s17, s13, $0xb8;
	[tilespmem:$0xDEA0] =	vst v63  }
0x14d: {  	_ =	swait.ge [sflag:s19], $0x800  }
0x14e: {  	s21 =	simm.s32 $0x5620;
	[sflag:s19] =	ssyncset.done $0x0  }
0x14f: {  	s20 =	sadd.s32 $0x2790, s3;
	s1 =	simm.s32 @!p1 $0x18;
	[sflag:s19] =	ssyncadd.s32 $0xFFFFF800  }
0x150: {  	[spmem:s2] =	stream.indirect.scatter.add.f32 [tilespmem:s21], [sflag:$0xF], $0x10, s20, s13, $0xb8;
	[tilespmem:$0xDEA0] =	vst v63  }
0x151: {  	_ =	swait.ge @!p1 [sflag:s1], $0x800  }
0x152: {  	s24 =	simm.s32 $0x3;
	[sflag:s1] =	ssyncset.done @!p1 $0x0  }
0x153: {  	s22 =	sadd.s32 $0x500, s3;
	s17 =	simm.s32 $0x9E20;
	[sflag:s1] =	ssyncadd.s32 @!p1 $0xFFFFF800  }
0x154: {  	[tilespmem:s17], [sflag:$0xB] =	stream.indirect.gather [hbm4b:s4+s13], $0x10, s22, s13, $0xb8;
	[tilespmem:$0xDEA0] =	vst v63  }
0x155: {  	_ =	swait.ge [sflag:s24], $0x800  }
0x156: {  	s30 =	simm.s32 $0x5E20;
	[sflag:s24] =	ssyncset.done $0x0  }
0x157: {  	s26 =	sadd.s32 $0x2810, s3;
	s1 =	simm.s32 @!p1 $0x19;
	[sflag:s24] =	ssyncadd.s32 $0xFFFFF800  }
0x158: {  	[spmem:s2] =	stream.indirect.scatter.add.f32 [tilespmem:s30], [sflag:$0x10], $0x10, s26, s13, $0xb8;
	[tilespmem:$0xDEA0] =	vst v63  }
0x159: {  	_ =	swait.ge @!p1 [sflag:s1], $0x800  }
0x15a: {  	s10 =	simm.s32 $0x4;
	[sflag:s1] =	ssyncset.done @!p1 $0x0  }
0x15b: {  	s6 =	sadd.s32 $0x580, s3;
	s31 =	rddreg [dreg:$0x5];
	[sflag:s1] =	ssyncadd.s32 @!p1 $0xFFFFF800  }
0x15c: {  	[tilespmem:s31], [sflag:$0xC] =	stream.indirect.gather [hbm4b:s4+s13], $0x10, s6, s13, $0xb8;
	[tilespmem:$0xDEA0] =	vst v63  }
0x15d: {  	_ =	swait.ge [sflag:s10], $0x800  }
0x15e: {  	s11 =	sadd.s32 $0x2890, s3;
	[sflag:s10] =	ssyncset.done $0x0  }
0x15f: {  	s12 =	simm.s32 $0x6620;
	s1 =	simm.s32 @!p1 $0x1A;
	[sflag:s10] =	ssyncadd.s32 $0xFFFFF800  }
0x160: {  	[spmem:s2] =	stream.indirect.scatter.add.f32 [tilespmem:s12], [sflag:$0x11], $0x10, s11, s13, $0xb8;
	[tilespmem:$0xDEA0] =	vst v63  }
0x161: {  	_ =	swait.ge @!p1 [sflag:s1], $0x800  }
0x162: {  	[sflag:s1] =	ssyncset.done @!p1 $0x0  }
0x163: {  	s14 =	sadd.s32 $0x600, s3;
	s15 =	simm.s32 $0x5;
	[sflag:s1] =	ssyncadd.s32 @!p1 $0xFFFFF800  }
0x164: {  	[tilespmem:s18], [sflag:$0xD] =	stream.indirect.gather [hbm4b:s4+s13], $0x10, s14, s13, $0xb8;
	[tilespmem:$0xDEA0] =	vst v63  }
0x165: {  	_ =	swait.ge [sflag:s15], $0x800  }
0x166: {  	s19 =	sadd.s32 $0x2910, s3;
	[sflag:s15] =	ssyncset.done $0x0  }
0x167: {  	s20 =	simm.s32 $0x6E20;
	s21 =	simm.s32 $0xE;
	[sflag:s15] =	ssyncadd.s32 $0xFFFFF800  }
0x168: {  	[spmem:s2] =	stream.indirect.scatter.add.f32 [tilespmem:s20], [sflag:$0x12], $0x10, s19, s13, $0xb8;
	[tilespmem:$0xDEA0] =	vst v63  }
0x169: {  	_ =	swait.ge [sflag:s21], $0x800  }
0x16a: {  	p0 =	seq.s32 s9, $0x8200;
	[sflag:s21] =	ssyncset.done $0x0  }
0x16b: {  	s0 =	simm.s32 @p0 $0x6;
	[sflag:s21] =	ssyncadd.s32 $0xFFFFF800  }
0x16c: {  	s6 =	simm.s32 @p0 $0x7620;
	_ =	swait.ge @p0 [sflag:s0], $0x800  }
0x16d: {  	s10 =	simm.s32 @p0 $0x80;
	s1 =	sshra.s32 @p0 s9, $0x2;
	[sflag:s0] =	ssyncset.done @p0 $0x0  }
0x16e: {  	s11 =	simm.s32 @p0 $0xF;
	[sflag:s0] =	ssyncadd.s32 @p0 $0xFFFFF800;
	s0 =	sadd.s32 @p0 $0x2990, s1  }
0x16f: {  	[spmem:s2] =	stream.indirect.scatter.add.f32 @p0 [tilespmem:s6], [sflag:$0x13], $0x10, s0, s10, $0xb8;
	[tilespmem:$0xDEA0] =	vst v63  }
0x170: {  	s12 =	simm.s32 @!p0 $0x4E20;
	_ =	swait.ge @p0 [sflag:s11], $0x800  }
0x171: {  	s6 =	sshra.s32 @!p0 s9, $0x2;
	s9 =	simm.s32 @!p0 $0x80;
	[sflag:s11] =	ssyncset.done @p0 $0x0  }
0x172: {  	s0 =	sadd.s32 @!p0 $0x680, s6;
	[sflag:s11] =	ssyncadd.s32 @p0 $0xFFFFF800;
	s11 =	simm.s32 @!p0 $0x6  }
0x173: {  	[tilespmem:s12], [sflag:$0x1] =	stream.indirect.gather @!p0 [hbm4b:s4+s9], $0x10, s0, s9, $0xb8;
	[tilespmem:$0xDEA0] =	vst v63  }
0x174: {  	_ =	swait.ge @!p0 [sflag:s11], $0x800  }
0x175: {  	s14 =	simm.s32 @!p0 $0xF;
	[sflag:s11] =	ssyncset.done @!p0 $0x0  }
0x176: {  	s12 =	sadd.s32 @!p0 $0x2990, s6;
	s0 =	simm.s32 @!p0 $0x7620;
	[sflag:s11] =	ssyncadd.s32 @!p0 $0xFFFFF800  }
0x177: {  	[spmem:s2] =	stream.indirect.scatter.add.f32 @!p0 [tilespmem:s0], [sflag:$0x13], $0x10, s12, s9, $0xb8;
	[tilespmem:$0xDEA0] =	vst v63  }
0x178: {  	_ =	swait.ge @!p0 [sflag:s14], $0x800  }
0x179: {  	s22 =	simm.s32 $0x7;
	[sflag:s14] =	ssyncset.done @!p0 $0x0  }
0x17a: {  	s11 =	sadd.s32 @!p0 $0x700, s6;
	s12 =	simm.s32 @!p0 $0x5620;
	[sflag:s14] =	ssyncadd.s32 @!p0 $0xFFFFF800  }
0x17b: {  	[tilespmem:s12], [sflag:$0x2] =	stream.indirect.gather @!p0 [hbm4b:s4+s9], $0x10, s11, s9, $0xb8;
	[tilespmem:$0xDEA0] =	vst v63  }
0x17c: {  	_ =	swait.ge [sflag:s22], $0x800  }
0x17d: {  	s24 =	sadd.s32 $0x2A10, s3;
	[sflag:s22] =	ssyncset.done $0x0  }
0x17e: {  	s26 =	simm.s32 $0x7E20;
	s19 =	simm.s32 $0x10;
	[sflag:s22] =	ssyncadd.s32 $0xFFFFF800  }
0x17f: {  	[spmem:s2] =	stream.indirect.scatter.add.f32 [tilespmem:s26], [sflag:$0x14], $0x10, s24, s13, $0xb8;
	[tilespmem:$0xDEA0] =	vst v63  }
0x180: {  	_ =	swait.ge [sflag:s19], $0x800  }
0x181: {  	[sflag:s19] =	ssyncset.done $0x0  }
0x182: {  	s11 =	simm.s32 @p0 $0x8;
	[sflag:s19] =	ssyncadd.s32 $0xFFFFF800  }
0x183: {  	_ =	swait.ge @p0 [sflag:s11], $0x800  }
0x184: {  	s14 =	simm.s32 @p0 $0x8620;
	[sflag:s11] =	ssyncset.done @p0 $0x0  }
0x185: {  	s12 =	sadd.s32 @p0 $0x2A90, s1;
	[sflag:s11] =	ssyncadd.s32 @p0 $0xFFFFF800;
	s11 =	simm.s32 @p0 $0x11  }
0x186: {  	[spmem:s2] =	stream.indirect.scatter.add.f32 @p0 [tilespmem:s14], [sflag:$0x15], $0x10, s12, s10, $0xb8;
	[tilespmem:$0xDEA0] =	vst v63  }
0x187: {  	_ =	swait.ge @p0 [sflag:s11], $0x800  }
0x188: {  	s15 =	simm.s32 @!p0 $0x8;
	[sflag:s11] =	ssyncset.done @p0 $0x0  }
0x189: {  	s12 =	sadd.s32 @!p0 $0x780, s6;
	s14 =	simm.s32 @!p0 $0x5E20;
	[sflag:s11] =	ssyncadd.s32 @p0 $0xFFFFF800  }
0x18a: {  	[tilespmem:s14], [sflag:$0x3] =	stream.indirect.gather @!p0 [hbm4b:s4+s9], $0x10, s12, s9, $0xb8;
	[tilespmem:$0xDEA0] =	vst v63  }
0x18b: {  	_ =	swait.ge @!p0 [sflag:s15], $0x800  }
0x18c: {  	s11 =	simm.s32 @!p0 $0x8620;
	[sflag:s15] =	ssyncset.done @!p0 $0x0  }
0x18d: {  	s12 =	sadd.s32 @!p0 $0x2A90, s6;
	s14 =	simm.s32 @!p0 $0x11;
	[sflag:s15] =	ssyncadd.s32 @!p0 $0xFFFFF800  }
0x18e: {  	[spmem:s2] =	stream.indirect.scatter.add.f32 @!p0 [tilespmem:s11], [sflag:$0x15], $0x10, s12, s9, $0xb8;
	[tilespmem:$0xDEA0] =	vst v63  }
0x18f: {  	_ =	swait.ge @!p0 [sflag:s14], $0x800  }
0x190: {  	[sflag:s14] =	ssyncset.done @!p0 $0x0  }
0x191: {  	s12 =	sadd.s32 @!p0 $0x800, s6;
	[sflag:s14] =	ssyncadd.s32 @!p0 $0xFFFFF800;
	s14 =	simm.s32 @!p0 $0x6620  }
0x192: {  	[tilespmem:s14], [sflag:$0x4] =	stream.indirect.gather @!p0 [hbm4b:s4+s9], $0x10, s12, s9, $0xb8;
	[tilespmem:$0xDEA0] =	vst v63  }
0x193: {  	_ =	swait.ge [sflag:s28], $0x800  }
0x194: {  	[sflag:s28] =	ssyncset.done $0x0  }
0x195: {  	s30 =	sadd.s32 $0x2B10, s3;
	[sflag:s28] =	ssyncadd.s32 $0xFFFFF800  }
0x196: {  	[spmem:s2] =	stream.indirect.scatter.add.f32 [tilespmem:s16], [sflag:$0x16], $0x10, s30, s13, $0xb8;
	[tilespmem:$0xDEA0] =	vst v63  }
0x197: {  	_ =	swait.ge [sflag:s29], $0x800  }
0x198: {  	[sflag:s29] =	ssyncset.done $0x0  }
0x199: {  	s12 =	simm.s32 @p0 $0xA;
	[sflag:s29] =	ssyncadd.s32 $0xFFFFF800  }
0x19a: {  	_ =	swait.ge @p0 [sflag:s12], $0x800  }
0x19b: {  	[sflag:s12] =	ssyncset.done @p0 $0x0  }
0x19c: {  	s14 =	sadd.s32 @p0 $0x2B90, s1;
	[sflag:s12] =	ssyncadd.s32 @p0 $0xFFFFF800;
	s12 =	simm.s32 @p0 $0x9620  }
0x19d: {  	[spmem:s2] =	stream.indirect.scatter.add.f32 @p0 [tilespmem:s12], [sflag:$0x17], $0x10, s14, s10, $0xb8;
	[tilespmem:$0xDEA0] =	vst v63  }
0x19e: {  	s12 =	simm.s32 @p0 $0x13  }
0x19f: {  	_ =	swait.ge @p0 [sflag:s12], $0x800  }
0x1a0: {  	[sflag:s12] =	ssyncset.done @p0 $0x0  }
0x1a1: {  	s14 =	sadd.s32 @!p0 $0x880, s6;
	[sflag:s12] =	ssyncadd.s32 @p0 $0xFFFFF800;
	s12 =	simm.s32 @!p0 $0x6E20  }
0x1a2: {  	[tilespmem:s12], [sflag:$0x5] =	stream.indirect.gather @!p0 [hbm4b:s4+s9], $0x10, s14, s9, $0xb8;
	[tilespmem:$0xDEA0] =	vst v63  }
0x1a3: {  	s12 =	simm.s32 @!p0 $0xA  }
0x1a4: {  	_ =	swait.ge @!p0 [sflag:s12], $0x800  }
0x1a5: {  	[sflag:s12] =	ssyncset.done @!p0 $0x0  }
0x1a6: {  	s14 =	sadd.s32 @!p0 $0x2B90, s6;
	[sflag:s12] =	ssyncadd.s32 @!p0 $0xFFFFF800;
	s12 =	simm.s32 @!p0 $0x9620  }
0x1a7: {  	[spmem:s2] =	stream.indirect.scatter.add.f32 @!p0 [tilespmem:s12], [sflag:$0x17], $0x10, s14, s9, $0xb8;
	[tilespmem:$0xDEA0] =	vst v63  }
0x1a8: {  	s12 =	simm.s32 @!p0 $0x13  }
0x1a9: {  	_ =	swait.ge @!p0 [sflag:s12], $0x800  }
0x1aa: {  	[sflag:s12] =	ssyncset.done @!p0 $0x0  }
0x1ab: {  	[sflag:s12] =	ssyncadd.s32 @!p0 $0xFFFFF800;
	s12 =	sadd.s32 @!p0 $0x900, s6  }
0x1ac: {  	[tilespmem:s0], [sflag:$0x6] =	stream.indirect.gather @!p0 [hbm4b:s4+s9], $0x10, s12, s9, $0xb8;
	[tilespmem:$0xDEA0] =	vst v63  }
0x1ad: {  	_ =	swait.ge [sflag:s5], $0x800  }
0x1ae: {  	[sflag:s5] =	ssyncset.done $0x0  }
0x1af: {  	s31 =	sadd.s32 $0x2C10, s3;
	[sflag:s5] =	ssyncadd.s32 $0xFFFFF800  }
0x1b0: {  	[spmem:s2] =	stream.indirect.scatter.add.f32 [tilespmem:s17], [sflag:$0x18], $0x10, s31, s13, $0xb8;
	[tilespmem:$0xDEA0] =	vst v63  }
0x1b1: {  	_ =	swait.ge [sflag:s7], $0x800  }
0x1b2: {  	[sflag:s7] =	ssyncset.done $0x0  }
0x1b3: {  	s0 =	simm.s32 @p0 $0xC;
	[sflag:s7] =	ssyncadd.s32 $0xFFFFF800  }
0x1b4: {  	_ =	swait.ge @p0 [sflag:s0], $0x800  }
0x1b5: {  	[sflag:s0] =	ssyncset.done @p0 $0x0  }
0x1b6: {  	s1 =	sadd.s32 @p0 $0x2C90, s1;
	[sflag:s0] =	ssyncadd.s32 @p0 $0xFFFFF800;
	s0 =	simm.s32 @p0 $0xA620  }
0x1b7: {  	[spmem:s2] =	stream.indirect.scatter.add.f32 @p0 [tilespmem:s0], [sflag:$0x19], $0x10, s1, s10, $0xb8;
	[tilespmem:$0xDEA0] =	vst v63  }
0x1b8: {  	s0 =	simm.s32 @p0 $0x15  }
0x1b9: {  	_ =	swait.ge @p0 [sflag:s0], $0x800  }
0x1ba: {  	[sflag:s0] =	ssyncset.done @p0 $0x0  }
0x1bb: {  	s1 =	sadd.s32 @!p0 $0x980, s6;
	[sflag:s0] =	ssyncadd.s32 @p0 $0xFFFFF800;
	s0 =	simm.s32 @!p0 $0x7E20  }
0x1bc: {  	[tilespmem:s0], [sflag:$0x7] =	stream.indirect.gather @!p0 [hbm4b:s4+s9], $0x10, s1, s9, $0xb8;
	[tilespmem:$0xDEA0] =	vst v63  }
0x1bd: {  	s0 =	simm.s32 @!p0 $0xC  }
0x1be: {  	_ =	swait.ge @!p0 [sflag:s0], $0x800  }
0x1bf: {  	[sflag:s0] =	ssyncset.done @!p0 $0x0  }
0x1c0: {  	s1 =	sadd.s32 @!p0 $0x2C90, s6;
	[sflag:s0] =	ssyncadd.s32 @!p0 $0xFFFFF800;
	s0 =	simm.s32 @!p0 $0xA620  }
0x1c1: {  	[spmem:s2] =	stream.indirect.scatter.add.f32 @!p0 [tilespmem:s0], [sflag:$0x19], $0x10, s1, s9, $0xb8;
	[tilespmem:$0xDEA0] =	vst v63  }
0x1c2: {  	s0 =	simm.s32 @!p0 $0x15  }
0x1c3: {  	_ =	swait.ge @!p0 [sflag:s0], $0x800  }
0x1c4: {  	[sflag:s0] =	ssyncset.done @!p0 $0x0  }
0x1c5: {  	[sflag:s0] =	ssyncadd.s32 @!p0 $0xFFFFF800;
	s0 =	sadd.s32 @!p0 $0xA00, s6  }
0x1c6: {  	[tilespmem:s11], [sflag:$0x8] =	stream.indirect.gather @!p0 [hbm4b:s4+s9], $0x10, s0, s9, $0xb8;
	[tilespmem:$0xDEA0] =	vst v63  }
0x1c7: {  	_ =	swait.ge [sflag:s8], $0x800  }
0x1c8: {  	[sflag:s8] =	ssyncset.done $0x0  }
0x1c9: {  	s11 =	sadd.s32 $0x2D10, s3;
	[sflag:s8] =	ssyncadd.s32 $0xFFFFF800  }
0x1ca: {  	[spmem:s2] =	stream.indirect.scatter.add.f32 [tilespmem:s18], [sflag:$0x1A], $0x10, s11, s13, $0xb8;
	[tilespmem:$0xDEA0] =	vst v63  }
0x1cb: {  	s15 =	simm.s32 $0x16;
	s14 =	simm.s32 $0xB620;
	s12 =	simm.s32 $0x2700  }
0x1cc: {  	[tilespmem:s14], [sflag:$0x8] =	stream.indirect.gather [hbm4b:s4+s19], $0x10, s12, s19, $0xb8;
	[tilespmem:$0xDEA0] =	vst v63  }
0x1cd: {  	_ =	swait.ge [sflag:s15], $0x800  }
0x1ce: {  	[sflag:s15] =	ssyncset.done $0x0  }
0x1cf: {  	s17 =	simm.s32 $0x17;
	[sflag:s15] =	ssyncadd.s32 $0xFFFFF800  }
0x1d0: {  	_ =	swait.ge [sflag:s17], $0x800  }
0x1d1: {  	[sflag:s17] =	ssyncset.done $0x0  }
0x1d2: {  	s18 =	simm.s32 $0x18;
	[sflag:s17] =	ssyncadd.s32 $0xFFFFF800  }
0x1d3: {  	_ =	swait.ge [sflag:s18], $0x800  }
0x1d4: {  	[sflag:s18] =	ssyncset.done $0x0  }
0x1d5: {  	s20 =	simm.s32 $0x19;
	[sflag:s18] =	ssyncadd.s32 $0xFFFFF800  }
0x1d6: {  	_ =	swait.ge [sflag:s20], $0x800  }
0x1d7: {  	[sflag:s20] =	ssyncset.done $0x0  }
0x1d8: {  	s21 =	simm.s32 $0x1A;
	[sflag:s20] =	ssyncadd.s32 $0xFFFFF800  }
0x1d9: {  	_ =	swait.ge [sflag:s21], $0x800  }
0x1da: {  	[sflag:s21] =	ssyncset.done $0x0  }
0x1db: {  	s22 =	simm.s32 $0x8;
	[sflag:s21] =	ssyncadd.s32 $0xFFFFF800  }
0x1dc: {  	_ =	swait.ge [sflag:s22], $0x100  }
0x1dd: {  	[sflag:s22] =	ssyncset.done $0x0  }
0x1de: {  	s24 =	simm.s32 $0x4E10;
	s9 =	simm.s32 $0x1B;
	[sflag:s22] =	ssyncadd.s32 $0xFFFFFF00  }
0x1df: {  	[spmem:s2] =	stream.indirect.scatter.add.f32 [tilespmem:s14], [sflag:$0x1B], $0x10, s24, s19, $0xb8;
	[tilespmem:$0xDEA0] =	vst v63  }
0x1e0: {  	_ =	swait.ge [sflag:s9], $0x100  }
0x1e1: {  	[sflag:s9] =	ssyncset.done $0x0  }
0x1e2: {  	[sflag:s9] =	ssyncadd.s32 $0xFFFFFF00  }
0x1e3: {  	[bflag:$0x0] =	sbarrier.arrive $0xFFFF  }
0x1e4: {  	s3 =	rddreg [dreg:$0x7]  }
0x1e5: {  	s6 =	rddreg [dreg:$0xb]  }
0x1e6: {  	s26 =	rddreg [dreg:$0xc]  }
0x1e7: {  	[hbm:s26], [sflag:s3] =	dma.local [spmem:s6], $0x4F0  }
0x1e8: {  	_ =	swait.ge [sflag:s9], $0x4F0  }
0x1e9: {  	s30 =	rddreg [dreg:$0xd]  }
0x1ea: {  	s31 =	rddreg [dreg:$0xa];
	s1 =	sadd.s32 $0x1, s30  }
0x1eb: {  	p0 =	sne.s32 s1, s31  }
.Ltmp1:
0x1ec: {  	_ = 	snop;
	(pc) =	sbr.rel @p0 .LBB2_1-.Ltmp1, $3  }
0x1ed: {  	_ =	sdelay $0x1  }
0x1ee: {  	[sflag:s9] =	ssyncset.done $0x0  }
0x1ef: {  	s16 =	simm.s32 $0xAE20;
	[sflag:s9] =	ssyncadd.s32 $0xFFFFFB10  }
0x1f0: {  	_ =	sfence.sel $0x180000  }
0x1f1: {  	[bflag:$0x0] =	sbarrier.arrive $0xFFFF  }
0x1f2: {  	_ =	strace $0x90000047  }
0x1f3: {  	s0 =	stileid.u32;
	[bflag:$0x2] =	sbarrier.arrive $0xFFFF  }
0x1f4: {  	p0 =	sne.s32 s0, $0x0;
	s0 =	rddreg [dreg:$0x3]  }
0x1f5: {  	s0 =	sadd.s32 @!p0 $0x100000, s0  }
0x1f6: {  	[sflag:s0] =	ssyncadd.tile.s32 @!p0 $0x1;
	_ =	shalt  }
.Lfunc_end2:
_tile_overlayer_lowered:
.L_overlay_start_2:
0x1f7: {  	(tag) =	ssettag $0x2  }
0x1f8: {  	s0 =	rddreg [dreg:$0x0];
	s2 =	stileid.u32  }
0x1f9: {  	s1 =	rddreg [dreg:$0x1];
	p0 =	sne.s32 s2, $0x0  }
0x1fa: {  	s3 =	rddreg [dreg:$0x2];
	[bflag:$0x3] =	sbarrier.arrive $0xFFFF;
	s2 =	simm.s32 @!p0 $0x1C1B  }
0x1fb: {  	[timem:s3], [sflag:s2] =	dma.local @!p0 [hbm:s0], s1  }
0x1fc: {  	s0 =	simm.s32 @!p0 $0x1B  }
0x1fd: {  	_ =	swait.ge @!p0 [sflag:s0], s1  }
0x1fe: {  	s1 =	ssub.s32 @!p0 $0x0, s1;
	[sflag:s0] =	ssyncset.done @!p0 $0x0  }
0x1ff: {  	[sflag:s0] =	ssyncadd.s32 @!p0 s1  }
0x200: {  	[bflag:$0x3] =	sbarrier.arrive $0xFFFF  }
0x201: {  	_ =	shalt  }

</sc_bundles>
